<compile_context>
chip_gen: v7x
topology: tpu7x:2x2x1
jax: 0.10.2.dev20260603
libtpu: 0.0.44.dev20260713+nightly
codegen_flags: <defaults>
</compile_context>

<pallas_src>
import functools

import jax
import jax.numpy as jnp
from jax import lax
from jax.experimental import pallas as pl
from jax.experimental.pallas import tpu as pltpu
from jax.experimental.pallas import tpu_sc as plsc

NC = 2
NS = 16
NW = NC * NS
LANE = 16


@functools.partial(jax.jit, static_argnames=("bb", "ll", "dd", "dp", "g"))
def _emb_mean(xi, table_p, bb, ll, dd, dp, g):
    tok_w = (bb // NW) * ll
    nchunk = (bb // NW) // g
    gl = g * ll
    dcov = (dd + LANE - 1) // LANE * LANE
    offs = list(range(0, dcov, LANE))
    mesh = plsc.VectorSubcoreMesh(
        core_axis_name="c", subcore_axis_name="s", num_cores=NC, num_subcores=NS
    )

    h0, h1 = 104, gl - 104

    @functools.partial(
        pl.kernel,
        out_type=jax.ShapeDtypeStruct((bb * dd,), jnp.float32),
        mesh=mesh,
        scratch_types=[
            pltpu.VMEM((tok_w,), jnp.int32),
            pltpu.VMEM((h0, dp), jnp.float32),
            pltpu.VMEM((h0, dp), jnp.float32),
            pltpu.VMEM((g * dd + LANE,), jnp.float32),
            pltpu.VMEM((g * dd + LANE,), jnp.float32),
            pltpu.VMEM((dcov,), jnp.float32),
            pltpu.SemaphoreType.DMA,
            pltpu.SemaphoreType.DMA,
            pltpu.SemaphoreType.DMA,
            pltpu.SemaphoreType.DMA,
        ],
    )
    def k(x_hbm, tab_hbm, out_hbm, idx_v, rows0_v, rows1_v, outb0_v, outb1_v,
          carry_v, sg0, sg1, so0, so1):
        rows_refs = (rows0_v, rows1_v)
        outb_refs = (outb0_v, outb1_v)
        w = lax.axis_index("s") * NC + lax.axis_index("c")
        pltpu.sync_copy(x_hbm.at[pl.ds(w * tok_w, tok_w)], idx_v)
        inv_l = jnp.float32(1.0 / ll)
        sgs = (sg0, sg1)
        sos = (so0, so1)
        ow = w * nchunk * g * dd

        def issue_gather(c, half):
            if half == 0:
                pltpu.async_copy(
                    tab_hbm.at[idx_v.at[pl.ds(c * gl, h0)]],
                    rows0_v,
                    sgs[0],
                )
            else:
                pltpu.async_copy(
                    tab_hbm.at[idx_v.at[pl.ds(c * gl + h0, h1)]],
                    rows1_v.at[pl.ds(0, h1)],
                    sgs[1],
                )

        def wait_gather(half):
            if half == 0:
                pltpu.make_async_copy(
                    tab_hbm.at[pl.ds(0, h0)], rows0_v, sgs[0]
                ).wait()
            else:
                pltpu.make_async_copy(
                    tab_hbm.at[pl.ds(0, h1)],
                    rows1_v.at[pl.ds(0, h1)],
                    sgs[1],
                ).wait()

        def reduce_span(slot, t0, n, carry_in):
            if carry_in:
                acc0 = tuple(
                    carry_v[pl.ds(o, LANE)] for o in offs
                )
            else:
                acc0 = tuple(jnp.zeros((LANE,), jnp.float32) for _ in offs)

            def body(l, acc):
                return tuple(
                    acc[i] + rows_refs[slot][t0 + l, pl.ds(o, LANE)]
                    for i, o in enumerate(offs)
                )

            return lax.fori_loop(0, n, body, acc0)

        def store_row(cb, r, acc):
            for i, o in enumerate(offs):
                outb_refs[cb][pl.ds(r * dd + o, LANE)] = acc[i] * inv_l

        for b in (0, 1):
            pltpu.async_copy(
                out_hbm.at[pl.ds(0, g * dd)],
                outb_refs[b].at[pl.ds(0, g * dd)],
                sos[b],
            )
        issue_gather(0, 0)
        issue_gather(0, 1)

        @pl.loop(0, nchunk, step=2)
        def _(cbase):
            for cb in (0, 1):
                c = cbase + cb
                wait_gather(0)
                pltpu.make_async_copy(
                    out_hbm.at[pl.ds(0, g * dd)],
                    outb_refs[cb].at[pl.ds(0, g * dd)],
                    sos[cb],
                ).wait()
                store_row(cb, 0, reduce_span(0, 0, ll, False))
                store_row(cb, 1, reduce_span(0, ll, ll, False))
                acc = reduce_span(0, 2 * ll, h0 - 2 * ll, False)
                for i, o in enumerate(offs):
                    carry_v[pl.ds(o, LANE)] = acc[i]

                @pl.when(c + 1 < nchunk)
                def _():
                    issue_gather(c + 1, 0)

                wait_gather(1)
                n2 = 3 * ll - h0
                store_row(cb, 2, reduce_span(1, 0, n2, True))
                store_row(cb, 3, reduce_span(1, n2, ll, False))
                pltpu.async_copy(
                    outb_refs[cb].at[pl.ds(0, g * dd)],
                    out_hbm.at[pl.ds(ow + c * g * dd, g * dd)],
                    sos[cb],
                )

                @pl.when(c + 1 < nchunk)
                def _():
                    issue_gather(c + 1, 1)

        for b in (0, 1):
            pltpu.make_async_copy(
                out_hbm.at[pl.ds(0, g * dd)],
                outb_refs[b].at[pl.ds(0, g * dd)],
                sos[b],
            ).wait()

    return k(xi, table_p)


def _pad_table(table, dp):
    vv, dd = table.shape
    bs = 10000
    assert vv % bs == 0

    def body(x_ref, o_ref):
        o_ref[:, :dd] = x_ref[...]
        o_ref[:, dd:] = jnp.zeros((bs, dp - dd), jnp.float32)

    return pl.pallas_call(
        body,
        grid=(vv // bs,),
        in_specs=[pl.BlockSpec((bs, dd), lambda i: (i, 0))],
        out_specs=pl.BlockSpec((bs, dp), lambda i: (i, 0)),
        out_shape=jax.ShapeDtypeStruct((vv, dp), jnp.float32),
        compiler_params=pltpu.CompilerParams(
            dimension_semantics=("parallel",)
        ),
    )(table)


def kernel(x, table):
    bb, ll = x.shape
    _, dd = table.shape
    dp = (dd + 127) // 128 * 128
    xi = x.reshape(-1).astype(jnp.int32)
    table_p = _pad_table(table, dp)
    out = _emb_mean(xi, table_p, bb, ll, dd, dp, 4)
    return out.reshape(bb, dd)

# --- scband reference (transcript-rebuilt; emitter-appended) ---
"""Pipeline reference for scband-embedding-net-text-27668179321229 (READ-ONLY COPY).

The authoritative reference and input builder live on the scoring server;
editing this copy changes nothing except your own understanding.
"""

import jax, jax.numpy as jnp
import numpy as np

VOCAB = 100000
DIM = 300
B = 4096
L = 50

def setup_inputs(seed: int = 0) -> dict:
    key = jax.random.key(seed)
    k1, k2 = jax.random.split(key)
    # Tokenized text: each row is a sequence of L word ids (pre-tokenized stand-in
    # for text.split(' ') + fastText vocabulary lookup).
    x = jax.random.randint(k1, (B, L), 0, VOCAB, dtype=jnp.int64)
    # fastText word-vector table (the learned parameter of the module).
    table = jax.random.normal(k2, (VOCAB, DIM), dtype=jnp.float32) * 0.02
    return {"x": x, "table": table}

def reference(x, table):
    # self.model[word] for each word -> gather rows of the embedding table
    emb = jnp.take(table, x, axis=0)          # [B, L, DIM]
    # np.array(words_features).mean(axis=0) -> mean over words per text
    out = emb.mean(axis=1)                    # [B, DIM]
    return out

if __name__ == "__main__":
    import jax
    _d = setup_inputs()
    print(jax.jit(kernel)(*tuple(_d.values())))

</pallas_src>

<mosaic_0001>
#map = affine_map<(d0, d1) -> (0)>
#map1 = affine_map<(d0, d1) -> (0, 0)>
module attributes {stable_mosaic.version = 14 : i64} {
  func.func @k(%arg0: i32, %arg1: i32, %arg2: memref<204800xi32, #tpu.memory_space<hbm>>, %arg3: memref<100000x384xf32, #tpu.memory_space<hbm>>, %arg4: memref<1228800xf32, #tpu.memory_space<hbm>>, %arg5: memref<6400xi32, #tpu.memory_space<vmem>>, %arg6: memref<104x384xf32, #tpu.memory_space<vmem>>, %arg7: memref<104x384xf32, #tpu.memory_space<vmem>>, %arg8: memref<1216xf32, #tpu.memory_space<vmem>>, %arg9: memref<1216xf32, #tpu.memory_space<vmem>>, %arg10: memref<304xf32, #tpu.memory_space<vmem>>, %arg11: memref<!tpu.dma_semaphore, #tpu.memory_space<semaphore_mem>>, %arg12: memref<!tpu.dma_semaphore, #tpu.memory_space<semaphore_mem>>, %arg13: memref<!tpu.dma_semaphore, #tpu.memory_space<semaphore_mem>>, %arg14: memref<!tpu.dma_semaphore, #tpu.memory_space<semaphore_mem>>) attributes {dimension_semantics = [#tpu.dimension_semantics<core_parallel>, #tpu.dimension_semantics<subcore_parallel>], iteration_bounds = array<i64: 2, 16>, scalar_prefetch = 0 : i64, scratch_operands = 10 : i64, tpu.core_type = #tpu.core_type<sc_vector_subcore>, window_params = [{transform_indices = #map}, {transform_indices = #map1}, {transform_indices = #map}]} {
    %mul3A = arith.constant 2 : i32
    %mul3A_0 = arith.muli %arg1, %mul3A : i32
    %add3A = arith.addi %mul3A_0, %arg0 : i32
    %mul3A_1 = arith.constant 6400 : i32
    %mul3A_2 = arith.muli %add3A, %mul3A_1 : i32
    "tpu.region"() ({
      %run_scoped3A = tpu.sem_alloc : memref<!tpu.dma_semaphore, #tpu.memory_space<semaphore_mem>>
      %dma_start3A_57 = tpu.memref_slice %arg2[%mul3A_2] : memref<204800xi32, #tpu.memory_space<hbm>> -> memref<6400xi32, #tpu.memory_space<hbm>>
      %dma_start3A_58 = tpu.memref_slice %arg2[%mul3A_2] : memref<204800xi32, #tpu.memory_space<hbm>> -> memref<6400xi32, #tpu.memory_space<hbm>>
      tpu.enqueue_dma source(%dma_start3A_58 : memref<6400xi32, #tpu.memory_space<hbm>>) target(%arg5 : memref<6400xi32, #tpu.memory_space<vmem>>) target_semaphore(%run_scoped3A : memref<!tpu.dma_semaphore, #tpu.memory_space<semaphore_mem>>)
      %dma_wait3A_59 = tpu.memref_slice %arg2[%mul3A_2] : memref<204800xi32, #tpu.memory_space<hbm>> -> memref<6400xi32, #tpu.memory_space<hbm>>
      %dma_wait3A_60 = tpu.memref_slice %arg2[%mul3A_2] : memref<204800xi32, #tpu.memory_space<hbm>> -> memref<6400xi32, #tpu.memory_space<hbm>>
      tpu.wait_dma2 semaphore(%run_scoped3A : memref<!tpu.dma_semaphore, #tpu.memory_space<semaphore_mem>>) src(%dma_wait3A_60 : memref<6400xi32, #tpu.memory_space<hbm>>) dst(%arg5 : memref<6400xi32, #tpu.memory_space<vmem>>)
      tpu.yield
    }) : () -> ()
    %mul3A_3 = arith.constant 32 : i32
    %mul3A_4 = arith.muli %add3A, %mul3A_3 : i32
    %mul3A_5 = arith.constant 4 : i32
    %mul3A_6 = arith.muli %mul3A_4, %mul3A_5 : i32
    %mul3A_7 = arith.constant 300 : i32
    %mul3A_8 = arith.muli %mul3A_6, %mul3A_7 : i32
    %dma_start3A = arith.constant 0 : i32
    %dma_start3A_9 = tpu.memref_slice %arg8[%dma_start3A] : memref<1216xf32, #tpu.memory_space<vmem>> -> memref<1200xf32, #tpu.memory_space<vmem>>
    %dma_start3A_10 = arith.constant 0 : i32
    %dma_start3A_11 = tpu.memref_slice %arg4[%dma_start3A_10] : memref<1228800xf32, #tpu.memory_space<hbm>> -> memref<1200xf32, #tpu.memory_space<hbm>>
    %dma_start3A_12 = arith.constant 0 : i32
    %dma_start3A_13 = tpu.memref_slice %arg8[%dma_start3A_12] : memref<1216xf32, #tpu.memory_space<vmem>> -> memref<1200xf32, #tpu.memory_space<vmem>>
    %dma_start3A_14 = arith.constant 0 : i32
    %dma_start3A_15 = tpu.memref_slice %arg4[%dma_start3A_14] : memref<1228800xf32, #tpu.memory_space<hbm>> -> memref<1200xf32, #tpu.memory_space<hbm>>
    tpu.enqueue_dma source(%dma_start3A_15 : memref<1200xf32, #tpu.memory_space<hbm>>) target(%dma_start3A_13 : memref<1200xf32, #tpu.memory_space<vmem>>) target_semaphore(%arg13 : memref<!tpu.dma_semaphore, #tpu.memory_space<semaphore_mem>>)
    %dma_start3A_16 = arith.constant 0 : i32
    %dma_start3A_17 = tpu.memref_slice %arg9[%dma_start3A_16] : memref<1216xf32, #tpu.memory_space<vmem>> -> memref<1200xf32, #tpu.memory_space<vmem>>
    %dma_start3A_18 = arith.constant 0 : i32
    %dma_start3A_19 = tpu.memref_slice %arg4[%dma_start3A_18] : memref<1228800xf32, #tpu.memory_space<hbm>> -> memref<1200xf32, #tpu.memory_space<hbm>>
    %dma_start3A_20 = arith.constant 0 : i32
    %dma_start3A_21 = tpu.memref_slice %arg9[%dma_start3A_20] : memref<1216xf32, #tpu.memory_space<vmem>> -> memref<1200xf32, #tpu.memory_space<vmem>>
    %dma_start3A_22 = arith.constant 0 : i32
    %dma_start3A_23 = tpu.memref_slice %arg4[%dma_start3A_22] : memref<1228800xf32, #tpu.memory_space<hbm>> -> memref<1200xf32, #tpu.memory_space<hbm>>
    tpu.enqueue_dma source(%dma_start3A_23 : memref<1200xf32, #tpu.memory_space<hbm>>) target(%dma_start3A_21 : memref<1200xf32, #tpu.memory_space<vmem>>) target_semaphore(%arg14 : memref<!tpu.dma_semaphore, #tpu.memory_space<semaphore_mem>>)
    %dma_start3A_24 = arith.constant 0 : i32
    %dma_start3A_25 = tpu.memref_slice %arg5[%dma_start3A_24] : memref<6400xi32, #tpu.memory_space<vmem>> -> memref<104xi32, #tpu.memory_space<vmem>>
    %dma_start3A_26 = arith.constant 0 : i32
    %dma_start3A_27 = arith.constant 0 : i32
    %dma_start3A_28 = tpu.memref_slice %arg3[%dma_start3A_26, %dma_start3A_27] : memref<100000x384xf32, #tpu.memory_space<hbm>> -> memref<100000x384xf32, #tpu.memory_space<hbm>>
    tpu.enqueue_indirect_dma source(%dma_start3A_28 : memref<100000x384xf32, #tpu.memory_space<hbm>>) target(%arg6 : memref<104x384xf32, #tpu.memory_space<vmem>>) offsets(%dma_start3A_25 : memref<104xi32, #tpu.memory_space<vmem>>) semaphore(%arg11 : memref<!tpu.dma_semaphore, #tpu.memory_space<semaphore_mem>>)
    %dma_start3A_29 = arith.constant 0 : i32
    %dma_start3A_30 = arith.constant 0 : i32
    %dma_start3A_31 = tpu.memref_slice %arg7[%dma_start3A_29, %dma_start3A_30] : memref<104x384xf32, #tpu.memory_space<vmem>> -> memref<96x384xf32, #tpu.memory_space<vmem>>
    %dma_start3A_32 = arith.constant 104 : i32
    %dma_start3A_33 = tpu.memref_slice %arg5[%dma_start3A_32] : memref<6400xi32, #tpu.memory_space<vmem>> -> memref<96xi32, #tpu.memory_space<vmem>>
    %dma_start3A_34 = arith.constant 0 : i32
    %dma_start3A_35 = arith.constant 0 : i32
    %dma_start3A_36 = tpu.memref_slice %arg3[%dma_start3A_34, %dma_start3A_35] : memref<100000x384xf32, #tpu.memory_space<hbm>> -> memref<100000x384xf32, #tpu.memory_space<hbm>>
    tpu.enqueue_indirect_dma source(%dma_start3A_36 : memref<100000x384xf32, #tpu.memory_space<hbm>>) target(%dma_start3A_31 : memref<96x384xf32, #tpu.memory_space<vmem>>) offsets(%dma_start3A_33 : memref<96xi32, #tpu.memory_space<vmem>>) semaphore(%arg12 : memref<!tpu.dma_semaphore, #tpu.memory_space<semaphore_mem>>)
    %scan3A = arith.constant 2.000000e-02 : f32
    %scan3A_37 = arith.constant 0 : i32
    %scan3A_38 = arith.constant 16 : i32
    %scan3A_39 = arith.addi %scan3A_37, %scan3A_38 : i32
    %scan3A_40 = arith.constant 1 : i32
    scf.for %scan3A_57 = %scan3A_37 to %scan3A_39 step %scan3A_40  : i32 {
      %mul3A_58 = arith.constant 2 : i32
      %mul3A_59 = arith.muli %scan3A_57, %mul3A_58 : i32
      %add3A_60 = arith.constant 0 : i32
      %add3A_61 = arith.addi %add3A_60, %mul3A_59 : i32
      %add3A_62 = arith.constant 0 : i32
      %add3A_63 = arith.addi %add3A_61, %add3A_62 : i32
      %dma_wait3A_64 = arith.constant 0 : i32
      %dma_wait3A_65 = arith.constant 0 : i32
      %dma_wait3A_66 = tpu.memref_slice %arg3[%dma_wait3A_64, %dma_wait3A_65] : memref<100000x384xf32, #tpu.memory_space<hbm>> -> memref<104x384xf32, #tpu.memory_space<hbm>>
      %dma_wait3A_67 = arith.constant 0 : i32
      %dma_wait3A_68 = arith.constant 0 : i32
      %dma_wait3A_69 = tpu.memref_slice %arg3[%dma_wait3A_67, %dma_wait3A_68] : memref<100000x384xf32, #tpu.memory_space<hbm>> -> memref<104x384xf32, #tpu.memory_space<hbm>>
      tpu.wait_dma2 semaphore(%arg11 : memref<!tpu.dma_semaphore, #tpu.memory_space<semaphore_mem>>) src(%dma_wait3A_69 : memref<104x384xf32, #tpu.memory_space<hbm>>) dst(%arg6 : memref<104x384xf32, #tpu.memory_space<vmem>>)
      %dma_wait3A_70 = arith.constant 0 : i32
      %dma_wait3A_71 = tpu.memref_slice %arg8[%dma_wait3A_70] : memref<1216xf32, #tpu.memory_space<vmem>> -> memref<1200xf32, #tpu.memory_space<vmem>>
      %dma_wait3A_72 = arith.constant 0 : i32
      %dma_wait3A_73 = tpu.memref_slice %arg4[%dma_wait3A_72] : memref<1228800xf32, #tpu.memory_space<hbm>> -> memref<1200xf32, #tpu.memory_space<hbm>>
      %dma_wait3A_74 = arith.constant 0 : i32
      %dma_wait3A_75 = tpu.memref_slice %arg8[%dma_wait3A_74] : memref<1216xf32, #tpu.memory_space<vmem>> -> memref<1200xf32, #tpu.memory_space<vmem>>
      %dma_wait3A_76 = arith.constant 0 : i32
      %dma_wait3A_77 = tpu.memref_slice %arg4[%dma_wait3A_76] : memref<1228800xf32, #tpu.memory_space<hbm>> -> memref<1200xf32, #tpu.memory_space<hbm>>
      tpu.wait_dma2 semaphore(%arg13 : memref<!tpu.dma_semaphore, #tpu.memory_space<semaphore_mem>>) src(%dma_wait3A_77 : memref<1200xf32, #tpu.memory_space<hbm>>) dst(%dma_wait3A_75 : memref<1200xf32, #tpu.memory_space<vmem>>)
      %broadcast_in_dim3A = arith.constant 0.000000e+00 : f32
      %broadcast_in_dim3A_78 = vector.broadcast %broadcast_in_dim3A : f32 to vector<16xf32>
      %broadcast_in_dim3A_79 = arith.constant 0.000000e+00 : f32
      %broadcast_in_dim3A_80 = vector.broadcast %broadcast_in_dim3A_79 : f32 to vector<16xf32>
      %broadcast_in_dim3A_81 = arith.constant 0.000000e+00 : f32
      %broadcast_in_dim3A_82 = vector.broadcast %broadcast_in_dim3A_81 : f32 to vector<16xf32>
      %broadcast_in_dim3A_83 = arith.constant 0.000000e+00 : f32
      %broadcast_in_dim3A_84 = vector.broadcast %broadcast_in_dim3A_83 : f32 to vector<16xf32>
      %broadcast_in_dim3A_85 = arith.constant 0.000000e+00 : f32
      %broadcast_in_dim3A_86 = vector.broadcast %broadcast_in_dim3A_85 : f32 to vector<16xf32>
      %broadcast_in_dim3A_87 = arith.constant 0.000000e+00 : f32
      %broadcast_in_dim3A_88 = vector.broadcast %broadcast_in_dim3A_87 : f32 to vector<16xf32>
      %broadcast_in_dim3A_89 = arith.constant 0.000000e+00 : f32
      %broadcast_in_dim3A_90 = vector.broadcast %broadcast_in_dim3A_89 : f32 to vector<16xf32>
      %broadcast_in_dim3A_91 = arith.constant 0.000000e+00 : f32
      %broadcast_in_dim3A_92 = vector.broadcast %broadcast_in_dim3A_91 : f32 to vector<16xf32>
      %broadcast_in_dim3A_93 = arith.constant 0.000000e+00 : f32
      %broadcast_in_dim3A_94 = vector.broadcast %broadcast_in_dim3A_93 : f32 to vector<16xf32>
      %broadcast_in_dim3A_95 = arith.constant 0.000000e+00 : f32
      %broadcast_in_dim3A_96 = vector.broadcast %broadcast_in_dim3A_95 : f32 to vector<16xf32>
      %broadcast_in_dim3A_97 = arith.constant 0.000000e+00 : f32
      %broadcast_in_dim3A_98 = vector.broadcast %broadcast_in_dim3A_97 : f32 to vector<16xf32>
      %broadcast_in_dim3A_99 = arith.constant 0.000000e+00 : f32
      %broadcast_in_dim3A_100 = vector.broadcast %broadcast_in_dim3A_99 : f32 to vector<16xf32>
      %broadcast_in_dim3A_101 = arith.constant 0.000000e+00 : f32
      %broadcast_in_dim3A_102 = vector.broadcast %broadcast_in_dim3A_101 : f32 to vector<16xf32>
      %broadcast_in_dim3A_103 = arith.constant 0.000000e+00 : f32
      %broadcast_in_dim3A_104 = vector.broadcast %broadcast_in_dim3A_103 : f32 to vector<16xf32>
      %broadcast_in_dim3A_105 = arith.constant 0.000000e+00 : f32
      %broadcast_in_dim3A_106 = vector.broadcast %broadcast_in_dim3A_105 : f32 to vector<16xf32>
      %broadcast_in_dim3A_107 = arith.constant 0.000000e+00 : f32
      %broadcast_in_dim3A_108 = vector.broadcast %broadcast_in_dim3A_107 : f32 to vector<16xf32>
      %broadcast_in_dim3A_109 = arith.constant 0.000000e+00 : f32
      %broadcast_in_dim3A_110 = vector.broadcast %broadcast_in_dim3A_109 : f32 to vector<16xf32>
      %broadcast_in_dim3A_111 = arith.constant 0.000000e+00 : f32
      %broadcast_in_dim3A_112 = vector.broadcast %broadcast_in_dim3A_111 : f32 to vector<16xf32>
      %broadcast_in_dim3A_113 = arith.constant 0.000000e+00 : f32
      %broadcast_in_dim3A_114 = vector.broadcast %broadcast_in_dim3A_113 : f32 to vector<16xf32>
      %scan3A_115 = arith.constant 0 : i32
      %scan3A_116 = arith.constant 50 : i32
      %scan3A_117 = arith.addi %scan3A_115, %scan3A_116 : i32
      %scan3A_118 = arith.constant 1 : i32
      %scan3A_119:19 = scf.for %scan3A_1704 = %scan3A_115 to %scan3A_117 step %scan3A_118 iter_args(%scan3A_1705 = %broadcast_in_dim3A_78, %scan3A_1706 = %broadcast_in_dim3A_80, %scan3A_1707 = %broadcast_in_dim3A_82, %scan3A_1708 = %broadcast_in_dim3A_84, %scan3A_1709 = %broadcast_in_dim3A_86, %scan3A_1710 = %broadcast_in_dim3A_88, %scan3A_1711 = %broadcast_in_dim3A_90, %scan3A_1712 = %broadcast_in_dim3A_92, %scan3A_1713 = %broadcast_in_dim3A_94, %scan3A_1714 = %broadcast_in_dim3A_96, %scan3A_1715 = %broadcast_in_dim3A_98, %scan3A_1716 = %broadcast_in_dim3A_100, %scan3A_1717 = %broadcast_in_dim3A_102, %scan3A_1718 = %broadcast_in_dim3A_104, %scan3A_1719 = %broadcast_in_dim3A_106, %scan3A_1720 = %broadcast_in_dim3A_108, %scan3A_1721 = %broadcast_in_dim3A_110, %scan3A_1722 = %broadcast_in_dim3A_112, %scan3A_1723 = %broadcast_in_dim3A_114) -> (vector<16xf32>, vector<16xf32>, vector<16xf32>, vector<16xf32>, vector<16xf32>, vector<16xf32>, vector<16xf32>, vector<16xf32>, vector<16xf32>, vector<16xf32>, vector<16xf32>, vector<16xf32>, vector<16xf32>, vector<16xf32>, vector<16xf32>, vector<16xf32>, vector<16xf32>, vector<16xf32>, vector<16xf32>)  : i32 {
        %add3A_1724 = arith.constant 0 : i32
        %add3A_1725 = arith.addi %add3A_1724, %scan3A_1704 : i32
        %get3A_1726 = arith.index_cast %add3A_1725 : i32 to index
        %get3A_1727 = arith.constant 0 : index
        %get3A_1728 = tpu.vector_load %arg6[%get3A_1726, %get3A_1727] {strides = array<i32>} : memref<104x384xf32, #tpu.memory_space<vmem>>, vector<1x16xf32>,
        %get3A_1729 = vector.shape_cast %get3A_1728 : vector<1x16xf32> to vector<16xf32>
        %add3A_1730 = arith.addf %scan3A_1705, %get3A_1729 : vector<16xf32>
        %add3A_1731 = arith.constant 0 : i32
        %add3A_1732 = arith.addi %add3A_1731, %scan3A_1704 : i32
        %get3A_1733 = arith.index_cast %add3A_1732 : i32 to index
        %get3A_1734 = arith.constant 16 : index
        %get3A_1735 = tpu.vector_load %arg6[%get3A_1733, %get3A_1734] {strides = array<i32>} : memref<104x384xf32, #tpu.memory_space<vmem>>, vector<1x16xf32>,
        %get3A_1736 = vector.shape_cast %get3A_1735 : vector<1x16xf32> to vector<16xf32>
        %add3A_1737 = arith.addf %scan3A_1706, %get3A_1736 : vector<16xf32>
        %add3A_1738 = arith.constant 0 : i32
        %add3A_1739 = arith.addi %add3A_1738, %scan3A_1704 : i32
        %get3A_1740 = arith.index_cast %add3A_1739 : i32 to index
        %get3A_1741 = arith.constant 32 : index
        %get3A_1742 = tpu.vector_load %arg6[%get3A_1740, %get3A_1741] {strides = array<i32>} : memref<104x384xf32, #tpu.memory_space<vmem>>, vector<1x16xf32>,
        %get3A_1743 = vector.shape_cast %get3A_1742 : vector<1x16xf32> to vector<16xf32>
        %add3A_1744 = arith.addf %scan3A_1707, %get3A_1743 : vector<16xf32>
        %add3A_1745 = arith.constant 0 : i32
        %add3A_1746 = arith.addi %add3A_1745, %scan3A_1704 : i32
        %get3A_1747 = arith.index_cast %add3A_1746 : i32 to index
        %get3A_1748 = arith.constant 48 : index
        %get3A_1749 = tpu.vector_load %arg6[%get3A_1747, %get3A_1748] {strides = array<i32>} : memref<104x384xf32, #tpu.memory_space<vmem>>, vector<1x16xf32>,
        %get3A_1750 = vector.shape_cast %get3A_1749 : vector<1x16xf32> to vector<16xf32>
        %add3A_1751 = arith.addf %scan3A_1708, %get3A_1750 : vector<16xf32>
        %add3A_1752 = arith.constant 0 : i32
        %add3A_1753 = arith.addi %add3A_1752, %scan3A_1704 : i32
        %get3A_1754 = arith.index_cast %add3A_1753 : i32 to index
        %get3A_1755 = arith.constant 64 : index
        %get3A_1756 = tpu.vector_load %arg6[%get3A_1754, %get3A_1755] {strides = array<i32>} : memref<104x384xf32, #tpu.memory_space<vmem>>, vector<1x16xf32>,
        %get3A_1757 = vector.shape_cast %get3A_1756 : vector<1x16xf32> to vector<16xf32>
        %add3A_1758 = arith.addf %scan3A_1709, %get3A_1757 : vector<16xf32>
        %add3A_1759 = arith.constant 0 : i32
        %add3A_1760 = arith.addi %add3A_1759, %scan3A_1704 : i32
        %get3A_1761 = arith.index_cast %add3A_1760 : i32 to index
        %get3A_1762 = arith.constant 80 : index
        %get3A_1763 = tpu.vector_load %arg6[%get3A_1761, %get3A_1762] {strides = array<i32>} : memref<104x384xf32, #tpu.memory_space<vmem>>, vector<1x16xf32>,
        %get3A_1764 = vector.shape_cast %get3A_1763 : vector<1x16xf32> to vector<16xf32>
        %add3A_1765 = arith.addf %scan3A_1710, %get3A_1764 : vector<16xf32>
        %add3A_1766 = arith.constant 0 : i32
        %add3A_1767 = arith.addi %add3A_1766, %scan3A_1704 : i32
        %get3A_1768 = arith.index_cast %add3A_1767 : i32 to index
        %get3A_1769 = arith.constant 96 : index
        %get3A_1770 = tpu.vector_load %arg6[%get3A_1768, %get3A_1769] {strides = array<i32>} : memref<104x384xf32, #tpu.memory_space<vmem>>, vector<1x16xf32>,
        %get3A_1771 = vector.shape_cast %get3A_1770 : vector<1x16xf32> to vector<16xf32>
        %add3A_1772 = arith.addf %scan3A_1711, %get3A_1771 : vector<16xf32>
        %add3A_1773 = arith.constant 0 : i32
        %add3A_1774 = arith.addi %add3A_1773, %scan3A_1704 : i32
        %get3A_1775 = arith.index_cast %add3A_1774 : i32 to index
        %get3A_1776 = arith.constant 112 : index
        %get3A_1777 = tpu.vector_load %arg6[%get3A_1775, %get3A_1776] {strides = array<i32>} : memref<104x384xf32, #tpu.memory_space<vmem>>, vector<1x16xf32>,
        %get3A_1778 = vector.shape_cast %get3A_1777 : vector<1x16xf32> to vector<16xf32>
        %add3A_1779 = arith.addf %scan3A_1712, %get3A_1778 : vector<16xf32>
        %add3A_1780 = arith.constant 0 : i32
        %add3A_1781 = arith.addi %add3A_1780, %scan3A_1704 : i32
        %get3A_1782 = arith.index_cast %add3A_1781 : i32 to index
        %get3A_1783 = arith.constant 128 : index
        %get3A_1784 = tpu.vector_load %arg6[%get3A_1782, %get3A_1783] {strides = array<i32>} : memref<104x384xf32, #tpu.memory_space<vmem>>, vector<1x16xf32>,
        %get3A_1785 = vector.shape_cast %get3A_1784 : vector<1x16xf32> to vector<16xf32>
        %add3A_1786 = arith.addf %scan3A_1713, %get3A_1785 : vector<16xf32>
        %add3A_1787 = arith.constant 0 : i32
        %add3A_1788 = arith.addi %add3A_1787, %scan3A_1704 : i32
        %get3A_1789 = arith.index_cast %add3A_1788 : i32 to index
        %get3A_1790 = arith.constant 144 : index
        %get3A_1791 = tpu.vector_load %arg6[%get3A_1789, %get3A_1790] {strides = array<i32>} : memref<104x384xf32, #tpu.memory_space<vmem>>, vector<1x16xf32>,
        %get3A_1792 = vector.shape_cast %get3A_1791 : vector<1x16xf32> to vector<16xf32>
        %add3A_1793 = arith.addf %scan3A_1714, %get3A_1792 : vector<16xf32>
        %add3A_1794 = arith.constant 0 : i32
        %add3A_1795 = arith.addi %add3A_1794, %scan3A_1704 : i32
        %get3A_1796 = arith.index_cast %add3A_1795 : i32 to index
        %get3A_1797 = arith.constant 160 : index
        %get3A_1798 = tpu.vector_load %arg6[%get3A_1796, %get3A_1797] {strides = array<i32>} : memref<104x384xf32, #tpu.memory_space<vmem>>, vector<1x16xf32>,
        %get3A_1799 = vector.shape_cast %get3A_1798 : vector<1x16xf32> to vector<16xf32>
        %add3A_1800 = arith.addf %scan3A_1715, %get3A_1799 : vector<16xf32>
        %add3A_1801 = arith.constant 0 : i32
        %add3A_1802 = arith.addi %add3A_1801, %scan3A_1704 : i32
        %get3A_1803 = arith.index_cast %add3A_1802 : i32 to index
        %get3A_1804 = arith.constant 176 : index
        %get3A_1805 = tpu.vector_load %arg6[%get3A_1803, %get3A_1804] {strides = array<i32>} : memref<104x384xf32, #tpu.memory_space<vmem>>, vector<1x16xf32>,
        %get3A_1806 = vector.shape_cast %get3A_1805 : vector<1x16xf32> to vector<16xf32>
        %add3A_1807 = arith.addf %scan3A_1716, %get3A_1806 : vector<16xf32>
        %add3A_1808 = arith.constant 0 : i32
        %add3A_1809 = arith.addi %add3A_1808, %scan3A_1704 : i32
        %get3A_1810 = arith.index_cast %add3A_1809 : i32 to index
        %get3A_1811 = arith.constant 192 : index
        %get3A_1812 = tpu.vector_load %arg6[%get3A_1810, %get3A_1811] {strides = array<i32>} : memref<104x384xf32, #tpu.memory_space<vmem>>, vector<1x16xf32>,
        %get3A_1813 = vector.shape_cast %get3A_1812 : vector<1x16xf32> to vector<16xf32>
        %add3A_1814 = arith.addf %scan3A_1717, %get3A_1813 : vector<16xf32>
        %add3A_1815 = arith.constant 0 : i32
        %add3A_1816 = arith.addi %add3A_1815, %scan3A_1704 : i32
        %get3A_1817 = arith.index_cast %add3A_1816 : i32 to index
        %get3A_1818 = arith.constant 208 : index
        %get3A_1819 = tpu.vector_load %arg6[%get3A_1817, %get3A_1818] {strides = array<i32>} : memref<104x384xf32, #tpu.memory_space<vmem>>, vector<1x16xf32>,
        %get3A_1820 = vector.shape_cast %get3A_1819 : vector<1x16xf32> to vector<16xf32>
        %add3A_1821 = arith.addf %scan3A_1718, %get3A_1820 : vector<16xf32>
        %add3A_1822 = arith.constant 0 : i32
        %add3A_1823 = arith.addi %add3A_1822, %scan3A_1704 : i32
        %get3A_1824 = arith.index_cast %add3A_1823 : i32 to index
        %get3A_1825 = arith.constant 224 : index
        %get3A_1826 = tpu.vector_load %arg6[%get3A_1824, %get3A_1825] {strides = array<i32>} : memref<104x384xf32, #tpu.memory_space<vmem>>, vector<1x16xf32>,
        %get3A_1827 = vector.shape_cast %get3A_1826 : vector<1x16xf32> to vector<16xf32>
        %add3A_1828 = arith.addf %scan3A_1719, %get3A_1827 : vector<16xf32>
        %add3A_1829 = arith.constant 0 : i32
        %add3A_1830 = arith.addi %add3A_1829, %scan3A_1704 : i32
        %get3A_1831 = arith.index_cast %add3A_1830 : i32 to index
        %get3A_1832 = arith.constant 240 : index
        %get3A_1833 = tpu.vector_load %arg6[%get3A_1831, %get3A_1832] {strides = array<i32>} : memref<104x384xf32, #tpu.memory_space<vmem>>, vector<1x16xf32>,
        %get3A_1834 = vector.shape_cast %get3A_1833 : vector<1x16xf32> to vector<16xf32>
        %add3A_1835 = arith.addf %scan3A_1720, %get3A_1834 : vector<16xf32>
        %add3A_1836 = arith.constant 0 : i32
        %add3A_1837 = arith.addi %add3A_1836, %scan3A_1704 : i32
        %get3A_1838 = arith.index_cast %add3A_1837 : i32 to index
        %get3A_1839 = arith.constant 256 : index
        %get3A_1840 = tpu.vector_load %arg6[%get3A_1838, %get3A_1839] {strides = array<i32>} : memref<104x384xf32, #tpu.memory_space<vmem>>, vector<1x16xf32>,
        %get3A_1841 = vector.shape_cast %get3A_1840 : vector<1x16xf32> to vector<16xf32>
        %add3A_1842 = arith.addf %scan3A_1721, %get3A_1841 : vector<16xf32>
        %add3A_1843 = arith.constant 0 : i32
        %add3A_1844 = arith.addi %add3A_1843, %scan3A_1704 : i32
        %get3A_1845 = arith.index_cast %add3A_1844 : i32 to index
        %get3A_1846 = arith.constant 272 : index
        %get3A_1847 = tpu.vector_load %arg6[%get3A_1845, %get3A_1846] {strides = array<i32>} : memref<104x384xf32, #tpu.memory_space<vmem>>, vector<1x16xf32>,
        %get3A_1848 = vector.shape_cast %get3A_1847 : vector<1x16xf32> to vector<16xf32>
        %add3A_1849 = arith.addf %scan3A_1722, %get3A_1848 : vector<16xf32>
        %add3A_1850 = arith.constant 0 : i32
        %add3A_1851 = arith.addi %add3A_1850, %scan3A_1704 : i32
        %get3A_1852 = arith.index_cast %add3A_1851 : i32 to index
        %get3A_1853 = arith.constant 288 : index
        %get3A_1854 = tpu.vector_load %arg6[%get3A_1852, %get3A_1853] {strides = array<i32>} : memref<104x384xf32, #tpu.memory_space<vmem>>, vector<1x16xf32>,
        %get3A_1855 = vector.shape_cast %get3A_1854 : vector<1x16xf32> to vector<16xf32>
        %add3A_1856 = arith.addf %scan3A_1723, %get3A_1855 : vector<16xf32>
        scf.yield %add3A_1730, %add3A_1737, %add3A_1744, %add3A_1751, %add3A_1758, %add3A_1765, %add3A_1772, %add3A_1779, %add3A_1786, %add3A_1793, %add3A_1800, %add3A_1807, %add3A_1814, %add3A_1821, %add3A_1828, %add3A_1835, %add3A_1842, %add3A_1849, %add3A_1856 : vector<16xf32>, vector<16xf32>, vector<16xf32>, vector<16xf32>, vector<16xf32>, vector<16xf32>, vector<16xf32>, vector<16xf32>, vector<16xf32>, vector<16xf32>, vector<16xf32>, vector<16xf32>, vector<16xf32>, vector<16xf32>, vector<16xf32>, vector<16xf32>, vector<16xf32>, vector<16xf32>, vector<16xf32>
      }
      %scan3A_120 = arith.constant 50 : i32
      %mul3A_121 = vector.broadcast %scan3A : f32 to vector<16xf32>
      %mul3A_122 = arith.mulf %scan3A_119#0, %mul3A_121 : vector<16xf32>
      %swap3A = arith.constant 0 : index
      %swap3A_123 = tpu.vector_load %arg8[%swap3A] {strides = array<i32>} : memref<1216xf32, #tpu.memory_space<vmem>>, vector<16xf32>,
      %swap3A_124 = vector.shape_cast %swap3A_123 : vector<16xf32> to vector<16xf32>
      %swap3A_125 = vector.shape_cast %mul3A_122 : vector<16xf32> to vector<16xf32>
      tpu.vector_store %arg8[%swap3A], %swap3A_125 {strides = array<i32>} : memref<1216xf32, #tpu.memory_space<vmem>>, vector<16xf32>,
      %mul3A_126 = vector.broadcast %scan3A : f32 to vector<16xf32>
      %mul3A_127 = arith.mulf %scan3A_119#1, %mul3A_126 : vector<16xf32>
      %swap3A_128 = arith.constant 16 : index
      %swap3A_129 = tpu.vector_load %arg8[%swap3A_128] {strides = array<i32>} : memref<1216xf32, #tpu.memory_space<vmem>>, vector<16xf32>,
      %swap3A_130 = vector.shape_cast %swap3A_129 : vector<16xf32> to vector<16xf32>
      %swap3A_131 = vector.shape_cast %mul3A_127 : vector<16xf32> to vector<16xf32>
      tpu.vector_store %arg8[%swap3A_128], %swap3A_131 {strides = array<i32>} : memref<1216xf32, #tpu.memory_space<vmem>>, vector<16xf32>,
      %mul3A_132 = vector.broadcast %scan3A : f32 to vector<16xf32>
      %mul3A_133 = arith.mulf %scan3A_119#2, %mul3A_132 : vector<16xf32>
      %swap3A_134 = arith.constant 32 : index
      %swap3A_135 = tpu.vector_load %arg8[%swap3A_134] {strides = array<i32>} : memref<1216xf32, #tpu.memory_space<vmem>>, vector<16xf32>,
      %swap3A_136 = vector.shape_cast %swap3A_135 : vector<16xf32> to vector<16xf32>
      %swap3A_137 = vector.shape_cast %mul3A_133 : vector<16xf32> to vector<16xf32>
      tpu.vector_store %arg8[%swap3A_134], %swap3A_137 {strides = array<i32>} : memref<1216xf32, #tpu.memory_space<vmem>>, vector<16xf32>,
      %mul3A_138 = vector.broadcast %scan3A : f32 to vector<16xf32>
      %mul3A_139 = arith.mulf %scan3A_119#3, %mul3A_138 : vector<16xf32>
      %swap3A_140 = arith.constant 48 : index
      %swap3A_141 = tpu.vector_load %arg8[%swap3A_140] {strides = array<i32>} : memref<1216xf32, #tpu.memory_space<vmem>>, vector<16xf32>,
      %swap3A_142 = vector.shape_cast %swap3A_141 : vector<16xf32> to vector<16xf32>
      %swap3A_143 = vector.shape_cast %mul3A_139 : vector<16xf32> to vector<16xf32>
      tpu.vector_store %arg8[%swap3A_140], %swap3A_143 {strides = array<i32>} : memref<1216xf32, #tpu.memory_space<vmem>>, vector<16xf32>,
      %mul3A_144 = vector.broadcast %scan3A : f32 to vector<16xf32>
      %mul3A_145 = arith.mulf %scan3A_119#4, %mul3A_144 : vector<16xf32>
      %swap3A_146 = arith.constant 64 : index
      %swap3A_147 = tpu.vector_load %arg8[%swap3A_146] {strides = array<i32>} : memref<1216xf32, #tpu.memory_space<vmem>>, vector<16xf32>,
      %swap3A_148 = vector.shape_cast %swap3A_147 : vector<16xf32> to vector<16xf32>
      %swap3A_149 = vector.shape_cast %mul3A_145 : vector<16xf32> to vector<16xf32>
      tpu.vector_store %arg8[%swap3A_146], %swap3A_149 {strides = array<i32>} : memref<1216xf32, #tpu.memory_space<vmem>>, vector<16xf32>,
      %mul3A_150 = vector.broadcast %scan3A : f32 to vector<16xf32>
      %mul3A_151 = arith.mulf %scan3A_119#5, %mul3A_150 : vector<16xf32>
      %swap3A_152 = arith.constant 80 : index
      %swap3A_153 = tpu.vector_load %arg8[%swap3A_152] {strides = array<i32>} : memref<1216xf32, #tpu.memory_space<vmem>>, vector<16xf32>,
      %swap3A_154 = vector.shape_cast %swap3A_153 : vector<16xf32> to vector<16xf32>
      %swap3A_155 = vector.shape_cast %mul3A_151 : vector<16xf32> to vector<16xf32>
      tpu.vector_store %arg8[%swap3A_152], %swap3A_155 {strides = array<i32>} : memref<1216xf32, #tpu.memory_space<vmem>>, vector<16xf32>,
      %mul3A_156 = vector.broadcast %scan3A : f32 to vector<16xf32>
      %mul3A_157 = arith.mulf %scan3A_119#6, %mul3A_156 : vector<16xf32>
      %swap3A_158 = arith.constant 96 : index
      %swap3A_159 = tpu.vector_load %arg8[%swap3A_158] {strides = array<i32>} : memref<1216xf32, #tpu.memory_space<vmem>>, vector<16xf32>,
      %swap3A_160 = vector.shape_cast %swap3A_159 : vector<16xf32> to vector<16xf32>
      %swap3A_161 = vector.shape_cast %mul3A_157 : vector<16xf32> to vector<16xf32>
      tpu.vector_store %arg8[%swap3A_158], %swap3A_161 {strides = array<i32>} : memref<1216xf32, #tpu.memory_space<vmem>>, vector<16xf32>,
      %mul3A_162 = vector.broadcast %scan3A : f32 to vector<16xf32>
      %mul3A_163 = arith.mulf %scan3A_119#7, %mul3A_162 : vector<16xf32>
      %swap3A_164 = arith.constant 112 : index
      %swap3A_165 = tpu.vector_load %arg8[%swap3A_164] {strides = array<i32>} : memref<1216xf32, #tpu.memory_space<vmem>>, vector<16xf32>,
      %swap3A_166 = vector.shape_cast %swap3A_165 : vector<16xf32> to vector<16xf32>
      %swap3A_167 = vector.shape_cast %mul3A_163 : vector<16xf32> to vector<16xf32>
      tpu.vector_store %arg8[%swap3A_164], %swap3A_167 {strides = array<i32>} : memref<1216xf32, #tpu.memory_space<vmem>>, vector<16xf32>,
      %mul3A_168 = vector.broadcast %scan3A : f32 to vector<16xf32>
      %mul3A_169 = arith.mulf %scan3A_119#8, %mul3A_168 : vector<16xf32>
      %swap3A_170 = arith.constant 128 : index
      %swap3A_171 = tpu.vector_load %arg8[%swap3A_170] {strides = array<i32>} : memref<1216xf32, #tpu.memory_space<vmem>>, vector<16xf32>,
      %swap3A_172 = vector.shape_cast %swap3A_171 : vector<16xf32> to vector<16xf32>
      %swap3A_173 = vector.shape_cast %mul3A_169 : vector<16xf32> to vector<16xf32>
      tpu.vector_store %arg8[%swap3A_170], %swap3A_173 {strides = array<i32>} : memref<1216xf32, #tpu.memory_space<vmem>>, vector<16xf32>,
      %mul3A_174 = vector.broadcast %scan3A : f32 to vector<16xf32>
      %mul3A_175 = arith.mulf %scan3A_119#9, %mul3A_174 : vector<16xf32>
      %swap3A_176 = arith.constant 144 : index
      %swap3A_177 = tpu.vector_load %arg8[%swap3A_176] {strides = array<i32>} : memref<1216xf32, #tpu.memory_space<vmem>>, vector<16xf32>,
      %swap3A_178 = vector.shape_cast %swap3A_177 : vector<16xf32> to vector<16xf32>
      %swap3A_179 = vector.shape_cast %mul3A_175 : vector<16xf32> to vector<16xf32>
      tpu.vector_store %arg8[%swap3A_176], %swap3A_179 {strides = array<i32>} : memref<1216xf32, #tpu.memory_space<vmem>>, vector<16xf32>,
      %mul3A_180 = vector.broadcast %scan3A : f32 to vector<16xf32>
      %mul3A_181 = arith.mulf %scan3A_119#10, %mul3A_180 : vector<16xf32>
      %swap3A_182 = arith.constant 160 : index
      %swap3A_183 = tpu.vector_load %arg8[%swap3A_182] {strides = array<i32>} : memref<1216xf32, #tpu.memory_space<vmem>>, vector<16xf32>,
      %swap3A_184 = vector.shape_cast %swap3A_183 : vector<16xf32> to vector<16xf32>
      %swap3A_185 = vector.shape_cast %mul3A_181 : vector<16xf32> to vector<16xf32>
      tpu.vector_store %arg8[%swap3A_182], %swap3A_185 {strides = array<i32>} : memref<1216xf32, #tpu.memory_space<vmem>>, vector<16xf32>,
      %mul3A_186 = vector.broadcast %scan3A : f32 to vector<16xf32>
      %mul3A_187 = arith.mulf %scan3A_119#11, %mul3A_186 : vector<16xf32>
      %swap3A_188 = arith.constant 176 : index
      %swap3A_189 = tpu.vector_load %arg8[%swap3A_188] {strides = array<i32>} : memref<1216xf32, #tpu.memory_space<vmem>>, vector<16xf32>,
      %swap3A_190 = vector.shape_cast %swap3A_189 : vector<16xf32> to vector<16xf32>
      %swap3A_191 = vector.shape_cast %mul3A_187 : vector<16xf32> to vector<16xf32>
      tpu.vector_store %arg8[%swap3A_188], %swap3A_191 {strides = array<i32>} : memref<1216xf32, #tpu.memory_space<vmem>>, vector<16xf32>,
      %mul3A_192 = vector.broadcast %scan3A : f32 to vector<16xf32>
      %mul3A_193 = arith.mulf %scan3A_119#12, %mul3A_192 : vector<16xf32>
      %swap3A_194 = arith.constant 192 : index
      %swap3A_195 = tpu.vector_load %arg8[%swap3A_194] {strides = array<i32>} : memref<1216xf32, #tpu.memory_space<vmem>>, vector<16xf32>,
      %swap3A_196 = vector.shape_cast %swap3A_195 : vector<16xf32> to vector<16xf32>
      %swap3A_197 = vector.shape_cast %mul3A_193 : vector<16xf32> to vector<16xf32>
      tpu.vector_store %arg8[%swap3A_194], %swap3A_197 {strides = array<i32>} : memref<1216xf32, #tpu.memory_space<vmem>>, vector<16xf32>,
      %mul3A_198 = vector.broadcast %scan3A : f32 to vector<16xf32>
      %mul3A_199 = arith.mulf %scan3A_119#13, %mul3A_198 : vector<16xf32>
      %swap3A_200 = arith.constant 208 : index
      %swap3A_201 = tpu.vector_load %arg8[%swap3A_200] {strides = array<i32>} : memref<1216xf32, #tpu.memory_space<vmem>>, vector<16xf32>,
      %swap3A_202 = vector.shape_cast %swap3A_201 : vector<16xf32> to vector<16xf32>
      %swap3A_203 = vector.shape_cast %mul3A_199 : vector<16xf32> to vector<16xf32>
      tpu.vector_store %arg8[%swap3A_200], %swap3A_203 {strides = array<i32>} : memref<1216xf32, #tpu.memory_space<vmem>>, vector<16xf32>,
      %mul3A_204 = vector.broadcast %scan3A : f32 to vector<16xf32>
      %mul3A_205 = arith.mulf %scan3A_119#14, %mul3A_204 : vector<16xf32>
      %swap3A_206 = arith.constant 224 : index
      %swap3A_207 = tpu.vector_load %arg8[%swap3A_206] {strides = array<i32>} : memref<1216xf32, #tpu.memory_space<vmem>>, vector<16xf32>,
      %swap3A_208 = vector.shape_cast %swap3A_207 : vector<16xf32> to vector<16xf32>
      %swap3A_209 = vector.shape_cast %mul3A_205 : vector<16xf32> to vector<16xf32>
      tpu.vector_store %arg8[%swap3A_206], %swap3A_209 {strides = array<i32>} : memref<1216xf32, #tpu.memory_space<vmem>>, vector<16xf32>,
      %mul3A_210 = vector.broadcast %scan3A : f32 to vector<16xf32>
      %mul3A_211 = arith.mulf %scan3A_119#15, %mul3A_210 : vector<16xf32>
      %swap3A_212 = arith.constant 240 : index
      %swap3A_213 = tpu.vector_load %arg8[%swap3A_212] {strides = array<i32>} : memref<1216xf32, #tpu.memory_space<vmem>>, vector<16xf32>,
      %swap3A_214 = vector.shape_cast %swap3A_213 : vector<16xf32> to vector<16xf32>
      %swap3A_215 = vector.shape_cast %mul3A_211 : vector<16xf32> to vector<16xf32>
      tpu.vector_store %arg8[%swap3A_212], %swap3A_215 {strides = array<i32>} : memref<1216xf32, #tpu.memory_space<vmem>>, vector<16xf32>,
      %mul3A_216 = vector.broadcast %scan3A : f32 to vector<16xf32>
      %mul3A_217 = arith.mulf %scan3A_119#16, %mul3A_216 : vector<16xf32>
      %swap3A_218 = arith.constant 256 : index
      %swap3A_219 = tpu.vector_load %arg8[%swap3A_218] {strides = array<i32>} : memref<1216xf32, #tpu.memory_space<vmem>>, vector<16xf32>,
      %swap3A_220 = vector.shape_cast %swap3A_219 : vector<16xf32> to vector<16xf32>
      %swap3A_221 = vector.shape_cast %mul3A_217 : vector<16xf32> to vector<16xf32>
      tpu.vector_store %arg8[%swap3A_218], %swap3A_221 {strides = array<i32>} : memref<1216xf32, #tpu.memory_space<vmem>>, vector<16xf32>,
      %mul3A_222 = vector.broadcast %scan3A : f32 to vector<16xf32>
      %mul3A_223 = arith.mulf %scan3A_119#17, %mul3A_222 : vector<16xf32>
      %swap3A_224 = arith.constant 272 : index
      %swap3A_225 = tpu.vector_load %arg8[%swap3A_224] {strides = array<i32>} : memref<1216xf32, #tpu.memory_space<vmem>>, vector<16xf32>,
      %swap3A_226 = vector.shape_cast %swap3A_225 : vector<16xf32> to vector<16xf32>
      %swap3A_227 = vector.shape_cast %mul3A_223 : vector<16xf32> to vector<16xf32>
      tpu.vector_store %arg8[%swap3A_224], %swap3A_227 {strides = array<i32>} : memref<1216xf32, #tpu.memory_space<vmem>>, vector<16xf32>,
      %mul3A_228 = vector.broadcast %scan3A : f32 to vector<16xf32>
      %mul3A_229 = arith.mulf %scan3A_119#18, %mul3A_228 : vector<16xf32>
      %swap3A_230 = arith.constant 288 : index
      %swap3A_231 = tpu.vector_load %arg8[%swap3A_230] {strides = array<i32>} : memref<1216xf32, #tpu.memory_space<vmem>>, vector<16xf32>,
      %swap3A_232 = vector.shape_cast %swap3A_231 : vector<16xf32> to vector<16xf32>
      %swap3A_233 = vector.shape_cast %mul3A_229 : vector<16xf32> to vector<16xf32>
      tpu.vector_store %arg8[%swap3A_230], %swap3A_233 {strides = array<i32>} : memref<1216xf32, #tpu.memory_space<vmem>>, vector<16xf32>,
      %broadcast_in_dim3A_234 = arith.constant 0.000000e+00 : f32
      %broadcast_in_dim3A_235 = vector.broadcast %broadcast_in_dim3A_234 : f32 to vector<16xf32>
      %broadcast_in_dim3A_236 = arith.constant 0.000000e+00 : f32
      %broadcast_in_dim3A_237 = vector.broadcast %broadcast_in_dim3A_236 : f32 to vector<16xf32>
      %broadcast_in_dim3A_238 = arith.constant 0.000000e+00 : f32
      %broadcast_in_dim3A_239 = vector.broadcast %broadcast_in_dim3A_238 : f32 to vector<16xf32>
      %broadcast_in_dim3A_240 = arith.constant 0.000000e+00 : f32
      %broadcast_in_dim3A_241 = vector.broadcast %broadcast_in_dim3A_240 : f32 to vector<16xf32>
      %broadcast_in_dim3A_242 = arith.constant 0.000000e+00 : f32
      %broadcast_in_dim3A_243 = vector.broadcast %broadcast_in_dim3A_242 : f32 to vector<16xf32>
      %broadcast_in_dim3A_244 = arith.constant 0.000000e+00 : f32
      %broadcast_in_dim3A_245 = vector.broadcast %broadcast_in_dim3A_244 : f32 to vector<16xf32>
      %broadcast_in_dim3A_246 = arith.constant 0.000000e+00 : f32
      %broadcast_in_dim3A_247 = vector.broadcast %broadcast_in_dim3A_246 : f32 to vector<16xf32>
      %broadcast_in_dim3A_248 = arith.constant 0.000000e+00 : f32
      %broadcast_in_dim3A_249 = vector.broadcast %broadcast_in_dim3A_248 : f32 to vector<16xf32>
      %broadcast_in_dim3A_250 = arith.constant 0.000000e+00 : f32
      %broadcast_in_dim3A_251 = vector.broadcast %broadcast_in_dim3A_250 : f32 to vector<16xf32>
      %broadcast_in_dim3A_252 = arith.constant 0.000000e+00 : f32
      %broadcast_in_dim3A_253 = vector.broadcast %broadcast_in_dim3A_252 : f32 to vector<16xf32>
      %broadcast_in_dim3A_254 = arith.constant 0.000000e+00 : f32
      %broadcast_in_dim3A_255 = vector.broadcast %broadcast_in_dim3A_254 : f32 to vector<16xf32>
      %broadcast_in_dim3A_256 = arith.constant 0.000000e+00 : f32
      %broadcast_in_dim3A_257 = vector.broadcast %broadcast_in_dim3A_256 : f32 to vector<16xf32>
      %broadcast_in_dim3A_258 = arith.constant 0.000000e+00 : f32
      %broadcast_in_dim3A_259 = vector.broadcast %broadcast_in_dim3A_258 : f32 to vector<16xf32>
      %broadcast_in_dim3A_260 = arith.constant 0.000000e+00 : f32
      %broadcast_in_dim3A_261 = vector.broadcast %broadcast_in_dim3A_260 : f32 to vector<16xf32>
      %broadcast_in_dim3A_262 = arith.constant 0.000000e+00 : f32
      %broadcast_in_dim3A_263 = vector.broadcast %broadcast_in_dim3A_262 : f32 to vector<16xf32>
      %broadcast_in_dim3A_264 = arith.constant 0.000000e+00 : f32
      %broadcast_in_dim3A_265 = vector.broadcast %broadcast_in_dim3A_264 : f32 to vector<16xf32>
      %broadcast_in_dim3A_266 = arith.constant 0.000000e+00 : f32
      %broadcast_in_dim3A_267 = vector.broadcast %broadcast_in_dim3A_266 : f32 to vector<16xf32>
      %broadcast_in_dim3A_268 = arith.constant 0.000000e+00 : f32
      %broadcast_in_dim3A_269 = vector.broadcast %broadcast_in_dim3A_268 : f32 to vector<16xf32>
      %broadcast_in_dim3A_270 = arith.constant 0.000000e+00 : f32
      %broadcast_in_dim3A_271 = vector.broadcast %broadcast_in_dim3A_270 : f32 to vector<16xf32>
      %scan3A_272 = arith.constant 0 : i32
      %scan3A_273 = arith.constant 50 : i32
      %scan3A_274 = arith.addi %scan3A_272, %scan3A_273 : i32
      %scan3A_275 = arith.constant 1 : i32
      %scan3A_276:19 = scf.for %scan3A_1704 = %scan3A_272 to %scan3A_274 step %scan3A_275 iter_args(%scan3A_1705 = %broadcast_in_dim3A_235, %scan3A_1706 = %broadcast_in_dim3A_237, %scan3A_1707 = %broadcast_in_dim3A_239, %scan3A_1708 = %broadcast_in_dim3A_241, %scan3A_1709 = %broadcast_in_dim3A_243, %scan3A_1710 = %broadcast_in_dim3A_245, %scan3A_1711 = %broadcast_in_dim3A_247, %scan3A_1712 = %broadcast_in_dim3A_249, %scan3A_1713 = %broadcast_in_dim3A_251, %scan3A_1714 = %broadcast_in_dim3A_253, %scan3A_1715 = %broadcast_in_dim3A_255, %scan3A_1716 = %broadcast_in_dim3A_257, %scan3A_1717 = %broadcast_in_dim3A_259, %scan3A_1718 = %broadcast_in_dim3A_261, %scan3A_1719 = %broadcast_in_dim3A_263, %scan3A_1720 = %broadcast_in_dim3A_265, %scan3A_1721 = %broadcast_in_dim3A_267, %scan3A_1722 = %broadcast_in_dim3A_269, %scan3A_1723 = %broadcast_in_dim3A_271) -> (vector<16xf32>, vector<16xf32>, vector<16xf32>, vector<16xf32>, vector<16xf32>, vector<16xf32>, vector<16xf32>, vector<16xf32>, vector<16xf32>, vector<16xf32>, vector<16xf32>, vector<16xf32>, vector<16xf32>, vector<16xf32>, vector<16xf32>, vector<16xf32>, vector<16xf32>, vector<16xf32>, vector<16xf32>)  : i32 {
        %add3A_1724 = arith.constant 50 : i32
        %add3A_1725 = arith.addi %add3A_1724, %scan3A_1704 : i32
        %get3A_1726 = arith.index_cast %add3A_1725 : i32 to index
        %get3A_1727 = arith.constant 0 : index
        %get3A_1728 = tpu.vector_load %arg6[%get3A_1726, %get3A_1727] {strides = array<i32>} : memref<104x384xf32, #tpu.memory_space<vmem>>, vector<1x16xf32>,
        %get3A_1729 = vector.shape_cast %get3A_1728 : vector<1x16xf32> to vector<16xf32>
        %add3A_1730 = arith.addf %scan3A_1705, %get3A_1729 : vector<16xf32>
        %add3A_1731 = arith.constant 50 : i32
        %add3A_1732 = arith.addi %add3A_1731, %scan3A_1704 : i32
        %get3A_1733 = arith.index_cast %add3A_1732 : i32 to index
        %get3A_1734 = arith.constant 16 : index
        %get3A_1735 = tpu.vector_load %arg6[%get3A_1733, %get3A_1734] {strides = array<i32>} : memref<104x384xf32, #tpu.memory_space<vmem>>, vector<1x16xf32>,
        %get3A_1736 = vector.shape_cast %get3A_1735 : vector<1x16xf32> to vector<16xf32>
        %add3A_1737 = arith.addf %scan3A_1706, %get3A_1736 : vector<16xf32>
        %add3A_1738 = arith.constant 50 : i32
        %add3A_1739 = arith.addi %add3A_1738, %scan3A_1704 : i32
        %get3A_1740 = arith.index_cast %add3A_1739 : i32 to index
        %get3A_1741 = arith.constant 32 : index
        %get3A_1742 = tpu.vector_load %arg6[%get3A_1740, %get3A_1741] {strides = array<i32>} : memref<104x384xf32, #tpu.memory_space<vmem>>, vector<1x16xf32>,
        %get3A_1743 = vector.shape_cast %get3A_1742 : vector<1x16xf32> to vector<16xf32>
        %add3A_1744 = arith.addf %scan3A_1707, %get3A_1743 : vector<16xf32>
        %add3A_1745 = arith.constant 50 : i32
        %add3A_1746 = arith.addi %add3A_1745, %scan3A_1704 : i32
        %get3A_1747 = arith.index_cast %add3A_1746 : i32 to index
        %get3A_1748 = arith.constant 48 : index
        %get3A_1749 = tpu.vector_load %arg6[%get3A_1747, %get3A_1748] {strides = array<i32>} : memref<104x384xf32, #tpu.memory_space<vmem>>, vector<1x16xf32>,
        %get3A_1750 = vector.shape_cast %get3A_1749 : vector<1x16xf32> to vector<16xf32>
        %add3A_1751 = arith.addf %scan3A_1708, %get3A_1750 : vector<16xf32>
        %add3A_1752 = arith.constant 50 : i32
        %add3A_1753 = arith.addi %add3A_1752, %scan3A_1704 : i32
        %get3A_1754 = arith.index_cast %add3A_1753 : i32 to index
        %get3A_1755 = arith.constant 64 : index
        %get3A_1756 = tpu.vector_load %arg6[%get3A_1754, %get3A_1755] {strides = array<i32>} : memref<104x384xf32, #tpu.memory_space<vmem>>, vector<1x16xf32>,
        %get3A_1757 = vector.shape_cast %get3A_1756 : vector<1x16xf32> to vector<16xf32>
        %add3A_1758 = arith.addf %scan3A_1709, %get3A_1757 : vector<16xf32>
        %add3A_1759 = arith.constant 50 : i32
        %add3A_1760 = arith.addi %add3A_1759, %scan3A_1704 : i32
        %get3A_1761 = arith.index_cast %add3A_1760 : i32 to index
        %get3A_1762 = arith.constant 80 : index
        %get3A_1763 = tpu.vector_load %arg6[%get3A_1761, %get3A_1762] {strides = array<i32>} : memref<104x384xf32, #tpu.memory_space<vmem>>, vector<1x16xf32>,
        %get3A_1764 = vector.shape_cast %get3A_1763 : vector<1x16xf32> to vector<16xf32>
        %add3A_1765 = arith.addf %scan3A_1710, %get3A_1764 : vector<16xf32>
        %add3A_1766 = arith.constant 50 : i32
        %add3A_1767 = arith.addi %add3A_1766, %scan3A_1704 : i32
        %get3A_1768 = arith.index_cast %add3A_1767 : i32 to index
        %get3A_1769 = arith.constant 96 : index
        %get3A_1770 = tpu.vector_load %arg6[%get3A_1768, %get3A_1769] {strides = array<i32>} : memref<104x384xf32, #tpu.memory_space<vmem>>, vector<1x16xf32>,
        %get3A_1771 = vector.shape_cast %get3A_1770 : vector<1x16xf32> to vector<16xf32>
        %add3A_1772 = arith.addf %scan3A_1711, %get3A_1771 : vector<16xf32>
        %add3A_1773 = arith.constant 50 : i32
        %add3A_1774 = arith.addi %add3A_1773, %scan3A_1704 : i32
        %get3A_1775 = arith.index_cast %add3A_1774 : i32 to index
        %get3A_1776 = arith.constant 112 : index
        %get3A_1777 = tpu.vector_load %arg6[%get3A_1775, %get3A_1776] {strides = array<i32>} : memref<104x384xf32, #tpu.memory_space<vmem>>, vector<1x16xf32>,
        %get3A_1778 = vector.shape_cast %get3A_1777 : vector<1x16xf32> to vector<16xf32>
        %add3A_1779 = arith.addf %scan3A_1712, %get3A_1778 : vector<16xf32>
        %add3A_1780 = arith.constant 50 : i32
        %add3A_1781 = arith.addi %add3A_1780, %scan3A_1704 : i32
        %get3A_1782 = arith.index_cast %add3A_1781 : i32 to index
        %get3A_1783 = arith.constant 128 : index
        %get3A_1784 = tpu.vector_load %arg6[%get3A_1782, %get3A_1783] {strides = array<i32>} : memref<104x384xf32, #tpu.memory_space<vmem>>, vector<1x16xf32>,
        %get3A_1785 = vector.shape_cast %get3A_1784 : vector<1x16xf32> to vector<16xf32>
        %add3A_1786 = arith.addf %scan3A_1713, %get3A_1785 : vector<16xf32>
        %add3A_1787 = arith.constant 50 : i32
        %add3A_1788 = arith.addi %add3A_1787, %scan3A_1704 : i32
        %get3A_1789 = arith.index_cast %add3A_1788 : i32 to index
        %get3A_1790 = arith.constant 144 : index
        %get3A_1791 = tpu.vector_load %arg6[%get3A_1789, %get3A_1790] {strides = array<i32>} : memref<104x384xf32, #tpu.memory_space<vmem>>, vector<1x16xf32>,
        %get3A_1792 = vector.shape_cast %get3A_1791 : vector<1x16xf32> to vector<16xf32>
        %add3A_1793 = arith.addf %scan3A_1714, %get3A_1792 : vector<16xf32>
        %add3A_1794 = arith.constant 50 : i32
        %add3A_1795 = arith.addi %add3A_1794, %scan3A_1704 : i32
        %get3A_1796 = arith.index_cast %add3A_1795 : i32 to index
        %get3A_1797 = arith.constant 160 : index
        %get3A_1798 = tpu.vector_load %arg6[%get3A_1796, %get3A_1797] {strides = array<i32>} : memref<104x384xf32, #tpu.memory_space<vmem>>, vector<1x16xf32>,
        %get3A_1799 = vector.shape_cast %get3A_1798 : vector<1x16xf32> to vector<16xf32>
        %add3A_1800 = arith.addf %scan3A_1715, %get3A_1799 : vector<16xf32>
        %add3A_1801 = arith.constant 50 : i32
        %add3A_1802 = arith.addi %add3A_1801, %scan3A_1704 : i32
        %get3A_1803 = arith.index_cast %add3A_1802 : i32 to index
        %get3A_1804 = arith.constant 176 : index
        %get3A_1805 = tpu.vector_load %arg6[%get3A_1803, %get3A_1804] {strides = array<i32>} : memref<104x384xf32, #tpu.memory_space<vmem>>, vector<1x16xf32>,
        %get3A_1806 = vector.shape_cast %get3A_1805 : vector<1x16xf32> to vector<16xf32>
        %add3A_1807 = arith.addf %scan3A_1716, %get3A_1806 : vector<16xf32>
        %add3A_1808 = arith.constant 50 : i32
        %add3A_1809 = arith.addi %add3A_1808, %scan3A_1704 : i32
        %get3A_1810 = arith.index_cast %add3A_1809 : i32 to index
        %get3A_1811 = arith.constant 192 : index
        %get3A_1812 = tpu.vector_load %arg6[%get3A_1810, %get3A_1811] {strides = array<i32>} : memref<104x384xf32, #tpu.memory_space<vmem>>, vector<1x16xf32>,
        %get3A_1813 = vector.shape_cast %get3A_1812 : vector<1x16xf32> to vector<16xf32>
        %add3A_1814 = arith.addf %scan3A_1717, %get3A_1813 : vector<16xf32>
        %add3A_1815 = arith.constant 50 : i32
        %add3A_1816 = arith.addi %add3A_1815, %scan3A_1704 : i32
        %get3A_1817 = arith.index_cast %add3A_1816 : i32 to index
        %get3A_1818 = arith.constant 208 : index
        %get3A_1819 = tpu.vector_load %arg6[%get3A_1817, %get3A_1818] {strides = array<i32>} : memref<104x384xf32, #tpu.memory_space<vmem>>, vector<1x16xf32>,
        %get3A_1820 = vector.shape_cast %get3A_1819 : vector<1x16xf32> to vector<16xf32>
        %add3A_1821 = arith.addf %scan3A_1718, %get3A_1820 : vector<16xf32>
        %add3A_1822 = arith.constant 50 : i32
        %add3A_1823 = arith.addi %add3A_1822, %scan3A_1704 : i32
        %get3A_1824 = arith.index_cast %add3A_1823 : i32 to index
        %get3A_1825 = arith.constant 224 : index
        %get3A_1826 = tpu.vector_load %arg6[%get3A_1824, %get3A_1825] {strides = array<i32>} : memref<104x384xf32, #tpu.memory_space<vmem>>, vector<1x16xf32>,
        %get3A_1827 = vector.shape_cast %get3A_1826 : vector<1x16xf32> to vector<16xf32>
        %add3A_1828 = arith.addf %scan3A_1719, %get3A_1827 : vector<16xf32>
        %add3A_1829 = arith.constant 50 : i32
        %add3A_1830 = arith.addi %add3A_1829, %scan3A_1704 : i32
        %get3A_1831 = arith.index_cast %add3A_1830 : i32 to index
        %get3A_1832 = arith.constant 240 : index
        %get3A_1833 = tpu.vector_load %arg6[%get3A_1831, %get3A_1832] {strides = array<i32>} : memref<104x384xf32, #tpu.memory_space<vmem>>, vector<1x16xf32>,
        %get3A_1834 = vector.shape_cast %get3A_1833 : vector<1x16xf32> to vector<16xf32>
        %add3A_1835 = arith.addf %scan3A_1720, %get3A_1834 : vector<16xf32>
        %add3A_1836 = arith.constant 50 : i32
        %add3A_1837 = arith.addi %add3A_1836, %scan3A_1704 : i32
        %get3A_1838 = arith.index_cast %add3A_1837 : i32 to index
        %get3A_1839 = arith.constant 256 : index
        %get3A_1840 = tpu.vector_load %arg6[%get3A_1838, %get3A_1839] {strides = array<i32>} : memref<104x384xf32, #tpu.memory_space<vmem>>, vector<1x16xf32>,
        %get3A_1841 = vector.shape_cast %get3A_1840 : vector<1x16xf32> to vector<16xf32>
        %add3A_1842 = arith.addf %scan3A_1721, %get3A_1841 : vector<16xf32>
        %add3A_1843 = arith.constant 50 : i32
        %add3A_1844 = arith.addi %add3A_1843, %scan3A_1704 : i32
        %get3A_1845 = arith.index_cast %add3A_1844 : i32 to index
        %get3A_1846 = arith.constant 272 : index
        %get3A_1847 = tpu.vector_load %arg6[%get3A_1845, %get3A_1846] {strides = array<i32>} : memref<104x384xf32, #tpu.memory_space<vmem>>, vector<1x16xf32>,
        %get3A_1848 = vector.shape_cast %get3A_1847 : vector<1x16xf32> to vector<16xf32>
        %add3A_1849 = arith.addf %scan3A_1722, %get3A_1848 : vector<16xf32>
        %add3A_1850 = arith.constant 50 : i32
        %add3A_1851 = arith.addi %add3A_1850, %scan3A_1704 : i32
        %get3A_1852 = arith.index_cast %add3A_1851 : i32 to index
        %get3A_1853 = arith.constant 288 : index
        %get3A_1854 = tpu.vector_load %arg6[%get3A_1852, %get3A_1853] {strides = array<i32>} : memref<104x384xf32, #tpu.memory_space<vmem>>, vector<1x16xf32>,
        %get3A_1855 = vector.shape_cast %get3A_1854 : vector<1x16xf32> to vector<16xf32>
        %add3A_1856 = arith.addf %scan3A_1723, %get3A_1855 : vector<16xf32>
        scf.yield %add3A_1730, %add3A_1737, %add3A_1744, %add3A_1751, %add3A_1758, %add3A_1765, %add3A_1772, %add3A_1779, %add3A_1786, %add3A_1793, %add3A_1800, %add3A_1807, %add3A_1814, %add3A_1821, %add3A_1828, %add3A_1835, %add3A_1842, %add3A_1849, %add3A_1856 : vector<16xf32>, vector<16xf32>, vector<16xf32>, vector<16xf32>, vector<16xf32>, vector<16xf32>, vector<16xf32>, vector<16xf32>, vector<16xf32>, vector<16xf32>, vector<16xf32>, vector<16xf32>, vector<16xf32>, vector<16xf32>, vector<16xf32>, vector<16xf32>, vector<16xf32>, vector<16xf32>, vector<16xf32>
      }
      %scan3A_277 = arith.constant 50 : i32
      %mul3A_278 = vector.broadcast %scan3A : f32 to vector<16xf32>
      %mul3A_279 = arith.mulf %scan3A_276#0, %mul3A_278 : vector<16xf32>
      %swap3A_280 = arith.constant 300 : index
      %swap3A_281 = tpu.vector_load %arg8[%swap3A_280] {strides = array<i32>} : memref<1216xf32, #tpu.memory_space<vmem>>, vector<16xf32>,
      %swap3A_282 = vector.shape_cast %swap3A_281 : vector<16xf32> to vector<16xf32>
      %swap3A_283 = vector.shape_cast %mul3A_279 : vector<16xf32> to vector<16xf32>
      tpu.vector_store %arg8[%swap3A_280], %swap3A_283 {strides = array<i32>} : memref<1216xf32, #tpu.memory_space<vmem>>, vector<16xf32>,
      %mul3A_284 = vector.broadcast %scan3A : f32 to vector<16xf32>
      %mul3A_285 = arith.mulf %scan3A_276#1, %mul3A_284 : vector<16xf32>
      %swap3A_286 = arith.constant 316 : index
      %swap3A_287 = tpu.vector_load %arg8[%swap3A_286] {strides = array<i32>} : memref<1216xf32, #tpu.memory_space<vmem>>, vector<16xf32>,
      %swap3A_288 = vector.shape_cast %swap3A_287 : vector<16xf32> to vector<16xf32>
      %swap3A_289 = vector.shape_cast %mul3A_285 : vector<16xf32> to vector<16xf32>
      tpu.vector_store %arg8[%swap3A_286], %swap3A_289 {strides = array<i32>} : memref<1216xf32, #tpu.memory_space<vmem>>, vector<16xf32>,
      %mul3A_290 = vector.broadcast %scan3A : f32 to vector<16xf32>
      %mul3A_291 = arith.mulf %scan3A_276#2, %mul3A_290 : vector<16xf32>
      %swap3A_292 = arith.constant 332 : index
      %swap3A_293 = tpu.vector_load %arg8[%swap3A_292] {strides = array<i32>} : memref<1216xf32, #tpu.memory_space<vmem>>, vector<16xf32>,
      %swap3A_294 = vector.shape_cast %swap3A_293 : vector<16xf32> to vector<16xf32>
      %swap3A_295 = vector.shape_cast %mul3A_291 : vector<16xf32> to vector<16xf32>
      tpu.vector_store %arg8[%swap3A_292], %swap3A_295 {strides = array<i32>} : memref<1216xf32, #tpu.memory_space<vmem>>, vector<16xf32>,
      %mul3A_296 = vector.broadcast %scan3A : f32 to vector<16xf32>
      %mul3A_297 = arith.mulf %scan3A_276#3, %mul3A_296 : vector<16xf32>
      %swap3A_298 = arith.constant 348 : index
      %swap3A_299 = tpu.vector_load %arg8[%swap3A_298] {strides = array<i32>} : memref<1216xf32, #tpu.memory_space<vmem>>, vector<16xf32>,
      %swap3A_300 = vector.shape_cast %swap3A_299 : vector<16xf32> to vector<16xf32>
      %swap3A_301 = vector.shape_cast %mul3A_297 : vector<16xf32> to vector<16xf32>
      tpu.vector_store %arg8[%swap3A_298], %swap3A_301 {strides = array<i32>} : memref<1216xf32, #tpu.memory_space<vmem>>, vector<16xf32>,
      %mul3A_302 = vector.broadcast %scan3A : f32 to vector<16xf32>
      %mul3A_303 = arith.mulf %scan3A_276#4, %mul3A_302 : vector<16xf32>
      %swap3A_304 = arith.constant 364 : index
      %swap3A_305 = tpu.vector_load %arg8[%swap3A_304] {strides = array<i32>} : memref<1216xf32, #tpu.memory_space<vmem>>, vector<16xf32>,
      %swap3A_306 = vector.shape_cast %swap3A_305 : vector<16xf32> to vector<16xf32>
      %swap3A_307 = vector.shape_cast %mul3A_303 : vector<16xf32> to vector<16xf32>
      tpu.vector_store %arg8[%swap3A_304], %swap3A_307 {strides = array<i32>} : memref<1216xf32, #tpu.memory_space<vmem>>, vector<16xf32>,
      %mul3A_308 = vector.broadcast %scan3A : f32 to vector<16xf32>
      %mul3A_309 = arith.mulf %scan3A_276#5, %mul3A_308 : vector<16xf32>
      %swap3A_310 = arith.constant 380 : index
      %swap3A_311 = tpu.vector_load %arg8[%swap3A_310] {strides = array<i32>} : memref<1216xf32, #tpu.memory_space<vmem>>, vector<16xf32>,
      %swap3A_312 = vector.shape_cast %swap3A_311 : vector<16xf32> to vector<16xf32>
      %swap3A_313 = vector.shape_cast %mul3A_309 : vector<16xf32> to vector<16xf32>
      tpu.vector_store %arg8[%swap3A_310], %swap3A_313 {strides = array<i32>} : memref<1216xf32, #tpu.memory_space<vmem>>, vector<16xf32>,
      %mul3A_314 = vector.broadcast %scan3A : f32 to vector<16xf32>
      %mul3A_315 = arith.mulf %scan3A_276#6, %mul3A_314 : vector<16xf32>
      %swap3A_316 = arith.constant 396 : index
      %swap3A_317 = tpu.vector_load %arg8[%swap3A_316] {strides = array<i32>} : memref<1216xf32, #tpu.memory_space<vmem>>, vector<16xf32>,
      %swap3A_318 = vector.shape_cast %swap3A_317 : vector<16xf32> to vector<16xf32>
      %swap3A_319 = vector.shape_cast %mul3A_315 : vector<16xf32> to vector<16xf32>
      tpu.vector_store %arg8[%swap3A_316], %swap3A_319 {strides = array<i32>} : memref<1216xf32, #tpu.memory_space<vmem>>, vector<16xf32>,
      %mul3A_320 = vector.broadcast %scan3A : f32 to vector<16xf32>
      %mul3A_321 = arith.mulf %scan3A_276#7, %mul3A_320 : vector<16xf32>
      %swap3A_322 = arith.constant 412 : index
      %swap3A_323 = tpu.vector_load %arg8[%swap3A_322] {strides = array<i32>} : memref<1216xf32, #tpu.memory_space<vmem>>, vector<16xf32>,
      %swap3A_324 = vector.shape_cast %swap3A_323 : vector<16xf32> to vector<16xf32>
      %swap3A_325 = vector.shape_cast %mul3A_321 : vector<16xf32> to vector<16xf32>
      tpu.vector_store %arg8[%swap3A_322], %swap3A_325 {strides = array<i32>} : memref<1216xf32, #tpu.memory_space<vmem>>, vector<16xf32>,
      %mul3A_326 = vector.broadcast %scan3A : f32 to vector<16xf32>
      %mul3A_327 = arith.mulf %scan3A_276#8, %mul3A_326 : vector<16xf32>
      %swap3A_328 = arith.constant 428 : index
      %swap3A_329 = tpu.vector_load %arg8[%swap3A_328] {strides = array<i32>} : memref<1216xf32, #tpu.memory_space<vmem>>, vector<16xf32>,
      %swap3A_330 = vector.shape_cast %swap3A_329 : vector<16xf32> to vector<16xf32>
      %swap3A_331 = vector.shape_cast %mul3A_327 : vector<16xf32> to vector<16xf32>
      tpu.vector_store %arg8[%swap3A_328], %swap3A_331 {strides = array<i32>} : memref<1216xf32, #tpu.memory_space<vmem>>, vector<16xf32>,
      %mul3A_332 = vector.broadcast %scan3A : f32 to vector<16xf32>
      %mul3A_333 = arith.mulf %scan3A_276#9, %mul3A_332 : vector<16xf32>
      %swap3A_334 = arith.constant 444 : index
      %swap3A_335 = tpu.vector_load %arg8[%swap3A_334] {strides = array<i32>} : memref<1216xf32, #tpu.memory_space<vmem>>, vector<16xf32>,
      %swap3A_336 = vector.shape_cast %swap3A_335 : vector<16xf32> to vector<16xf32>
      %swap3A_337 = vector.shape_cast %mul3A_333 : vector<16xf32> to vector<16xf32>
      tpu.vector_store %arg8[%swap3A_334], %swap3A_337 {strides = array<i32>} : memref<1216xf32, #tpu.memory_space<vmem>>, vector<16xf32>,
      %mul3A_338 = vector.broadcast %scan3A : f32 to vector<16xf32>
      %mul3A_339 = arith.mulf %scan3A_276#10, %mul3A_338 : vector<16xf32>
      %swap3A_340 = arith.constant 460 : index
      %swap3A_341 = tpu.vector_load %arg8[%swap3A_340] {strides = array<i32>} : memref<1216xf32, #tpu.memory_space<vmem>>, vector<16xf32>,
      %swap3A_342 = vector.shape_cast %swap3A_341 : vector<16xf32> to vector<16xf32>
      %swap3A_343 = vector.shape_cast %mul3A_339 : vector<16xf32> to vector<16xf32>
      tpu.vector_store %arg8[%swap3A_340], %swap3A_343 {strides = array<i32>} : memref<1216xf32, #tpu.memory_space<vmem>>, vector<16xf32>,
      %mul3A_344 = vector.broadcast %scan3A : f32 to vector<16xf32>
      %mul3A_345 = arith.mulf %scan3A_276#11, %mul3A_344 : vector<16xf32>
      %swap3A_346 = arith.constant 476 : index
      %swap3A_347 = tpu.vector_load %arg8[%swap3A_346] {strides = array<i32>} : memref<1216xf32, #tpu.memory_space<vmem>>, vector<16xf32>,
      %swap3A_348 = vector.shape_cast %swap3A_347 : vector<16xf32> to vector<16xf32>
      %swap3A_349 = vector.shape_cast %mul3A_345 : vector<16xf32> to vector<16xf32>
      tpu.vector_store %arg8[%swap3A_346], %swap3A_349 {strides = array<i32>} : memref<1216xf32, #tpu.memory_space<vmem>>, vector<16xf32>,
      %mul3A_350 = vector.broadcast %scan3A : f32 to vector<16xf32>
      %mul3A_351 = arith.mulf %scan3A_276#12, %mul3A_350 : vector<16xf32>
      %swap3A_352 = arith.constant 492 : index
      %swap3A_353 = tpu.vector_load %arg8[%swap3A_352] {strides = array<i32>} : memref<1216xf32, #tpu.memory_space<vmem>>, vector<16xf32>,
      %swap3A_354 = vector.shape_cast %swap3A_353 : vector<16xf32> to vector<16xf32>
      %swap3A_355 = vector.shape_cast %mul3A_351 : vector<16xf32> to vector<16xf32>
      tpu.vector_store %arg8[%swap3A_352], %swap3A_355 {strides = array<i32>} : memref<1216xf32, #tpu.memory_space<vmem>>, vector<16xf32>,
      %mul3A_356 = vector.broadcast %scan3A : f32 to vector<16xf32>
      %mul3A_357 = arith.mulf %scan3A_276#13, %mul3A_356 : vector<16xf32>
      %swap3A_358 = arith.constant 508 : index
      %swap3A_359 = tpu.vector_load %arg8[%swap3A_358] {strides = array<i32>} : memref<1216xf32, #tpu.memory_space<vmem>>, vector<16xf32>,
      %swap3A_360 = vector.shape_cast %swap3A_359 : vector<16xf32> to vector<16xf32>
      %swap3A_361 = vector.shape_cast %mul3A_357 : vector<16xf32> to vector<16xf32>
      tpu.vector_store %arg8[%swap3A_358], %swap3A_361 {strides = array<i32>} : memref<1216xf32, #tpu.memory_space<vmem>>, vector<16xf32>,
      %mul3A_362 = vector.broadcast %scan3A : f32 to vector<16xf32>
      %mul3A_363 = arith.mulf %scan3A_276#14, %mul3A_362 : vector<16xf32>
      %swap3A_364 = arith.constant 524 : index
      %swap3A_365 = tpu.vector_load %arg8[%swap3A_364] {strides = array<i32>} : memref<1216xf32, #tpu.memory_space<vmem>>, vector<16xf32>,
      %swap3A_366 = vector.shape_cast %swap3A_365 : vector<16xf32> to vector<16xf32>
      %swap3A_367 = vector.shape_cast %mul3A_363 : vector<16xf32> to vector<16xf32>
      tpu.vector_store %arg8[%swap3A_364], %swap3A_367 {strides = array<i32>} : memref<1216xf32, #tpu.memory_space<vmem>>, vector<16xf32>,
      %mul3A_368 = vector.broadcast %scan3A : f32 to vector<16xf32>
      %mul3A_369 = arith.mulf %scan3A_276#15, %mul3A_368 : vector<16xf32>
      %swap3A_370 = arith.constant 540 : index
      %swap3A_371 = tpu.vector_load %arg8[%swap3A_370] {strides = array<i32>} : memref<1216xf32, #tpu.memory_space<vmem>>, vector<16xf32>,
      %swap3A_372 = vector.shape_cast %swap3A_371 : vector<16xf32> to vector<16xf32>
      %swap3A_373 = vector.shape_cast %mul3A_369 : vector<16xf32> to vector<16xf32>
      tpu.vector_store %arg8[%swap3A_370], %swap3A_373 {strides = array<i32>} : memref<1216xf32, #tpu.memory_space<vmem>>, vector<16xf32>,
      %mul3A_374 = vector.broadcast %scan3A : f32 to vector<16xf32>
      %mul3A_375 = arith.mulf %scan3A_276#16, %mul3A_374 : vector<16xf32>
      %swap3A_376 = arith.constant 556 : index
      %swap3A_377 = tpu.vector_load %arg8[%swap3A_376] {strides = array<i32>} : memref<1216xf32, #tpu.memory_space<vmem>>, vector<16xf32>,
      %swap3A_378 = vector.shape_cast %swap3A_377 : vector<16xf32> to vector<16xf32>
      %swap3A_379 = vector.shape_cast %mul3A_375 : vector<16xf32> to vector<16xf32>
      tpu.vector_store %arg8[%swap3A_376], %swap3A_379 {strides = array<i32>} : memref<1216xf32, #tpu.memory_space<vmem>>, vector<16xf32>,
      %mul3A_380 = vector.broadcast %scan3A : f32 to vector<16xf32>
      %mul3A_381 = arith.mulf %scan3A_276#17, %mul3A_380 : vector<16xf32>
      %swap3A_382 = arith.constant 572 : index
      %swap3A_383 = tpu.vector_load %arg8[%swap3A_382] {strides = array<i32>} : memref<1216xf32, #tpu.memory_space<vmem>>, vector<16xf32>,
      %swap3A_384 = vector.shape_cast %swap3A_383 : vector<16xf32> to vector<16xf32>
      %swap3A_385 = vector.shape_cast %mul3A_381 : vector<16xf32> to vector<16xf32>
      tpu.vector_store %arg8[%swap3A_382], %swap3A_385 {strides = array<i32>} : memref<1216xf32, #tpu.memory_space<vmem>>, vector<16xf32>,
      %mul3A_386 = vector.broadcast %scan3A : f32 to vector<16xf32>
      %mul3A_387 = arith.mulf %scan3A_276#18, %mul3A_386 : vector<16xf32>
      %swap3A_388 = arith.constant 588 : index
      %swap3A_389 = tpu.vector_load %arg8[%swap3A_388] {strides = array<i32>} : memref<1216xf32, #tpu.memory_space<vmem>>, vector<16xf32>,
      %swap3A_390 = vector.shape_cast %swap3A_389 : vector<16xf32> to vector<16xf32>
      %swap3A_391 = vector.shape_cast %mul3A_387 : vector<16xf32> to vector<16xf32>
      tpu.vector_store %arg8[%swap3A_388], %swap3A_391 {strides = array<i32>} : memref<1216xf32, #tpu.memory_space<vmem>>, vector<16xf32>,
      %broadcast_in_dim3A_392 = arith.constant 0.000000e+00 : f32
      %broadcast_in_dim3A_393 = vector.broadcast %broadcast_in_dim3A_392 : f32 to vector<16xf32>
      %broadcast_in_dim3A_394 = arith.constant 0.000000e+00 : f32
      %broadcast_in_dim3A_395 = vector.broadcast %broadcast_in_dim3A_394 : f32 to vector<16xf32>
      %broadcast_in_dim3A_396 = arith.constant 0.000000e+00 : f32
      %broadcast_in_dim3A_397 = vector.broadcast %broadcast_in_dim3A_396 : f32 to vector<16xf32>
      %broadcast_in_dim3A_398 = arith.constant 0.000000e+00 : f32
      %broadcast_in_dim3A_399 = vector.broadcast %broadcast_in_dim3A_398 : f32 to vector<16xf32>
      %broadcast_in_dim3A_400 = arith.constant 0.000000e+00 : f32
      %broadcast_in_dim3A_401 = vector.broadcast %broadcast_in_dim3A_400 : f32 to vector<16xf32>
      %broadcast_in_dim3A_402 = arith.constant 0.000000e+00 : f32
      %broadcast_in_dim3A_403 = vector.broadcast %broadcast_in_dim3A_402 : f32 to vector<16xf32>
      %broadcast_in_dim3A_404 = arith.constant 0.000000e+00 : f32
      %broadcast_in_dim3A_405 = vector.broadcast %broadcast_in_dim3A_404 : f32 to vector<16xf32>
      %broadcast_in_dim3A_406 = arith.constant 0.000000e+00 : f32
      %broadcast_in_dim3A_407 = vector.broadcast %broadcast_in_dim3A_406 : f32 to vector<16xf32>
      %broadcast_in_dim3A_408 = arith.constant 0.000000e+00 : f32
      %broadcast_in_dim3A_409 = vector.broadcast %broadcast_in_dim3A_408 : f32 to vector<16xf32>
      %broadcast_in_dim3A_410 = arith.constant 0.000000e+00 : f32
      %broadcast_in_dim3A_411 = vector.broadcast %broadcast_in_dim3A_410 : f32 to vector<16xf32>
      %broadcast_in_dim3A_412 = arith.constant 0.000000e+00 : f32
      %broadcast_in_dim3A_413 = vector.broadcast %broadcast_in_dim3A_412 : f32 to vector<16xf32>
      %broadcast_in_dim3A_414 = arith.constant 0.000000e+00 : f32
      %broadcast_in_dim3A_415 = vector.broadcast %broadcast_in_dim3A_414 : f32 to vector<16xf32>
      %broadcast_in_dim3A_416 = arith.constant 0.000000e+00 : f32
      %broadcast_in_dim3A_417 = vector.broadcast %broadcast_in_dim3A_416 : f32 to vector<16xf32>
      %broadcast_in_dim3A_418 = arith.constant 0.000000e+00 : f32
      %broadcast_in_dim3A_419 = vector.broadcast %broadcast_in_dim3A_418 : f32 to vector<16xf32>
      %broadcast_in_dim3A_420 = arith.constant 0.000000e+00 : f32
      %broadcast_in_dim3A_421 = vector.broadcast %broadcast_in_dim3A_420 : f32 to vector<16xf32>
      %broadcast_in_dim3A_422 = arith.constant 0.000000e+00 : f32
      %broadcast_in_dim3A_423 = vector.broadcast %broadcast_in_dim3A_422 : f32 to vector<16xf32>
      %broadcast_in_dim3A_424 = arith.constant 0.000000e+00 : f32
      %broadcast_in_dim3A_425 = vector.broadcast %broadcast_in_dim3A_424 : f32 to vector<16xf32>
      %broadcast_in_dim3A_426 = arith.constant 0.000000e+00 : f32
      %broadcast_in_dim3A_427 = vector.broadcast %broadcast_in_dim3A_426 : f32 to vector<16xf32>
      %broadcast_in_dim3A_428 = arith.constant 0.000000e+00 : f32
      %broadcast_in_dim3A_429 = vector.broadcast %broadcast_in_dim3A_428 : f32 to vector<16xf32>
      %scan3A_430 = arith.constant 0 : i32
      %scan3A_431 = arith.constant 4 : i32
      %scan3A_432 = arith.addi %scan3A_430, %scan3A_431 : i32
      %scan3A_433 = arith.constant 1 : i32
      %scan3A_434:19 = scf.for %scan3A_1704 = %scan3A_430 to %scan3A_432 step %scan3A_433 iter_args(%scan3A_1705 = %broadcast_in_dim3A_393, %scan3A_1706 = %broadcast_in_dim3A_395, %scan3A_1707 = %broadcast_in_dim3A_397, %scan3A_1708 = %broadcast_in_dim3A_399, %scan3A_1709 = %broadcast_in_dim3A_401, %scan3A_1710 = %broadcast_in_dim3A_403, %scan3A_1711 = %broadcast_in_dim3A_405, %scan3A_1712 = %broadcast_in_dim3A_407, %scan3A_1713 = %broadcast_in_dim3A_409, %scan3A_1714 = %broadcast_in_dim3A_411, %scan3A_1715 = %broadcast_in_dim3A_413, %scan3A_1716 = %broadcast_in_dim3A_415, %scan3A_1717 = %broadcast_in_dim3A_417, %scan3A_1718 = %broadcast_in_dim3A_419, %scan3A_1719 = %broadcast_in_dim3A_421, %scan3A_1720 = %broadcast_in_dim3A_423, %scan3A_1721 = %broadcast_in_dim3A_425, %scan3A_1722 = %broadcast_in_dim3A_427, %scan3A_1723 = %broadcast_in_dim3A_429) -> (vector<16xf32>, vector<16xf32>, vector<16xf32>, vector<16xf32>, vector<16xf32>, vector<16xf32>, vector<16xf32>, vector<16xf32>, vector<16xf32>, vector<16xf32>, vector<16xf32>, vector<16xf32>, vector<16xf32>, vector<16xf32>, vector<16xf32>, vector<16xf32>, vector<16xf32>, vector<16xf32>, vector<16xf32>)  : i32 {
        %add3A_1724 = arith.constant 100 : i32
        %add3A_1725 = arith.addi %add3A_1724, %scan3A_1704 : i32
        %get3A_1726 = arith.index_cast %add3A_1725 : i32 to index
        %get3A_1727 = arith.constant 0 : index
        %get3A_1728 = tpu.vector_load %arg6[%get3A_1726, %get3A_1727] {strides = array<i32>} : memref<104x384xf32, #tpu.memory_space<vmem>>, vector<1x16xf32>,
        %get3A_1729 = vector.shape_cast %get3A_1728 : vector<1x16xf32> to vector<16xf32>
        %add3A_1730 = arith.addf %scan3A_1705, %get3A_1729 : vector<16xf32>
        %add3A_1731 = arith.constant 100 : i32
        %add3A_1732 = arith.addi %add3A_1731, %scan3A_1704 : i32
        %get3A_1733 = arith.index_cast %add3A_1732 : i32 to index
        %get3A_1734 = arith.constant 16 : index
        %get3A_1735 = tpu.vector_load %arg6[%get3A_1733, %get3A_1734] {strides = array<i32>} : memref<104x384xf32, #tpu.memory_space<vmem>>, vector<1x16xf32>,
        %get3A_1736 = vector.shape_cast %get3A_1735 : vector<1x16xf32> to vector<16xf32>
        %add3A_1737 = arith.addf %scan3A_1706, %get3A_1736 : vector<16xf32>
        %add3A_1738 = arith.constant 100 : i32
        %add3A_1739 = arith.addi %add3A_1738, %scan3A_1704 : i32
        %get3A_1740 = arith.index_cast %add3A_1739 : i32 to index
        %get3A_1741 = arith.constant 32 : index
        %get3A_1742 = tpu.vector_load %arg6[%get3A_1740, %get3A_1741] {strides = array<i32>} : memref<104x384xf32, #tpu.memory_space<vmem>>, vector<1x16xf32>,
        %get3A_1743 = vector.shape_cast %get3A_1742 : vector<1x16xf32> to vector<16xf32>
        %add3A_1744 = arith.addf %scan3A_1707, %get3A_1743 : vector<16xf32>
        %add3A_1745 = arith.constant 100 : i32
        %add3A_1746 = arith.addi %add3A_1745, %scan3A_1704 : i32
        %get3A_1747 = arith.index_cast %add3A_1746 : i32 to index
        %get3A_1748 = arith.constant 48 : index
        %get3A_1749 = tpu.vector_load %arg6[%get3A_1747, %get3A_1748] {strides = array<i32>} : memref<104x384xf32, #tpu.memory_space<vmem>>, vector<1x16xf32>,
        %get3A_1750 = vector.shape_cast %get3A_1749 : vector<1x16xf32> to vector<16xf32>
        %add3A_1751 = arith.addf %scan3A_1708, %get3A_1750 : vector<16xf32>
        %add3A_1752 = arith.constant 100 : i32
        %add3A_1753 = arith.addi %add3A_1752, %scan3A_1704 : i32
        %get3A_1754 = arith.index_cast %add3A_1753 : i32 to index
        %get3A_1755 = arith.constant 64 : index
        %get3A_1756 = tpu.vector_load %arg6[%get3A_1754, %get3A_1755] {strides = array<i32>} : memref<104x384xf32, #tpu.memory_space<vmem>>, vector<1x16xf32>,
        %get3A_1757 = vector.shape_cast %get3A_1756 : vector<1x16xf32> to vector<16xf32>
        %add3A_1758 = arith.addf %scan3A_1709, %get3A_1757 : vector<16xf32>
        %add3A_1759 = arith.constant 100 : i32
        %add3A_1760 = arith.addi %add3A_1759, %scan3A_1704 : i32
        %get3A_1761 = arith.index_cast %add3A_1760 : i32 to index
        %get3A_1762 = arith.constant 80 : index
        %get3A_1763 = tpu.vector_load %arg6[%get3A_1761, %get3A_1762] {strides = array<i32>} : memref<104x384xf32, #tpu.memory_space<vmem>>, vector<1x16xf32>,
        %get3A_1764 = vector.shape_cast %get3A_1763 : vector<1x16xf32> to vector<16xf32>
        %add3A_1765 = arith.addf %scan3A_1710, %get3A_1764 : vector<16xf32>
        %add3A_1766 = arith.constant 100 : i32
        %add3A_1767 = arith.addi %add3A_1766, %scan3A_1704 : i32
        %get3A_1768 = arith.index_cast %add3A_1767 : i32 to index
        %get3A_1769 = arith.constant 96 : index
        %get3A_1770 = tpu.vector_load %arg6[%get3A_1768, %get3A_1769] {strides = array<i32>} : memref<104x384xf32, #tpu.memory_space<vmem>>, vector<1x16xf32>,
        %get3A_1771 = vector.shape_cast %get3A_1770 : vector<1x16xf32> to vector<16xf32>
        %add3A_1772 = arith.addf %scan3A_1711, %get3A_1771 : vector<16xf32>
        %add3A_1773 = arith.constant 100 : i32
        %add3A_1774 = arith.addi %add3A_1773, %scan3A_1704 : i32
        %get3A_1775 = arith.index_cast %add3A_1774 : i32 to index
        %get3A_1776 = arith.constant 112 : index
        %get3A_1777 = tpu.vector_load %arg6[%get3A_1775, %get3A_1776] {strides = array<i32>} : memref<104x384xf32, #tpu.memory_space<vmem>>, vector<1x16xf32>,
        %get3A_1778 = vector.shape_cast %get3A_1777 : vector<1x16xf32> to vector<16xf32>
        %add3A_1779 = arith.addf %scan3A_1712, %get3A_1778 : vector<16xf32>
        %add3A_1780 = arith.constant 100 : i32
        %add3A_1781 = arith.addi %add3A_1780, %scan3A_1704 : i32
        %get3A_1782 = arith.index_cast %add3A_1781 : i32 to index
        %get3A_1783 = arith.constant 128 : index
        %get3A_1784 = tpu.vector_load %arg6[%get3A_1782, %get3A_1783] {strides = array<i32>} : memref<104x384xf32, #tpu.memory_space<vmem>>, vector<1x16xf32>,
        %get3A_1785 = vector.shape_cast %get3A_1784 : vector<1x16xf32> to vector<16xf32>
        %add3A_1786 = arith.addf %scan3A_1713, %get3A_1785 : vector<16xf32>
        %add3A_1787 = arith.constant 100 : i32
        %add3A_1788 = arith.addi %add3A_1787, %scan3A_1704 : i32
        %get3A_1789 = arith.index_cast %add3A_1788 : i32 to index
        %get3A_1790 = arith.constant 144 : index
        %get3A_1791 = tpu.vector_load %arg6[%get3A_1789, %get3A_1790] {strides = array<i32>} : memref<104x384xf32, #tpu.memory_space<vmem>>, vector<1x16xf32>,
        %get3A_1792 = vector.shape_cast %get3A_1791 : vector<1x16xf32> to vector<16xf32>
        %add3A_1793 = arith.addf %scan3A_1714, %get3A_1792 : vector<16xf32>
        %add3A_1794 = arith.constant 100 : i32
        %add3A_1795 = arith.addi %add3A_1794, %scan3A_1704 : i32
        %get3A_1796 = arith.index_cast %add3A_1795 : i32 to index
        %get3A_1797 = arith.constant 160 : index
        %get3A_1798 = tpu.vector_load %arg6[%get3A_1796, %get3A_1797] {strides = array<i32>} : memref<104x384xf32, #tpu.memory_space<vmem>>, vector<1x16xf32>,
        %get3A_1799 = vector.shape_cast %get3A_1798 : vector<1x16xf32> to vector<16xf32>
        %add3A_1800 = arith.addf %scan3A_1715, %get3A_1799 : vector<16xf32>
        %add3A_1801 = arith.constant 100 : i32
        %add3A_1802 = arith.addi %add3A_1801, %scan3A_1704 : i32
        %get3A_1803 = arith.index_cast %add3A_1802 : i32 to index
        %get3A_1804 = arith.constant 176 : index
        %get3A_1805 = tpu.vector_load %arg6[%get3A_1803, %get3A_1804] {strides = array<i32>} : memref<104x384xf32, #tpu.memory_space<vmem>>, vector<1x16xf32>,
        %get3A_1806 = vector.shape_cast %get3A_1805 : vector<1x16xf32> to vector<16xf32>
        %add3A_1807 = arith.addf %scan3A_1716, %get3A_1806 : vector<16xf32>
        %add3A_1808 = arith.constant 100 : i32
        %add3A_1809 = arith.addi %add3A_1808, %scan3A_1704 : i32
        %get3A_1810 = arith.index_cast %add3A_1809 : i32 to index
        %get3A_1811 = arith.constant 192 : index
        %get3A_1812 = tpu.vector_load %arg6[%get3A_1810, %get3A_1811] {strides = array<i32>} : memref<104x384xf32, #tpu.memory_space<vmem>>, vector<1x16xf32>,
        %get3A_1813 = vector.shape_cast %get3A_1812 : vector<1x16xf32> to vector<16xf32>
        %add3A_1814 = arith.addf %scan3A_1717, %get3A_1813 : vector<16xf32>
        %add3A_1815 = arith.constant 100 : i32
        %add3A_1816 = arith.addi %add3A_1815, %scan3A_1704 : i32
        %get3A_1817 = arith.index_cast %add3A_1816 : i32 to index
        %get3A_1818 = arith.constant 208 : index
        %get3A_1819 = tpu.vector_load %arg6[%get3A_1817, %get3A_1818] {strides = array<i32>} : memref<104x384xf32, #tpu.memory_space<vmem>>, vector<1x16xf32>,
        %get3A_1820 = vector.shape_cast %get3A_1819 : vector<1x16xf32> to vector<16xf32>
        %add3A_1821 = arith.addf %scan3A_1718, %get3A_1820 : vector<16xf32>
        %add3A_1822 = arith.constant 100 : i32
        %add3A_1823 = arith.addi %add3A_1822, %scan3A_1704 : i32
        %get3A_1824 = arith.index_cast %add3A_1823 : i32 to index
        %get3A_1825 = arith.constant 224 : index
        %get3A_1826 = tpu.vector_load %arg6[%get3A_1824, %get3A_1825] {strides = array<i32>} : memref<104x384xf32, #tpu.memory_space<vmem>>, vector<1x16xf32>,
        %get3A_1827 = vector.shape_cast %get3A_1826 : vector<1x16xf32> to vector<16xf32>
        %add3A_1828 = arith.addf %scan3A_1719, %get3A_1827 : vector<16xf32>
        %add3A_1829 = arith.constant 100 : i32
        %add3A_1830 = arith.addi %add3A_1829, %scan3A_1704 : i32
        %get3A_1831 = arith.index_cast %add3A_1830 : i32 to index
        %get3A_1832 = arith.constant 240 : index
        %get3A_1833 = tpu.vector_load %arg6[%get3A_1831, %get3A_1832] {strides = array<i32>} : memref<104x384xf32, #tpu.memory_space<vmem>>, vector<1x16xf32>,
        %get3A_1834 = vector.shape_cast %get3A_1833 : vector<1x16xf32> to vector<16xf32>
        %add3A_1835 = arith.addf %scan3A_1720, %get3A_1834 : vector<16xf32>
        %add3A_1836 = arith.constant 100 : i32
        %add3A_1837 = arith.addi %add3A_1836, %scan3A_1704 : i32
        %get3A_1838 = arith.index_cast %add3A_1837 : i32 to index
        %get3A_1839 = arith.constant 256 : index
        %get3A_1840 = tpu.vector_load %arg6[%get3A_1838, %get3A_1839] {strides = array<i32>} : memref<104x384xf32, #tpu.memory_space<vmem>>, vector<1x16xf32>,
        %get3A_1841 = vector.shape_cast %get3A_1840 : vector<1x16xf32> to vector<16xf32>
        %add3A_1842 = arith.addf %scan3A_1721, %get3A_1841 : vector<16xf32>
        %add3A_1843 = arith.constant 100 : i32
        %add3A_1844 = arith.addi %add3A_1843, %scan3A_1704 : i32
        %get3A_1845 = arith.index_cast %add3A_1844 : i32 to index
        %get3A_1846 = arith.constant 272 : index
        %get3A_1847 = tpu.vector_load %arg6[%get3A_1845, %get3A_1846] {strides = array<i32>} : memref<104x384xf32, #tpu.memory_space<vmem>>, vector<1x16xf32>,
        %get3A_1848 = vector.shape_cast %get3A_1847 : vector<1x16xf32> to vector<16xf32>
        %add3A_1849 = arith.addf %scan3A_1722, %get3A_1848 : vector<16xf32>
        %add3A_1850 = arith.constant 100 : i32
        %add3A_1851 = arith.addi %add3A_1850, %scan3A_1704 : i32
        %get3A_1852 = arith.index_cast %add3A_1851 : i32 to index
        %get3A_1853 = arith.constant 288 : index
        %get3A_1854 = tpu.vector_load %arg6[%get3A_1852, %get3A_1853] {strides = array<i32>} : memref<104x384xf32, #tpu.memory_space<vmem>>, vector<1x16xf32>,
        %get3A_1855 = vector.shape_cast %get3A_1854 : vector<1x16xf32> to vector<16xf32>
        %add3A_1856 = arith.addf %scan3A_1723, %get3A_1855 : vector<16xf32>
        scf.yield %add3A_1730, %add3A_1737, %add3A_1744, %add3A_1751, %add3A_1758, %add3A_1765, %add3A_1772, %add3A_1779, %add3A_1786, %add3A_1793, %add3A_1800, %add3A_1807, %add3A_1814, %add3A_1821, %add3A_1828, %add3A_1835, %add3A_1842, %add3A_1849, %add3A_1856 : vector<16xf32>, vector<16xf32>, vector<16xf32>, vector<16xf32>, vector<16xf32>, vector<16xf32>, vector<16xf32>, vector<16xf32>, vector<16xf32>, vector<16xf32>, vector<16xf32>, vector<16xf32>, vector<16xf32>, vector<16xf32>, vector<16xf32>, vector<16xf32>, vector<16xf32>, vector<16xf32>, vector<16xf32>
      }
      %scan3A_435 = arith.constant 4 : i32
      %swap3A_436 = arith.constant 0 : index
      %swap3A_437 = tpu.vector_load %arg10[%swap3A_436] {strides = array<i32>} : memref<304xf32, #tpu.memory_space<vmem>>, vector<16xf32>,
      %swap3A_438 = vector.shape_cast %swap3A_437 : vector<16xf32> to vector<16xf32>
      %swap3A_439 = vector.shape_cast %scan3A_434#0 : vector<16xf32> to vector<16xf32>
      tpu.vector_store %arg10[%swap3A_436], %swap3A_439 {strides = array<i32>} : memref<304xf32, #tpu.memory_space<vmem>>, vector<16xf32>,
      %swap3A_440 = arith.constant 16 : index
      %swap3A_441 = tpu.vector_load %arg10[%swap3A_440] {strides = array<i32>} : memref<304xf32, #tpu.memory_space<vmem>>, vector<16xf32>,
      %swap3A_442 = vector.shape_cast %swap3A_441 : vector<16xf32> to vector<16xf32>
      %swap3A_443 = vector.shape_cast %scan3A_434#1 : vector<16xf32> to vector<16xf32>
      tpu.vector_store %arg10[%swap3A_440], %swap3A_443 {strides = array<i32>} : memref<304xf32, #tpu.memory_space<vmem>>, vector<16xf32>,
      %swap3A_444 = arith.constant 32 : index
      %swap3A_445 = tpu.vector_load %arg10[%swap3A_444] {strides = array<i32>} : memref<304xf32, #tpu.memory_space<vmem>>, vector<16xf32>,
      %swap3A_446 = vector.shape_cast %swap3A_445 : vector<16xf32> to vector<16xf32>
      %swap3A_447 = vector.shape_cast %scan3A_434#2 : vector<16xf32> to vector<16xf32>
      tpu.vector_store %arg10[%swap3A_444], %swap3A_447 {strides = array<i32>} : memref<304xf32, #tpu.memory_space<vmem>>, vector<16xf32>,
      %swap3A_448 = arith.constant 48 : index
      %swap3A_449 = tpu.vector_load %arg10[%swap3A_448] {strides = array<i32>} : memref<304xf32, #tpu.memory_space<vmem>>, vector<16xf32>,
      %swap3A_450 = vector.shape_cast %swap3A_449 : vector<16xf32> to vector<16xf32>
      %swap3A_451 = vector.shape_cast %scan3A_434#3 : vector<16xf32> to vector<16xf32>
      tpu.vector_store %arg10[%swap3A_448], %swap3A_451 {strides = array<i32>} : memref<304xf32, #tpu.memory_space<vmem>>, vector<16xf32>,
      %swap3A_452 = arith.constant 64 : index
      %swap3A_453 = tpu.vector_load %arg10[%swap3A_452] {strides = array<i32>} : memref<304xf32, #tpu.memory_space<vmem>>, vector<16xf32>,
      %swap3A_454 = vector.shape_cast %swap3A_453 : vector<16xf32> to vector<16xf32>
      %swap3A_455 = vector.shape_cast %scan3A_434#4 : vector<16xf32> to vector<16xf32>
      tpu.vector_store %arg10[%swap3A_452], %swap3A_455 {strides = array<i32>} : memref<304xf32, #tpu.memory_space<vmem>>, vector<16xf32>,
      %swap3A_456 = arith.constant 80 : index
      %swap3A_457 = tpu.vector_load %arg10[%swap3A_456] {strides = array<i32>} : memref<304xf32, #tpu.memory_space<vmem>>, vector<16xf32>,
      %swap3A_458 = vector.shape_cast %swap3A_457 : vector<16xf32> to vector<16xf32>
      %swap3A_459 = vector.shape_cast %scan3A_434#5 : vector<16xf32> to vector<16xf32>
      tpu.vector_store %arg10[%swap3A_456], %swap3A_459 {strides = array<i32>} : memref<304xf32, #tpu.memory_space<vmem>>, vector<16xf32>,
      %swap3A_460 = arith.constant 96 : index
      %swap3A_461 = tpu.vector_load %arg10[%swap3A_460] {strides = array<i32>} : memref<304xf32, #tpu.memory_space<vmem>>, vector<16xf32>,
      %swap3A_462 = vector.shape_cast %swap3A_461 : vector<16xf32> to vector<16xf32>
      %swap3A_463 = vector.shape_cast %scan3A_434#6 : vector<16xf32> to vector<16xf32>
      tpu.vector_store %arg10[%swap3A_460], %swap3A_463 {strides = array<i32>} : memref<304xf32, #tpu.memory_space<vmem>>, vector<16xf32>,
      %swap3A_464 = arith.constant 112 : index
      %swap3A_465 = tpu.vector_load %arg10[%swap3A_464] {strides = array<i32>} : memref<304xf32, #tpu.memory_space<vmem>>, vector<16xf32>,
      %swap3A_466 = vector.shape_cast %swap3A_465 : vector<16xf32> to vector<16xf32>
      %swap3A_467 = vector.shape_cast %scan3A_434#7 : vector<16xf32> to vector<16xf32>
      tpu.vector_store %arg10[%swap3A_464], %swap3A_467 {strides = array<i32>} : memref<304xf32, #tpu.memory_space<vmem>>, vector<16xf32>,
      %swap3A_468 = arith.constant 128 : index
      %swap3A_469 = tpu.vector_load %arg10[%swap3A_468] {strides = array<i32>} : memref<304xf32, #tpu.memory_space<vmem>>, vector<16xf32>,
      %swap3A_470 = vector.shape_cast %swap3A_469 : vector<16xf32> to vector<16xf32>
      %swap3A_471 = vector.shape_cast %scan3A_434#8 : vector<16xf32> to vector<16xf32>
      tpu.vector_store %arg10[%swap3A_468], %swap3A_471 {strides = array<i32>} : memref<304xf32, #tpu.memory_space<vmem>>, vector<16xf32>,
      %swap3A_472 = arith.constant 144 : index
      %swap3A_473 = tpu.vector_load %arg10[%swap3A_472] {strides = array<i32>} : memref<304xf32, #tpu.memory_space<vmem>>, vector<16xf32>,
      %swap3A_474 = vector.shape_cast %swap3A_473 : vector<16xf32> to vector<16xf32>
      %swap3A_475 = vector.shape_cast %scan3A_434#9 : vector<16xf32> to vector<16xf32>
      tpu.vector_store %arg10[%swap3A_472], %swap3A_475 {strides = array<i32>} : memref<304xf32, #tpu.memory_space<vmem>>, vector<16xf32>,
      %swap3A_476 = arith.constant 160 : index
      %swap3A_477 = tpu.vector_load %arg10[%swap3A_476] {strides = array<i32>} : memref<304xf32, #tpu.memory_space<vmem>>, vector<16xf32>,
      %swap3A_478 = vector.shape_cast %swap3A_477 : vector<16xf32> to vector<16xf32>
      %swap3A_479 = vector.shape_cast %scan3A_434#10 : vector<16xf32> to vector<16xf32>
      tpu.vector_store %arg10[%swap3A_476], %swap3A_479 {strides = array<i32>} : memref<304xf32, #tpu.memory_space<vmem>>, vector<16xf32>,
      %swap3A_480 = arith.constant 176 : index
      %swap3A_481 = tpu.vector_load %arg10[%swap3A_480] {strides = array<i32>} : memref<304xf32, #tpu.memory_space<vmem>>, vector<16xf32>,
      %swap3A_482 = vector.shape_cast %swap3A_481 : vector<16xf32> to vector<16xf32>
      %swap3A_483 = vector.shape_cast %scan3A_434#11 : vector<16xf32> to vector<16xf32>
      tpu.vector_store %arg10[%swap3A_480], %swap3A_483 {strides = array<i32>} : memref<304xf32, #tpu.memory_space<vmem>>, vector<16xf32>,
      %swap3A_484 = arith.constant 192 : index
      %swap3A_485 = tpu.vector_load %arg10[%swap3A_484] {strides = array<i32>} : memref<304xf32, #tpu.memory_space<vmem>>, vector<16xf32>,
      %swap3A_486 = vector.shape_cast %swap3A_485 : vector<16xf32> to vector<16xf32>
      %swap3A_487 = vector.shape_cast %scan3A_434#12 : vector<16xf32> to vector<16xf32>
      tpu.vector_store %arg10[%swap3A_484], %swap3A_487 {strides = array<i32>} : memref<304xf32, #tpu.memory_space<vmem>>, vector<16xf32>,
      %swap3A_488 = arith.constant 208 : index
      %swap3A_489 = tpu.vector_load %arg10[%swap3A_488] {strides = array<i32>} : memref<304xf32, #tpu.memory_space<vmem>>, vector<16xf32>,
      %swap3A_490 = vector.shape_cast %swap3A_489 : vector<16xf32> to vector<16xf32>
      %swap3A_491 = vector.shape_cast %scan3A_434#13 : vector<16xf32> to vector<16xf32>
      tpu.vector_store %arg10[%swap3A_488], %swap3A_491 {strides = array<i32>} : memref<304xf32, #tpu.memory_space<vmem>>, vector<16xf32>,
      %swap3A_492 = arith.constant 224 : index
      %swap3A_493 = tpu.vector_load %arg10[%swap3A_492] {strides = array<i32>} : memref<304xf32, #tpu.memory_space<vmem>>, vector<16xf32>,
      %swap3A_494 = vector.shape_cast %swap3A_493 : vector<16xf32> to vector<16xf32>
      %swap3A_495 = vector.shape_cast %scan3A_434#14 : vector<16xf32> to vector<16xf32>
      tpu.vector_store %arg10[%swap3A_492], %swap3A_495 {strides = array<i32>} : memref<304xf32, #tpu.memory_space<vmem>>, vector<16xf32>,
      %swap3A_496 = arith.constant 240 : index
      %swap3A_497 = tpu.vector_load %arg10[%swap3A_496] {strides = array<i32>} : memref<304xf32, #tpu.memory_space<vmem>>, vector<16xf32>,
      %swap3A_498 = vector.shape_cast %swap3A_497 : vector<16xf32> to vector<16xf32>
      %swap3A_499 = vector.shape_cast %scan3A_434#15 : vector<16xf32> to vector<16xf32>
      tpu.vector_store %arg10[%swap3A_496], %swap3A_499 {strides = array<i32>} : memref<304xf32, #tpu.memory_space<vmem>>, vector<16xf32>,
      %swap3A_500 = arith.constant 256 : index
      %swap3A_501 = tpu.vector_load %arg10[%swap3A_500] {strides = array<i32>} : memref<304xf32, #tpu.memory_space<vmem>>, vector<16xf32>,
      %swap3A_502 = vector.shape_cast %swap3A_501 : vector<16xf32> to vector<16xf32>
      %swap3A_503 = vector.shape_cast %scan3A_434#16 : vector<16xf32> to vector<16xf32>
      tpu.vector_store %arg10[%swap3A_500], %swap3A_503 {strides = array<i32>} : memref<304xf32, #tpu.memory_space<vmem>>, vector<16xf32>,
      %swap3A_504 = arith.constant 272 : index
      %swap3A_505 = tpu.vector_load %arg10[%swap3A_504] {strides = array<i32>} : memref<304xf32, #tpu.memory_space<vmem>>, vector<16xf32>,
      %swap3A_506 = vector.shape_cast %swap3A_505 : vector<16xf32> to vector<16xf32>
      %swap3A_507 = vector.shape_cast %scan3A_434#17 : vector<16xf32> to vector<16xf32>
      tpu.vector_store %arg10[%swap3A_504], %swap3A_507 {strides = array<i32>} : memref<304xf32, #tpu.memory_space<vmem>>, vector<16xf32>,
      %swap3A_508 = arith.constant 288 : index
      %swap3A_509 = tpu.vector_load %arg10[%swap3A_508] {strides = array<i32>} : memref<304xf32, #tpu.memory_space<vmem>>, vector<16xf32>,
      %swap3A_510 = vector.shape_cast %swap3A_509 : vector<16xf32> to vector<16xf32>
      %swap3A_511 = vector.shape_cast %scan3A_434#18 : vector<16xf32> to vector<16xf32>
      tpu.vector_store %arg10[%swap3A_508], %swap3A_511 {strides = array<i32>} : memref<304xf32, #tpu.memory_space<vmem>>, vector<16xf32>,
      %add3A_512 = arith.constant 1 : i32
      %add3A_513 = arith.addi %add3A_63, %add3A_512 : i32
      %lt3A = arith.constant 32 : i32
      %lt3A_514 = arith.cmpi slt, %add3A_513, %lt3A : i32
      %convert_element_type3A = arith.extui %lt3A_514 : i1 to i32
      %cond3A = arith.constant 0 : i32
      %cond3A_515 = arith.cmpi ne, %convert_element_type3A, %cond3A : i32
      scf.if %cond3A_515 {
        %add3A_1704 = arith.constant 1 : i32
        %add3A_1705 = arith.addi %add3A_63, %add3A_1704 : i32
        %mul3A_1706 = arith.constant 200 : i32
        %mul3A_1707 = arith.muli %add3A_1705, %mul3A_1706 : i32
        %dma_start3A_1708 = tpu.memref_slice %arg5[%mul3A_1707] : memref<6400xi32, #tpu.memory_space<vmem>> -> memref<104xi32, #tpu.memory_space<vmem>>
        %dma_start3A_1709 = arith.constant 0 : i32
        %dma_start3A_1710 = arith.constant 0 : i32
        %dma_start3A_1711 = tpu.memref_slice %arg3[%dma_start3A_1709, %dma_start3A_1710] : memref<100000x384xf32, #tpu.memory_space<hbm>> -> memref<100000x384xf32, #tpu.memory_space<hbm>>
        tpu.enqueue_indirect_dma source(%dma_start3A_1711 : memref<100000x384xf32, #tpu.memory_space<hbm>>) target(%arg6 : memref<104x384xf32, #tpu.memory_space<vmem>>) offsets(%dma_start3A_1708 : memref<104xi32, #tpu.memory_space<vmem>>) semaphore(%arg11 : memref<!tpu.dma_semaphore, #tpu.memory_space<semaphore_mem>>)
      } else {
      }
      %dma_wait3A_516 = arith.constant 0 : i32
      %dma_wait3A_517 = arith.constant 0 : i32
      %dma_wait3A_518 = tpu.memref_slice %arg7[%dma_wait3A_516, %dma_wait3A_517] : memref<104x384xf32, #tpu.memory_space<vmem>> -> memref<96x384xf32, #tpu.memory_space<vmem>>
      %dma_wait3A_519 = arith.constant 0 : i32
      %dma_wait3A_520 = arith.constant 0 : i32
      %dma_wait3A_521 = tpu.memref_slice %arg3[%dma_wait3A_519, %dma_wait3A_520] : memref<100000x384xf32, #tpu.memory_space<hbm>> -> memref<96x384xf32, #tpu.memory_space<hbm>>
      %dma_wait3A_522 = arith.constant 0 : i32
      %dma_wait3A_523 = arith.constant 0 : i32
      %dma_wait3A_524 = tpu.memref_slice %arg7[%dma_wait3A_522, %dma_wait3A_523] : memref<104x384xf32, #tpu.memory_space<vmem>> -> memref<96x384xf32, #tpu.memory_space<vmem>>
      %dma_wait3A_525 = arith.constant 0 : i32
      %dma_wait3A_526 = arith.constant 0 : i32
      %dma_wait3A_527 = tpu.memref_slice %arg3[%dma_wait3A_525, %dma_wait3A_526] : memref<100000x384xf32, #tpu.memory_space<hbm>> -> memref<96x384xf32, #tpu.memory_space<hbm>>
      tpu.wait_dma2 semaphore(%arg12 : memref<!tpu.dma_semaphore, #tpu.memory_space<semaphore_mem>>) src(%dma_wait3A_527 : memref<96x384xf32, #tpu.memory_space<hbm>>) dst(%dma_wait3A_524 : memref<96x384xf32, #tpu.memory_space<vmem>>)
      %get3A = arith.constant 0 : index
      %get3A_528 = tpu.vector_load %arg10[%get3A] {strides = array<i32>} : memref<304xf32, #tpu.memory_space<vmem>>, vector<16xf32>,
      %get3A_529 = vector.shape_cast %get3A_528 : vector<16xf32> to vector<16xf32>
      %get3A_530 = arith.constant 16 : index
      %get3A_531 = tpu.vector_load %arg10[%get3A_530] {strides = array<i32>} : memref<304xf32, #tpu.memory_space<vmem>>, vector<16xf32>,
      %get3A_532 = vector.shape_cast %get3A_531 : vector<16xf32> to vector<16xf32>
      %get3A_533 = arith.constant 32 : index
      %get3A_534 = tpu.vector_load %arg10[%get3A_533] {strides = array<i32>} : memref<304xf32, #tpu.memory_space<vmem>>, vector<16xf32>,
      %get3A_535 = vector.shape_cast %get3A_534 : vector<16xf32> to vector<16xf32>
      %get3A_536 = arith.constant 48 : index
      %get3A_537 = tpu.vector_load %arg10[%get3A_536] {strides = array<i32>} : memref<304xf32, #tpu.memory_space<vmem>>, vector<16xf32>,
      %get3A_538 = vector.shape_cast %get3A_537 : vector<16xf32> to vector<16xf32>
      %get3A_539 = arith.constant 64 : index
      %get3A_540 = tpu.vector_load %arg10[%get3A_539] {strides = array<i32>} : memref<304xf32, #tpu.memory_space<vmem>>, vector<16xf32>,
      %get3A_541 = vector.shape_cast %get3A_540 : vector<16xf32> to vector<16xf32>
      %get3A_542 = arith.constant 80 : index
      %get3A_543 = tpu.vector_load %arg10[%get3A_542] {strides = array<i32>} : memref<304xf32, #tpu.memory_space<vmem>>, vector<16xf32>,
      %get3A_544 = vector.shape_cast %get3A_543 : vector<16xf32> to vector<16xf32>
      %get3A_545 = arith.constant 96 : index
      %get3A_546 = tpu.vector_load %arg10[%get3A_545] {strides = array<i32>} : memref<304xf32, #tpu.memory_space<vmem>>, vector<16xf32>,
      %get3A_547 = vector.shape_cast %get3A_546 : vector<16xf32> to vector<16xf32>
      %get3A_548 = arith.constant 112 : index
      %get3A_549 = tpu.vector_load %arg10[%get3A_548] {strides = array<i32>} : memref<304xf32, #tpu.memory_space<vmem>>, vector<16xf32>,
      %get3A_550 = vector.shape_cast %get3A_549 : vector<16xf32> to vector<16xf32>
      %get3A_551 = arith.constant 128 : index
      %get3A_552 = tpu.vector_load %arg10[%get3A_551] {strides = array<i32>} : memref<304xf32, #tpu.memory_space<vmem>>, vector<16xf32>,
      %get3A_553 = vector.shape_cast %get3A_552 : vector<16xf32> to vector<16xf32>
      %get3A_554 = arith.constant 144 : index
      %get3A_555 = tpu.vector_load %arg10[%get3A_554] {strides = array<i32>} : memref<304xf32, #tpu.memory_space<vmem>>, vector<16xf32>,
      %get3A_556 = vector.shape_cast %get3A_555 : vector<16xf32> to vector<16xf32>
      %get3A_557 = arith.constant 160 : index
      %get3A_558 = tpu.vector_load %arg10[%get3A_557] {strides = array<i32>} : memref<304xf32, #tpu.memory_space<vmem>>, vector<16xf32>,
      %get3A_559 = vector.shape_cast %get3A_558 : vector<16xf32> to vector<16xf32>
      %get3A_560 = arith.constant 176 : index
      %get3A_561 = tpu.vector_load %arg10[%get3A_560] {strides = array<i32>} : memref<304xf32, #tpu.memory_space<vmem>>, vector<16xf32>,
      %get3A_562 = vector.shape_cast %get3A_561 : vector<16xf32> to vector<16xf32>
      %get3A_563 = arith.constant 192 : index
      %get3A_564 = tpu.vector_load %arg10[%get3A_563] {strides = array<i32>} : memref<304xf32, #tpu.memory_space<vmem>>, vector<16xf32>,
      %get3A_565 = vector.shape_cast %get3A_564 : vector<16xf32> to vector<16xf32>
      %get3A_566 = arith.constant 208 : index
      %get3A_567 = tpu.vector_load %arg10[%get3A_566] {strides = array<i32>} : memref<304xf32, #tpu.memory_space<vmem>>, vector<16xf32>,
      %get3A_568 = vector.shape_cast %get3A_567 : vector<16xf32> to vector<16xf32>
      %get3A_569 = arith.constant 224 : index
      %get3A_570 = tpu.vector_load %arg10[%get3A_569] {strides = array<i32>} : memref<304xf32, #tpu.memory_space<vmem>>, vector<16xf32>,
      %get3A_571 = vector.shape_cast %get3A_570 : vector<16xf32> to vector<16xf32>
      %get3A_572 = arith.constant 240 : index
      %get3A_573 = tpu.vector_load %arg10[%get3A_572] {strides = array<i32>} : memref<304xf32, #tpu.memory_space<vmem>>, vector<16xf32>,
      %get3A_574 = vector.shape_cast %get3A_573 : vector<16xf32> to vector<16xf32>
      %get3A_575 = arith.constant 256 : index
      %get3A_576 = tpu.vector_load %arg10[%get3A_575] {strides = array<i32>} : memref<304xf32, #tpu.memory_space<vmem>>, vector<16xf32>,
      %get3A_577 = vector.shape_cast %get3A_576 : vector<16xf32> to vector<16xf32>
      %get3A_578 = arith.constant 272 : index
      %get3A_579 = tpu.vector_load %arg10[%get3A_578] {strides = array<i32>} : memref<304xf32, #tpu.memory_space<vmem>>, vector<16xf32>,
      %get3A_580 = vector.shape_cast %get3A_579 : vector<16xf32> to vector<16xf32>
      %get3A_581 = arith.constant 288 : index
      %get3A_582 = tpu.vector_load %arg10[%get3A_581] {strides = array<i32>} : memref<304xf32, #tpu.memory_space<vmem>>, vector<16xf32>,
      %get3A_583 = vector.shape_cast %get3A_582 : vector<16xf32> to vector<16xf32>
      %scan3A_584 = arith.constant 0 : i32
      %scan3A_585 = arith.constant 46 : i32
      %scan3A_586 = arith.addi %scan3A_584, %scan3A_585 : i32
      %scan3A_587 = arith.constant 1 : i32
      %scan3A_588:19 = scf.for %scan3A_1704 = %scan3A_584 to %scan3A_586 step %scan3A_587 iter_args(%scan3A_1705 = %get3A_529, %scan3A_1706 = %get3A_532, %scan3A_1707 = %get3A_535, %scan3A_1708 = %get3A_538, %scan3A_1709 = %get3A_541, %scan3A_1710 = %get3A_544, %scan3A_1711 = %get3A_547, %scan3A_1712 = %get3A_550, %scan3A_1713 = %get3A_553, %scan3A_1714 = %get3A_556, %scan3A_1715 = %get3A_559, %scan3A_1716 = %get3A_562, %scan3A_1717 = %get3A_565, %scan3A_1718 = %get3A_568, %scan3A_1719 = %get3A_571, %scan3A_1720 = %get3A_574, %scan3A_1721 = %get3A_577, %scan3A_1722 = %get3A_580, %scan3A_1723 = %get3A_583) -> (vector<16xf32>, vector<16xf32>, vector<16xf32>, vector<16xf32>, vector<16xf32>, vector<16xf32>, vector<16xf32>, vector<16xf32>, vector<16xf32>, vector<16xf32>, vector<16xf32>, vector<16xf32>, vector<16xf32>, vector<16xf32>, vector<16xf32>, vector<16xf32>, vector<16xf32>, vector<16xf32>, vector<16xf32>)  : i32 {
        %add3A_1724 = arith.constant 0 : i32
        %add3A_1725 = arith.addi %add3A_1724, %scan3A_1704 : i32
        %get3A_1726 = arith.index_cast %add3A_1725 : i32 to index
        %get3A_1727 = arith.constant 0 : index
        %get3A_1728 = tpu.vector_load %arg7[%get3A_1726, %get3A_1727] {strides = array<i32>} : memref<104x384xf32, #tpu.memory_space<vmem>>, vector<1x16xf32>,
        %get3A_1729 = vector.shape_cast %get3A_1728 : vector<1x16xf32> to vector<16xf32>
        %add3A_1730 = arith.addf %scan3A_1705, %get3A_1729 : vector<16xf32>
        %add3A_1731 = arith.constant 0 : i32
        %add3A_1732 = arith.addi %add3A_1731, %scan3A_1704 : i32
        %get3A_1733 = arith.index_cast %add3A_1732 : i32 to index
        %get3A_1734 = arith.constant 16 : index
        %get3A_1735 = tpu.vector_load %arg7[%get3A_1733, %get3A_1734] {strides = array<i32>} : memref<104x384xf32, #tpu.memory_space<vmem>>, vector<1x16xf32>,
        %get3A_1736 = vector.shape_cast %get3A_1735 : vector<1x16xf32> to vector<16xf32>
        %add3A_1737 = arith.addf %scan3A_1706, %get3A_1736 : vector<16xf32>
        %add3A_1738 = arith.constant 0 : i32
        %add3A_1739 = arith.addi %add3A_1738, %scan3A_1704 : i32
        %get3A_1740 = arith.index_cast %add3A_1739 : i32 to index
        %get3A_1741 = arith.constant 32 : index
        %get3A_1742 = tpu.vector_load %arg7[%get3A_1740, %get3A_1741] {strides = array<i32>} : memref<104x384xf32, #tpu.memory_space<vmem>>, vector<1x16xf32>,
        %get3A_1743 = vector.shape_cast %get3A_1742 : vector<1x16xf32> to vector<16xf32>
        %add3A_1744 = arith.addf %scan3A_1707, %get3A_1743 : vector<16xf32>
        %add3A_1745 = arith.constant 0 : i32
        %add3A_1746 = arith.addi %add3A_1745, %scan3A_1704 : i32
        %get3A_1747 = arith.index_cast %add3A_1746 : i32 to index
        %get3A_1748 = arith.constant 48 : index
        %get3A_1749 = tpu.vector_load %arg7[%get3A_1747, %get3A_1748] {strides = array<i32>} : memref<104x384xf32, #tpu.memory_space<vmem>>, vector<1x16xf32>,
        %get3A_1750 = vector.shape_cast %get3A_1749 : vector<1x16xf32> to vector<16xf32>
        %add3A_1751 = arith.addf %scan3A_1708, %get3A_1750 : vector<16xf32>
        %add3A_1752 = arith.constant 0 : i32
        %add3A_1753 = arith.addi %add3A_1752, %scan3A_1704 : i32
        %get3A_1754 = arith.index_cast %add3A_1753 : i32 to index
        %get3A_1755 = arith.constant 64 : index
        %get3A_1756 = tpu.vector_load %arg7[%get3A_1754, %get3A_1755] {strides = array<i32>} : memref<104x384xf32, #tpu.memory_space<vmem>>, vector<1x16xf32>,
        %get3A_1757 = vector.shape_cast %get3A_1756 : vector<1x16xf32> to vector<16xf32>
        %add3A_1758 = arith.addf %scan3A_1709, %get3A_1757 : vector<16xf32>
        %add3A_1759 = arith.constant 0 : i32
        %add3A_1760 = arith.addi %add3A_1759, %scan3A_1704 : i32
        %get3A_1761 = arith.index_cast %add3A_1760 : i32 to index
        %get3A_1762 = arith.constant 80 : index
        %get3A_1763 = tpu.vector_load %arg7[%get3A_1761, %get3A_1762] {strides = array<i32>} : memref<104x384xf32, #tpu.memory_space<vmem>>, vector<1x16xf32>,
        %get3A_1764 = vector.shape_cast %get3A_1763 : vector<1x16xf32> to vector<16xf32>
        %add3A_1765 = arith.addf %scan3A_1710, %get3A_1764 : vector<16xf32>
        %add3A_1766 = arith.constant 0 : i32
        %add3A_1767 = arith.addi %add3A_1766, %scan3A_1704 : i32
        %get3A_1768 = arith.index_cast %add3A_1767 : i32 to index
        %get3A_1769 = arith.constant 96 : index
        %get3A_1770 = tpu.vector_load %arg7[%get3A_1768, %get3A_1769] {strides = array<i32>} : memref<104x384xf32, #tpu.memory_space<vmem>>, vector<1x16xf32>,
        %get3A_1771 = vector.shape_cast %get3A_1770 : vector<1x16xf32> to vector<16xf32>
        %add3A_1772 = arith.addf %scan3A_1711, %get3A_1771 : vector<16xf32>
        %add3A_1773 = arith.constant 0 : i32
        %add3A_1774 = arith.addi %add3A_1773, %scan3A_1704 : i32
        %get3A_1775 = arith.index_cast %add3A_1774 : i32 to index
        %get3A_1776 = arith.constant 112 : index
        %get3A_1777 = tpu.vector_load %arg7[%get3A_1775, %get3A_1776] {strides = array<i32>} : memref<104x384xf32, #tpu.memory_space<vmem>>, vector<1x16xf32>,
        %get3A_1778 = vector.shape_cast %get3A_1777 : vector<1x16xf32> to vector<16xf32>
        %add3A_1779 = arith.addf %scan3A_1712, %get3A_1778 : vector<16xf32>
        %add3A_1780 = arith.constant 0 : i32
        %add3A_1781 = arith.addi %add3A_1780, %scan3A_1704 : i32
        %get3A_1782 = arith.index_cast %add3A_1781 : i32 to index
        %get3A_1783 = arith.constant 128 : index
        %get3A_1784 = tpu.vector_load %arg7[%get3A_1782, %get3A_1783] {strides = array<i32>} : memref<104x384xf32, #tpu.memory_space<vmem>>, vector<1x16xf32>,
        %get3A_1785 = vector.shape_cast %get3A_1784 : vector<1x16xf32> to vector<16xf32>
        %add3A_1786 = arith.addf %scan3A_1713, %get3A_1785 : vector<16xf32>
        %add3A_1787 = arith.constant 0 : i32
        %add3A_1788 = arith.addi %add3A_1787, %scan3A_1704 : i32
        %get3A_1789 = arith.index_cast %add3A_1788 : i32 to index
        %get3A_1790 = arith.constant 144 : index
        %get3A_1791 = tpu.vector_load %arg7[%get3A_1789, %get3A_1790] {strides = array<i32>} : memref<104x384xf32, #tpu.memory_space<vmem>>, vector<1x16xf32>,
        %get3A_1792 = vector.shape_cast %get3A_1791 : vector<1x16xf32> to vector<16xf32>
        %add3A_1793 = arith.addf %scan3A_1714, %get3A_1792 : vector<16xf32>
        %add3A_1794 = arith.constant 0 : i32
        %add3A_1795 = arith.addi %add3A_1794, %scan3A_1704 : i32
        %get3A_1796 = arith.index_cast %add3A_1795 : i32 to index
        %get3A_1797 = arith.constant 160 : index
        %get3A_1798 = tpu.vector_load %arg7[%get3A_1796, %get3A_1797] {strides = array<i32>} : memref<104x384xf32, #tpu.memory_space<vmem>>, vector<1x16xf32>,
        %get3A_1799 = vector.shape_cast %get3A_1798 : vector<1x16xf32> to vector<16xf32>
        %add3A_1800 = arith.addf %scan3A_1715, %get3A_1799 : vector<16xf32>
        %add3A_1801 = arith.constant 0 : i32
        %add3A_1802 = arith.addi %add3A_1801, %scan3A_1704 : i32
        %get3A_1803 = arith.index_cast %add3A_1802 : i32 to index
        %get3A_1804 = arith.constant 176 : index
        %get3A_1805 = tpu.vector_load %arg7[%get3A_1803, %get3A_1804] {strides = array<i32>} : memref<104x384xf32, #tpu.memory_space<vmem>>, vector<1x16xf32>,
        %get3A_1806 = vector.shape_cast %get3A_1805 : vector<1x16xf32> to vector<16xf32>
        %add3A_1807 = arith.addf %scan3A_1716, %get3A_1806 : vector<16xf32>
        %add3A_1808 = arith.constant 0 : i32
        %add3A_1809 = arith.addi %add3A_1808, %scan3A_1704 : i32
        %get3A_1810 = arith.index_cast %add3A_1809 : i32 to index
        %get3A_1811 = arith.constant 192 : index
        %get3A_1812 = tpu.vector_load %arg7[%get3A_1810, %get3A_1811] {strides = array<i32>} : memref<104x384xf32, #tpu.memory_space<vmem>>, vector<1x16xf32>,
        %get3A_1813 = vector.shape_cast %get3A_1812 : vector<1x16xf32> to vector<16xf32>
        %add3A_1814 = arith.addf %scan3A_1717, %get3A_1813 : vector<16xf32>
        %add3A_1815 = arith.constant 0 : i32
        %add3A_1816 = arith.addi %add3A_1815, %scan3A_1704 : i32
        %get3A_1817 = arith.index_cast %add3A_1816 : i32 to index
        %get3A_1818 = arith.constant 208 : index
        %get3A_1819 = tpu.vector_load %arg7[%get3A_1817, %get3A_1818] {strides = array<i32>} : memref<104x384xf32, #tpu.memory_space<vmem>>, vector<1x16xf32>,
        %get3A_1820 = vector.shape_cast %get3A_1819 : vector<1x16xf32> to vector<16xf32>
        %add3A_1821 = arith.addf %scan3A_1718, %get3A_1820 : vector<16xf32>
        %add3A_1822 = arith.constant 0 : i32
        %add3A_1823 = arith.addi %add3A_1822, %scan3A_1704 : i32
        %get3A_1824 = arith.index_cast %add3A_1823 : i32 to index
        %get3A_1825 = arith.constant 224 : index
        %get3A_1826 = tpu.vector_load %arg7[%get3A_1824, %get3A_1825] {strides = array<i32>} : memref<104x384xf32, #tpu.memory_space<vmem>>, vector<1x16xf32>,
        %get3A_1827 = vector.shape_cast %get3A_1826 : vector<1x16xf32> to vector<16xf32>
        %add3A_1828 = arith.addf %scan3A_1719, %get3A_1827 : vector<16xf32>
        %add3A_1829 = arith.constant 0 : i32
        %add3A_1830 = arith.addi %add3A_1829, %scan3A_1704 : i32
        %get3A_1831 = arith.index_cast %add3A_1830 : i32 to index
        %get3A_1832 = arith.constant 240 : index
        %get3A_1833 = tpu.vector_load %arg7[%get3A_1831, %get3A_1832] {strides = array<i32>} : memref<104x384xf32, #tpu.memory_space<vmem>>, vector<1x16xf32>,
        %get3A_1834 = vector.shape_cast %get3A_1833 : vector<1x16xf32> to vector<16xf32>
        %add3A_1835 = arith.addf %scan3A_1720, %get3A_1834 : vector<16xf32>
        %add3A_1836 = arith.constant 0 : i32
        %add3A_1837 = arith.addi %add3A_1836, %scan3A_1704 : i32
        %get3A_1838 = arith.index_cast %add3A_1837 : i32 to index
        %get3A_1839 = arith.constant 256 : index
        %get3A_1840 = tpu.vector_load %arg7[%get3A_1838, %get3A_1839] {strides = array<i32>} : memref<104x384xf32, #tpu.memory_space<vmem>>, vector<1x16xf32>,
        %get3A_1841 = vector.shape_cast %get3A_1840 : vector<1x16xf32> to vector<16xf32>
        %add3A_1842 = arith.addf %scan3A_1721, %get3A_1841 : vector<16xf32>
        %add3A_1843 = arith.constant 0 : i32
        %add3A_1844 = arith.addi %add3A_1843, %scan3A_1704 : i32
        %get3A_1845 = arith.index_cast %add3A_1844 : i32 to index
        %get3A_1846 = arith.constant 272 : index
        %get3A_1847 = tpu.vector_load %arg7[%get3A_1845, %get3A_1846] {strides = array<i32>} : memref<104x384xf32, #tpu.memory_space<vmem>>, vector<1x16xf32>,
        %get3A_1848 = vector.shape_cast %get3A_1847 : vector<1x16xf32> to vector<16xf32>
        %add3A_1849 = arith.addf %scan3A_1722, %get3A_1848 : vector<16xf32>
        %add3A_1850 = arith.constant 0 : i32
        %add3A_1851 = arith.addi %add3A_1850, %scan3A_1704 : i32
        %get3A_1852 = arith.index_cast %add3A_1851 : i32 to index
        %get3A_1853 = arith.constant 288 : index
        %get3A_1854 = tpu.vector_load %arg7[%get3A_1852, %get3A_1853] {strides = array<i32>} : memref<104x384xf32, #tpu.memory_space<vmem>>, vector<1x16xf32>,
        %get3A_1855 = vector.shape_cast %get3A_1854 : vector<1x16xf32> to vector<16xf32>
        %add3A_1856 = arith.addf %scan3A_1723, %get3A_1855 : vector<16xf32>
        scf.yield %add3A_1730, %add3A_1737, %add3A_1744, %add3A_1751, %add3A_1758, %add3A_1765, %add3A_1772, %add3A_1779, %add3A_1786, %add3A_1793, %add3A_1800, %add3A_1807, %add3A_1814, %add3A_1821, %add3A_1828, %add3A_1835, %add3A_1842, %add3A_1849, %add3A_1856 : vector<16xf32>, vector<16xf32>, vector<16xf32>, vector<16xf32>, vector<16xf32>, vector<16xf32>, vector<16xf32>, vector<16xf32>, vector<16xf32>, vector<16xf32>, vector<16xf32>, vector<16xf32>, vector<16xf32>, vector<16xf32>, vector<16xf32>, vector<16xf32>, vector<16xf32>, vector<16xf32>, vector<16xf32>
      }
      %scan3A_589 = arith.constant 46 : i32
      %mul3A_590 = vector.broadcast %scan3A : f32 to vector<16xf32>
      %mul3A_591 = arith.mulf %scan3A_588#0, %mul3A_590 : vector<16xf32>
      %swap3A_592 = arith.constant 600 : index
      %swap3A_593 = tpu.vector_load %arg8[%swap3A_592] {strides = array<i32>} : memref<1216xf32, #tpu.memory_space<vmem>>, vector<16xf32>,
      %swap3A_594 = vector.shape_cast %swap3A_593 : vector<16xf32> to vector<16xf32>
      %swap3A_595 = vector.shape_cast %mul3A_591 : vector<16xf32> to vector<16xf32>
      tpu.vector_store %arg8[%swap3A_592], %swap3A_595 {strides = array<i32>} : memref<1216xf32, #tpu.memory_space<vmem>>, vector<16xf32>,
      %mul3A_596 = vector.broadcast %scan3A : f32 to vector<16xf32>
      %mul3A_597 = arith.mulf %scan3A_588#1, %mul3A_596 : vector<16xf32>
      %swap3A_598 = arith.constant 616 : index
      %swap3A_599 = tpu.vector_load %arg8[%swap3A_598] {strides = array<i32>} : memref<1216xf32, #tpu.memory_space<vmem>>, vector<16xf32>,
      %swap3A_600 = vector.shape_cast %swap3A_599 : vector<16xf32> to vector<16xf32>
      %swap3A_601 = vector.shape_cast %mul3A_597 : vector<16xf32> to vector<16xf32>
      tpu.vector_store %arg8[%swap3A_598], %swap3A_601 {strides = array<i32>} : memref<1216xf32, #tpu.memory_space<vmem>>, vector<16xf32>,
      %mul3A_602 = vector.broadcast %scan3A : f32 to vector<16xf32>
      %mul3A_603 = arith.mulf %scan3A_588#2, %mul3A_602 : vector<16xf32>
      %swap3A_604 = arith.constant 632 : index
      %swap3A_605 = tpu.vector_load %arg8[%swap3A_604] {strides = array<i32>} : memref<1216xf32, #tpu.memory_space<vmem>>, vector<16xf32>,
      %swap3A_606 = vector.shape_cast %swap3A_605 : vector<16xf32> to vector<16xf32>
      %swap3A_607 = vector.shape_cast %mul3A_603 : vector<16xf32> to vector<16xf32>
      tpu.vector_store %arg8[%swap3A_604], %swap3A_607 {strides = array<i32>} : memref<1216xf32, #tpu.memory_space<vmem>>, vector<16xf32>,
      %mul3A_608 = vector.broadcast %scan3A : f32 to vector<16xf32>
      %mul3A_609 = arith.mulf %scan3A_588#3, %mul3A_608 : vector<16xf32>
      %swap3A_610 = arith.constant 648 : index
      %swap3A_611 = tpu.vector_load %arg8[%swap3A_610] {strides = array<i32>} : memref<1216xf32, #tpu.memory_space<vmem>>, vector<16xf32>,
      %swap3A_612 = vector.shape_cast %swap3A_611 : vector<16xf32> to vector<16xf32>
      %swap3A_613 = vector.shape_cast %mul3A_609 : vector<16xf32> to vector<16xf32>
      tpu.vector_store %arg8[%swap3A_610], %swap3A_613 {strides = array<i32>} : memref<1216xf32, #tpu.memory_space<vmem>>, vector<16xf32>,
      %mul3A_614 = vector.broadcast %scan3A : f32 to vector<16xf32>
      %mul3A_615 = arith.mulf %scan3A_588#4, %mul3A_614 : vector<16xf32>
      %swap3A_616 = arith.constant 664 : index
      %swap3A_617 = tpu.vector_load %arg8[%swap3A_616] {strides = array<i32>} : memref<1216xf32, #tpu.memory_space<vmem>>, vector<16xf32>,
      %swap3A_618 = vector.shape_cast %swap3A_617 : vector<16xf32> to vector<16xf32>
      %swap3A_619 = vector.shape_cast %mul3A_615 : vector<16xf32> to vector<16xf32>
      tpu.vector_store %arg8[%swap3A_616], %swap3A_619 {strides = array<i32>} : memref<1216xf32, #tpu.memory_space<vmem>>, vector<16xf32>,
      %mul3A_620 = vector.broadcast %scan3A : f32 to vector<16xf32>
      %mul3A_621 = arith.mulf %scan3A_588#5, %mul3A_620 : vector<16xf32>
      %swap3A_622 = arith.constant 680 : index
      %swap3A_623 = tpu.vector_load %arg8[%swap3A_622] {strides = array<i32>} : memref<1216xf32, #tpu.memory_space<vmem>>, vector<16xf32>,
      %swap3A_624 = vector.shape_cast %swap3A_623 : vector<16xf32> to vector<16xf32>
      %swap3A_625 = vector.shape_cast %mul3A_621 : vector<16xf32> to vector<16xf32>
      tpu.vector_store %arg8[%swap3A_622], %swap3A_625 {strides = array<i32>} : memref<1216xf32, #tpu.memory_space<vmem>>, vector<16xf32>,
      %mul3A_626 = vector.broadcast %scan3A : f32 to vector<16xf32>
      %mul3A_627 = arith.mulf %scan3A_588#6, %mul3A_626 : vector<16xf32>
      %swap3A_628 = arith.constant 696 : index
      %swap3A_629 = tpu.vector_load %arg8[%swap3A_628] {strides = array<i32>} : memref<1216xf32, #tpu.memory_space<vmem>>, vector<16xf32>,
      %swap3A_630 = vector.shape_cast %swap3A_629 : vector<16xf32> to vector<16xf32>
      %swap3A_631 = vector.shape_cast %mul3A_627 : vector<16xf32> to vector<16xf32>
      tpu.vector_store %arg8[%swap3A_628], %swap3A_631 {strides = array<i32>} : memref<1216xf32, #tpu.memory_space<vmem>>, vector<16xf32>,
      %mul3A_632 = vector.broadcast %scan3A : f32 to vector<16xf32>
      %mul3A_633 = arith.mulf %scan3A_588#7, %mul3A_632 : vector<16xf32>
      %swap3A_634 = arith.constant 712 : index
      %swap3A_635 = tpu.vector_load %arg8[%swap3A_634] {strides = array<i32>} : memref<1216xf32, #tpu.memory_space<vmem>>, vector<16xf32>,
      %swap3A_636 = vector.shape_cast %swap3A_635 : vector<16xf32> to vector<16xf32>
      %swap3A_637 = vector.shape_cast %mul3A_633 : vector<16xf32> to vector<16xf32>
      tpu.vector_store %arg8[%swap3A_634], %swap3A_637 {strides = array<i32>} : memref<1216xf32, #tpu.memory_space<vmem>>, vector<16xf32>,
      %mul3A_638 = vector.broadcast %scan3A : f32 to vector<16xf32>
      %mul3A_639 = arith.mulf %scan3A_588#8, %mul3A_638 : vector<16xf32>
      %swap3A_640 = arith.constant 728 : index
      %swap3A_641 = tpu.vector_load %arg8[%swap3A_640] {strides = array<i32>} : memref<1216xf32, #tpu.memory_space<vmem>>, vector<16xf32>,
      %swap3A_642 = vector.shape_cast %swap3A_641 : vector<16xf32> to vector<16xf32>
      %swap3A_643 = vector.shape_cast %mul3A_639 : vector<16xf32> to vector<16xf32>
      tpu.vector_store %arg8[%swap3A_640], %swap3A_643 {strides = array<i32>} : memref<1216xf32, #tpu.memory_space<vmem>>, vector<16xf32>,
      %mul3A_644 = vector.broadcast %scan3A : f32 to vector<16xf32>
      %mul3A_645 = arith.mulf %scan3A_588#9, %mul3A_644 : vector<16xf32>
      %swap3A_646 = arith.constant 744 : index
      %swap3A_647 = tpu.vector_load %arg8[%swap3A_646] {strides = array<i32>} : memref<1216xf32, #tpu.memory_space<vmem>>, vector<16xf32>,
      %swap3A_648 = vector.shape_cast %swap3A_647 : vector<16xf32> to vector<16xf32>
      %swap3A_649 = vector.shape_cast %mul3A_645 : vector<16xf32> to vector<16xf32>
      tpu.vector_store %arg8[%swap3A_646], %swap3A_649 {strides = array<i32>} : memref<1216xf32, #tpu.memory_space<vmem>>, vector<16xf32>,
      %mul3A_650 = vector.broadcast %scan3A : f32 to vector<16xf32>
      %mul3A_651 = arith.mulf %scan3A_588#10, %mul3A_650 : vector<16xf32>
      %swap3A_652 = arith.constant 760 : index
      %swap3A_653 = tpu.vector_load %arg8[%swap3A_652] {strides = array<i32>} : memref<1216xf32, #tpu.memory_space<vmem>>, vector<16xf32>,
      %swap3A_654 = vector.shape_cast %swap3A_653 : vector<16xf32> to vector<16xf32>
      %swap3A_655 = vector.shape_cast %mul3A_651 : vector<16xf32> to vector<16xf32>
      tpu.vector_store %arg8[%swap3A_652], %swap3A_655 {strides = array<i32>} : memref<1216xf32, #tpu.memory_space<vmem>>, vector<16xf32>,
      %mul3A_656 = vector.broadcast %scan3A : f32 to vector<16xf32>
      %mul3A_657 = arith.mulf %scan3A_588#11, %mul3A_656 : vector<16xf32>
      %swap3A_658 = arith.constant 776 : index
      %swap3A_659 = tpu.vector_load %arg8[%swap3A_658] {strides = array<i32>} : memref<1216xf32, #tpu.memory_space<vmem>>, vector<16xf32>,
      %swap3A_660 = vector.shape_cast %swap3A_659 : vector<16xf32> to vector<16xf32>
      %swap3A_661 = vector.shape_cast %mul3A_657 : vector<16xf32> to vector<16xf32>
      tpu.vector_store %arg8[%swap3A_658], %swap3A_661 {strides = array<i32>} : memref<1216xf32, #tpu.memory_space<vmem>>, vector<16xf32>,
      %mul3A_662 = vector.broadcast %scan3A : f32 to vector<16xf32>
      %mul3A_663 = arith.mulf %scan3A_588#12, %mul3A_662 : vector<16xf32>
      %swap3A_664 = arith.constant 792 : index
      %swap3A_665 = tpu.vector_load %arg8[%swap3A_664] {strides = array<i32>} : memref<1216xf32, #tpu.memory_space<vmem>>, vector<16xf32>,
      %swap3A_666 = vector.shape_cast %swap3A_665 : vector<16xf32> to vector<16xf32>
      %swap3A_667 = vector.shape_cast %mul3A_663 : vector<16xf32> to vector<16xf32>
      tpu.vector_store %arg8[%swap3A_664], %swap3A_667 {strides = array<i32>} : memref<1216xf32, #tpu.memory_space<vmem>>, vector<16xf32>,
      %mul3A_668 = vector.broadcast %scan3A : f32 to vector<16xf32>
      %mul3A_669 = arith.mulf %scan3A_588#13, %mul3A_668 : vector<16xf32>
      %swap3A_670 = arith.constant 808 : index
      %swap3A_671 = tpu.vector_load %arg8[%swap3A_670] {strides = array<i32>} : memref<1216xf32, #tpu.memory_space<vmem>>, vector<16xf32>,
      %swap3A_672 = vector.shape_cast %swap3A_671 : vector<16xf32> to vector<16xf32>
      %swap3A_673 = vector.shape_cast %mul3A_669 : vector<16xf32> to vector<16xf32>
      tpu.vector_store %arg8[%swap3A_670], %swap3A_673 {strides = array<i32>} : memref<1216xf32, #tpu.memory_space<vmem>>, vector<16xf32>,
      %mul3A_674 = vector.broadcast %scan3A : f32 to vector<16xf32>
      %mul3A_675 = arith.mulf %scan3A_588#14, %mul3A_674 : vector<16xf32>
      %swap3A_676 = arith.constant 824 : index
      %swap3A_677 = tpu.vector_load %arg8[%swap3A_676] {strides = array<i32>} : memref<1216xf32, #tpu.memory_space<vmem>>, vector<16xf32>,
      %swap3A_678 = vector.shape_cast %swap3A_677 : vector<16xf32> to vector<16xf32>
      %swap3A_679 = vector.shape_cast %mul3A_675 : vector<16xf32> to vector<16xf32>
      tpu.vector_store %arg8[%swap3A_676], %swap3A_679 {strides = array<i32>} : memref<1216xf32, #tpu.memory_space<vmem>>, vector<16xf32>,
      %mul3A_680 = vector.broadcast %scan3A : f32 to vector<16xf32>
      %mul3A_681 = arith.mulf %scan3A_588#15, %mul3A_680 : vector<16xf32>
      %swap3A_682 = arith.constant 840 : index
      %swap3A_683 = tpu.vector_load %arg8[%swap3A_682] {strides = array<i32>} : memref<1216xf32, #tpu.memory_space<vmem>>, vector<16xf32>,
      %swap3A_684 = vector.shape_cast %swap3A_683 : vector<16xf32> to vector<16xf32>
      %swap3A_685 = vector.shape_cast %mul3A_681 : vector<16xf32> to vector<16xf32>
      tpu.vector_store %arg8[%swap3A_682], %swap3A_685 {strides = array<i32>} : memref<1216xf32, #tpu.memory_space<vmem>>, vector<16xf32>,
      %mul3A_686 = vector.broadcast %scan3A : f32 to vector<16xf32>
      %mul3A_687 = arith.mulf %scan3A_588#16, %mul3A_686 : vector<16xf32>
      %swap3A_688 = arith.constant 856 : index
      %swap3A_689 = tpu.vector_load %arg8[%swap3A_688] {strides = array<i32>} : memref<1216xf32, #tpu.memory_space<vmem>>, vector<16xf32>,
      %swap3A_690 = vector.shape_cast %swap3A_689 : vector<16xf32> to vector<16xf32>
      %swap3A_691 = vector.shape_cast %mul3A_687 : vector<16xf32> to vector<16xf32>
      tpu.vector_store %arg8[%swap3A_688], %swap3A_691 {strides = array<i32>} : memref<1216xf32, #tpu.memory_space<vmem>>, vector<16xf32>,
      %mul3A_692 = vector.broadcast %scan3A : f32 to vector<16xf32>
      %mul3A_693 = arith.mulf %scan3A_588#17, %mul3A_692 : vector<16xf32>
      %swap3A_694 = arith.constant 872 : index
      %swap3A_695 = tpu.vector_load %arg8[%swap3A_694] {strides = array<i32>} : memref<1216xf32, #tpu.memory_space<vmem>>, vector<16xf32>,
      %swap3A_696 = vector.shape_cast %swap3A_695 : vector<16xf32> to vector<16xf32>
      %swap3A_697 = vector.shape_cast %mul3A_693 : vector<16xf32> to vector<16xf32>
      tpu.vector_store %arg8[%swap3A_694], %swap3A_697 {strides = array<i32>} : memref<1216xf32, #tpu.memory_space<vmem>>, vector<16xf32>,
      %mul3A_698 = vector.broadcast %scan3A : f32 to vector<16xf32>
      %mul3A_699 = arith.mulf %scan3A_588#18, %mul3A_698 : vector<16xf32>
      %swap3A_700 = arith.constant 888 : index
      %swap3A_701 = tpu.vector_load %arg8[%swap3A_700] {strides = array<i32>} : memref<1216xf32, #tpu.memory_space<vmem>>, vector<16xf32>,
      %swap3A_702 = vector.shape_cast %swap3A_701 : vector<16xf32> to vector<16xf32>
      %swap3A_703 = vector.shape_cast %mul3A_699 : vector<16xf32> to vector<16xf32>
      tpu.vector_store %arg8[%swap3A_700], %swap3A_703 {strides = array<i32>} : memref<1216xf32, #tpu.memory_space<vmem>>, vector<16xf32>,
      %broadcast_in_dim3A_704 = arith.constant 0.000000e+00 : f32
      %broadcast_in_dim3A_705 = vector.broadcast %broadcast_in_dim3A_704 : f32 to vector<16xf32>
      %broadcast_in_dim3A_706 = arith.constant 0.000000e+00 : f32
      %broadcast_in_dim3A_707 = vector.broadcast %broadcast_in_dim3A_706 : f32 to vector<16xf32>
      %broadcast_in_dim3A_708 = arith.constant 0.000000e+00 : f32
      %broadcast_in_dim3A_709 = vector.broadcast %broadcast_in_dim3A_708 : f32 to vector<16xf32>
      %broadcast_in_dim3A_710 = arith.constant 0.000000e+00 : f32
      %broadcast_in_dim3A_711 = vector.broadcast %broadcast_in_dim3A_710 : f32 to vector<16xf32>
      %broadcast_in_dim3A_712 = arith.constant 0.000000e+00 : f32
      %broadcast_in_dim3A_713 = vector.broadcast %broadcast_in_dim3A_712 : f32 to vector<16xf32>
      %broadcast_in_dim3A_714 = arith.constant 0.000000e+00 : f32
      %broadcast_in_dim3A_715 = vector.broadcast %broadcast_in_dim3A_714 : f32 to vector<16xf32>
      %broadcast_in_dim3A_716 = arith.constant 0.000000e+00 : f32
      %broadcast_in_dim3A_717 = vector.broadcast %broadcast_in_dim3A_716 : f32 to vector<16xf32>
      %broadcast_in_dim3A_718 = arith.constant 0.000000e+00 : f32
      %broadcast_in_dim3A_719 = vector.broadcast %broadcast_in_dim3A_718 : f32 to vector<16xf32>
      %broadcast_in_dim3A_720 = arith.constant 0.000000e+00 : f32
      %broadcast_in_dim3A_721 = vector.broadcast %broadcast_in_dim3A_720 : f32 to vector<16xf32>
      %broadcast_in_dim3A_722 = arith.constant 0.000000e+00 : f32
      %broadcast_in_dim3A_723 = vector.broadcast %broadcast_in_dim3A_722 : f32 to vector<16xf32>
      %broadcast_in_dim3A_724 = arith.constant 0.000000e+00 : f32
      %broadcast_in_dim3A_725 = vector.broadcast %broadcast_in_dim3A_724 : f32 to vector<16xf32>
      %broadcast_in_dim3A_726 = arith.constant 0.000000e+00 : f32
      %broadcast_in_dim3A_727 = vector.broadcast %broadcast_in_dim3A_726 : f32 to vector<16xf32>
      %broadcast_in_dim3A_728 = arith.constant 0.000000e+00 : f32
      %broadcast_in_dim3A_729 = vector.broadcast %broadcast_in_dim3A_728 : f32 to vector<16xf32>
      %broadcast_in_dim3A_730 = arith.constant 0.000000e+00 : f32
      %broadcast_in_dim3A_731 = vector.broadcast %broadcast_in_dim3A_730 : f32 to vector<16xf32>
      %broadcast_in_dim3A_732 = arith.constant 0.000000e+00 : f32
      %broadcast_in_dim3A_733 = vector.broadcast %broadcast_in_dim3A_732 : f32 to vector<16xf32>
      %broadcast_in_dim3A_734 = arith.constant 0.000000e+00 : f32
      %broadcast_in_dim3A_735 = vector.broadcast %broadcast_in_dim3A_734 : f32 to vector<16xf32>
      %broadcast_in_dim3A_736 = arith.constant 0.000000e+00 : f32
      %broadcast_in_dim3A_737 = vector.broadcast %broadcast_in_dim3A_736 : f32 to vector<16xf32>
      %broadcast_in_dim3A_738 = arith.constant 0.000000e+00 : f32
      %broadcast_in_dim3A_739 = vector.broadcast %broadcast_in_dim3A_738 : f32 to vector<16xf32>
      %broadcast_in_dim3A_740 = arith.constant 0.000000e+00 : f32
      %broadcast_in_dim3A_741 = vector.broadcast %broadcast_in_dim3A_740 : f32 to vector<16xf32>
      %scan3A_742 = arith.constant 0 : i32
      %scan3A_743 = arith.constant 50 : i32
      %scan3A_744 = arith.addi %scan3A_742, %scan3A_743 : i32
      %scan3A_745 = arith.constant 1 : i32
      %scan3A_746:19 = scf.for %scan3A_1704 = %scan3A_742 to %scan3A_744 step %scan3A_745 iter_args(%scan3A_1705 = %broadcast_in_dim3A_705, %scan3A_1706 = %broadcast_in_dim3A_707, %scan3A_1707 = %broadcast_in_dim3A_709, %scan3A_1708 = %broadcast_in_dim3A_711, %scan3A_1709 = %broadcast_in_dim3A_713, %scan3A_1710 = %broadcast_in_dim3A_715, %scan3A_1711 = %broadcast_in_dim3A_717, %scan3A_1712 = %broadcast_in_dim3A_719, %scan3A_1713 = %broadcast_in_dim3A_721, %scan3A_1714 = %broadcast_in_dim3A_723, %scan3A_1715 = %broadcast_in_dim3A_725, %scan3A_1716 = %broadcast_in_dim3A_727, %scan3A_1717 = %broadcast_in_dim3A_729, %scan3A_1718 = %broadcast_in_dim3A_731, %scan3A_1719 = %broadcast_in_dim3A_733, %scan3A_1720 = %broadcast_in_dim3A_735, %scan3A_1721 = %broadcast_in_dim3A_737, %scan3A_1722 = %broadcast_in_dim3A_739, %scan3A_1723 = %broadcast_in_dim3A_741) -> (vector<16xf32>, vector<16xf32>, vector<16xf32>, vector<16xf32>, vector<16xf32>, vector<16xf32>, vector<16xf32>, vector<16xf32>, vector<16xf32>, vector<16xf32>, vector<16xf32>, vector<16xf32>, vector<16xf32>, vector<16xf32>, vector<16xf32>, vector<16xf32>, vector<16xf32>, vector<16xf32>, vector<16xf32>)  : i32 {
        %add3A_1724 = arith.constant 46 : i32
        %add3A_1725 = arith.addi %add3A_1724, %scan3A_1704 : i32
        %get3A_1726 = arith.index_cast %add3A_1725 : i32 to index
        %get3A_1727 = arith.constant 0 : index
        %get3A_1728 = tpu.vector_load %arg7[%get3A_1726, %get3A_1727] {strides = array<i32>} : memref<104x384xf32, #tpu.memory_space<vmem>>, vector<1x16xf32>,
        %get3A_1729 = vector.shape_cast %get3A_1728 : vector<1x16xf32> to vector<16xf32>
        %add3A_1730 = arith.addf %scan3A_1705, %get3A_1729 : vector<16xf32>
        %add3A_1731 = arith.constant 46 : i32
        %add3A_1732 = arith.addi %add3A_1731, %scan3A_1704 : i32
        %get3A_1733 = arith.index_cast %add3A_1732 : i32 to index
        %get3A_1734 = arith.constant 16 : index
        %get3A_1735 = tpu.vector_load %arg7[%get3A_1733, %get3A_1734] {strides = array<i32>} : memref<104x384xf32, #tpu.memory_space<vmem>>, vector<1x16xf32>,
        %get3A_1736 = vector.shape_cast %get3A_1735 : vector<1x16xf32> to vector<16xf32>
        %add3A_1737 = arith.addf %scan3A_1706, %get3A_1736 : vector<16xf32>
        %add3A_1738 = arith.constant 46 : i32
        %add3A_1739 = arith.addi %add3A_1738, %scan3A_1704 : i32
        %get3A_1740 = arith.index_cast %add3A_1739 : i32 to index
        %get3A_1741 = arith.constant 32 : index
        %get3A_1742 = tpu.vector_load %arg7[%get3A_1740, %get3A_1741] {strides = array<i32>} : memref<104x384xf32, #tpu.memory_space<vmem>>, vector<1x16xf32>,
        %get3A_1743 = vector.shape_cast %get3A_1742 : vector<1x16xf32> to vector<16xf32>
        %add3A_1744 = arith.addf %scan3A_1707, %get3A_1743 : vector<16xf32>
        %add3A_1745 = arith.constant 46 : i32
        %add3A_1746 = arith.addi %add3A_1745, %scan3A_1704 : i32
        %get3A_1747 = arith.index_cast %add3A_1746 : i32 to index
        %get3A_1748 = arith.constant 48 : index
        %get3A_1749 = tpu.vector_load %arg7[%get3A_1747, %get3A_1748] {strides = array<i32>} : memref<104x384xf32, #tpu.memory_space<vmem>>, vector<1x16xf32>,
        %get3A_1750 = vector.shape_cast %get3A_1749 : vector<1x16xf32> to vector<16xf32>
        %add3A_1751 = arith.addf %scan3A_1708, %get3A_1750 : vector<16xf32>
        %add3A_1752 = arith.constant 46 : i32
        %add3A_1753 = arith.addi %add3A_1752, %scan3A_1704 : i32
        %get3A_1754 = arith.index_cast %add3A_1753 : i32 to index
        %get3A_1755 = arith.constant 64 : index
        %get3A_1756 = tpu.vector_load %arg7[%get3A_1754, %get3A_1755] {strides = array<i32>} : memref<104x384xf32, #tpu.memory_space<vmem>>, vector<1x16xf32>,
        %get3A_1757 = vector.shape_cast %get3A_1756 : vector<1x16xf32> to vector<16xf32>
        %add3A_1758 = arith.addf %scan3A_1709, %get3A_1757 : vector<16xf32>
        %add3A_1759 = arith.constant 46 : i32
        %add3A_1760 = arith.addi %add3A_1759, %scan3A_1704 : i32
        %get3A_1761 = arith.index_cast %add3A_1760 : i32 to index
        %get3A_1762 = arith.constant 80 : index
        %get3A_1763 = tpu.vector_load %arg7[%get3A_1761, %get3A_1762] {strides = array<i32>} : memref<104x384xf32, #tpu.memory_space<vmem>>, vector<1x16xf32>,
        %get3A_1764 = vector.shape_cast %get3A_1763 : vector<1x16xf32> to vector<16xf32>
        %add3A_1765 = arith.addf %scan3A_1710, %get3A_1764 : vector<16xf32>
        %add3A_1766 = arith.constant 46 : i32
        %add3A_1767 = arith.addi %add3A_1766, %scan3A_1704 : i32
        %get3A_1768 = arith.index_cast %add3A_1767 : i32 to index
        %get3A_1769 = arith.constant 96 : index
        %get3A_1770 = tpu.vector_load %arg7[%get3A_1768, %get3A_1769] {strides = array<i32>} : memref<104x384xf32, #tpu.memory_space<vmem>>, vector<1x16xf32>,
        %get3A_1771 = vector.shape_cast %get3A_1770 : vector<1x16xf32> to vector<16xf32>
        %add3A_1772 = arith.addf %scan3A_1711, %get3A_1771 : vector<16xf32>
        %add3A_1773 = arith.constant 46 : i32
        %add3A_1774 = arith.addi %add3A_1773, %scan3A_1704 : i32
        %get3A_1775 = arith.index_cast %add3A_1774 : i32 to index
        %get3A_1776 = arith.constant 112 : index
        %get3A_1777 = tpu.vector_load %arg7[%get3A_1775, %get3A_1776] {strides = array<i32>} : memref<104x384xf32, #tpu.memory_space<vmem>>, vector<1x16xf32>,
        %get3A_1778 = vector.shape_cast %get3A_1777 : vector<1x16xf32> to vector<16xf32>
        %add3A_1779 = arith.addf %scan3A_1712, %get3A_1778 : vector<16xf32>
        %add3A_1780 = arith.constant 46 : i32
        %add3A_1781 = arith.addi %add3A_1780, %scan3A_1704 : i32
        %get3A_1782 = arith.index_cast %add3A_1781 : i32 to index
        %get3A_1783 = arith.constant 128 : index
        %get3A_1784 = tpu.vector_load %arg7[%get3A_1782, %get3A_1783] {strides = array<i32>} : memref<104x384xf32, #tpu.memory_space<vmem>>, vector<1x16xf32>,
        %get3A_1785 = vector.shape_cast %get3A_1784 : vector<1x16xf32> to vector<16xf32>
        %add3A_1786 = arith.addf %scan3A_1713, %get3A_1785 : vector<16xf32>
        %add3A_1787 = arith.constant 46 : i32
        %add3A_1788 = arith.addi %add3A_1787, %scan3A_1704 : i32
        %get3A_1789 = arith.index_cast %add3A_1788 : i32 to index
        %get3A_1790 = arith.constant 144 : index
        %get3A_1791 = tpu.vector_load %arg7[%get3A_1789, %get3A_1790] {strides = array<i32>} : memref<104x384xf32, #tpu.memory_space<vmem>>, vector<1x16xf32>,
        %get3A_1792 = vector.shape_cast %get3A_1791 : vector<1x16xf32> to vector<16xf32>
        %add3A_1793 = arith.addf %scan3A_1714, %get3A_1792 : vector<16xf32>
        %add3A_1794 = arith.constant 46 : i32
        %add3A_1795 = arith.addi %add3A_1794, %scan3A_1704 : i32
        %get3A_1796 = arith.index_cast %add3A_1795 : i32 to index
        %get3A_1797 = arith.constant 160 : index
        %get3A_1798 = tpu.vector_load %arg7[%get3A_1796, %get3A_1797] {strides = array<i32>} : memref<104x384xf32, #tpu.memory_space<vmem>>, vector<1x16xf32>,
        %get3A_1799 = vector.shape_cast %get3A_1798 : vector<1x16xf32> to vector<16xf32>
        %add3A_1800 = arith.addf %scan3A_1715, %get3A_1799 : vector<16xf32>
        %add3A_1801 = arith.constant 46 : i32
        %add3A_1802 = arith.addi %add3A_1801, %scan3A_1704 : i32
        %get3A_1803 = arith.index_cast %add3A_1802 : i32 to index
        %get3A_1804 = arith.constant 176 : index
        %get3A_1805 = tpu.vector_load %arg7[%get3A_1803, %get3A_1804] {strides = array<i32>} : memref<104x384xf32, #tpu.memory_space<vmem>>, vector<1x16xf32>,
        %get3A_1806 = vector.shape_cast %get3A_1805 : vector<1x16xf32> to vector<16xf32>
        %add3A_1807 = arith.addf %scan3A_1716, %get3A_1806 : vector<16xf32>
        %add3A_1808 = arith.constant 46 : i32
        %add3A_1809 = arith.addi %add3A_1808, %scan3A_1704 : i32
        %get3A_1810 = arith.index_cast %add3A_1809 : i32 to index
        %get3A_1811 = arith.constant 192 : index
        %get3A_1812 = tpu.vector_load %arg7[%get3A_1810, %get3A_1811] {strides = array<i32>} : memref<104x384xf32, #tpu.memory_space<vmem>>, vector<1x16xf32>,
        %get3A_1813 = vector.shape_cast %get3A_1812 : vector<1x16xf32> to vector<16xf32>
        %add3A_1814 = arith.addf %scan3A_1717, %get3A_1813 : vector<16xf32>
        %add3A_1815 = arith.constant 46 : i32
        %add3A_1816 = arith.addi %add3A_1815, %scan3A_1704 : i32
        %get3A_1817 = arith.index_cast %add3A_1816 : i32 to index
        %get3A_1818 = arith.constant 208 : index
        %get3A_1819 = tpu.vector_load %arg7[%get3A_1817, %get3A_1818] {strides = array<i32>} : memref<104x384xf32, #tpu.memory_space<vmem>>, vector<1x16xf32>,
        %get3A_1820 = vector.shape_cast %get3A_1819 : vector<1x16xf32> to vector<16xf32>
        %add3A_1821 = arith.addf %scan3A_1718, %get3A_1820 : vector<16xf32>
        %add3A_1822 = arith.constant 46 : i32
        %add3A_1823 = arith.addi %add3A_1822, %scan3A_1704 : i32
        %get3A_1824 = arith.index_cast %add3A_1823 : i32 to index
        %get3A_1825 = arith.constant 224 : index
        %get3A_1826 = tpu.vector_load %arg7[%get3A_1824, %get3A_1825] {strides = array<i32>} : memref<104x384xf32, #tpu.memory_space<vmem>>, vector<1x16xf32>,
        %get3A_1827 = vector.shape_cast %get3A_1826 : vector<1x16xf32> to vector<16xf32>
        %add3A_1828 = arith.addf %scan3A_1719, %get3A_1827 : vector<16xf32>
        %add3A_1829 = arith.constant 46 : i32
        %add3A_1830 = arith.addi %add3A_1829, %scan3A_1704 : i32
        %get3A_1831 = arith.index_cast %add3A_1830 : i32 to index
        %get3A_1832 = arith.constant 240 : index
        %get3A_1833 = tpu.vector_load %arg7[%get3A_1831, %get3A_1832] {strides = array<i32>} : memref<104x384xf32, #tpu.memory_space<vmem>>, vector<1x16xf32>,
        %get3A_1834 = vector.shape_cast %get3A_1833 : vector<1x16xf32> to vector<16xf32>
        %add3A_1835 = arith.addf %scan3A_1720, %get3A_1834 : vector<16xf32>
        %add3A_1836 = arith.constant 46 : i32
        %add3A_1837 = arith.addi %add3A_1836, %scan3A_1704 : i32
        %get3A_1838 = arith.index_cast %add3A_1837 : i32 to index
        %get3A_1839 = arith.constant 256 : index
        %get3A_1840 = tpu.vector_load %arg7[%get3A_1838, %get3A_1839] {strides = array<i32>} : memref<104x384xf32, #tpu.memory_space<vmem>>, vector<1x16xf32>,
        %get3A_1841 = vector.shape_cast %get3A_1840 : vector<1x16xf32> to vector<16xf32>
        %add3A_1842 = arith.addf %scan3A_1721, %get3A_1841 : vector<16xf32>
        %add3A_1843 = arith.constant 46 : i32
        %add3A_1844 = arith.addi %add3A_1843, %scan3A_1704 : i32
        %get3A_1845 = arith.index_cast %add3A_1844 : i32 to index
        %get3A_1846 = arith.constant 272 : index
        %get3A_1847 = tpu.vector_load %arg7[%get3A_1845, %get3A_1846] {strides = array<i32>} : memref<104x384xf32, #tpu.memory_space<vmem>>, vector<1x16xf32>,
        %get3A_1848 = vector.shape_cast %get3A_1847 : vector<1x16xf32> to vector<16xf32>
        %add3A_1849 = arith.addf %scan3A_1722, %get3A_1848 : vector<16xf32>
        %add3A_1850 = arith.constant 46 : i32
        %add3A_1851 = arith.addi %add3A_1850, %scan3A_1704 : i32
        %get3A_1852 = arith.index_cast %add3A_1851 : i32 to index
        %get3A_1853 = arith.constant 288 : index
        %get3A_1854 = tpu.vector_load %arg7[%get3A_1852, %get3A_1853] {strides = array<i32>} : memref<104x384xf32, #tpu.memory_space<vmem>>, vector<1x16xf32>,
        %get3A_1855 = vector.shape_cast %get3A_1854 : vector<1x16xf32> to vector<16xf32>
        %add3A_1856 = arith.addf %scan3A_1723, %get3A_1855 : vector<16xf32>
        scf.yield %add3A_1730, %add3A_1737, %add3A_1744, %add3A_1751, %add3A_1758, %add3A_1765, %add3A_1772, %add3A_1779, %add3A_1786, %add3A_1793, %add3A_1800, %add3A_1807, %add3A_1814, %add3A_1821, %add3A_1828, %add3A_1835, %add3A_1842, %add3A_1849, %add3A_1856 : vector<16xf32>, vector<16xf32>, vector<16xf32>, vector<16xf32>, vector<16xf32>, vector<16xf32>, vector<16xf32>, vector<16xf32>, vector<16xf32>, vector<16xf32>, vector<16xf32>, vector<16xf32>, vector<16xf32>, vector<16xf32>, vector<16xf32>, vector<16xf32>, vector<16xf32>, vector<16xf32>, vector<16xf32>
      }
      %scan3A_747 = arith.constant 50 : i32
      %mul3A_748 = vector.broadcast %scan3A : f32 to vector<16xf32>
      %mul3A_749 = arith.mulf %scan3A_746#0, %mul3A_748 : vector<16xf32>
      %swap3A_750 = arith.constant 900 : index
      %swap3A_751 = tpu.vector_load %arg8[%swap3A_750] {strides = array<i32>} : memref<1216xf32, #tpu.memory_space<vmem>>, vector<16xf32>,
      %swap3A_752 = vector.shape_cast %swap3A_751 : vector<16xf32> to vector<16xf32>
      %swap3A_753 = vector.shape_cast %mul3A_749 : vector<16xf32> to vector<16xf32>
      tpu.vector_store %arg8[%swap3A_750], %swap3A_753 {strides = array<i32>} : memref<1216xf32, #tpu.memory_space<vmem>>, vector<16xf32>,
      %mul3A_754 = vector.broadcast %scan3A : f32 to vector<16xf32>
      %mul3A_755 = arith.mulf %scan3A_746#1, %mul3A_754 : vector<16xf32>
      %swap3A_756 = arith.constant 916 : index
      %swap3A_757 = tpu.vector_load %arg8[%swap3A_756] {strides = array<i32>} : memref<1216xf32, #tpu.memory_space<vmem>>, vector<16xf32>,
      %swap3A_758 = vector.shape_cast %swap3A_757 : vector<16xf32> to vector<16xf32>
      %swap3A_759 = vector.shape_cast %mul3A_755 : vector<16xf32> to vector<16xf32>
      tpu.vector_store %arg8[%swap3A_756], %swap3A_759 {strides = array<i32>} : memref<1216xf32, #tpu.memory_space<vmem>>, vector<16xf32>,
      %mul3A_760 = vector.broadcast %scan3A : f32 to vector<16xf32>
      %mul3A_761 = arith.mulf %scan3A_746#2, %mul3A_760 : vector<16xf32>
      %swap3A_762 = arith.constant 932 : index
      %swap3A_763 = tpu.vector_load %arg8[%swap3A_762] {strides = array<i32>} : memref<1216xf32, #tpu.memory_space<vmem>>, vector<16xf32>,
      %swap3A_764 = vector.shape_cast %swap3A_763 : vector<16xf32> to vector<16xf32>
      %swap3A_765 = vector.shape_cast %mul3A_761 : vector<16xf32> to vector<16xf32>
      tpu.vector_store %arg8[%swap3A_762], %swap3A_765 {strides = array<i32>} : memref<1216xf32, #tpu.memory_space<vmem>>, vector<16xf32>,
      %mul3A_766 = vector.broadcast %scan3A : f32 to vector<16xf32>
      %mul3A_767 = arith.mulf %scan3A_746#3, %mul3A_766 : vector<16xf32>
      %swap3A_768 = arith.constant 948 : index
      %swap3A_769 = tpu.vector_load %arg8[%swap3A_768] {strides = array<i32>} : memref<1216xf32, #tpu.memory_space<vmem>>, vector<16xf32>,
      %swap3A_770 = vector.shape_cast %swap3A_769 : vector<16xf32> to vector<16xf32>
      %swap3A_771 = vector.shape_cast %mul3A_767 : vector<16xf32> to vector<16xf32>
      tpu.vector_store %arg8[%swap3A_768], %swap3A_771 {strides = array<i32>} : memref<1216xf32, #tpu.memory_space<vmem>>, vector<16xf32>,
      %mul3A_772 = vector.broadcast %scan3A : f32 to vector<16xf32>
      %mul3A_773 = arith.mulf %scan3A_746#4, %mul3A_772 : vector<16xf32>
      %swap3A_774 = arith.constant 964 : index
      %swap3A_775 = tpu.vector_load %arg8[%swap3A_774] {strides = array<i32>} : memref<1216xf32, #tpu.memory_space<vmem>>, vector<16xf32>,
      %swap3A_776 = vector.shape_cast %swap3A_775 : vector<16xf32> to vector<16xf32>
      %swap3A_777 = vector.shape_cast %mul3A_773 : vector<16xf32> to vector<16xf32>
      tpu.vector_store %arg8[%swap3A_774], %swap3A_777 {strides = array<i32>} : memref<1216xf32, #tpu.memory_space<vmem>>, vector<16xf32>,
      %mul3A_778 = vector.broadcast %scan3A : f32 to vector<16xf32>
      %mul3A_779 = arith.mulf %scan3A_746#5, %mul3A_778 : vector<16xf32>
      %swap3A_780 = arith.constant 980 : index
      %swap3A_781 = tpu.vector_load %arg8[%swap3A_780] {strides = array<i32>} : memref<1216xf32, #tpu.memory_space<vmem>>, vector<16xf32>,
      %swap3A_782 = vector.shape_cast %swap3A_781 : vector<16xf32> to vector<16xf32>
      %swap3A_783 = vector.shape_cast %mul3A_779 : vector<16xf32> to vector<16xf32>
      tpu.vector_store %arg8[%swap3A_780], %swap3A_783 {strides = array<i32>} : memref<1216xf32, #tpu.memory_space<vmem>>, vector<16xf32>,
      %mul3A_784 = vector.broadcast %scan3A : f32 to vector<16xf32>
      %mul3A_785 = arith.mulf %scan3A_746#6, %mul3A_784 : vector<16xf32>
      %swap3A_786 = arith.constant 996 : index
      %swap3A_787 = tpu.vector_load %arg8[%swap3A_786] {strides = array<i32>} : memref<1216xf32, #tpu.memory_space<vmem>>, vector<16xf32>,
      %swap3A_788 = vector.shape_cast %swap3A_787 : vector<16xf32> to vector<16xf32>
      %swap3A_789 = vector.shape_cast %mul3A_785 : vector<16xf32> to vector<16xf32>
      tpu.vector_store %arg8[%swap3A_786], %swap3A_789 {strides = array<i32>} : memref<1216xf32, #tpu.memory_space<vmem>>, vector<16xf32>,
      %mul3A_790 = vector.broadcast %scan3A : f32 to vector<16xf32>
      %mul3A_791 = arith.mulf %scan3A_746#7, %mul3A_790 : vector<16xf32>
      %swap3A_792 = arith.constant 1012 : index
      %swap3A_793 = tpu.vector_load %arg8[%swap3A_792] {strides = array<i32>} : memref<1216xf32, #tpu.memory_space<vmem>>, vector<16xf32>,
      %swap3A_794 = vector.shape_cast %swap3A_793 : vector<16xf32> to vector<16xf32>
      %swap3A_795 = vector.shape_cast %mul3A_791 : vector<16xf32> to vector<16xf32>
      tpu.vector_store %arg8[%swap3A_792], %swap3A_795 {strides = array<i32>} : memref<1216xf32, #tpu.memory_space<vmem>>, vector<16xf32>,
      %mul3A_796 = vector.broadcast %scan3A : f32 to vector<16xf32>
      %mul3A_797 = arith.mulf %scan3A_746#8, %mul3A_796 : vector<16xf32>
      %swap3A_798 = arith.constant 1028 : index
      %swap3A_799 = tpu.vector_load %arg8[%swap3A_798] {strides = array<i32>} : memref<1216xf32, #tpu.memory_space<vmem>>, vector<16xf32>,
      %swap3A_800 = vector.shape_cast %swap3A_799 : vector<16xf32> to vector<16xf32>
      %swap3A_801 = vector.shape_cast %mul3A_797 : vector<16xf32> to vector<16xf32>
      tpu.vector_store %arg8[%swap3A_798], %swap3A_801 {strides = array<i32>} : memref<1216xf32, #tpu.memory_space<vmem>>, vector<16xf32>,
      %mul3A_802 = vector.broadcast %scan3A : f32 to vector<16xf32>
      %mul3A_803 = arith.mulf %scan3A_746#9, %mul3A_802 : vector<16xf32>
      %swap3A_804 = arith.constant 1044 : index
      %swap3A_805 = tpu.vector_load %arg8[%swap3A_804] {strides = array<i32>} : memref<1216xf32, #tpu.memory_space<vmem>>, vector<16xf32>,
      %swap3A_806 = vector.shape_cast %swap3A_805 : vector<16xf32> to vector<16xf32>
      %swap3A_807 = vector.shape_cast %mul3A_803 : vector<16xf32> to vector<16xf32>
      tpu.vector_store %arg8[%swap3A_804], %swap3A_807 {strides = array<i32>} : memref<1216xf32, #tpu.memory_space<vmem>>, vector<16xf32>,
      %mul3A_808 = vector.broadcast %scan3A : f32 to vector<16xf32>
      %mul3A_809 = arith.mulf %scan3A_746#10, %mul3A_808 : vector<16xf32>
      %swap3A_810 = arith.constant 1060 : index
      %swap3A_811 = tpu.vector_load %arg8[%swap3A_810] {strides = array<i32>} : memref<1216xf32, #tpu.memory_space<vmem>>, vector<16xf32>,
      %swap3A_812 = vector.shape_cast %swap3A_811 : vector<16xf32> to vector<16xf32>
      %swap3A_813 = vector.shape_cast %mul3A_809 : vector<16xf32> to vector<16xf32>
      tpu.vector_store %arg8[%swap3A_810], %swap3A_813 {strides = array<i32>} : memref<1216xf32, #tpu.memory_space<vmem>>, vector<16xf32>,
      %mul3A_814 = vector.broadcast %scan3A : f32 to vector<16xf32>
      %mul3A_815 = arith.mulf %scan3A_746#11, %mul3A_814 : vector<16xf32>
      %swap3A_816 = arith.constant 1076 : index
      %swap3A_817 = tpu.vector_load %arg8[%swap3A_816] {strides = array<i32>} : memref<1216xf32, #tpu.memory_space<vmem>>, vector<16xf32>,
      %swap3A_818 = vector.shape_cast %swap3A_817 : vector<16xf32> to vector<16xf32>
      %swap3A_819 = vector.shape_cast %mul3A_815 : vector<16xf32> to vector<16xf32>
      tpu.vector_store %arg8[%swap3A_816], %swap3A_819 {strides = array<i32>} : memref<1216xf32, #tpu.memory_space<vmem>>, vector<16xf32>,
      %mul3A_820 = vector.broadcast %scan3A : f32 to vector<16xf32>
      %mul3A_821 = arith.mulf %scan3A_746#12, %mul3A_820 : vector<16xf32>
      %swap3A_822 = arith.constant 1092 : index
      %swap3A_823 = tpu.vector_load %arg8[%swap3A_822] {strides = array<i32>} : memref<1216xf32, #tpu.memory_space<vmem>>, vector<16xf32>,
      %swap3A_824 = vector.shape_cast %swap3A_823 : vector<16xf32> to vector<16xf32>
      %swap3A_825 = vector.shape_cast %mul3A_821 : vector<16xf32> to vector<16xf32>
      tpu.vector_store %arg8[%swap3A_822], %swap3A_825 {strides = array<i32>} : memref<1216xf32, #tpu.memory_space<vmem>>, vector<16xf32>,
      %mul3A_826 = vector.broadcast %scan3A : f32 to vector<16xf32>
      %mul3A_827 = arith.mulf %scan3A_746#13, %mul3A_826 : vector<16xf32>
      %swap3A_828 = arith.constant 1108 : index
      %swap3A_829 = tpu.vector_load %arg8[%swap3A_828] {strides = array<i32>} : memref<1216xf32, #tpu.memory_space<vmem>>, vector<16xf32>,
      %swap3A_830 = vector.shape_cast %swap3A_829 : vector<16xf32> to vector<16xf32>
      %swap3A_831 = vector.shape_cast %mul3A_827 : vector<16xf32> to vector<16xf32>
      tpu.vector_store %arg8[%swap3A_828], %swap3A_831 {strides = array<i32>} : memref<1216xf32, #tpu.memory_space<vmem>>, vector<16xf32>,
      %mul3A_832 = vector.broadcast %scan3A : f32 to vector<16xf32>
      %mul3A_833 = arith.mulf %scan3A_746#14, %mul3A_832 : vector<16xf32>
      %swap3A_834 = arith.constant 1124 : index
      %swap3A_835 = tpu.vector_load %arg8[%swap3A_834] {strides = array<i32>} : memref<1216xf32, #tpu.memory_space<vmem>>, vector<16xf32>,
      %swap3A_836 = vector.shape_cast %swap3A_835 : vector<16xf32> to vector<16xf32>
      %swap3A_837 = vector.shape_cast %mul3A_833 : vector<16xf32> to vector<16xf32>
      tpu.vector_store %arg8[%swap3A_834], %swap3A_837 {strides = array<i32>} : memref<1216xf32, #tpu.memory_space<vmem>>, vector<16xf32>,
      %mul3A_838 = vector.broadcast %scan3A : f32 to vector<16xf32>
      %mul3A_839 = arith.mulf %scan3A_746#15, %mul3A_838 : vector<16xf32>
      %swap3A_840 = arith.constant 1140 : index
      %swap3A_841 = tpu.vector_load %arg8[%swap3A_840] {strides = array<i32>} : memref<1216xf32, #tpu.memory_space<vmem>>, vector<16xf32>,
      %swap3A_842 = vector.shape_cast %swap3A_841 : vector<16xf32> to vector<16xf32>
      %swap3A_843 = vector.shape_cast %mul3A_839 : vector<16xf32> to vector<16xf32>
      tpu.vector_store %arg8[%swap3A_840], %swap3A_843 {strides = array<i32>} : memref<1216xf32, #tpu.memory_space<vmem>>, vector<16xf32>,
      %mul3A_844 = vector.broadcast %scan3A : f32 to vector<16xf32>
      %mul3A_845 = arith.mulf %scan3A_746#16, %mul3A_844 : vector<16xf32>
      %swap3A_846 = arith.constant 1156 : index
      %swap3A_847 = tpu.vector_load %arg8[%swap3A_846] {strides = array<i32>} : memref<1216xf32, #tpu.memory_space<vmem>>, vector<16xf32>,
      %swap3A_848 = vector.shape_cast %swap3A_847 : vector<16xf32> to vector<16xf32>
      %swap3A_849 = vector.shape_cast %mul3A_845 : vector<16xf32> to vector<16xf32>
      tpu.vector_store %arg8[%swap3A_846], %swap3A_849 {strides = array<i32>} : memref<1216xf32, #tpu.memory_space<vmem>>, vector<16xf32>,
      %mul3A_850 = vector.broadcast %scan3A : f32 to vector<16xf32>
      %mul3A_851 = arith.mulf %scan3A_746#17, %mul3A_850 : vector<16xf32>
      %swap3A_852 = arith.constant 1172 : index
      %swap3A_853 = tpu.vector_load %arg8[%swap3A_852] {strides = array<i32>} : memref<1216xf32, #tpu.memory_space<vmem>>, vector<16xf32>,
      %swap3A_854 = vector.shape_cast %swap3A_853 : vector<16xf32> to vector<16xf32>
      %swap3A_855 = vector.shape_cast %mul3A_851 : vector<16xf32> to vector<16xf32>
      tpu.vector_store %arg8[%swap3A_852], %swap3A_855 {strides = array<i32>} : memref<1216xf32, #tpu.memory_space<vmem>>, vector<16xf32>,
      %mul3A_856 = vector.broadcast %scan3A : f32 to vector<16xf32>
      %mul3A_857 = arith.mulf %scan3A_746#18, %mul3A_856 : vector<16xf32>
      %swap3A_858 = arith.constant 1188 : index
      %swap3A_859 = tpu.vector_load %arg8[%swap3A_858] {strides = array<i32>} : memref<1216xf32, #tpu.memory_space<vmem>>, vector<16xf32>,
      %swap3A_860 = vector.shape_cast %swap3A_859 : vector<16xf32> to vector<16xf32>
      %swap3A_861 = vector.shape_cast %mul3A_857 : vector<16xf32> to vector<16xf32>
      tpu.vector_store %arg8[%swap3A_858], %swap3A_861 {strides = array<i32>} : memref<1216xf32, #tpu.memory_space<vmem>>, vector<16xf32>,
      %mul3A_862 = arith.constant 4 : i32
      %mul3A_863 = arith.muli %add3A_63, %mul3A_862 : i32
      %mul3A_864 = arith.constant 300 : i32
      %mul3A_865 = arith.muli %mul3A_863, %mul3A_864 : i32
      %add3A_866 = arith.addi %mul3A_8, %mul3A_865 : i32
      %dma_start3A_867 = arith.constant 0 : i32
      %dma_start3A_868 = tpu.memref_slice %arg8[%dma_start3A_867] : memref<1216xf32, #tpu.memory_space<vmem>> -> memref<1200xf32, #tpu.memory_space<vmem>>
      %dma_start3A_869 = tpu.memref_slice %arg4[%add3A_866] : memref<1228800xf32, #tpu.memory_space<hbm>> -> memref<1200xf32, #tpu.memory_space<hbm>>
      %dma_start3A_870 = tpu.memref_slice %arg4[%add3A_866] : memref<1228800xf32, #tpu.memory_space<hbm>> -> memref<1200xf32, #tpu.memory_space<hbm>>
      %dma_start3A_871 = arith.constant 0 : i32
      %dma_start3A_872 = tpu.memref_slice %arg8[%dma_start3A_871] : memref<1216xf32, #tpu.memory_space<vmem>> -> memref<1200xf32, #tpu.memory_space<vmem>>
      tpu.enqueue_dma source(%dma_start3A_872 : memref<1200xf32, #tpu.memory_space<vmem>>) target(%dma_start3A_870 : memref<1200xf32, #tpu.memory_space<hbm>>) target_semaphore(%arg13 : memref<!tpu.dma_semaphore, #tpu.memory_space<semaphore_mem>>)
      %add3A_873 = arith.constant 1 : i32
      %add3A_874 = arith.addi %add3A_63, %add3A_873 : i32
      %lt3A_875 = arith.constant 32 : i32
      %lt3A_876 = arith.cmpi slt, %add3A_874, %lt3A_875 : i32
      %convert_element_type3A_877 = arith.extui %lt3A_876 : i1 to i32
      %cond3A_878 = arith.constant 0 : i32
      %cond3A_879 = arith.cmpi ne, %convert_element_type3A_877, %cond3A_878 : i32
      scf.if %cond3A_879 {
        %add3A_1704 = arith.constant 1 : i32
        %add3A_1705 = arith.addi %add3A_63, %add3A_1704 : i32
        %mul3A_1706 = arith.constant 200 : i32
        %mul3A_1707 = arith.muli %add3A_1705, %mul3A_1706 : i32
        %add3A_1708 = arith.constant 104 : i32
        %add3A_1709 = arith.addi %mul3A_1707, %add3A_1708 : i32
        %dma_start3A_1710 = arith.constant 0 : i32
        %dma_start3A_1711 = arith.constant 0 : i32
        %dma_start3A_1712 = tpu.memref_slice %arg7[%dma_start3A_1710, %dma_start3A_1711] : memref<104x384xf32, #tpu.memory_space<vmem>> -> memref<96x384xf32, #tpu.memory_space<vmem>>
        %dma_start3A_1713 = tpu.memref_slice %arg5[%add3A_1709] : memref<6400xi32, #tpu.memory_space<vmem>> -> memref<96xi32, #tpu.memory_space<vmem>>
        %dma_start3A_1714 = arith.constant 0 : i32
        %dma_start3A_1715 = arith.constant 0 : i32
        %dma_start3A_1716 = tpu.memref_slice %arg3[%dma_start3A_1714, %dma_start3A_1715] : memref<100000x384xf32, #tpu.memory_space<hbm>> -> memref<100000x384xf32, #tpu.memory_space<hbm>>
        tpu.enqueue_indirect_dma source(%dma_start3A_1716 : memref<100000x384xf32, #tpu.memory_space<hbm>>) target(%dma_start3A_1712 : memref<96x384xf32, #tpu.memory_space<vmem>>) offsets(%dma_start3A_1713 : memref<96xi32, #tpu.memory_space<vmem>>) semaphore(%arg12 : memref<!tpu.dma_semaphore, #tpu.memory_space<semaphore_mem>>)
      } else {
      }
      %add3A_880 = arith.constant 1 : i32
      %add3A_881 = arith.addi %add3A_61, %add3A_880 : i32
      %dma_wait3A_882 = arith.constant 0 : i32
      %dma_wait3A_883 = arith.constant 0 : i32
      %dma_wait3A_884 = tpu.memref_slice %arg3[%dma_wait3A_882, %dma_wait3A_883] : memref<100000x384xf32, #tpu.memory_space<hbm>> -> memref<104x384xf32, #tpu.memory_space<hbm>>
      %dma_wait3A_885 = arith.constant 0 : i32
      %dma_wait3A_886 = arith.constant 0 : i32
      %dma_wait3A_887 = tpu.memref_slice %arg3[%dma_wait3A_885, %dma_wait3A_886] : memref<100000x384xf32, #tpu.memory_space<hbm>> -> memref<104x384xf32, #tpu.memory_space<hbm>>
      tpu.wait_dma2 semaphore(%arg11 : memref<!tpu.dma_semaphore, #tpu.memory_space<semaphore_mem>>) src(%dma_wait3A_887 : memref<104x384xf32, #tpu.memory_space<hbm>>) dst(%arg6 : memref<104x384xf32, #tpu.memory_space<vmem>>)
      %dma_wait3A_888 = arith.constant 0 : i32
      %dma_wait3A_889 = tpu.memref_slice %arg9[%dma_wait3A_888] : memref<1216xf32, #tpu.memory_space<vmem>> -> memref<1200xf32, #tpu.memory_space<vmem>>
      %dma_wait3A_890 = arith.constant 0 : i32
      %dma_wait3A_891 = tpu.memref_slice %arg4[%dma_wait3A_890] : memref<1228800xf32, #tpu.memory_space<hbm>> -> memref<1200xf32, #tpu.memory_space<hbm>>
      %dma_wait3A_892 = arith.constant 0 : i32
      %dma_wait3A_893 = tpu.memref_slice %arg9[%dma_wait3A_892] : memref<1216xf32, #tpu.memory_space<vmem>> -> memref<1200xf32, #tpu.memory_space<vmem>>
      %dma_wait3A_894 = arith.constant 0 : i32
      %dma_wait3A_895 = tpu.memref_slice %arg4[%dma_wait3A_894] : memref<1228800xf32, #tpu.memory_space<hbm>> -> memref<1200xf32, #tpu.memory_space<hbm>>
      tpu.wait_dma2 semaphore(%arg14 : memref<!tpu.dma_semaphore, #tpu.memory_space<semaphore_mem>>) src(%dma_wait3A_895 : memref<1200xf32, #tpu.memory_space<hbm>>) dst(%dma_wait3A_893 : memref<1200xf32, #tpu.memory_space<vmem>>)
      %broadcast_in_dim3A_896 = arith.constant 0.000000e+00 : f32
      %broadcast_in_dim3A_897 = vector.broadcast %broadcast_in_dim3A_896 : f32 to vector<16xf32>
      %broadcast_in_dim3A_898 = arith.constant 0.000000e+00 : f32
      %broadcast_in_dim3A_899 = vector.broadcast %broadcast_in_dim3A_898 : f32 to vector<16xf32>
      %broadcast_in_dim3A_900 = arith.constant 0.000000e+00 : f32
      %broadcast_in_dim3A_901 = vector.broadcast %broadcast_in_dim3A_900 : f32 to vector<16xf32>
      %broadcast_in_dim3A_902 = arith.constant 0.000000e+00 : f32
      %broadcast_in_dim3A_903 = vector.broadcast %broadcast_in_dim3A_902 : f32 to vector<16xf32>
      %broadcast_in_dim3A_904 = arith.constant 0.000000e+00 : f32
      %broadcast_in_dim3A_905 = vector.broadcast %broadcast_in_dim3A_904 : f32 to vector<16xf32>
      %broadcast_in_dim3A_906 = arith.constant 0.000000e+00 : f32
      %broadcast_in_dim3A_907 = vector.broadcast %broadcast_in_dim3A_906 : f32 to vector<16xf32>
      %broadcast_in_dim3A_908 = arith.constant 0.000000e+00 : f32
      %broadcast_in_dim3A_909 = vector.broadcast %broadcast_in_dim3A_908 : f32 to vector<16xf32>
      %broadcast_in_dim3A_910 = arith.constant 0.000000e+00 : f32
      %broadcast_in_dim3A_911 = vector.broadcast %broadcast_in_dim3A_910 : f32 to vector<16xf32>
      %broadcast_in_dim3A_912 = arith.constant 0.000000e+00 : f32
      %broadcast_in_dim3A_913 = vector.broadcast %broadcast_in_dim3A_912 : f32 to vector<16xf32>
      %broadcast_in_dim3A_914 = arith.constant 0.000000e+00 : f32
      %broadcast_in_dim3A_915 = vector.broadcast %broadcast_in_dim3A_914 : f32 to vector<16xf32>
      %broadcast_in_dim3A_916 = arith.constant 0.000000e+00 : f32
      %broadcast_in_dim3A_917 = vector.broadcast %broadcast_in_dim3A_916 : f32 to vector<16xf32>
      %broadcast_in_dim3A_918 = arith.constant 0.000000e+00 : f32
      %broadcast_in_dim3A_919 = vector.broadcast %broadcast_in_dim3A_918 : f32 to vector<16xf32>
      %broadcast_in_dim3A_920 = arith.constant 0.000000e+00 : f32
      %broadcast_in_dim3A_921 = vector.broadcast %broadcast_in_dim3A_920 : f32 to vector<16xf32>
      %broadcast_in_dim3A_922 = arith.constant 0.000000e+00 : f32
      %broadcast_in_dim3A_923 = vector.broadcast %broadcast_in_dim3A_922 : f32 to vector<16xf32>
      %broadcast_in_dim3A_924 = arith.constant 0.000000e+00 : f32
      %broadcast_in_dim3A_925 = vector.broadcast %broadcast_in_dim3A_924 : f32 to vector<16xf32>
      %broadcast_in_dim3A_926 = arith.constant 0.000000e+00 : f32
      %broadcast_in_dim3A_927 = vector.broadcast %broadcast_in_dim3A_926 : f32 to vector<16xf32>
      %broadcast_in_dim3A_928 = arith.constant 0.000000e+00 : f32
      %broadcast_in_dim3A_929 = vector.broadcast %broadcast_in_dim3A_928 : f32 to vector<16xf32>
      %broadcast_in_dim3A_930 = arith.constant 0.000000e+00 : f32
      %broadcast_in_dim3A_931 = vector.broadcast %broadcast_in_dim3A_930 : f32 to vector<16xf32>
      %broadcast_in_dim3A_932 = arith.constant 0.000000e+00 : f32
      %broadcast_in_dim3A_933 = vector.broadcast %broadcast_in_dim3A_932 : f32 to vector<16xf32>
      %scan3A_934 = arith.constant 0 : i32
      %scan3A_935 = arith.constant 50 : i32
      %scan3A_936 = arith.addi %scan3A_934, %scan3A_935 : i32
      %scan3A_937 = arith.constant 1 : i32
      %scan3A_938:19 = scf.for %scan3A_1704 = %scan3A_934 to %scan3A_936 step %scan3A_937 iter_args(%scan3A_1705 = %broadcast_in_dim3A_897, %scan3A_1706 = %broadcast_in_dim3A_899, %scan3A_1707 = %broadcast_in_dim3A_901, %scan3A_1708 = %broadcast_in_dim3A_903, %scan3A_1709 = %broadcast_in_dim3A_905, %scan3A_1710 = %broadcast_in_dim3A_907, %scan3A_1711 = %broadcast_in_dim3A_909, %scan3A_1712 = %broadcast_in_dim3A_911, %scan3A_1713 = %broadcast_in_dim3A_913, %scan3A_1714 = %broadcast_in_dim3A_915, %scan3A_1715 = %broadcast_in_dim3A_917, %scan3A_1716 = %broadcast_in_dim3A_919, %scan3A_1717 = %broadcast_in_dim3A_921, %scan3A_1718 = %broadcast_in_dim3A_923, %scan3A_1719 = %broadcast_in_dim3A_925, %scan3A_1720 = %broadcast_in_dim3A_927, %scan3A_1721 = %broadcast_in_dim3A_929, %scan3A_1722 = %broadcast_in_dim3A_931, %scan3A_1723 = %broadcast_in_dim3A_933) -> (vector<16xf32>, vector<16xf32>, vector<16xf32>, vector<16xf32>, vector<16xf32>, vector<16xf32>, vector<16xf32>, vector<16xf32>, vector<16xf32>, vector<16xf32>, vector<16xf32>, vector<16xf32>, vector<16xf32>, vector<16xf32>, vector<16xf32>, vector<16xf32>, vector<16xf32>, vector<16xf32>, vector<16xf32>)  : i32 {
        %add3A_1724 = arith.constant 0 : i32
        %add3A_1725 = arith.addi %add3A_1724, %scan3A_1704 : i32
        %get3A_1726 = arith.index_cast %add3A_1725 : i32 to index
        %get3A_1727 = arith.constant 0 : index
        %get3A_1728 = tpu.vector_load %arg6[%get3A_1726, %get3A_1727] {strides = array<i32>} : memref<104x384xf32, #tpu.memory_space<vmem>>, vector<1x16xf32>,
        %get3A_1729 = vector.shape_cast %get3A_1728 : vector<1x16xf32> to vector<16xf32>
        %add3A_1730 = arith.addf %scan3A_1705, %get3A_1729 : vector<16xf32>
        %add3A_1731 = arith.constant 0 : i32
        %add3A_1732 = arith.addi %add3A_1731, %scan3A_1704 : i32
        %get3A_1733 = arith.index_cast %add3A_1732 : i32 to index
        %get3A_1734 = arith.constant 16 : index
        %get3A_1735 = tpu.vector_load %arg6[%get3A_1733, %get3A_1734] {strides = array<i32>} : memref<104x384xf32, #tpu.memory_space<vmem>>, vector<1x16xf32>,
        %get3A_1736 = vector.shape_cast %get3A_1735 : vector<1x16xf32> to vector<16xf32>
        %add3A_1737 = arith.addf %scan3A_1706, %get3A_1736 : vector<16xf32>
        %add3A_1738 = arith.constant 0 : i32
        %add3A_1739 = arith.addi %add3A_1738, %scan3A_1704 : i32
        %get3A_1740 = arith.index_cast %add3A_1739 : i32 to index
        %get3A_1741 = arith.constant 32 : index
        %get3A_1742 = tpu.vector_load %arg6[%get3A_1740, %get3A_1741] {strides = array<i32>} : memref<104x384xf32, #tpu.memory_space<vmem>>, vector<1x16xf32>,
        %get3A_1743 = vector.shape_cast %get3A_1742 : vector<1x16xf32> to vector<16xf32>
        %add3A_1744 = arith.addf %scan3A_1707, %get3A_1743 : vector<16xf32>
        %add3A_1745 = arith.constant 0 : i32
        %add3A_1746 = arith.addi %add3A_1745, %scan3A_1704 : i32
        %get3A_1747 = arith.index_cast %add3A_1746 : i32 to index
        %get3A_1748 = arith.constant 48 : index
        %get3A_1749 = tpu.vector_load %arg6[%get3A_1747, %get3A_1748] {strides = array<i32>} : memref<104x384xf32, #tpu.memory_space<vmem>>, vector<1x16xf32>,
        %get3A_1750 = vector.shape_cast %get3A_1749 : vector<1x16xf32> to vector<16xf32>
        %add3A_1751 = arith.addf %scan3A_1708, %get3A_1750 : vector<16xf32>
        %add3A_1752 = arith.constant 0 : i32
        %add3A_1753 = arith.addi %add3A_1752, %scan3A_1704 : i32
        %get3A_1754 = arith.index_cast %add3A_1753 : i32 to index
        %get3A_1755 = arith.constant 64 : index
        %get3A_1756 = tpu.vector_load %arg6[%get3A_1754, %get3A_1755] {strides = array<i32>} : memref<104x384xf32, #tpu.memory_space<vmem>>, vector<1x16xf32>,
        %get3A_1757 = vector.shape_cast %get3A_1756 : vector<1x16xf32> to vector<16xf32>
        %add3A_1758 = arith.addf %scan3A_1709, %get3A_1757 : vector<16xf32>
        %add3A_1759 = arith.constant 0 : i32
        %add3A_1760 = arith.addi %add3A_1759, %scan3A_1704 : i32
        %get3A_1761 = arith.index_cast %add3A_1760 : i32 to index
        %get3A_1762 = arith.constant 80 : index
        %get3A_1763 = tpu.vector_load %arg6[%get3A_1761, %get3A_1762] {strides = array<i32>} : memref<104x384xf32, #tpu.memory_space<vmem>>, vector<1x16xf32>,
        %get3A_1764 = vector.shape_cast %get3A_1763 : vector<1x16xf32> to vector<16xf32>
        %add3A_1765 = arith.addf %scan3A_1710, %get3A_1764 : vector<16xf32>
        %add3A_1766 = arith.constant 0 : i32
        %add3A_1767 = arith.addi %add3A_1766, %scan3A_1704 : i32
        %get3A_1768 = arith.index_cast %add3A_1767 : i32 to index
        %get3A_1769 = arith.constant 96 : index
        %get3A_1770 = tpu.vector_load %arg6[%get3A_1768, %get3A_1769] {strides = array<i32>} : memref<104x384xf32, #tpu.memory_space<vmem>>, vector<1x16xf32>,
        %get3A_1771 = vector.shape_cast %get3A_1770 : vector<1x16xf32> to vector<16xf32>
        %add3A_1772 = arith.addf %scan3A_1711, %get3A_1771 : vector<16xf32>
        %add3A_1773 = arith.constant 0 : i32
        %add3A_1774 = arith.addi %add3A_1773, %scan3A_1704 : i32
        %get3A_1775 = arith.index_cast %add3A_1774 : i32 to index
        %get3A_1776 = arith.constant 112 : index
        %get3A_1777 = tpu.vector_load %arg6[%get3A_1775, %get3A_1776] {strides = array<i32>} : memref<104x384xf32, #tpu.memory_space<vmem>>, vector<1x16xf32>,
        %get3A_1778 = vector.shape_cast %get3A_1777 : vector<1x16xf32> to vector<16xf32>
        %add3A_1779 = arith.addf %scan3A_1712, %get3A_1778 : vector<16xf32>
        %add3A_1780 = arith.constant 0 : i32
        %add3A_1781 = arith.addi %add3A_1780, %scan3A_1704 : i32
        %get3A_1782 = arith.index_cast %add3A_1781 : i32 to index
        %get3A_1783 = arith.constant 128 : index
        %get3A_1784 = tpu.vector_load %arg6[%get3A_1782, %get3A_1783] {strides = array<i32>} : memref<104x384xf32, #tpu.memory_space<vmem>>, vector<1x16xf32>,
        %get3A_1785 = vector.shape_cast %get3A_1784 : vector<1x16xf32> to vector<16xf32>
        %add3A_1786 = arith.addf %scan3A_1713, %get3A_1785 : vector<16xf32>
        %add3A_1787 = arith.constant 0 : i32
        %add3A_1788 = arith.addi %add3A_1787, %scan3A_1704 : i32
        %get3A_1789 = arith.index_cast %add3A_1788 : i32 to index
        %get3A_1790 = arith.constant 144 : index
        %get3A_1791 = tpu.vector_load %arg6[%get3A_1789, %get3A_1790] {strides = array<i32>} : memref<104x384xf32, #tpu.memory_space<vmem>>, vector<1x16xf32>,
        %get3A_1792 = vector.shape_cast %get3A_1791 : vector<1x16xf32> to vector<16xf32>
        %add3A_1793 = arith.addf %scan3A_1714, %get3A_1792 : vector<16xf32>
        %add3A_1794 = arith.constant 0 : i32
        %add3A_1795 = arith.addi %add3A_1794, %scan3A_1704 : i32
        %get3A_1796 = arith.index_cast %add3A_1795 : i32 to index
        %get3A_1797 = arith.constant 160 : index
        %get3A_1798 = tpu.vector_load %arg6[%get3A_1796, %get3A_1797] {strides = array<i32>} : memref<104x384xf32, #tpu.memory_space<vmem>>, vector<1x16xf32>,
        %get3A_1799 = vector.shape_cast %get3A_1798 : vector<1x16xf32> to vector<16xf32>
        %add3A_1800 = arith.addf %scan3A_1715, %get3A_1799 : vector<16xf32>
        %add3A_1801 = arith.constant 0 : i32
        %add3A_1802 = arith.addi %add3A_1801, %scan3A_1704 : i32
        %get3A_1803 = arith.index_cast %add3A_1802 : i32 to index
        %get3A_1804 = arith.constant 176 : index
        %get3A_1805 = tpu.vector_load %arg6[%get3A_1803, %get3A_1804] {strides = array<i32>} : memref<104x384xf32, #tpu.memory_space<vmem>>, vector<1x16xf32>,
        %get3A_1806 = vector.shape_cast %get3A_1805 : vector<1x16xf32> to vector<16xf32>
        %add3A_1807 = arith.addf %scan3A_1716, %get3A_1806 : vector<16xf32>
        %add3A_1808 = arith.constant 0 : i32
        %add3A_1809 = arith.addi %add3A_1808, %scan3A_1704 : i32
        %get3A_1810 = arith.index_cast %add3A_1809 : i32 to index
        %get3A_1811 = arith.constant 192 : index
        %get3A_1812 = tpu.vector_load %arg6[%get3A_1810, %get3A_1811] {strides = array<i32>} : memref<104x384xf32, #tpu.memory_space<vmem>>, vector<1x16xf32>,
        %get3A_1813 = vector.shape_cast %get3A_1812 : vector<1x16xf32> to vector<16xf32>
        %add3A_1814 = arith.addf %scan3A_1717, %get3A_1813 : vector<16xf32>
        %add3A_1815 = arith.constant 0 : i32
        %add3A_1816 = arith.addi %add3A_1815, %scan3A_1704 : i32
        %get3A_1817 = arith.index_cast %add3A_1816 : i32 to index
        %get3A_1818 = arith.constant 208 : index
        %get3A_1819 = tpu.vector_load %arg6[%get3A_1817, %get3A_1818] {strides = array<i32>} : memref<104x384xf32, #tpu.memory_space<vmem>>, vector<1x16xf32>,
        %get3A_1820 = vector.shape_cast %get3A_1819 : vector<1x16xf32> to vector<16xf32>
        %add3A_1821 = arith.addf %scan3A_1718, %get3A_1820 : vector<16xf32>
        %add3A_1822 = arith.constant 0 : i32
        %add3A_1823 = arith.addi %add3A_1822, %scan3A_1704 : i32
        %get3A_1824 = arith.index_cast %add3A_1823 : i32 to index
        %get3A_1825 = arith.constant 224 : index
        %get3A_1826 = tpu.vector_load %arg6[%get3A_1824, %get3A_1825] {strides = array<i32>} : memref<104x384xf32, #tpu.memory_space<vmem>>, vector<1x16xf32>,
        %get3A_1827 = vector.shape_cast %get3A_1826 : vector<1x16xf32> to vector<16xf32>
        %add3A_1828 = arith.addf %scan3A_1719, %get3A_1827 : vector<16xf32>
        %add3A_1829 = arith.constant 0 : i32
        %add3A_1830 = arith.addi %add3A_1829, %scan3A_1704 : i32
        %get3A_1831 = arith.index_cast %add3A_1830 : i32 to index
        %get3A_1832 = arith.constant 240 : index
        %get3A_1833 = tpu.vector_load %arg6[%get3A_1831, %get3A_1832] {strides = array<i32>} : memref<104x384xf32, #tpu.memory_space<vmem>>, vector<1x16xf32>,
        %get3A_1834 = vector.shape_cast %get3A_1833 : vector<1x16xf32> to vector<16xf32>
        %add3A_1835 = arith.addf %scan3A_1720, %get3A_1834 : vector<16xf32>
        %add3A_1836 = arith.constant 0 : i32
        %add3A_1837 = arith.addi %add3A_1836, %scan3A_1704 : i32
        %get3A_1838 = arith.index_cast %add3A_1837 : i32 to index
        %get3A_1839 = arith.constant 256 : index
        %get3A_1840 = tpu.vector_load %arg6[%get3A_1838, %get3A_1839] {strides = array<i32>} : memref<104x384xf32, #tpu.memory_space<vmem>>, vector<1x16xf32>,
        %get3A_1841 = vector.shape_cast %get3A_1840 : vector<1x16xf32> to vector<16xf32>
        %add3A_1842 = arith.addf %scan3A_1721, %get3A_1841 : vector<16xf32>
        %add3A_1843 = arith.constant 0 : i32
        %add3A_1844 = arith.addi %add3A_1843, %scan3A_1704 : i32
        %get3A_1845 = arith.index_cast %add3A_1844 : i32 to index
        %get3A_1846 = arith.constant 272 : index
        %get3A_1847 = tpu.vector_load %arg6[%get3A_1845, %get3A_1846] {strides = array<i32>} : memref<104x384xf32, #tpu.memory_space<vmem>>, vector<1x16xf32>,
        %get3A_1848 = vector.shape_cast %get3A_1847 : vector<1x16xf32> to vector<16xf32>
        %add3A_1849 = arith.addf %scan3A_1722, %get3A_1848 : vector<16xf32>
        %add3A_1850 = arith.constant 0 : i32
        %add3A_1851 = arith.addi %add3A_1850, %scan3A_1704 : i32
        %get3A_1852 = arith.index_cast %add3A_1851 : i32 to index
        %get3A_1853 = arith.constant 288 : index
        %get3A_1854 = tpu.vector_load %arg6[%get3A_1852, %get3A_1853] {strides = array<i32>} : memref<104x384xf32, #tpu.memory_space<vmem>>, vector<1x16xf32>,
        %get3A_1855 = vector.shape_cast %get3A_1854 : vector<1x16xf32> to vector<16xf32>
        %add3A_1856 = arith.addf %scan3A_1723, %get3A_1855 : vector<16xf32>
        scf.yield %add3A_1730, %add3A_1737, %add3A_1744, %add3A_1751, %add3A_1758, %add3A_1765, %add3A_1772, %add3A_1779, %add3A_1786, %add3A_1793, %add3A_1800, %add3A_1807, %add3A_1814, %add3A_1821, %add3A_1828, %add3A_1835, %add3A_1842, %add3A_1849, %add3A_1856 : vector<16xf32>, vector<16xf32>, vector<16xf32>, vector<16xf32>, vector<16xf32>, vector<16xf32>, vector<16xf32>, vector<16xf32>, vector<16xf32>, vector<16xf32>, vector<16xf32>, vector<16xf32>, vector<16xf32>, vector<16xf32>, vector<16xf32>, vector<16xf32>, vector<16xf32>, vector<16xf32>, vector<16xf32>
      }
      %scan3A_939 = arith.constant 50 : i32
      %mul3A_940 = vector.broadcast %scan3A : f32 to vector<16xf32>
      %mul3A_941 = arith.mulf %scan3A_938#0, %mul3A_940 : vector<16xf32>
      %swap3A_942 = arith.constant 0 : index
      %swap3A_943 = tpu.vector_load %arg9[%swap3A_942] {strides = array<i32>} : memref<1216xf32, #tpu.memory_space<vmem>>, vector<16xf32>,
      %swap3A_944 = vector.shape_cast %swap3A_943 : vector<16xf32> to vector<16xf32>
      %swap3A_945 = vector.shape_cast %mul3A_941 : vector<16xf32> to vector<16xf32>
      tpu.vector_store %arg9[%swap3A_942], %swap3A_945 {strides = array<i32>} : memref<1216xf32, #tpu.memory_space<vmem>>, vector<16xf32>,
      %mul3A_946 = vector.broadcast %scan3A : f32 to vector<16xf32>
      %mul3A_947 = arith.mulf %scan3A_938#1, %mul3A_946 : vector<16xf32>
      %swap3A_948 = arith.constant 16 : index
      %swap3A_949 = tpu.vector_load %arg9[%swap3A_948] {strides = array<i32>} : memref<1216xf32, #tpu.memory_space<vmem>>, vector<16xf32>,
      %swap3A_950 = vector.shape_cast %swap3A_949 : vector<16xf32> to vector<16xf32>
      %swap3A_951 = vector.shape_cast %mul3A_947 : vector<16xf32> to vector<16xf32>
      tpu.vector_store %arg9[%swap3A_948], %swap3A_951 {strides = array<i32>} : memref<1216xf32, #tpu.memory_space<vmem>>, vector<16xf32>,
      %mul3A_952 = vector.broadcast %scan3A : f32 to vector<16xf32>
      %mul3A_953 = arith.mulf %scan3A_938#2, %mul3A_952 : vector<16xf32>
      %swap3A_954 = arith.constant 32 : index
      %swap3A_955 = tpu.vector_load %arg9[%swap3A_954] {strides = array<i32>} : memref<1216xf32, #tpu.memory_space<vmem>>, vector<16xf32>,
      %swap3A_956 = vector.shape_cast %swap3A_955 : vector<16xf32> to vector<16xf32>
      %swap3A_957 = vector.shape_cast %mul3A_953 : vector<16xf32> to vector<16xf32>
      tpu.vector_store %arg9[%swap3A_954], %swap3A_957 {strides = array<i32>} : memref<1216xf32, #tpu.memory_space<vmem>>, vector<16xf32>,
      %mul3A_958 = vector.broadcast %scan3A : f32 to vector<16xf32>
      %mul3A_959 = arith.mulf %scan3A_938#3, %mul3A_958 : vector<16xf32>
      %swap3A_960 = arith.constant 48 : index
      %swap3A_961 = tpu.vector_load %arg9[%swap3A_960] {strides = array<i32>} : memref<1216xf32, #tpu.memory_space<vmem>>, vector<16xf32>,
      %swap3A_962 = vector.shape_cast %swap3A_961 : vector<16xf32> to vector<16xf32>
      %swap3A_963 = vector.shape_cast %mul3A_959 : vector<16xf32> to vector<16xf32>
      tpu.vector_store %arg9[%swap3A_960], %swap3A_963 {strides = array<i32>} : memref<1216xf32, #tpu.memory_space<vmem>>, vector<16xf32>,
      %mul3A_964 = vector.broadcast %scan3A : f32 to vector<16xf32>
      %mul3A_965 = arith.mulf %scan3A_938#4, %mul3A_964 : vector<16xf32>
      %swap3A_966 = arith.constant 64 : index
      %swap3A_967 = tpu.vector_load %arg9[%swap3A_966] {strides = array<i32>} : memref<1216xf32, #tpu.memory_space<vmem>>, vector<16xf32>,
      %swap3A_968 = vector.shape_cast %swap3A_967 : vector<16xf32> to vector<16xf32>
      %swap3A_969 = vector.shape_cast %mul3A_965 : vector<16xf32> to vector<16xf32>
      tpu.vector_store %arg9[%swap3A_966], %swap3A_969 {strides = array<i32>} : memref<1216xf32, #tpu.memory_space<vmem>>, vector<16xf32>,
      %mul3A_970 = vector.broadcast %scan3A : f32 to vector<16xf32>
      %mul3A_971 = arith.mulf %scan3A_938#5, %mul3A_970 : vector<16xf32>
      %swap3A_972 = arith.constant 80 : index
      %swap3A_973 = tpu.vector_load %arg9[%swap3A_972] {strides = array<i32>} : memref<1216xf32, #tpu.memory_space<vmem>>, vector<16xf32>,
      %swap3A_974 = vector.shape_cast %swap3A_973 : vector<16xf32> to vector<16xf32>
      %swap3A_975 = vector.shape_cast %mul3A_971 : vector<16xf32> to vector<16xf32>
      tpu.vector_store %arg9[%swap3A_972], %swap3A_975 {strides = array<i32>} : memref<1216xf32, #tpu.memory_space<vmem>>, vector<16xf32>,
      %mul3A_976 = vector.broadcast %scan3A : f32 to vector<16xf32>
      %mul3A_977 = arith.mulf %scan3A_938#6, %mul3A_976 : vector<16xf32>
      %swap3A_978 = arith.constant 96 : index
      %swap3A_979 = tpu.vector_load %arg9[%swap3A_978] {strides = array<i32>} : memref<1216xf32, #tpu.memory_space<vmem>>, vector<16xf32>,
      %swap3A_980 = vector.shape_cast %swap3A_979 : vector<16xf32> to vector<16xf32>
      %swap3A_981 = vector.shape_cast %mul3A_977 : vector<16xf32> to vector<16xf32>
      tpu.vector_store %arg9[%swap3A_978], %swap3A_981 {strides = array<i32>} : memref<1216xf32, #tpu.memory_space<vmem>>, vector<16xf32>,
      %mul3A_982 = vector.broadcast %scan3A : f32 to vector<16xf32>
      %mul3A_983 = arith.mulf %scan3A_938#7, %mul3A_982 : vector<16xf32>
      %swap3A_984 = arith.constant 112 : index
      %swap3A_985 = tpu.vector_load %arg9[%swap3A_984] {strides = array<i32>} : memref<1216xf32, #tpu.memory_space<vmem>>, vector<16xf32>,
      %swap3A_986 = vector.shape_cast %swap3A_985 : vector<16xf32> to vector<16xf32>
      %swap3A_987 = vector.shape_cast %mul3A_983 : vector<16xf32> to vector<16xf32>
      tpu.vector_store %arg9[%swap3A_984], %swap3A_987 {strides = array<i32>} : memref<1216xf32, #tpu.memory_space<vmem>>, vector<16xf32>,
      %mul3A_988 = vector.broadcast %scan3A : f32 to vector<16xf32>
      %mul3A_989 = arith.mulf %scan3A_938#8, %mul3A_988 : vector<16xf32>
      %swap3A_990 = arith.constant 128 : index
      %swap3A_991 = tpu.vector_load %arg9[%swap3A_990] {strides = array<i32>} : memref<1216xf32, #tpu.memory_space<vmem>>, vector<16xf32>,
      %swap3A_992 = vector.shape_cast %swap3A_991 : vector<16xf32> to vector<16xf32>
      %swap3A_993 = vector.shape_cast %mul3A_989 : vector<16xf32> to vector<16xf32>
      tpu.vector_store %arg9[%swap3A_990], %swap3A_993 {strides = array<i32>} : memref<1216xf32, #tpu.memory_space<vmem>>, vector<16xf32>,
      %mul3A_994 = vector.broadcast %scan3A : f32 to vector<16xf32>
      %mul3A_995 = arith.mulf %scan3A_938#9, %mul3A_994 : vector<16xf32>
      %swap3A_996 = arith.constant 144 : index
      %swap3A_997 = tpu.vector_load %arg9[%swap3A_996] {strides = array<i32>} : memref<1216xf32, #tpu.memory_space<vmem>>, vector<16xf32>,
      %swap3A_998 = vector.shape_cast %swap3A_997 : vector<16xf32> to vector<16xf32>
      %swap3A_999 = vector.shape_cast %mul3A_995 : vector<16xf32> to vector<16xf32>
      tpu.vector_store %arg9[%swap3A_996], %swap3A_999 {strides = array<i32>} : memref<1216xf32, #tpu.memory_space<vmem>>, vector<16xf32>,
      %mul3A_1000 = vector.broadcast %scan3A : f32 to vector<16xf32>
      %mul3A_1001 = arith.mulf %scan3A_938#10, %mul3A_1000 : vector<16xf32>
      %swap3A_1002 = arith.constant 160 : index
      %swap3A_1003 = tpu.vector_load %arg9[%swap3A_1002] {strides = array<i32>} : memref<1216xf32, #tpu.memory_space<vmem>>, vector<16xf32>,
      %swap3A_1004 = vector.shape_cast %swap3A_1003 : vector<16xf32> to vector<16xf32>
      %swap3A_1005 = vector.shape_cast %mul3A_1001 : vector<16xf32> to vector<16xf32>
      tpu.vector_store %arg9[%swap3A_1002], %swap3A_1005 {strides = array<i32>} : memref<1216xf32, #tpu.memory_space<vmem>>, vector<16xf32>,
      %mul3A_1006 = vector.broadcast %scan3A : f32 to vector<16xf32>
      %mul3A_1007 = arith.mulf %scan3A_938#11, %mul3A_1006 : vector<16xf32>
      %swap3A_1008 = arith.constant 176 : index
      %swap3A_1009 = tpu.vector_load %arg9[%swap3A_1008] {strides = array<i32>} : memref<1216xf32, #tpu.memory_space<vmem>>, vector<16xf32>,
      %swap3A_1010 = vector.shape_cast %swap3A_1009 : vector<16xf32> to vector<16xf32>
      %swap3A_1011 = vector.shape_cast %mul3A_1007 : vector<16xf32> to vector<16xf32>
      tpu.vector_store %arg9[%swap3A_1008], %swap3A_1011 {strides = array<i32>} : memref<1216xf32, #tpu.memory_space<vmem>>, vector<16xf32>,
      %mul3A_1012 = vector.broadcast %scan3A : f32 to vector<16xf32>
      %mul3A_1013 = arith.mulf %scan3A_938#12, %mul3A_1012 : vector<16xf32>
      %swap3A_1014 = arith.constant 192 : index
      %swap3A_1015 = tpu.vector_load %arg9[%swap3A_1014] {strides = array<i32>} : memref<1216xf32, #tpu.memory_space<vmem>>, vector<16xf32>,
      %swap3A_1016 = vector.shape_cast %swap3A_1015 : vector<16xf32> to vector<16xf32>
      %swap3A_1017 = vector.shape_cast %mul3A_1013 : vector<16xf32> to vector<16xf32>
      tpu.vector_store %arg9[%swap3A_1014], %swap3A_1017 {strides = array<i32>} : memref<1216xf32, #tpu.memory_space<vmem>>, vector<16xf32>,
      %mul3A_1018 = vector.broadcast %scan3A : f32 to vector<16xf32>
      %mul3A_1019 = arith.mulf %scan3A_938#13, %mul3A_1018 : vector<16xf32>
      %swap3A_1020 = arith.constant 208 : index
      %swap3A_1021 = tpu.vector_load %arg9[%swap3A_1020] {strides = array<i32>} : memref<1216xf32, #tpu.memory_space<vmem>>, vector<16xf32>,
      %swap3A_1022 = vector.shape_cast %swap3A_1021 : vector<16xf32> to vector<16xf32>
      %swap3A_1023 = vector.shape_cast %mul3A_1019 : vector<16xf32> to vector<16xf32>
      tpu.vector_store %arg9[%swap3A_1020], %swap3A_1023 {strides = array<i32>} : memref<1216xf32, #tpu.memory_space<vmem>>, vector<16xf32>,
      %mul3A_1024 = vector.broadcast %scan3A : f32 to vector<16xf32>
      %mul3A_1025 = arith.mulf %scan3A_938#14, %mul3A_1024 : vector<16xf32>
      %swap3A_1026 = arith.constant 224 : index
      %swap3A_1027 = tpu.vector_load %arg9[%swap3A_1026] {strides = array<i32>} : memref<1216xf32, #tpu.memory_space<vmem>>, vector<16xf32>,
      %swap3A_1028 = vector.shape_cast %swap3A_1027 : vector<16xf32> to vector<16xf32>
      %swap3A_1029 = vector.shape_cast %mul3A_1025 : vector<16xf32> to vector<16xf32>
      tpu.vector_store %arg9[%swap3A_1026], %swap3A_1029 {strides = array<i32>} : memref<1216xf32, #tpu.memory_space<vmem>>, vector<16xf32>,
      %mul3A_1030 = vector.broadcast %scan3A : f32 to vector<16xf32>
      %mul3A_1031 = arith.mulf %scan3A_938#15, %mul3A_1030 : vector<16xf32>
      %swap3A_1032 = arith.constant 240 : index
      %swap3A_1033 = tpu.vector_load %arg9[%swap3A_1032] {strides = array<i32>} : memref<1216xf32, #tpu.memory_space<vmem>>, vector<16xf32>,
      %swap3A_1034 = vector.shape_cast %swap3A_1033 : vector<16xf32> to vector<16xf32>
      %swap3A_1035 = vector.shape_cast %mul3A_1031 : vector<16xf32> to vector<16xf32>
      tpu.vector_store %arg9[%swap3A_1032], %swap3A_1035 {strides = array<i32>} : memref<1216xf32, #tpu.memory_space<vmem>>, vector<16xf32>,
      %mul3A_1036 = vector.broadcast %scan3A : f32 to vector<16xf32>
      %mul3A_1037 = arith.mulf %scan3A_938#16, %mul3A_1036 : vector<16xf32>
      %swap3A_1038 = arith.constant 256 : index
      %swap3A_1039 = tpu.vector_load %arg9[%swap3A_1038] {strides = array<i32>} : memref<1216xf32, #tpu.memory_space<vmem>>, vector<16xf32>,
      %swap3A_1040 = vector.shape_cast %swap3A_1039 : vector<16xf32> to vector<16xf32>
      %swap3A_1041 = vector.shape_cast %mul3A_1037 : vector<16xf32> to vector<16xf32>
      tpu.vector_store %arg9[%swap3A_1038], %swap3A_1041 {strides = array<i32>} : memref<1216xf32, #tpu.memory_space<vmem>>, vector<16xf32>,
      %mul3A_1042 = vector.broadcast %scan3A : f32 to vector<16xf32>
      %mul3A_1043 = arith.mulf %scan3A_938#17, %mul3A_1042 : vector<16xf32>
      %swap3A_1044 = arith.constant 272 : index
      %swap3A_1045 = tpu.vector_load %arg9[%swap3A_1044] {strides = array<i32>} : memref<1216xf32, #tpu.memory_space<vmem>>, vector<16xf32>,
      %swap3A_1046 = vector.shape_cast %swap3A_1045 : vector<16xf32> to vector<16xf32>
      %swap3A_1047 = vector.shape_cast %mul3A_1043 : vector<16xf32> to vector<16xf32>
      tpu.vector_store %arg9[%swap3A_1044], %swap3A_1047 {strides = array<i32>} : memref<1216xf32, #tpu.memory_space<vmem>>, vector<16xf32>,
      %mul3A_1048 = vector.broadcast %scan3A : f32 to vector<16xf32>
      %mul3A_1049 = arith.mulf %scan3A_938#18, %mul3A_1048 : vector<16xf32>
      %swap3A_1050 = arith.constant 288 : index
      %swap3A_1051 = tpu.vector_load %arg9[%swap3A_1050] {strides = array<i32>} : memref<1216xf32, #tpu.memory_space<vmem>>, vector<16xf32>,
      %swap3A_1052 = vector.shape_cast %swap3A_1051 : vector<16xf32> to vector<16xf32>
      %swap3A_1053 = vector.shape_cast %mul3A_1049 : vector<16xf32> to vector<16xf32>
      tpu.vector_store %arg9[%swap3A_1050], %swap3A_1053 {strides = array<i32>} : memref<1216xf32, #tpu.memory_space<vmem>>, vector<16xf32>,
      %broadcast_in_dim3A_1054 = arith.constant 0.000000e+00 : f32
      %broadcast_in_dim3A_1055 = vector.broadcast %broadcast_in_dim3A_1054 : f32 to vector<16xf32>
      %broadcast_in_dim3A_1056 = arith.constant 0.000000e+00 : f32
      %broadcast_in_dim3A_1057 = vector.broadcast %broadcast_in_dim3A_1056 : f32 to vector<16xf32>
      %broadcast_in_dim3A_1058 = arith.constant 0.000000e+00 : f32
      %broadcast_in_dim3A_1059 = vector.broadcast %broadcast_in_dim3A_1058 : f32 to vector<16xf32>
      %broadcast_in_dim3A_1060 = arith.constant 0.000000e+00 : f32
      %broadcast_in_dim3A_1061 = vector.broadcast %broadcast_in_dim3A_1060 : f32 to vector<16xf32>
      %broadcast_in_dim3A_1062 = arith.constant 0.000000e+00 : f32
      %broadcast_in_dim3A_1063 = vector.broadcast %broadcast_in_dim3A_1062 : f32 to vector<16xf32>
      %broadcast_in_dim3A_1064 = arith.constant 0.000000e+00 : f32
      %broadcast_in_dim3A_1065 = vector.broadcast %broadcast_in_dim3A_1064 : f32 to vector<16xf32>
      %broadcast_in_dim3A_1066 = arith.constant 0.000000e+00 : f32
      %broadcast_in_dim3A_1067 = vector.broadcast %broadcast_in_dim3A_1066 : f32 to vector<16xf32>
      %broadcast_in_dim3A_1068 = arith.constant 0.000000e+00 : f32
      %broadcast_in_dim3A_1069 = vector.broadcast %broadcast_in_dim3A_1068 : f32 to vector<16xf32>
      %broadcast_in_dim3A_1070 = arith.constant 0.000000e+00 : f32
      %broadcast_in_dim3A_1071 = vector.broadcast %broadcast_in_dim3A_1070 : f32 to vector<16xf32>
      %broadcast_in_dim3A_1072 = arith.constant 0.000000e+00 : f32
      %broadcast_in_dim3A_1073 = vector.broadcast %broadcast_in_dim3A_1072 : f32 to vector<16xf32>
      %broadcast_in_dim3A_1074 = arith.constant 0.000000e+00 : f32
      %broadcast_in_dim3A_1075 = vector.broadcast %broadcast_in_dim3A_1074 : f32 to vector<16xf32>
      %broadcast_in_dim3A_1076 = arith.constant 0.000000e+00 : f32
      %broadcast_in_dim3A_1077 = vector.broadcast %broadcast_in_dim3A_1076 : f32 to vector<16xf32>
      %broadcast_in_dim3A_1078 = arith.constant 0.000000e+00 : f32
      %broadcast_in_dim3A_1079 = vector.broadcast %broadcast_in_dim3A_1078 : f32 to vector<16xf32>
      %broadcast_in_dim3A_1080 = arith.constant 0.000000e+00 : f32
      %broadcast_in_dim3A_1081 = vector.broadcast %broadcast_in_dim3A_1080 : f32 to vector<16xf32>
      %broadcast_in_dim3A_1082 = arith.constant 0.000000e+00 : f32
      %broadcast_in_dim3A_1083 = vector.broadcast %broadcast_in_dim3A_1082 : f32 to vector<16xf32>
      %broadcast_in_dim3A_1084 = arith.constant 0.000000e+00 : f32
      %broadcast_in_dim3A_1085 = vector.broadcast %broadcast_in_dim3A_1084 : f32 to vector<16xf32>
      %broadcast_in_dim3A_1086 = arith.constant 0.000000e+00 : f32
      %broadcast_in_dim3A_1087 = vector.broadcast %broadcast_in_dim3A_1086 : f32 to vector<16xf32>
      %broadcast_in_dim3A_1088 = arith.constant 0.000000e+00 : f32
      %broadcast_in_dim3A_1089 = vector.broadcast %broadcast_in_dim3A_1088 : f32 to vector<16xf32>
      %broadcast_in_dim3A_1090 = arith.constant 0.000000e+00 : f32
      %broadcast_in_dim3A_1091 = vector.broadcast %broadcast_in_dim3A_1090 : f32 to vector<16xf32>
      %scan3A_1092 = arith.constant 0 : i32
      %scan3A_1093 = arith.constant 50 : i32
      %scan3A_1094 = arith.addi %scan3A_1092, %scan3A_1093 : i32
      %scan3A_1095 = arith.constant 1 : i32
      %scan3A_1096:19 = scf.for %scan3A_1704 = %scan3A_1092 to %scan3A_1094 step %scan3A_1095 iter_args(%scan3A_1705 = %broadcast_in_dim3A_1055, %scan3A_1706 = %broadcast_in_dim3A_1057, %scan3A_1707 = %broadcast_in_dim3A_1059, %scan3A_1708 = %broadcast_in_dim3A_1061, %scan3A_1709 = %broadcast_in_dim3A_1063, %scan3A_1710 = %broadcast_in_dim3A_1065, %scan3A_1711 = %broadcast_in_dim3A_1067, %scan3A_1712 = %broadcast_in_dim3A_1069, %scan3A_1713 = %broadcast_in_dim3A_1071, %scan3A_1714 = %broadcast_in_dim3A_1073, %scan3A_1715 = %broadcast_in_dim3A_1075, %scan3A_1716 = %broadcast_in_dim3A_1077, %scan3A_1717 = %broadcast_in_dim3A_1079, %scan3A_1718 = %broadcast_in_dim3A_1081, %scan3A_1719 = %broadcast_in_dim3A_1083, %scan3A_1720 = %broadcast_in_dim3A_1085, %scan3A_1721 = %broadcast_in_dim3A_1087, %scan3A_1722 = %broadcast_in_dim3A_1089, %scan3A_1723 = %broadcast_in_dim3A_1091) -> (vector<16xf32>, vector<16xf32>, vector<16xf32>, vector<16xf32>, vector<16xf32>, vector<16xf32>, vector<16xf32>, vector<16xf32>, vector<16xf32>, vector<16xf32>, vector<16xf32>, vector<16xf32>, vector<16xf32>, vector<16xf32>, vector<16xf32>, vector<16xf32>, vector<16xf32>, vector<16xf32>, vector<16xf32>)  : i32 {
        %add3A_1724 = arith.constant 50 : i32
        %add3A_1725 = arith.addi %add3A_1724, %scan3A_1704 : i32
        %get3A_1726 = arith.index_cast %add3A_1725 : i32 to index
        %get3A_1727 = arith.constant 0 : index
        %get3A_1728 = tpu.vector_load %arg6[%get3A_1726, %get3A_1727] {strides = array<i32>} : memref<104x384xf32, #tpu.memory_space<vmem>>, vector<1x16xf32>,
        %get3A_1729 = vector.shape_cast %get3A_1728 : vector<1x16xf32> to vector<16xf32>
        %add3A_1730 = arith.addf %scan3A_1705, %get3A_1729 : vector<16xf32>
        %add3A_1731 = arith.constant 50 : i32
        %add3A_1732 = arith.addi %add3A_1731, %scan3A_1704 : i32
        %get3A_1733 = arith.index_cast %add3A_1732 : i32 to index
        %get3A_1734 = arith.constant 16 : index
        %get3A_1735 = tpu.vector_load %arg6[%get3A_1733, %get3A_1734] {strides = array<i32>} : memref<104x384xf32, #tpu.memory_space<vmem>>, vector<1x16xf32>,
        %get3A_1736 = vector.shape_cast %get3A_1735 : vector<1x16xf32> to vector<16xf32>
        %add3A_1737 = arith.addf %scan3A_1706, %get3A_1736 : vector<16xf32>
        %add3A_1738 = arith.constant 50 : i32
        %add3A_1739 = arith.addi %add3A_1738, %scan3A_1704 : i32
        %get3A_1740 = arith.index_cast %add3A_1739 : i32 to index
        %get3A_1741 = arith.constant 32 : index
        %get3A_1742 = tpu.vector_load %arg6[%get3A_1740, %get3A_1741] {strides = array<i32>} : memref<104x384xf32, #tpu.memory_space<vmem>>, vector<1x16xf32>,
        %get3A_1743 = vector.shape_cast %get3A_1742 : vector<1x16xf32> to vector<16xf32>
        %add3A_1744 = arith.addf %scan3A_1707, %get3A_1743 : vector<16xf32>
        %add3A_1745 = arith.constant 50 : i32
        %add3A_1746 = arith.addi %add3A_1745, %scan3A_1704 : i32
        %get3A_1747 = arith.index_cast %add3A_1746 : i32 to index
        %get3A_1748 = arith.constant 48 : index
        %get3A_1749 = tpu.vector_load %arg6[%get3A_1747, %get3A_1748] {strides = array<i32>} : memref<104x384xf32, #tpu.memory_space<vmem>>, vector<1x16xf32>,
        %get3A_1750 = vector.shape_cast %get3A_1749 : vector<1x16xf32> to vector<16xf32>
        %add3A_1751 = arith.addf %scan3A_1708, %get3A_1750 : vector<16xf32>
        %add3A_1752 = arith.constant 50 : i32
        %add3A_1753 = arith.addi %add3A_1752, %scan3A_1704 : i32
        %get3A_1754 = arith.index_cast %add3A_1753 : i32 to index
        %get3A_1755 = arith.constant 64 : index
        %get3A_1756 = tpu.vector_load %arg6[%get3A_1754, %get3A_1755] {strides = array<i32>} : memref<104x384xf32, #tpu.memory_space<vmem>>, vector<1x16xf32>,
        %get3A_1757 = vector.shape_cast %get3A_1756 : vector<1x16xf32> to vector<16xf32>
        %add3A_1758 = arith.addf %scan3A_1709, %get3A_1757 : vector<16xf32>
        %add3A_1759 = arith.constant 50 : i32
        %add3A_1760 = arith.addi %add3A_1759, %scan3A_1704 : i32
        %get3A_1761 = arith.index_cast %add3A_1760 : i32 to index
        %get3A_1762 = arith.constant 80 : index
        %get3A_1763 = tpu.vector_load %arg6[%get3A_1761, %get3A_1762] {strides = array<i32>} : memref<104x384xf32, #tpu.memory_space<vmem>>, vector<1x16xf32>,
        %get3A_1764 = vector.shape_cast %get3A_1763 : vector<1x16xf32> to vector<16xf32>
        %add3A_1765 = arith.addf %scan3A_1710, %get3A_1764 : vector<16xf32>
        %add3A_1766 = arith.constant 50 : i32
        %add3A_1767 = arith.addi %add3A_1766, %scan3A_1704 : i32
        %get3A_1768 = arith.index_cast %add3A_1767 : i32 to index
        %get3A_1769 = arith.constant 96 : index
        %get3A_1770 = tpu.vector_load %arg6[%get3A_1768, %get3A_1769] {strides = array<i32>} : memref<104x384xf32, #tpu.memory_space<vmem>>, vector<1x16xf32>,
        %get3A_1771 = vector.shape_cast %get3A_1770 : vector<1x16xf32> to vector<16xf32>
        %add3A_1772 = arith.addf %scan3A_1711, %get3A_1771 : vector<16xf32>
        %add3A_1773 = arith.constant 50 : i32
        %add3A_1774 = arith.addi %add3A_1773, %scan3A_1704 : i32
        %get3A_1775 = arith.index_cast %add3A_1774 : i32 to index
        %get3A_1776 = arith.constant 112 : index
        %get3A_1777 = tpu.vector_load %arg6[%get3A_1775, %get3A_1776] {strides = array<i32>} : memref<104x384xf32, #tpu.memory_space<vmem>>, vector<1x16xf32>,
        %get3A_1778 = vector.shape_cast %get3A_1777 : vector<1x16xf32> to vector<16xf32>
        %add3A_1779 = arith.addf %scan3A_1712, %get3A_1778 : vector<16xf32>
        %add3A_1780 = arith.constant 50 : i32
        %add3A_1781 = arith.addi %add3A_1780, %scan3A_1704 : i32
        %get3A_1782 = arith.index_cast %add3A_1781 : i32 to index
        %get3A_1783 = arith.constant 128 : index
        %get3A_1784 = tpu.vector_load %arg6[%get3A_1782, %get3A_1783] {strides = array<i32>} : memref<104x384xf32, #tpu.memory_space<vmem>>, vector<1x16xf32>,
        %get3A_1785 = vector.shape_cast %get3A_1784 : vector<1x16xf32> to vector<16xf32>
        %add3A_1786 = arith.addf %scan3A_1713, %get3A_1785 : vector<16xf32>
        %add3A_1787 = arith.constant 50 : i32
        %add3A_1788 = arith.addi %add3A_1787, %scan3A_1704 : i32
        %get3A_1789 = arith.index_cast %add3A_1788 : i32 to index
        %get3A_1790 = arith.constant 144 : index
        %get3A_1791 = tpu.vector_load %arg6[%get3A_1789, %get3A_1790] {strides = array<i32>} : memref<104x384xf32, #tpu.memory_space<vmem>>, vector<1x16xf32>,
        %get3A_1792 = vector.shape_cast %get3A_1791 : vector<1x16xf32> to vector<16xf32>
        %add3A_1793 = arith.addf %scan3A_1714, %get3A_1792 : vector<16xf32>
        %add3A_1794 = arith.constant 50 : i32
        %add3A_1795 = arith.addi %add3A_1794, %scan3A_1704 : i32
        %get3A_1796 = arith.index_cast %add3A_1795 : i32 to index
        %get3A_1797 = arith.constant 160 : index
        %get3A_1798 = tpu.vector_load %arg6[%get3A_1796, %get3A_1797] {strides = array<i32>} : memref<104x384xf32, #tpu.memory_space<vmem>>, vector<1x16xf32>,
        %get3A_1799 = vector.shape_cast %get3A_1798 : vector<1x16xf32> to vector<16xf32>
        %add3A_1800 = arith.addf %scan3A_1715, %get3A_1799 : vector<16xf32>
        %add3A_1801 = arith.constant 50 : i32
        %add3A_1802 = arith.addi %add3A_1801, %scan3A_1704 : i32
        %get3A_1803 = arith.index_cast %add3A_1802 : i32 to index
        %get3A_1804 = arith.constant 176 : index
        %get3A_1805 = tpu.vector_load %arg6[%get3A_1803, %get3A_1804] {strides = array<i32>} : memref<104x384xf32, #tpu.memory_space<vmem>>, vector<1x16xf32>,
        %get3A_1806 = vector.shape_cast %get3A_1805 : vector<1x16xf32> to vector<16xf32>
        %add3A_1807 = arith.addf %scan3A_1716, %get3A_1806 : vector<16xf32>
        %add3A_1808 = arith.constant 50 : i32
        %add3A_1809 = arith.addi %add3A_1808, %scan3A_1704 : i32
        %get3A_1810 = arith.index_cast %add3A_1809 : i32 to index
        %get3A_1811 = arith.constant 192 : index
        %get3A_1812 = tpu.vector_load %arg6[%get3A_1810, %get3A_1811] {strides = array<i32>} : memref<104x384xf32, #tpu.memory_space<vmem>>, vector<1x16xf32>,
        %get3A_1813 = vector.shape_cast %get3A_1812 : vector<1x16xf32> to vector<16xf32>
        %add3A_1814 = arith.addf %scan3A_1717, %get3A_1813 : vector<16xf32>
        %add3A_1815 = arith.constant 50 : i32
        %add3A_1816 = arith.addi %add3A_1815, %scan3A_1704 : i32
        %get3A_1817 = arith.index_cast %add3A_1816 : i32 to index
        %get3A_1818 = arith.constant 208 : index
        %get3A_1819 = tpu.vector_load %arg6[%get3A_1817, %get3A_1818] {strides = array<i32>} : memref<104x384xf32, #tpu.memory_space<vmem>>, vector<1x16xf32>,
        %get3A_1820 = vector.shape_cast %get3A_1819 : vector<1x16xf32> to vector<16xf32>
        %add3A_1821 = arith.addf %scan3A_1718, %get3A_1820 : vector<16xf32>
        %add3A_1822 = arith.constant 50 : i32
        %add3A_1823 = arith.addi %add3A_1822, %scan3A_1704 : i32
        %get3A_1824 = arith.index_cast %add3A_1823 : i32 to index
        %get3A_1825 = arith.constant 224 : index
        %get3A_1826 = tpu.vector_load %arg6[%get3A_1824, %get3A_1825] {strides = array<i32>} : memref<104x384xf32, #tpu.memory_space<vmem>>, vector<1x16xf32>,
        %get3A_1827 = vector.shape_cast %get3A_1826 : vector<1x16xf32> to vector<16xf32>
        %add3A_1828 = arith.addf %scan3A_1719, %get3A_1827 : vector<16xf32>
        %add3A_1829 = arith.constant 50 : i32
        %add3A_1830 = arith.addi %add3A_1829, %scan3A_1704 : i32
        %get3A_1831 = arith.index_cast %add3A_1830 : i32 to index
        %get3A_1832 = arith.constant 240 : index
        %get3A_1833 = tpu.vector_load %arg6[%get3A_1831, %get3A_1832] {strides = array<i32>} : memref<104x384xf32, #tpu.memory_space<vmem>>, vector<1x16xf32>,
        %get3A_1834 = vector.shape_cast %get3A_1833 : vector<1x16xf32> to vector<16xf32>
        %add3A_1835 = arith.addf %scan3A_1720, %get3A_1834 : vector<16xf32>
        %add3A_1836 = arith.constant 50 : i32
        %add3A_1837 = arith.addi %add3A_1836, %scan3A_1704 : i32
        %get3A_1838 = arith.index_cast %add3A_1837 : i32 to index
        %get3A_1839 = arith.constant 256 : index
        %get3A_1840 = tpu.vector_load %arg6[%get3A_1838, %get3A_1839] {strides = array<i32>} : memref<104x384xf32, #tpu.memory_space<vmem>>, vector<1x16xf32>,
        %get3A_1841 = vector.shape_cast %get3A_1840 : vector<1x16xf32> to vector<16xf32>
        %add3A_1842 = arith.addf %scan3A_1721, %get3A_1841 : vector<16xf32>
        %add3A_1843 = arith.constant 50 : i32
        %add3A_1844 = arith.addi %add3A_1843, %scan3A_1704 : i32
        %get3A_1845 = arith.index_cast %add3A_1844 : i32 to index
        %get3A_1846 = arith.constant 272 : index
        %get3A_1847 = tpu.vector_load %arg6[%get3A_1845, %get3A_1846] {strides = array<i32>} : memref<104x384xf32, #tpu.memory_space<vmem>>, vector<1x16xf32>,
        %get3A_1848 = vector.shape_cast %get3A_1847 : vector<1x16xf32> to vector<16xf32>
        %add3A_1849 = arith.addf %scan3A_1722, %get3A_1848 : vector<16xf32>
        %add3A_1850 = arith.constant 50 : i32
        %add3A_1851 = arith.addi %add3A_1850, %scan3A_1704 : i32
        %get3A_1852 = arith.index_cast %add3A_1851 : i32 to index
        %get3A_1853 = arith.constant 288 : index
        %get3A_1854 = tpu.vector_load %arg6[%get3A_1852, %get3A_1853] {strides = array<i32>} : memref<104x384xf32, #tpu.memory_space<vmem>>, vector<1x16xf32>,
        %get3A_1855 = vector.shape_cast %get3A_1854 : vector<1x16xf32> to vector<16xf32>
        %add3A_1856 = arith.addf %scan3A_1723, %get3A_1855 : vector<16xf32>
        scf.yield %add3A_1730, %add3A_1737, %add3A_1744, %add3A_1751, %add3A_1758, %add3A_1765, %add3A_1772, %add3A_1779, %add3A_1786, %add3A_1793, %add3A_1800, %add3A_1807, %add3A_1814, %add3A_1821, %add3A_1828, %add3A_1835, %add3A_1842, %add3A_1849, %add3A_1856 : vector<16xf32>, vector<16xf32>, vector<16xf32>, vector<16xf32>, vector<16xf32>, vector<16xf32>, vector<16xf32>, vector<16xf32>, vector<16xf32>, vector<16xf32>, vector<16xf32>, vector<16xf32>, vector<16xf32>, vector<16xf32>, vector<16xf32>, vector<16xf32>, vector<16xf32>, vector<16xf32>, vector<16xf32>
      }
      %scan3A_1097 = arith.constant 50 : i32
      %mul3A_1098 = vector.broadcast %scan3A : f32 to vector<16xf32>
      %mul3A_1099 = arith.mulf %scan3A_1096#0, %mul3A_1098 : vector<16xf32>
      %swap3A_1100 = arith.constant 300 : index
      %swap3A_1101 = tpu.vector_load %arg9[%swap3A_1100] {strides = array<i32>} : memref<1216xf32, #tpu.memory_space<vmem>>, vector<16xf32>,
      %swap3A_1102 = vector.shape_cast %swap3A_1101 : vector<16xf32> to vector<16xf32>
      %swap3A_1103 = vector.shape_cast %mul3A_1099 : vector<16xf32> to vector<16xf32>
      tpu.vector_store %arg9[%swap3A_1100], %swap3A_1103 {strides = array<i32>} : memref<1216xf32, #tpu.memory_space<vmem>>, vector<16xf32>,
      %mul3A_1104 = vector.broadcast %scan3A : f32 to vector<16xf32>
      %mul3A_1105 = arith.mulf %scan3A_1096#1, %mul3A_1104 : vector<16xf32>
      %swap3A_1106 = arith.constant 316 : index
      %swap3A_1107 = tpu.vector_load %arg9[%swap3A_1106] {strides = array<i32>} : memref<1216xf32, #tpu.memory_space<vmem>>, vector<16xf32>,
      %swap3A_1108 = vector.shape_cast %swap3A_1107 : vector<16xf32> to vector<16xf32>
      %swap3A_1109 = vector.shape_cast %mul3A_1105 : vector<16xf32> to vector<16xf32>
      tpu.vector_store %arg9[%swap3A_1106], %swap3A_1109 {strides = array<i32>} : memref<1216xf32, #tpu.memory_space<vmem>>, vector<16xf32>,
      %mul3A_1110 = vector.broadcast %scan3A : f32 to vector<16xf32>
      %mul3A_1111 = arith.mulf %scan3A_1096#2, %mul3A_1110 : vector<16xf32>
      %swap3A_1112 = arith.constant 332 : index
      %swap3A_1113 = tpu.vector_load %arg9[%swap3A_1112] {strides = array<i32>} : memref<1216xf32, #tpu.memory_space<vmem>>, vector<16xf32>,
      %swap3A_1114 = vector.shape_cast %swap3A_1113 : vector<16xf32> to vector<16xf32>
      %swap3A_1115 = vector.shape_cast %mul3A_1111 : vector<16xf32> to vector<16xf32>
      tpu.vector_store %arg9[%swap3A_1112], %swap3A_1115 {strides = array<i32>} : memref<1216xf32, #tpu.memory_space<vmem>>, vector<16xf32>,
      %mul3A_1116 = vector.broadcast %scan3A : f32 to vector<16xf32>
      %mul3A_1117 = arith.mulf %scan3A_1096#3, %mul3A_1116 : vector<16xf32>
      %swap3A_1118 = arith.constant 348 : index
      %swap3A_1119 = tpu.vector_load %arg9[%swap3A_1118] {strides = array<i32>} : memref<1216xf32, #tpu.memory_space<vmem>>, vector<16xf32>,
      %swap3A_1120 = vector.shape_cast %swap3A_1119 : vector<16xf32> to vector<16xf32>
      %swap3A_1121 = vector.shape_cast %mul3A_1117 : vector<16xf32> to vector<16xf32>
      tpu.vector_store %arg9[%swap3A_1118], %swap3A_1121 {strides = array<i32>} : memref<1216xf32, #tpu.memory_space<vmem>>, vector<16xf32>,
      %mul3A_1122 = vector.broadcast %scan3A : f32 to vector<16xf32>
      %mul3A_1123 = arith.mulf %scan3A_1096#4, %mul3A_1122 : vector<16xf32>
      %swap3A_1124 = arith.constant 364 : index
      %swap3A_1125 = tpu.vector_load %arg9[%swap3A_1124] {strides = array<i32>} : memref<1216xf32, #tpu.memory_space<vmem>>, vector<16xf32>,
      %swap3A_1126 = vector.shape_cast %swap3A_1125 : vector<16xf32> to vector<16xf32>
      %swap3A_1127 = vector.shape_cast %mul3A_1123 : vector<16xf32> to vector<16xf32>
      tpu.vector_store %arg9[%swap3A_1124], %swap3A_1127 {strides = array<i32>} : memref<1216xf32, #tpu.memory_space<vmem>>, vector<16xf32>,
      %mul3A_1128 = vector.broadcast %scan3A : f32 to vector<16xf32>
      %mul3A_1129 = arith.mulf %scan3A_1096#5, %mul3A_1128 : vector<16xf32>
      %swap3A_1130 = arith.constant 380 : index
      %swap3A_1131 = tpu.vector_load %arg9[%swap3A_1130] {strides = array<i32>} : memref<1216xf32, #tpu.memory_space<vmem>>, vector<16xf32>,
      %swap3A_1132 = vector.shape_cast %swap3A_1131 : vector<16xf32> to vector<16xf32>
      %swap3A_1133 = vector.shape_cast %mul3A_1129 : vector<16xf32> to vector<16xf32>
      tpu.vector_store %arg9[%swap3A_1130], %swap3A_1133 {strides = array<i32>} : memref<1216xf32, #tpu.memory_space<vmem>>, vector<16xf32>,
      %mul3A_1134 = vector.broadcast %scan3A : f32 to vector<16xf32>
      %mul3A_1135 = arith.mulf %scan3A_1096#6, %mul3A_1134 : vector<16xf32>
      %swap3A_1136 = arith.constant 396 : index
      %swap3A_1137 = tpu.vector_load %arg9[%swap3A_1136] {strides = array<i32>} : memref<1216xf32, #tpu.memory_space<vmem>>, vector<16xf32>,
      %swap3A_1138 = vector.shape_cast %swap3A_1137 : vector<16xf32> to vector<16xf32>
      %swap3A_1139 = vector.shape_cast %mul3A_1135 : vector<16xf32> to vector<16xf32>
      tpu.vector_store %arg9[%swap3A_1136], %swap3A_1139 {strides = array<i32>} : memref<1216xf32, #tpu.memory_space<vmem>>, vector<16xf32>,
      %mul3A_1140 = vector.broadcast %scan3A : f32 to vector<16xf32>
      %mul3A_1141 = arith.mulf %scan3A_1096#7, %mul3A_1140 : vector<16xf32>
      %swap3A_1142 = arith.constant 412 : index
      %swap3A_1143 = tpu.vector_load %arg9[%swap3A_1142] {strides = array<i32>} : memref<1216xf32, #tpu.memory_space<vmem>>, vector<16xf32>,
      %swap3A_1144 = vector.shape_cast %swap3A_1143 : vector<16xf32> to vector<16xf32>
      %swap3A_1145 = vector.shape_cast %mul3A_1141 : vector<16xf32> to vector<16xf32>
      tpu.vector_store %arg9[%swap3A_1142], %swap3A_1145 {strides = array<i32>} : memref<1216xf32, #tpu.memory_space<vmem>>, vector<16xf32>,
      %mul3A_1146 = vector.broadcast %scan3A : f32 to vector<16xf32>
      %mul3A_1147 = arith.mulf %scan3A_1096#8, %mul3A_1146 : vector<16xf32>
      %swap3A_1148 = arith.constant 428 : index
      %swap3A_1149 = tpu.vector_load %arg9[%swap3A_1148] {strides = array<i32>} : memref<1216xf32, #tpu.memory_space<vmem>>, vector<16xf32>,
      %swap3A_1150 = vector.shape_cast %swap3A_1149 : vector<16xf32> to vector<16xf32>
      %swap3A_1151 = vector.shape_cast %mul3A_1147 : vector<16xf32> to vector<16xf32>
      tpu.vector_store %arg9[%swap3A_1148], %swap3A_1151 {strides = array<i32>} : memref<1216xf32, #tpu.memory_space<vmem>>, vector<16xf32>,
      %mul3A_1152 = vector.broadcast %scan3A : f32 to vector<16xf32>
      %mul3A_1153 = arith.mulf %scan3A_1096#9, %mul3A_1152 : vector<16xf32>
      %swap3A_1154 = arith.constant 444 : index
      %swap3A_1155 = tpu.vector_load %arg9[%swap3A_1154] {strides = array<i32>} : memref<1216xf32, #tpu.memory_space<vmem>>, vector<16xf32>,
      %swap3A_1156 = vector.shape_cast %swap3A_1155 : vector<16xf32> to vector<16xf32>
      %swap3A_1157 = vector.shape_cast %mul3A_1153 : vector<16xf32> to vector<16xf32>
      tpu.vector_store %arg9[%swap3A_1154], %swap3A_1157 {strides = array<i32>} : memref<1216xf32, #tpu.memory_space<vmem>>, vector<16xf32>,
      %mul3A_1158 = vector.broadcast %scan3A : f32 to vector<16xf32>
      %mul3A_1159 = arith.mulf %scan3A_1096#10, %mul3A_1158 : vector<16xf32>
      %swap3A_1160 = arith.constant 460 : index
      %swap3A_1161 = tpu.vector_load %arg9[%swap3A_1160] {strides = array<i32>} : memref<1216xf32, #tpu.memory_space<vmem>>, vector<16xf32>,
      %swap3A_1162 = vector.shape_cast %swap3A_1161 : vector<16xf32> to vector<16xf32>
      %swap3A_1163 = vector.shape_cast %mul3A_1159 : vector<16xf32> to vector<16xf32>
      tpu.vector_store %arg9[%swap3A_1160], %swap3A_1163 {strides = array<i32>} : memref<1216xf32, #tpu.memory_space<vmem>>, vector<16xf32>,
      %mul3A_1164 = vector.broadcast %scan3A : f32 to vector<16xf32>
      %mul3A_1165 = arith.mulf %scan3A_1096#11, %mul3A_1164 : vector<16xf32>
      %swap3A_1166 = arith.constant 476 : index
      %swap3A_1167 = tpu.vector_load %arg9[%swap3A_1166] {strides = array<i32>} : memref<1216xf32, #tpu.memory_space<vmem>>, vector<16xf32>,
      %swap3A_1168 = vector.shape_cast %swap3A_1167 : vector<16xf32> to vector<16xf32>
      %swap3A_1169 = vector.shape_cast %mul3A_1165 : vector<16xf32> to vector<16xf32>
      tpu.vector_store %arg9[%swap3A_1166], %swap3A_1169 {strides = array<i32>} : memref<1216xf32, #tpu.memory_space<vmem>>, vector<16xf32>,
      %mul3A_1170 = vector.broadcast %scan3A : f32 to vector<16xf32>
      %mul3A_1171 = arith.mulf %scan3A_1096#12, %mul3A_1170 : vector<16xf32>
      %swap3A_1172 = arith.constant 492 : index
      %swap3A_1173 = tpu.vector_load %arg9[%swap3A_1172] {strides = array<i32>} : memref<1216xf32, #tpu.memory_space<vmem>>, vector<16xf32>,
      %swap3A_1174 = vector.shape_cast %swap3A_1173 : vector<16xf32> to vector<16xf32>
      %swap3A_1175 = vector.shape_cast %mul3A_1171 : vector<16xf32> to vector<16xf32>
      tpu.vector_store %arg9[%swap3A_1172], %swap3A_1175 {strides = array<i32>} : memref<1216xf32, #tpu.memory_space<vmem>>, vector<16xf32>,
      %mul3A_1176 = vector.broadcast %scan3A : f32 to vector<16xf32>
      %mul3A_1177 = arith.mulf %scan3A_1096#13, %mul3A_1176 : vector<16xf32>
      %swap3A_1178 = arith.constant 508 : index
      %swap3A_1179 = tpu.vector_load %arg9[%swap3A_1178] {strides = array<i32>} : memref<1216xf32, #tpu.memory_space<vmem>>, vector<16xf32>,
      %swap3A_1180 = vector.shape_cast %swap3A_1179 : vector<16xf32> to vector<16xf32>
      %swap3A_1181 = vector.shape_cast %mul3A_1177 : vector<16xf32> to vector<16xf32>
      tpu.vector_store %arg9[%swap3A_1178], %swap3A_1181 {strides = array<i32>} : memref<1216xf32, #tpu.memory_space<vmem>>, vector<16xf32>,
      %mul3A_1182 = vector.broadcast %scan3A : f32 to vector<16xf32>
      %mul3A_1183 = arith.mulf %scan3A_1096#14, %mul3A_1182 : vector<16xf32>
      %swap3A_1184 = arith.constant 524 : index
      %swap3A_1185 = tpu.vector_load %arg9[%swap3A_1184] {strides = array<i32>} : memref<1216xf32, #tpu.memory_space<vmem>>, vector<16xf32>,
      %swap3A_1186 = vector.shape_cast %swap3A_1185 : vector<16xf32> to vector<16xf32>
      %swap3A_1187 = vector.shape_cast %mul3A_1183 : vector<16xf32> to vector<16xf32>
      tpu.vector_store %arg9[%swap3A_1184], %swap3A_1187 {strides = array<i32>} : memref<1216xf32, #tpu.memory_space<vmem>>, vector<16xf32>,
      %mul3A_1188 = vector.broadcast %scan3A : f32 to vector<16xf32>
      %mul3A_1189 = arith.mulf %scan3A_1096#15, %mul3A_1188 : vector<16xf32>
      %swap3A_1190 = arith.constant 540 : index
      %swap3A_1191 = tpu.vector_load %arg9[%swap3A_1190] {strides = array<i32>} : memref<1216xf32, #tpu.memory_space<vmem>>, vector<16xf32>,
      %swap3A_1192 = vector.shape_cast %swap3A_1191 : vector<16xf32> to vector<16xf32>
      %swap3A_1193 = vector.shape_cast %mul3A_1189 : vector<16xf32> to vector<16xf32>
      tpu.vector_store %arg9[%swap3A_1190], %swap3A_1193 {strides = array<i32>} : memref<1216xf32, #tpu.memory_space<vmem>>, vector<16xf32>,
      %mul3A_1194 = vector.broadcast %scan3A : f32 to vector<16xf32>
      %mul3A_1195 = arith.mulf %scan3A_1096#16, %mul3A_1194 : vector<16xf32>
      %swap3A_1196 = arith.constant 556 : index
      %swap3A_1197 = tpu.vector_load %arg9[%swap3A_1196] {strides = array<i32>} : memref<1216xf32, #tpu.memory_space<vmem>>, vector<16xf32>,
      %swap3A_1198 = vector.shape_cast %swap3A_1197 : vector<16xf32> to vector<16xf32>
      %swap3A_1199 = vector.shape_cast %mul3A_1195 : vector<16xf32> to vector<16xf32>
      tpu.vector_store %arg9[%swap3A_1196], %swap3A_1199 {strides = array<i32>} : memref<1216xf32, #tpu.memory_space<vmem>>, vector<16xf32>,
      %mul3A_1200 = vector.broadcast %scan3A : f32 to vector<16xf32>
      %mul3A_1201 = arith.mulf %scan3A_1096#17, %mul3A_1200 : vector<16xf32>
      %swap3A_1202 = arith.constant 572 : index
      %swap3A_1203 = tpu.vector_load %arg9[%swap3A_1202] {strides = array<i32>} : memref<1216xf32, #tpu.memory_space<vmem>>, vector<16xf32>,
      %swap3A_1204 = vector.shape_cast %swap3A_1203 : vector<16xf32> to vector<16xf32>
      %swap3A_1205 = vector.shape_cast %mul3A_1201 : vector<16xf32> to vector<16xf32>
      tpu.vector_store %arg9[%swap3A_1202], %swap3A_1205 {strides = array<i32>} : memref<1216xf32, #tpu.memory_space<vmem>>, vector<16xf32>,
      %mul3A_1206 = vector.broadcast %scan3A : f32 to vector<16xf32>
      %mul3A_1207 = arith.mulf %scan3A_1096#18, %mul3A_1206 : vector<16xf32>
      %swap3A_1208 = arith.constant 588 : index
      %swap3A_1209 = tpu.vector_load %arg9[%swap3A_1208] {strides = array<i32>} : memref<1216xf32, #tpu.memory_space<vmem>>, vector<16xf32>,
      %swap3A_1210 = vector.shape_cast %swap3A_1209 : vector<16xf32> to vector<16xf32>
      %swap3A_1211 = vector.shape_cast %mul3A_1207 : vector<16xf32> to vector<16xf32>
      tpu.vector_store %arg9[%swap3A_1208], %swap3A_1211 {strides = array<i32>} : memref<1216xf32, #tpu.memory_space<vmem>>, vector<16xf32>,
      %broadcast_in_dim3A_1212 = arith.constant 0.000000e+00 : f32
      %broadcast_in_dim3A_1213 = vector.broadcast %broadcast_in_dim3A_1212 : f32 to vector<16xf32>
      %broadcast_in_dim3A_1214 = arith.constant 0.000000e+00 : f32
      %broadcast_in_dim3A_1215 = vector.broadcast %broadcast_in_dim3A_1214 : f32 to vector<16xf32>
      %broadcast_in_dim3A_1216 = arith.constant 0.000000e+00 : f32
      %broadcast_in_dim3A_1217 = vector.broadcast %broadcast_in_dim3A_1216 : f32 to vector<16xf32>
      %broadcast_in_dim3A_1218 = arith.constant 0.000000e+00 : f32
      %broadcast_in_dim3A_1219 = vector.broadcast %broadcast_in_dim3A_1218 : f32 to vector<16xf32>
      %broadcast_in_dim3A_1220 = arith.constant 0.000000e+00 : f32
      %broadcast_in_dim3A_1221 = vector.broadcast %broadcast_in_dim3A_1220 : f32 to vector<16xf32>
      %broadcast_in_dim3A_1222 = arith.constant 0.000000e+00 : f32
      %broadcast_in_dim3A_1223 = vector.broadcast %broadcast_in_dim3A_1222 : f32 to vector<16xf32>
      %broadcast_in_dim3A_1224 = arith.constant 0.000000e+00 : f32
      %broadcast_in_dim3A_1225 = vector.broadcast %broadcast_in_dim3A_1224 : f32 to vector<16xf32>
      %broadcast_in_dim3A_1226 = arith.constant 0.000000e+00 : f32
      %broadcast_in_dim3A_1227 = vector.broadcast %broadcast_in_dim3A_1226 : f32 to vector<16xf32>
      %broadcast_in_dim3A_1228 = arith.constant 0.000000e+00 : f32
      %broadcast_in_dim3A_1229 = vector.broadcast %broadcast_in_dim3A_1228 : f32 to vector<16xf32>
      %broadcast_in_dim3A_1230 = arith.constant 0.000000e+00 : f32
      %broadcast_in_dim3A_1231 = vector.broadcast %broadcast_in_dim3A_1230 : f32 to vector<16xf32>
      %broadcast_in_dim3A_1232 = arith.constant 0.000000e+00 : f32
      %broadcast_in_dim3A_1233 = vector.broadcast %broadcast_in_dim3A_1232 : f32 to vector<16xf32>
      %broadcast_in_dim3A_1234 = arith.constant 0.000000e+00 : f32
      %broadcast_in_dim3A_1235 = vector.broadcast %broadcast_in_dim3A_1234 : f32 to vector<16xf32>
      %broadcast_in_dim3A_1236 = arith.constant 0.000000e+00 : f32
      %broadcast_in_dim3A_1237 = vector.broadcast %broadcast_in_dim3A_1236 : f32 to vector<16xf32>
      %broadcast_in_dim3A_1238 = arith.constant 0.000000e+00 : f32
      %broadcast_in_dim3A_1239 = vector.broadcast %broadcast_in_dim3A_1238 : f32 to vector<16xf32>
      %broadcast_in_dim3A_1240 = arith.constant 0.000000e+00 : f32
      %broadcast_in_dim3A_1241 = vector.broadcast %broadcast_in_dim3A_1240 : f32 to vector<16xf32>
      %broadcast_in_dim3A_1242 = arith.constant 0.000000e+00 : f32
      %broadcast_in_dim3A_1243 = vector.broadcast %broadcast_in_dim3A_1242 : f32 to vector<16xf32>
      %broadcast_in_dim3A_1244 = arith.constant 0.000000e+00 : f32
      %broadcast_in_dim3A_1245 = vector.broadcast %broadcast_in_dim3A_1244 : f32 to vector<16xf32>
      %broadcast_in_dim3A_1246 = arith.constant 0.000000e+00 : f32
      %broadcast_in_dim3A_1247 = vector.broadcast %broadcast_in_dim3A_1246 : f32 to vector<16xf32>
      %broadcast_in_dim3A_1248 = arith.constant 0.000000e+00 : f32
      %broadcast_in_dim3A_1249 = vector.broadcast %broadcast_in_dim3A_1248 : f32 to vector<16xf32>
      %scan3A_1250 = arith.constant 0 : i32
      %scan3A_1251 = arith.constant 4 : i32
      %scan3A_1252 = arith.addi %scan3A_1250, %scan3A_1251 : i32
      %scan3A_1253 = arith.constant 1 : i32
      %scan3A_1254:19 = scf.for %scan3A_1704 = %scan3A_1250 to %scan3A_1252 step %scan3A_1253 iter_args(%scan3A_1705 = %broadcast_in_dim3A_1213, %scan3A_1706 = %broadcast_in_dim3A_1215, %scan3A_1707 = %broadcast_in_dim3A_1217, %scan3A_1708 = %broadcast_in_dim3A_1219, %scan3A_1709 = %broadcast_in_dim3A_1221, %scan3A_1710 = %broadcast_in_dim3A_1223, %scan3A_1711 = %broadcast_in_dim3A_1225, %scan3A_1712 = %broadcast_in_dim3A_1227, %scan3A_1713 = %broadcast_in_dim3A_1229, %scan3A_1714 = %broadcast_in_dim3A_1231, %scan3A_1715 = %broadcast_in_dim3A_1233, %scan3A_1716 = %broadcast_in_dim3A_1235, %scan3A_1717 = %broadcast_in_dim3A_1237, %scan3A_1718 = %broadcast_in_dim3A_1239, %scan3A_1719 = %broadcast_in_dim3A_1241, %scan3A_1720 = %broadcast_in_dim3A_1243, %scan3A_1721 = %broadcast_in_dim3A_1245, %scan3A_1722 = %broadcast_in_dim3A_1247, %scan3A_1723 = %broadcast_in_dim3A_1249) -> (vector<16xf32>, vector<16xf32>, vector<16xf32>, vector<16xf32>, vector<16xf32>, vector<16xf32>, vector<16xf32>, vector<16xf32>, vector<16xf32>, vector<16xf32>, vector<16xf32>, vector<16xf32>, vector<16xf32>, vector<16xf32>, vector<16xf32>, vector<16xf32>, vector<16xf32>, vector<16xf32>, vector<16xf32>)  : i32 {
        %add3A_1724 = arith.constant 100 : i32
        %add3A_1725 = arith.addi %add3A_1724, %scan3A_1704 : i32
        %get3A_1726 = arith.index_cast %add3A_1725 : i32 to index
        %get3A_1727 = arith.constant 0 : index
        %get3A_1728 = tpu.vector_load %arg6[%get3A_1726, %get3A_1727] {strides = array<i32>} : memref<104x384xf32, #tpu.memory_space<vmem>>, vector<1x16xf32>,
        %get3A_1729 = vector.shape_cast %get3A_1728 : vector<1x16xf32> to vector<16xf32>
        %add3A_1730 = arith.addf %scan3A_1705, %get3A_1729 : vector<16xf32>
        %add3A_1731 = arith.constant 100 : i32
        %add3A_1732 = arith.addi %add3A_1731, %scan3A_1704 : i32
        %get3A_1733 = arith.index_cast %add3A_1732 : i32 to index
        %get3A_1734 = arith.constant 16 : index
        %get3A_1735 = tpu.vector_load %arg6[%get3A_1733, %get3A_1734] {strides = array<i32>} : memref<104x384xf32, #tpu.memory_space<vmem>>, vector<1x16xf32>,
        %get3A_1736 = vector.shape_cast %get3A_1735 : vector<1x16xf32> to vector<16xf32>
        %add3A_1737 = arith.addf %scan3A_1706, %get3A_1736 : vector<16xf32>
        %add3A_1738 = arith.constant 100 : i32
        %add3A_1739 = arith.addi %add3A_1738, %scan3A_1704 : i32
        %get3A_1740 = arith.index_cast %add3A_1739 : i32 to index
        %get3A_1741 = arith.constant 32 : index
        %get3A_1742 = tpu.vector_load %arg6[%get3A_1740, %get3A_1741] {strides = array<i32>} : memref<104x384xf32, #tpu.memory_space<vmem>>, vector<1x16xf32>,
        %get3A_1743 = vector.shape_cast %get3A_1742 : vector<1x16xf32> to vector<16xf32>
        %add3A_1744 = arith.addf %scan3A_1707, %get3A_1743 : vector<16xf32>
        %add3A_1745 = arith.constant 100 : i32
        %add3A_1746 = arith.addi %add3A_1745, %scan3A_1704 : i32
        %get3A_1747 = arith.index_cast %add3A_1746 : i32 to index
        %get3A_1748 = arith.constant 48 : index
        %get3A_1749 = tpu.vector_load %arg6[%get3A_1747, %get3A_1748] {strides = array<i32>} : memref<104x384xf32, #tpu.memory_space<vmem>>, vector<1x16xf32>,
        %get3A_1750 = vector.shape_cast %get3A_1749 : vector<1x16xf32> to vector<16xf32>
        %add3A_1751 = arith.addf %scan3A_1708, %get3A_1750 : vector<16xf32>
        %add3A_1752 = arith.constant 100 : i32
        %add3A_1753 = arith.addi %add3A_1752, %scan3A_1704 : i32
        %get3A_1754 = arith.index_cast %add3A_1753 : i32 to index
        %get3A_1755 = arith.constant 64 : index
        %get3A_1756 = tpu.vector_load %arg6[%get3A_1754, %get3A_1755] {strides = array<i32>} : memref<104x384xf32, #tpu.memory_space<vmem>>, vector<1x16xf32>,
        %get3A_1757 = vector.shape_cast %get3A_1756 : vector<1x16xf32> to vector<16xf32>
        %add3A_1758 = arith.addf %scan3A_1709, %get3A_1757 : vector<16xf32>
        %add3A_1759 = arith.constant 100 : i32
        %add3A_1760 = arith.addi %add3A_1759, %scan3A_1704 : i32
        %get3A_1761 = arith.index_cast %add3A_1760 : i32 to index
        %get3A_1762 = arith.constant 80 : index
        %get3A_1763 = tpu.vector_load %arg6[%get3A_1761, %get3A_1762] {strides = array<i32>} : memref<104x384xf32, #tpu.memory_space<vmem>>, vector<1x16xf32>,
        %get3A_1764 = vector.shape_cast %get3A_1763 : vector<1x16xf32> to vector<16xf32>
        %add3A_1765 = arith.addf %scan3A_1710, %get3A_1764 : vector<16xf32>
        %add3A_1766 = arith.constant 100 : i32
        %add3A_1767 = arith.addi %add3A_1766, %scan3A_1704 : i32
        %get3A_1768 = arith.index_cast %add3A_1767 : i32 to index
        %get3A_1769 = arith.constant 96 : index
        %get3A_1770 = tpu.vector_load %arg6[%get3A_1768, %get3A_1769] {strides = array<i32>} : memref<104x384xf32, #tpu.memory_space<vmem>>, vector<1x16xf32>,
        %get3A_1771 = vector.shape_cast %get3A_1770 : vector<1x16xf32> to vector<16xf32>
        %add3A_1772 = arith.addf %scan3A_1711, %get3A_1771 : vector<16xf32>
        %add3A_1773 = arith.constant 100 : i32
        %add3A_1774 = arith.addi %add3A_1773, %scan3A_1704 : i32
        %get3A_1775 = arith.index_cast %add3A_1774 : i32 to index
        %get3A_1776 = arith.constant 112 : index
        %get3A_1777 = tpu.vector_load %arg6[%get3A_1775, %get3A_1776] {strides = array<i32>} : memref<104x384xf32, #tpu.memory_space<vmem>>, vector<1x16xf32>,
        %get3A_1778 = vector.shape_cast %get3A_1777 : vector<1x16xf32> to vector<16xf32>
        %add3A_1779 = arith.addf %scan3A_1712, %get3A_1778 : vector<16xf32>
        %add3A_1780 = arith.constant 100 : i32
        %add3A_1781 = arith.addi %add3A_1780, %scan3A_1704 : i32
        %get3A_1782 = arith.index_cast %add3A_1781 : i32 to index
        %get3A_1783 = arith.constant 128 : index
        %get3A_1784 = tpu.vector_load %arg6[%get3A_1782, %get3A_1783] {strides = array<i32>} : memref<104x384xf32, #tpu.memory_space<vmem>>, vector<1x16xf32>,
        %get3A_1785 = vector.shape_cast %get3A_1784 : vector<1x16xf32> to vector<16xf32>
        %add3A_1786 = arith.addf %scan3A_1713, %get3A_1785 : vector<16xf32>
        %add3A_1787 = arith.constant 100 : i32
        %add3A_1788 = arith.addi %add3A_1787, %scan3A_1704 : i32
        %get3A_1789 = arith.index_cast %add3A_1788 : i32 to index
        %get3A_1790 = arith.constant 144 : index
        %get3A_1791 = tpu.vector_load %arg6[%get3A_1789, %get3A_1790] {strides = array<i32>} : memref<104x384xf32, #tpu.memory_space<vmem>>, vector<1x16xf32>,
        %get3A_1792 = vector.shape_cast %get3A_1791 : vector<1x16xf32> to vector<16xf32>
        %add3A_1793 = arith.addf %scan3A_1714, %get3A_1792 : vector<16xf32>
        %add3A_1794 = arith.constant 100 : i32
        %add3A_1795 = arith.addi %add3A_1794, %scan3A_1704 : i32
        %get3A_1796 = arith.index_cast %add3A_1795 : i32 to index
        %get3A_1797 = arith.constant 160 : index
        %get3A_1798 = tpu.vector_load %arg6[%get3A_1796, %get3A_1797] {strides = array<i32>} : memref<104x384xf32, #tpu.memory_space<vmem>>, vector<1x16xf32>,
        %get3A_1799 = vector.shape_cast %get3A_1798 : vector<1x16xf32> to vector<16xf32>
        %add3A_1800 = arith.addf %scan3A_1715, %get3A_1799 : vector<16xf32>
        %add3A_1801 = arith.constant 100 : i32
        %add3A_1802 = arith.addi %add3A_1801, %scan3A_1704 : i32
        %get3A_1803 = arith.index_cast %add3A_1802 : i32 to index
        %get3A_1804 = arith.constant 176 : index
        %get3A_1805 = tpu.vector_load %arg6[%get3A_1803, %get3A_1804] {strides = array<i32>} : memref<104x384xf32, #tpu.memory_space<vmem>>, vector<1x16xf32>,
        %get3A_1806 = vector.shape_cast %get3A_1805 : vector<1x16xf32> to vector<16xf32>
        %add3A_1807 = arith.addf %scan3A_1716, %get3A_1806 : vector<16xf32>
        %add3A_1808 = arith.constant 100 : i32
        %add3A_1809 = arith.addi %add3A_1808, %scan3A_1704 : i32
        %get3A_1810 = arith.index_cast %add3A_1809 : i32 to index
        %get3A_1811 = arith.constant 192 : index
        %get3A_1812 = tpu.vector_load %arg6[%get3A_1810, %get3A_1811] {strides = array<i32>} : memref<104x384xf32, #tpu.memory_space<vmem>>, vector<1x16xf32>,
        %get3A_1813 = vector.shape_cast %get3A_1812 : vector<1x16xf32> to vector<16xf32>
        %add3A_1814 = arith.addf %scan3A_1717, %get3A_1813 : vector<16xf32>
        %add3A_1815 = arith.constant 100 : i32
        %add3A_1816 = arith.addi %add3A_1815, %scan3A_1704 : i32
        %get3A_1817 = arith.index_cast %add3A_1816 : i32 to index
        %get3A_1818 = arith.constant 208 : index
        %get3A_1819 = tpu.vector_load %arg6[%get3A_1817, %get3A_1818] {strides = array<i32>} : memref<104x384xf32, #tpu.memory_space<vmem>>, vector<1x16xf32>,
        %get3A_1820 = vector.shape_cast %get3A_1819 : vector<1x16xf32> to vector<16xf32>
        %add3A_1821 = arith.addf %scan3A_1718, %get3A_1820 : vector<16xf32>
        %add3A_1822 = arith.constant 100 : i32
        %add3A_1823 = arith.addi %add3A_1822, %scan3A_1704 : i32
        %get3A_1824 = arith.index_cast %add3A_1823 : i32 to index
        %get3A_1825 = arith.constant 224 : index
        %get3A_1826 = tpu.vector_load %arg6[%get3A_1824, %get3A_1825] {strides = array<i32>} : memref<104x384xf32, #tpu.memory_space<vmem>>, vector<1x16xf32>,
        %get3A_1827 = vector.shape_cast %get3A_1826 : vector<1x16xf32> to vector<16xf32>
        %add3A_1828 = arith.addf %scan3A_1719, %get3A_1827 : vector<16xf32>
        %add3A_1829 = arith.constant 100 : i32
        %add3A_1830 = arith.addi %add3A_1829, %scan3A_1704 : i32
        %get3A_1831 = arith.index_cast %add3A_1830 : i32 to index
        %get3A_1832 = arith.constant 240 : index
        %get3A_1833 = tpu.vector_load %arg6[%get3A_1831, %get3A_1832] {strides = array<i32>} : memref<104x384xf32, #tpu.memory_space<vmem>>, vector<1x16xf32>,
        %get3A_1834 = vector.shape_cast %get3A_1833 : vector<1x16xf32> to vector<16xf32>
        %add3A_1835 = arith.addf %scan3A_1720, %get3A_1834 : vector<16xf32>
        %add3A_1836 = arith.constant 100 : i32
        %add3A_1837 = arith.addi %add3A_1836, %scan3A_1704 : i32
        %get3A_1838 = arith.index_cast %add3A_1837 : i32 to index
        %get3A_1839 = arith.constant 256 : index
        %get3A_1840 = tpu.vector_load %arg6[%get3A_1838, %get3A_1839] {strides = array<i32>} : memref<104x384xf32, #tpu.memory_space<vmem>>, vector<1x16xf32>,
        %get3A_1841 = vector.shape_cast %get3A_1840 : vector<1x16xf32> to vector<16xf32>
        %add3A_1842 = arith.addf %scan3A_1721, %get3A_1841 : vector<16xf32>
        %add3A_1843 = arith.constant 100 : i32
        %add3A_1844 = arith.addi %add3A_1843, %scan3A_1704 : i32
        %get3A_1845 = arith.index_cast %add3A_1844 : i32 to index
        %get3A_1846 = arith.constant 272 : index
        %get3A_1847 = tpu.vector_load %arg6[%get3A_1845, %get3A_1846] {strides = array<i32>} : memref<104x384xf32, #tpu.memory_space<vmem>>, vector<1x16xf32>,
        %get3A_1848 = vector.shape_cast %get3A_1847 : vector<1x16xf32> to vector<16xf32>
        %add3A_1849 = arith.addf %scan3A_1722, %get3A_1848 : vector<16xf32>
        %add3A_1850 = arith.constant 100 : i32
        %add3A_1851 = arith.addi %add3A_1850, %scan3A_1704 : i32
        %get3A_1852 = arith.index_cast %add3A_1851 : i32 to index
        %get3A_1853 = arith.constant 288 : index
        %get3A_1854 = tpu.vector_load %arg6[%get3A_1852, %get3A_1853] {strides = array<i32>} : memref<104x384xf32, #tpu.memory_space<vmem>>, vector<1x16xf32>,
        %get3A_1855 = vector.shape_cast %get3A_1854 : vector<1x16xf32> to vector<16xf32>
        %add3A_1856 = arith.addf %scan3A_1723, %get3A_1855 : vector<16xf32>
        scf.yield %add3A_1730, %add3A_1737, %add3A_1744, %add3A_1751, %add3A_1758, %add3A_1765, %add3A_1772, %add3A_1779, %add3A_1786, %add3A_1793, %add3A_1800, %add3A_1807, %add3A_1814, %add3A_1821, %add3A_1828, %add3A_1835, %add3A_1842, %add3A_1849, %add3A_1856 : vector<16xf32>, vector<16xf32>, vector<16xf32>, vector<16xf32>, vector<16xf32>, vector<16xf32>, vector<16xf32>, vector<16xf32>, vector<16xf32>, vector<16xf32>, vector<16xf32>, vector<16xf32>, vector<16xf32>, vector<16xf32>, vector<16xf32>, vector<16xf32>, vector<16xf32>, vector<16xf32>, vector<16xf32>
      }
      %scan3A_1255 = arith.constant 4 : i32
      %swap3A_1256 = arith.constant 0 : index
      %swap3A_1257 = tpu.vector_load %arg10[%swap3A_1256] {strides = array<i32>} : memref<304xf32, #tpu.memory_space<vmem>>, vector<16xf32>,
      %swap3A_1258 = vector.shape_cast %swap3A_1257 : vector<16xf32> to vector<16xf32>
      %swap3A_1259 = vector.shape_cast %scan3A_1254#0 : vector<16xf32> to vector<16xf32>
      tpu.vector_store %arg10[%swap3A_1256], %swap3A_1259 {strides = array<i32>} : memref<304xf32, #tpu.memory_space<vmem>>, vector<16xf32>,
      %swap3A_1260 = arith.constant 16 : index
      %swap3A_1261 = tpu.vector_load %arg10[%swap3A_1260] {strides = array<i32>} : memref<304xf32, #tpu.memory_space<vmem>>, vector<16xf32>,
      %swap3A_1262 = vector.shape_cast %swap3A_1261 : vector<16xf32> to vector<16xf32>
      %swap3A_1263 = vector.shape_cast %scan3A_1254#1 : vector<16xf32> to vector<16xf32>
      tpu.vector_store %arg10[%swap3A_1260], %swap3A_1263 {strides = array<i32>} : memref<304xf32, #tpu.memory_space<vmem>>, vector<16xf32>,
      %swap3A_1264 = arith.constant 32 : index
      %swap3A_1265 = tpu.vector_load %arg10[%swap3A_1264] {strides = array<i32>} : memref<304xf32, #tpu.memory_space<vmem>>, vector<16xf32>,
      %swap3A_1266 = vector.shape_cast %swap3A_1265 : vector<16xf32> to vector<16xf32>
      %swap3A_1267 = vector.shape_cast %scan3A_1254#2 : vector<16xf32> to vector<16xf32>
      tpu.vector_store %arg10[%swap3A_1264], %swap3A_1267 {strides = array<i32>} : memref<304xf32, #tpu.memory_space<vmem>>, vector<16xf32>,
      %swap3A_1268 = arith.constant 48 : index
      %swap3A_1269 = tpu.vector_load %arg10[%swap3A_1268] {strides = array<i32>} : memref<304xf32, #tpu.memory_space<vmem>>, vector<16xf32>,
      %swap3A_1270 = vector.shape_cast %swap3A_1269 : vector<16xf32> to vector<16xf32>
      %swap3A_1271 = vector.shape_cast %scan3A_1254#3 : vector<16xf32> to vector<16xf32>
      tpu.vector_store %arg10[%swap3A_1268], %swap3A_1271 {strides = array<i32>} : memref<304xf32, #tpu.memory_space<vmem>>, vector<16xf32>,
      %swap3A_1272 = arith.constant 64 : index
      %swap3A_1273 = tpu.vector_load %arg10[%swap3A_1272] {strides = array<i32>} : memref<304xf32, #tpu.memory_space<vmem>>, vector<16xf32>,
      %swap3A_1274 = vector.shape_cast %swap3A_1273 : vector<16xf32> to vector<16xf32>
      %swap3A_1275 = vector.shape_cast %scan3A_1254#4 : vector<16xf32> to vector<16xf32>
      tpu.vector_store %arg10[%swap3A_1272], %swap3A_1275 {strides = array<i32>} : memref<304xf32, #tpu.memory_space<vmem>>, vector<16xf32>,
      %swap3A_1276 = arith.constant 80 : index
      %swap3A_1277 = tpu.vector_load %arg10[%swap3A_1276] {strides = array<i32>} : memref<304xf32, #tpu.memory_space<vmem>>, vector<16xf32>,
      %swap3A_1278 = vector.shape_cast %swap3A_1277 : vector<16xf32> to vector<16xf32>
      %swap3A_1279 = vector.shape_cast %scan3A_1254#5 : vector<16xf32> to vector<16xf32>
      tpu.vector_store %arg10[%swap3A_1276], %swap3A_1279 {strides = array<i32>} : memref<304xf32, #tpu.memory_space<vmem>>, vector<16xf32>,
      %swap3A_1280 = arith.constant 96 : index
      %swap3A_1281 = tpu.vector_load %arg10[%swap3A_1280] {strides = array<i32>} : memref<304xf32, #tpu.memory_space<vmem>>, vector<16xf32>,
      %swap3A_1282 = vector.shape_cast %swap3A_1281 : vector<16xf32> to vector<16xf32>
      %swap3A_1283 = vector.shape_cast %scan3A_1254#6 : vector<16xf32> to vector<16xf32>
      tpu.vector_store %arg10[%swap3A_1280], %swap3A_1283 {strides = array<i32>} : memref<304xf32, #tpu.memory_space<vmem>>, vector<16xf32>,
      %swap3A_1284 = arith.constant 112 : index
      %swap3A_1285 = tpu.vector_load %arg10[%swap3A_1284] {strides = array<i32>} : memref<304xf32, #tpu.memory_space<vmem>>, vector<16xf32>,
      %swap3A_1286 = vector.shape_cast %swap3A_1285 : vector<16xf32> to vector<16xf32>
      %swap3A_1287 = vector.shape_cast %scan3A_1254#7 : vector<16xf32> to vector<16xf32>
      tpu.vector_store %arg10[%swap3A_1284], %swap3A_1287 {strides = array<i32>} : memref<304xf32, #tpu.memory_space<vmem>>, vector<16xf32>,
      %swap3A_1288 = arith.constant 128 : index
      %swap3A_1289 = tpu.vector_load %arg10[%swap3A_1288] {strides = array<i32>} : memref<304xf32, #tpu.memory_space<vmem>>, vector<16xf32>,
      %swap3A_1290 = vector.shape_cast %swap3A_1289 : vector<16xf32> to vector<16xf32>
      %swap3A_1291 = vector.shape_cast %scan3A_1254#8 : vector<16xf32> to vector<16xf32>
      tpu.vector_store %arg10[%swap3A_1288], %swap3A_1291 {strides = array<i32>} : memref<304xf32, #tpu.memory_space<vmem>>, vector<16xf32>,
      %swap3A_1292 = arith.constant 144 : index
      %swap3A_1293 = tpu.vector_load %arg10[%swap3A_1292] {strides = array<i32>} : memref<304xf32, #tpu.memory_space<vmem>>, vector<16xf32>,
      %swap3A_1294 = vector.shape_cast %swap3A_1293 : vector<16xf32> to vector<16xf32>
      %swap3A_1295 = vector.shape_cast %scan3A_1254#9 : vector<16xf32> to vector<16xf32>
      tpu.vector_store %arg10[%swap3A_1292], %swap3A_1295 {strides = array<i32>} : memref<304xf32, #tpu.memory_space<vmem>>, vector<16xf32>,
      %swap3A_1296 = arith.constant 160 : index
      %swap3A_1297 = tpu.vector_load %arg10[%swap3A_1296] {strides = array<i32>} : memref<304xf32, #tpu.memory_space<vmem>>, vector<16xf32>,
      %swap3A_1298 = vector.shape_cast %swap3A_1297 : vector<16xf32> to vector<16xf32>
      %swap3A_1299 = vector.shape_cast %scan3A_1254#10 : vector<16xf32> to vector<16xf32>
      tpu.vector_store %arg10[%swap3A_1296], %swap3A_1299 {strides = array<i32>} : memref<304xf32, #tpu.memory_space<vmem>>, vector<16xf32>,
      %swap3A_1300 = arith.constant 176 : index
      %swap3A_1301 = tpu.vector_load %arg10[%swap3A_1300] {strides = array<i32>} : memref<304xf32, #tpu.memory_space<vmem>>, vector<16xf32>,
      %swap3A_1302 = vector.shape_cast %swap3A_1301 : vector<16xf32> to vector<16xf32>
      %swap3A_1303 = vector.shape_cast %scan3A_1254#11 : vector<16xf32> to vector<16xf32>
      tpu.vector_store %arg10[%swap3A_1300], %swap3A_1303 {strides = array<i32>} : memref<304xf32, #tpu.memory_space<vmem>>, vector<16xf32>,
      %swap3A_1304 = arith.constant 192 : index
      %swap3A_1305 = tpu.vector_load %arg10[%swap3A_1304] {strides = array<i32>} : memref<304xf32, #tpu.memory_space<vmem>>, vector<16xf32>,
      %swap3A_1306 = vector.shape_cast %swap3A_1305 : vector<16xf32> to vector<16xf32>
      %swap3A_1307 = vector.shape_cast %scan3A_1254#12 : vector<16xf32> to vector<16xf32>
      tpu.vector_store %arg10[%swap3A_1304], %swap3A_1307 {strides = array<i32>} : memref<304xf32, #tpu.memory_space<vmem>>, vector<16xf32>,
      %swap3A_1308 = arith.constant 208 : index
      %swap3A_1309 = tpu.vector_load %arg10[%swap3A_1308] {strides = array<i32>} : memref<304xf32, #tpu.memory_space<vmem>>, vector<16xf32>,
      %swap3A_1310 = vector.shape_cast %swap3A_1309 : vector<16xf32> to vector<16xf32>
      %swap3A_1311 = vector.shape_cast %scan3A_1254#13 : vector<16xf32> to vector<16xf32>
      tpu.vector_store %arg10[%swap3A_1308], %swap3A_1311 {strides = array<i32>} : memref<304xf32, #tpu.memory_space<vmem>>, vector<16xf32>,
      %swap3A_1312 = arith.constant 224 : index
      %swap3A_1313 = tpu.vector_load %arg10[%swap3A_1312] {strides = array<i32>} : memref<304xf32, #tpu.memory_space<vmem>>, vector<16xf32>,
      %swap3A_1314 = vector.shape_cast %swap3A_1313 : vector<16xf32> to vector<16xf32>
      %swap3A_1315 = vector.shape_cast %scan3A_1254#14 : vector<16xf32> to vector<16xf32>
      tpu.vector_store %arg10[%swap3A_1312], %swap3A_1315 {strides = array<i32>} : memref<304xf32, #tpu.memory_space<vmem>>, vector<16xf32>,
      %swap3A_1316 = arith.constant 240 : index
      %swap3A_1317 = tpu.vector_load %arg10[%swap3A_1316] {strides = array<i32>} : memref<304xf32, #tpu.memory_space<vmem>>, vector<16xf32>,
      %swap3A_1318 = vector.shape_cast %swap3A_1317 : vector<16xf32> to vector<16xf32>
      %swap3A_1319 = vector.shape_cast %scan3A_1254#15 : vector<16xf32> to vector<16xf32>
      tpu.vector_store %arg10[%swap3A_1316], %swap3A_1319 {strides = array<i32>} : memref<304xf32, #tpu.memory_space<vmem>>, vector<16xf32>,
      %swap3A_1320 = arith.constant 256 : index
      %swap3A_1321 = tpu.vector_load %arg10[%swap3A_1320] {strides = array<i32>} : memref<304xf32, #tpu.memory_space<vmem>>, vector<16xf32>,
      %swap3A_1322 = vector.shape_cast %swap3A_1321 : vector<16xf32> to vector<16xf32>
      %swap3A_1323 = vector.shape_cast %scan3A_1254#16 : vector<16xf32> to vector<16xf32>
      tpu.vector_store %arg10[%swap3A_1320], %swap3A_1323 {strides = array<i32>} : memref<304xf32, #tpu.memory_space<vmem>>, vector<16xf32>,
      %swap3A_1324 = arith.constant 272 : index
      %swap3A_1325 = tpu.vector_load %arg10[%swap3A_1324] {strides = array<i32>} : memref<304xf32, #tpu.memory_space<vmem>>, vector<16xf32>,
      %swap3A_1326 = vector.shape_cast %swap3A_1325 : vector<16xf32> to vector<16xf32>
      %swap3A_1327 = vector.shape_cast %scan3A_1254#17 : vector<16xf32> to vector<16xf32>
      tpu.vector_store %arg10[%swap3A_1324], %swap3A_1327 {strides = array<i32>} : memref<304xf32, #tpu.memory_space<vmem>>, vector<16xf32>,
      %swap3A_1328 = arith.constant 288 : index
      %swap3A_1329 = tpu.vector_load %arg10[%swap3A_1328] {strides = array<i32>} : memref<304xf32, #tpu.memory_space<vmem>>, vector<16xf32>,
      %swap3A_1330 = vector.shape_cast %swap3A_1329 : vector<16xf32> to vector<16xf32>
      %swap3A_1331 = vector.shape_cast %scan3A_1254#18 : vector<16xf32> to vector<16xf32>
      tpu.vector_store %arg10[%swap3A_1328], %swap3A_1331 {strides = array<i32>} : memref<304xf32, #tpu.memory_space<vmem>>, vector<16xf32>,
      %add3A_1332 = arith.constant 1 : i32
      %add3A_1333 = arith.addi %add3A_881, %add3A_1332 : i32
      %lt3A_1334 = arith.constant 32 : i32
      %lt3A_1335 = arith.cmpi slt, %add3A_1333, %lt3A_1334 : i32
      %convert_element_type3A_1336 = arith.extui %lt3A_1335 : i1 to i32
      %cond3A_1337 = arith.constant 0 : i32
      %cond3A_1338 = arith.cmpi ne, %convert_element_type3A_1336, %cond3A_1337 : i32
      scf.if %cond3A_1338 {
        %add3A_1704 = arith.constant 1 : i32
        %add3A_1705 = arith.addi %add3A_881, %add3A_1704 : i32
        %mul3A_1706 = arith.constant 200 : i32
        %mul3A_1707 = arith.muli %add3A_1705, %mul3A_1706 : i32
        %dma_start3A_1708 = tpu.memref_slice %arg5[%mul3A_1707] : memref<6400xi32, #tpu.memory_space<vmem>> -> memref<104xi32, #tpu.memory_space<vmem>>
        %dma_start3A_1709 = arith.constant 0 : i32
        %dma_start3A_1710 = arith.constant 0 : i32
        %dma_start3A_1711 = tpu.memref_slice %arg3[%dma_start3A_1709, %dma_start3A_1710] : memref<100000x384xf32, #tpu.memory_space<hbm>> -> memref<100000x384xf32, #tpu.memory_space<hbm>>
        tpu.enqueue_indirect_dma source(%dma_start3A_1711 : memref<100000x384xf32, #tpu.memory_space<hbm>>) target(%arg6 : memref<104x384xf32, #tpu.memory_space<vmem>>) offsets(%dma_start3A_1708 : memref<104xi32, #tpu.memory_space<vmem>>) semaphore(%arg11 : memref<!tpu.dma_semaphore, #tpu.memory_space<semaphore_mem>>)
      } else {
      }
      %dma_wait3A_1339 = arith.constant 0 : i32
      %dma_wait3A_1340 = arith.constant 0 : i32
      %dma_wait3A_1341 = tpu.memref_slice %arg7[%dma_wait3A_1339, %dma_wait3A_1340] : memref<104x384xf32, #tpu.memory_space<vmem>> -> memref<96x384xf32, #tpu.memory_space<vmem>>
      %dma_wait3A_1342 = arith.constant 0 : i32
      %dma_wait3A_1343 = arith.constant 0 : i32
      %dma_wait3A_1344 = tpu.memref_slice %arg3[%dma_wait3A_1342, %dma_wait3A_1343] : memref<100000x384xf32, #tpu.memory_space<hbm>> -> memref<96x384xf32, #tpu.memory_space<hbm>>
      %dma_wait3A_1345 = arith.constant 0 : i32
      %dma_wait3A_1346 = arith.constant 0 : i32
      %dma_wait3A_1347 = tpu.memref_slice %arg7[%dma_wait3A_1345, %dma_wait3A_1346] : memref<104x384xf32, #tpu.memory_space<vmem>> -> memref<96x384xf32, #tpu.memory_space<vmem>>
      %dma_wait3A_1348 = arith.constant 0 : i32
      %dma_wait3A_1349 = arith.constant 0 : i32
      %dma_wait3A_1350 = tpu.memref_slice %arg3[%dma_wait3A_1348, %dma_wait3A_1349] : memref<100000x384xf32, #tpu.memory_space<hbm>> -> memref<96x384xf32, #tpu.memory_space<hbm>>
      tpu.wait_dma2 semaphore(%arg12 : memref<!tpu.dma_semaphore, #tpu.memory_space<semaphore_mem>>) src(%dma_wait3A_1350 : memref<96x384xf32, #tpu.memory_space<hbm>>) dst(%dma_wait3A_1347 : memref<96x384xf32, #tpu.memory_space<vmem>>)
      %get3A_1351 = arith.constant 0 : index
      %get3A_1352 = tpu.vector_load %arg10[%get3A_1351] {strides = array<i32>} : memref<304xf32, #tpu.memory_space<vmem>>, vector<16xf32>,
      %get3A_1353 = vector.shape_cast %get3A_1352 : vector<16xf32> to vector<16xf32>
      %get3A_1354 = arith.constant 16 : index
      %get3A_1355 = tpu.vector_load %arg10[%get3A_1354] {strides = array<i32>} : memref<304xf32, #tpu.memory_space<vmem>>, vector<16xf32>,
      %get3A_1356 = vector.shape_cast %get3A_1355 : vector<16xf32> to vector<16xf32>
      %get3A_1357 = arith.constant 32 : index
      %get3A_1358 = tpu.vector_load %arg10[%get3A_1357] {strides = array<i32>} : memref<304xf32, #tpu.memory_space<vmem>>, vector<16xf32>,
      %get3A_1359 = vector.shape_cast %get3A_1358 : vector<16xf32> to vector<16xf32>
      %get3A_1360 = arith.constant 48 : index
      %get3A_1361 = tpu.vector_load %arg10[%get3A_1360] {strides = array<i32>} : memref<304xf32, #tpu.memory_space<vmem>>, vector<16xf32>,
      %get3A_1362 = vector.shape_cast %get3A_1361 : vector<16xf32> to vector<16xf32>
      %get3A_1363 = arith.constant 64 : index
      %get3A_1364 = tpu.vector_load %arg10[%get3A_1363] {strides = array<i32>} : memref<304xf32, #tpu.memory_space<vmem>>, vector<16xf32>,
      %get3A_1365 = vector.shape_cast %get3A_1364 : vector<16xf32> to vector<16xf32>
      %get3A_1366 = arith.constant 80 : index
      %get3A_1367 = tpu.vector_load %arg10[%get3A_1366] {strides = array<i32>} : memref<304xf32, #tpu.memory_space<vmem>>, vector<16xf32>,
      %get3A_1368 = vector.shape_cast %get3A_1367 : vector<16xf32> to vector<16xf32>
      %get3A_1369 = arith.constant 96 : index
      %get3A_1370 = tpu.vector_load %arg10[%get3A_1369] {strides = array<i32>} : memref<304xf32, #tpu.memory_space<vmem>>, vector<16xf32>,
      %get3A_1371 = vector.shape_cast %get3A_1370 : vector<16xf32> to vector<16xf32>
      %get3A_1372 = arith.constant 112 : index
      %get3A_1373 = tpu.vector_load %arg10[%get3A_1372] {strides = array<i32>} : memref<304xf32, #tpu.memory_space<vmem>>, vector<16xf32>,
      %get3A_1374 = vector.shape_cast %get3A_1373 : vector<16xf32> to vector<16xf32>
      %get3A_1375 = arith.constant 128 : index
      %get3A_1376 = tpu.vector_load %arg10[%get3A_1375] {strides = array<i32>} : memref<304xf32, #tpu.memory_space<vmem>>, vector<16xf32>,
      %get3A_1377 = vector.shape_cast %get3A_1376 : vector<16xf32> to vector<16xf32>
      %get3A_1378 = arith.constant 144 : index
      %get3A_1379 = tpu.vector_load %arg10[%get3A_1378] {strides = array<i32>} : memref<304xf32, #tpu.memory_space<vmem>>, vector<16xf32>,
      %get3A_1380 = vector.shape_cast %get3A_1379 : vector<16xf32> to vector<16xf32>
      %get3A_1381 = arith.constant 160 : index
      %get3A_1382 = tpu.vector_load %arg10[%get3A_1381] {strides = array<i32>} : memref<304xf32, #tpu.memory_space<vmem>>, vector<16xf32>,
      %get3A_1383 = vector.shape_cast %get3A_1382 : vector<16xf32> to vector<16xf32>
      %get3A_1384 = arith.constant 176 : index
      %get3A_1385 = tpu.vector_load %arg10[%get3A_1384] {strides = array<i32>} : memref<304xf32, #tpu.memory_space<vmem>>, vector<16xf32>,
      %get3A_1386 = vector.shape_cast %get3A_1385 : vector<16xf32> to vector<16xf32>
      %get3A_1387 = arith.constant 192 : index
      %get3A_1388 = tpu.vector_load %arg10[%get3A_1387] {strides = array<i32>} : memref<304xf32, #tpu.memory_space<vmem>>, vector<16xf32>,
      %get3A_1389 = vector.shape_cast %get3A_1388 : vector<16xf32> to vector<16xf32>
      %get3A_1390 = arith.constant 208 : index
      %get3A_1391 = tpu.vector_load %arg10[%get3A_1390] {strides = array<i32>} : memref<304xf32, #tpu.memory_space<vmem>>, vector<16xf32>,
      %get3A_1392 = vector.shape_cast %get3A_1391 : vector<16xf32> to vector<16xf32>
      %get3A_1393 = arith.constant 224 : index
      %get3A_1394 = tpu.vector_load %arg10[%get3A_1393] {strides = array<i32>} : memref<304xf32, #tpu.memory_space<vmem>>, vector<16xf32>,
      %get3A_1395 = vector.shape_cast %get3A_1394 : vector<16xf32> to vector<16xf32>
      %get3A_1396 = arith.constant 240 : index
      %get3A_1397 = tpu.vector_load %arg10[%get3A_1396] {strides = array<i32>} : memref<304xf32, #tpu.memory_space<vmem>>, vector<16xf32>,
      %get3A_1398 = vector.shape_cast %get3A_1397 : vector<16xf32> to vector<16xf32>
      %get3A_1399 = arith.constant 256 : index
      %get3A_1400 = tpu.vector_load %arg10[%get3A_1399] {strides = array<i32>} : memref<304xf32, #tpu.memory_space<vmem>>, vector<16xf32>,
      %get3A_1401 = vector.shape_cast %get3A_1400 : vector<16xf32> to vector<16xf32>
      %get3A_1402 = arith.constant 272 : index
      %get3A_1403 = tpu.vector_load %arg10[%get3A_1402] {strides = array<i32>} : memref<304xf32, #tpu.memory_space<vmem>>, vector<16xf32>,
      %get3A_1404 = vector.shape_cast %get3A_1403 : vector<16xf32> to vector<16xf32>
      %get3A_1405 = arith.constant 288 : index
      %get3A_1406 = tpu.vector_load %arg10[%get3A_1405] {strides = array<i32>} : memref<304xf32, #tpu.memory_space<vmem>>, vector<16xf32>,
      %get3A_1407 = vector.shape_cast %get3A_1406 : vector<16xf32> to vector<16xf32>
      %scan3A_1408 = arith.constant 0 : i32
      %scan3A_1409 = arith.constant 46 : i32
      %scan3A_1410 = arith.addi %scan3A_1408, %scan3A_1409 : i32
      %scan3A_1411 = arith.constant 1 : i32
      %scan3A_1412:19 = scf.for %scan3A_1704 = %scan3A_1408 to %scan3A_1410 step %scan3A_1411 iter_args(%scan3A_1705 = %get3A_1353, %scan3A_1706 = %get3A_1356, %scan3A_1707 = %get3A_1359, %scan3A_1708 = %get3A_1362, %scan3A_1709 = %get3A_1365, %scan3A_1710 = %get3A_1368, %scan3A_1711 = %get3A_1371, %scan3A_1712 = %get3A_1374, %scan3A_1713 = %get3A_1377, %scan3A_1714 = %get3A_1380, %scan3A_1715 = %get3A_1383, %scan3A_1716 = %get3A_1386, %scan3A_1717 = %get3A_1389, %scan3A_1718 = %get3A_1392, %scan3A_1719 = %get3A_1395, %scan3A_1720 = %get3A_1398, %scan3A_1721 = %get3A_1401, %scan3A_1722 = %get3A_1404, %scan3A_1723 = %get3A_1407) -> (vector<16xf32>, vector<16xf32>, vector<16xf32>, vector<16xf32>, vector<16xf32>, vector<16xf32>, vector<16xf32>, vector<16xf32>, vector<16xf32>, vector<16xf32>, vector<16xf32>, vector<16xf32>, vector<16xf32>, vector<16xf32>, vector<16xf32>, vector<16xf32>, vector<16xf32>, vector<16xf32>, vector<16xf32>)  : i32 {
        %add3A_1724 = arith.constant 0 : i32
        %add3A_1725 = arith.addi %add3A_1724, %scan3A_1704 : i32
        %get3A_1726 = arith.index_cast %add3A_1725 : i32 to index
        %get3A_1727 = arith.constant 0 : index
        %get3A_1728 = tpu.vector_load %arg7[%get3A_1726, %get3A_1727] {strides = array<i32>} : memref<104x384xf32, #tpu.memory_space<vmem>>, vector<1x16xf32>,
        %get3A_1729 = vector.shape_cast %get3A_1728 : vector<1x16xf32> to vector<16xf32>
        %add3A_1730 = arith.addf %scan3A_1705, %get3A_1729 : vector<16xf32>
        %add3A_1731 = arith.constant 0 : i32
        %add3A_1732 = arith.addi %add3A_1731, %scan3A_1704 : i32
        %get3A_1733 = arith.index_cast %add3A_1732 : i32 to index
        %get3A_1734 = arith.constant 16 : index
        %get3A_1735 = tpu.vector_load %arg7[%get3A_1733, %get3A_1734] {strides = array<i32>} : memref<104x384xf32, #tpu.memory_space<vmem>>, vector<1x16xf32>,
        %get3A_1736 = vector.shape_cast %get3A_1735 : vector<1x16xf32> to vector<16xf32>
        %add3A_1737 = arith.addf %scan3A_1706, %get3A_1736 : vector<16xf32>
        %add3A_1738 = arith.constant 0 : i32
        %add3A_1739 = arith.addi %add3A_1738, %scan3A_1704 : i32
        %get3A_1740 = arith.index_cast %add3A_1739 : i32 to index
        %get3A_1741 = arith.constant 32 : index
        %get3A_1742 = tpu.vector_load %arg7[%get3A_1740, %get3A_1741] {strides = array<i32>} : memref<104x384xf32, #tpu.memory_space<vmem>>, vector<1x16xf32>,
        %get3A_1743 = vector.shape_cast %get3A_1742 : vector<1x16xf32> to vector<16xf32>
        %add3A_1744 = arith.addf %scan3A_1707, %get3A_1743 : vector<16xf32>
        %add3A_1745 = arith.constant 0 : i32
        %add3A_1746 = arith.addi %add3A_1745, %scan3A_1704 : i32
        %get3A_1747 = arith.index_cast %add3A_1746 : i32 to index
        %get3A_1748 = arith.constant 48 : index
        %get3A_1749 = tpu.vector_load %arg7[%get3A_1747, %get3A_1748] {strides = array<i32>} : memref<104x384xf32, #tpu.memory_space<vmem>>, vector<1x16xf32>,
        %get3A_1750 = vector.shape_cast %get3A_1749 : vector<1x16xf32> to vector<16xf32>
        %add3A_1751 = arith.addf %scan3A_1708, %get3A_1750 : vector<16xf32>
        %add3A_1752 = arith.constant 0 : i32
        %add3A_1753 = arith.addi %add3A_1752, %scan3A_1704 : i32
        %get3A_1754 = arith.index_cast %add3A_1753 : i32 to index
        %get3A_1755 = arith.constant 64 : index
        %get3A_1756 = tpu.vector_load %arg7[%get3A_1754, %get3A_1755] {strides = array<i32>} : memref<104x384xf32, #tpu.memory_space<vmem>>, vector<1x16xf32>,
        %get3A_1757 = vector.shape_cast %get3A_1756 : vector<1x16xf32> to vector<16xf32>
        %add3A_1758 = arith.addf %scan3A_1709, %get3A_1757 : vector<16xf32>
        %add3A_1759 = arith.constant 0 : i32
        %add3A_1760 = arith.addi %add3A_1759, %scan3A_1704 : i32
        %get3A_1761 = arith.index_cast %add3A_1760 : i32 to index
        %get3A_1762 = arith.constant 80 : index
        %get3A_1763 = tpu.vector_load %arg7[%get3A_1761, %get3A_1762] {strides = array<i32>} : memref<104x384xf32, #tpu.memory_space<vmem>>, vector<1x16xf32>,
        %get3A_1764 = vector.shape_cast %get3A_1763 : vector<1x16xf32> to vector<16xf32>
        %add3A_1765 = arith.addf %scan3A_1710, %get3A_1764 : vector<16xf32>
        %add3A_1766 = arith.constant 0 : i32
        %add3A_1767 = arith.addi %add3A_1766, %scan3A_1704 : i32
        %get3A_1768 = arith.index_cast %add3A_1767 : i32 to index
        %get3A_1769 = arith.constant 96 : index
        %get3A_1770 = tpu.vector_load %arg7[%get3A_1768, %get3A_1769] {strides = array<i32>} : memref<104x384xf32, #tpu.memory_space<vmem>>, vector<1x16xf32>,
        %get3A_1771 = vector.shape_cast %get3A_1770 : vector<1x16xf32> to vector<16xf32>
        %add3A_1772 = arith.addf %scan3A_1711, %get3A_1771 : vector<16xf32>
        %add3A_1773 = arith.constant 0 : i32
        %add3A_1774 = arith.addi %add3A_1773, %scan3A_1704 : i32
        %get3A_1775 = arith.index_cast %add3A_1774 : i32 to index
        %get3A_1776 = arith.constant 112 : index
        %get3A_1777 = tpu.vector_load %arg7[%get3A_1775, %get3A_1776] {strides = array<i32>} : memref<104x384xf32, #tpu.memory_space<vmem>>, vector<1x16xf32>,
        %get3A_1778 = vector.shape_cast %get3A_1777 : vector<1x16xf32> to vector<16xf32>
        %add3A_1779 = arith.addf %scan3A_1712, %get3A_1778 : vector<16xf32>
        %add3A_1780 = arith.constant 0 : i32
        %add3A_1781 = arith.addi %add3A_1780, %scan3A_1704 : i32
        %get3A_1782 = arith.index_cast %add3A_1781 : i32 to index
        %get3A_1783 = arith.constant 128 : index
        %get3A_1784 = tpu.vector_load %arg7[%get3A_1782, %get3A_1783] {strides = array<i32>} : memref<104x384xf32, #tpu.memory_space<vmem>>, vector<1x16xf32>,
        %get3A_1785 = vector.shape_cast %get3A_1784 : vector<1x16xf32> to vector<16xf32>
        %add3A_1786 = arith.addf %scan3A_1713, %get3A_1785 : vector<16xf32>
        %add3A_1787 = arith.constant 0 : i32
        %add3A_1788 = arith.addi %add3A_1787, %scan3A_1704 : i32
        %get3A_1789 = arith.index_cast %add3A_1788 : i32 to index
        %get3A_1790 = arith.constant 144 : index
        %get3A_1791 = tpu.vector_load %arg7[%get3A_1789, %get3A_1790] {strides = array<i32>} : memref<104x384xf32, #tpu.memory_space<vmem>>, vector<1x16xf32>,
        %get3A_1792 = vector.shape_cast %get3A_1791 : vector<1x16xf32> to vector<16xf32>
        %add3A_1793 = arith.addf %scan3A_1714, %get3A_1792 : vector<16xf32>
        %add3A_1794 = arith.constant 0 : i32
        %add3A_1795 = arith.addi %add3A_1794, %scan3A_1704 : i32
        %get3A_1796 = arith.index_cast %add3A_1795 : i32 to index
        %get3A_1797 = arith.constant 160 : index
        %get3A_1798 = tpu.vector_load %arg7[%get3A_1796, %get3A_1797] {strides = array<i32>} : memref<104x384xf32, #tpu.memory_space<vmem>>, vector<1x16xf32>,
        %get3A_1799 = vector.shape_cast %get3A_1798 : vector<1x16xf32> to vector<16xf32>
        %add3A_1800 = arith.addf %scan3A_1715, %get3A_1799 : vector<16xf32>
        %add3A_1801 = arith.constant 0 : i32
        %add3A_1802 = arith.addi %add3A_1801, %scan3A_1704 : i32
        %get3A_1803 = arith.index_cast %add3A_1802 : i32 to index
        %get3A_1804 = arith.constant 176 : index
        %get3A_1805 = tpu.vector_load %arg7[%get3A_1803, %get3A_1804] {strides = array<i32>} : memref<104x384xf32, #tpu.memory_space<vmem>>, vector<1x16xf32>,
        %get3A_1806 = vector.shape_cast %get3A_1805 : vector<1x16xf32> to vector<16xf32>
        %add3A_1807 = arith.addf %scan3A_1716, %get3A_1806 : vector<16xf32>
        %add3A_1808 = arith.constant 0 : i32
        %add3A_1809 = arith.addi %add3A_1808, %scan3A_1704 : i32
        %get3A_1810 = arith.index_cast %add3A_1809 : i32 to index
        %get3A_1811 = arith.constant 192 : index
        %get3A_1812 = tpu.vector_load %arg7[%get3A_1810, %get3A_1811] {strides = array<i32>} : memref<104x384xf32, #tpu.memory_space<vmem>>, vector<1x16xf32>,
        %get3A_1813 = vector.shape_cast %get3A_1812 : vector<1x16xf32> to vector<16xf32>
        %add3A_1814 = arith.addf %scan3A_1717, %get3A_1813 : vector<16xf32>
        %add3A_1815 = arith.constant 0 : i32
        %add3A_1816 = arith.addi %add3A_1815, %scan3A_1704 : i32
        %get3A_1817 = arith.index_cast %add3A_1816 : i32 to index
        %get3A_1818 = arith.constant 208 : index
        %get3A_1819 = tpu.vector_load %arg7[%get3A_1817, %get3A_1818] {strides = array<i32>} : memref<104x384xf32, #tpu.memory_space<vmem>>, vector<1x16xf32>,
        %get3A_1820 = vector.shape_cast %get3A_1819 : vector<1x16xf32> to vector<16xf32>
        %add3A_1821 = arith.addf %scan3A_1718, %get3A_1820 : vector<16xf32>
        %add3A_1822 = arith.constant 0 : i32
        %add3A_1823 = arith.addi %add3A_1822, %scan3A_1704 : i32
        %get3A_1824 = arith.index_cast %add3A_1823 : i32 to index
        %get3A_1825 = arith.constant 224 : index
        %get3A_1826 = tpu.vector_load %arg7[%get3A_1824, %get3A_1825] {strides = array<i32>} : memref<104x384xf32, #tpu.memory_space<vmem>>, vector<1x16xf32>,
        %get3A_1827 = vector.shape_cast %get3A_1826 : vector<1x16xf32> to vector<16xf32>
        %add3A_1828 = arith.addf %scan3A_1719, %get3A_1827 : vector<16xf32>
        %add3A_1829 = arith.constant 0 : i32
        %add3A_1830 = arith.addi %add3A_1829, %scan3A_1704 : i32
        %get3A_1831 = arith.index_cast %add3A_1830 : i32 to index
        %get3A_1832 = arith.constant 240 : index
        %get3A_1833 = tpu.vector_load %arg7[%get3A_1831, %get3A_1832] {strides = array<i32>} : memref<104x384xf32, #tpu.memory_space<vmem>>, vector<1x16xf32>,
        %get3A_1834 = vector.shape_cast %get3A_1833 : vector<1x16xf32> to vector<16xf32>
        %add3A_1835 = arith.addf %scan3A_1720, %get3A_1834 : vector<16xf32>
        %add3A_1836 = arith.constant 0 : i32
        %add3A_1837 = arith.addi %add3A_1836, %scan3A_1704 : i32
        %get3A_1838 = arith.index_cast %add3A_1837 : i32 to index
        %get3A_1839 = arith.constant 256 : index
        %get3A_1840 = tpu.vector_load %arg7[%get3A_1838, %get3A_1839] {strides = array<i32>} : memref<104x384xf32, #tpu.memory_space<vmem>>, vector<1x16xf32>,
        %get3A_1841 = vector.shape_cast %get3A_1840 : vector<1x16xf32> to vector<16xf32>
        %add3A_1842 = arith.addf %scan3A_1721, %get3A_1841 : vector<16xf32>
        %add3A_1843 = arith.constant 0 : i32
        %add3A_1844 = arith.addi %add3A_1843, %scan3A_1704 : i32
        %get3A_1845 = arith.index_cast %add3A_1844 : i32 to index
        %get3A_1846 = arith.constant 272 : index
        %get3A_1847 = tpu.vector_load %arg7[%get3A_1845, %get3A_1846] {strides = array<i32>} : memref<104x384xf32, #tpu.memory_space<vmem>>, vector<1x16xf32>,
        %get3A_1848 = vector.shape_cast %get3A_1847 : vector<1x16xf32> to vector<16xf32>
        %add3A_1849 = arith.addf %scan3A_1722, %get3A_1848 : vector<16xf32>
        %add3A_1850 = arith.constant 0 : i32
        %add3A_1851 = arith.addi %add3A_1850, %scan3A_1704 : i32
        %get3A_1852 = arith.index_cast %add3A_1851 : i32 to index
        %get3A_1853 = arith.constant 288 : index
        %get3A_1854 = tpu.vector_load %arg7[%get3A_1852, %get3A_1853] {strides = array<i32>} : memref<104x384xf32, #tpu.memory_space<vmem>>, vector<1x16xf32>,
        %get3A_1855 = vector.shape_cast %get3A_1854 : vector<1x16xf32> to vector<16xf32>
        %add3A_1856 = arith.addf %scan3A_1723, %get3A_1855 : vector<16xf32>
        scf.yield %add3A_1730, %add3A_1737, %add3A_1744, %add3A_1751, %add3A_1758, %add3A_1765, %add3A_1772, %add3A_1779, %add3A_1786, %add3A_1793, %add3A_1800, %add3A_1807, %add3A_1814, %add3A_1821, %add3A_1828, %add3A_1835, %add3A_1842, %add3A_1849, %add3A_1856 : vector<16xf32>, vector<16xf32>, vector<16xf32>, vector<16xf32>, vector<16xf32>, vector<16xf32>, vector<16xf32>, vector<16xf32>, vector<16xf32>, vector<16xf32>, vector<16xf32>, vector<16xf32>, vector<16xf32>, vector<16xf32>, vector<16xf32>, vector<16xf32>, vector<16xf32>, vector<16xf32>, vector<16xf32>
      }
      %scan3A_1413 = arith.constant 46 : i32
      %mul3A_1414 = vector.broadcast %scan3A : f32 to vector<16xf32>
      %mul3A_1415 = arith.mulf %scan3A_1412#0, %mul3A_1414 : vector<16xf32>
      %swap3A_1416 = arith.constant 600 : index
      %swap3A_1417 = tpu.vector_load %arg9[%swap3A_1416] {strides = array<i32>} : memref<1216xf32, #tpu.memory_space<vmem>>, vector<16xf32>,
      %swap3A_1418 = vector.shape_cast %swap3A_1417 : vector<16xf32> to vector<16xf32>
      %swap3A_1419 = vector.shape_cast %mul3A_1415 : vector<16xf32> to vector<16xf32>
      tpu.vector_store %arg9[%swap3A_1416], %swap3A_1419 {strides = array<i32>} : memref<1216xf32, #tpu.memory_space<vmem>>, vector<16xf32>,
      %mul3A_1420 = vector.broadcast %scan3A : f32 to vector<16xf32>
      %mul3A_1421 = arith.mulf %scan3A_1412#1, %mul3A_1420 : vector<16xf32>
      %swap3A_1422 = arith.constant 616 : index
      %swap3A_1423 = tpu.vector_load %arg9[%swap3A_1422] {strides = array<i32>} : memref<1216xf32, #tpu.memory_space<vmem>>, vector<16xf32>,
      %swap3A_1424 = vector.shape_cast %swap3A_1423 : vector<16xf32> to vector<16xf32>
      %swap3A_1425 = vector.shape_cast %mul3A_1421 : vector<16xf32> to vector<16xf32>
      tpu.vector_store %arg9[%swap3A_1422], %swap3A_1425 {strides = array<i32>} : memref<1216xf32, #tpu.memory_space<vmem>>, vector<16xf32>,
      %mul3A_1426 = vector.broadcast %scan3A : f32 to vector<16xf32>
      %mul3A_1427 = arith.mulf %scan3A_1412#2, %mul3A_1426 : vector<16xf32>
      %swap3A_1428 = arith.constant 632 : index
      %swap3A_1429 = tpu.vector_load %arg9[%swap3A_1428] {strides = array<i32>} : memref<1216xf32, #tpu.memory_space<vmem>>, vector<16xf32>,
      %swap3A_1430 = vector.shape_cast %swap3A_1429 : vector<16xf32> to vector<16xf32>
      %swap3A_1431 = vector.shape_cast %mul3A_1427 : vector<16xf32> to vector<16xf32>
      tpu.vector_store %arg9[%swap3A_1428], %swap3A_1431 {strides = array<i32>} : memref<1216xf32, #tpu.memory_space<vmem>>, vector<16xf32>,
      %mul3A_1432 = vector.broadcast %scan3A : f32 to vector<16xf32>
      %mul3A_1433 = arith.mulf %scan3A_1412#3, %mul3A_1432 : vector<16xf32>
      %swap3A_1434 = arith.constant 648 : index
      %swap3A_1435 = tpu.vector_load %arg9[%swap3A_1434] {strides = array<i32>} : memref<1216xf32, #tpu.memory_space<vmem>>, vector<16xf32>,
      %swap3A_1436 = vector.shape_cast %swap3A_1435 : vector<16xf32> to vector<16xf32>
      %swap3A_1437 = vector.shape_cast %mul3A_1433 : vector<16xf32> to vector<16xf32>
      tpu.vector_store %arg9[%swap3A_1434], %swap3A_1437 {strides = array<i32>} : memref<1216xf32, #tpu.memory_space<vmem>>, vector<16xf32>,
      %mul3A_1438 = vector.broadcast %scan3A : f32 to vector<16xf32>
      %mul3A_1439 = arith.mulf %scan3A_1412#4, %mul3A_1438 : vector<16xf32>
      %swap3A_1440 = arith.constant 664 : index
      %swap3A_1441 = tpu.vector_load %arg9[%swap3A_1440] {strides = array<i32>} : memref<1216xf32, #tpu.memory_space<vmem>>, vector<16xf32>,
      %swap3A_1442 = vector.shape_cast %swap3A_1441 : vector<16xf32> to vector<16xf32>
      %swap3A_1443 = vector.shape_cast %mul3A_1439 : vector<16xf32> to vector<16xf32>
      tpu.vector_store %arg9[%swap3A_1440], %swap3A_1443 {strides = array<i32>} : memref<1216xf32, #tpu.memory_space<vmem>>, vector<16xf32>,
      %mul3A_1444 = vector.broadcast %scan3A : f32 to vector<16xf32>
      %mul3A_1445 = arith.mulf %scan3A_1412#5, %mul3A_1444 : vector<16xf32>
      %swap3A_1446 = arith.constant 680 : index
      %swap3A_1447 = tpu.vector_load %arg9[%swap3A_1446] {strides = array<i32>} : memref<1216xf32, #tpu.memory_space<vmem>>, vector<16xf32>,
      %swap3A_1448 = vector.shape_cast %swap3A_1447 : vector<16xf32> to vector<16xf32>
      %swap3A_1449 = vector.shape_cast %mul3A_1445 : vector<16xf32> to vector<16xf32>
      tpu.vector_store %arg9[%swap3A_1446], %swap3A_1449 {strides = array<i32>} : memref<1216xf32, #tpu.memory_space<vmem>>, vector<16xf32>,
      %mul3A_1450 = vector.broadcast %scan3A : f32 to vector<16xf32>
      %mul3A_1451 = arith.mulf %scan3A_1412#6, %mul3A_1450 : vector<16xf32>
      %swap3A_1452 = arith.constant 696 : index
      %swap3A_1453 = tpu.vector_load %arg9[%swap3A_1452] {strides = array<i32>} : memref<1216xf32, #tpu.memory_space<vmem>>, vector<16xf32>,
      %swap3A_1454 = vector.shape_cast %swap3A_1453 : vector<16xf32> to vector<16xf32>
      %swap3A_1455 = vector.shape_cast %mul3A_1451 : vector<16xf32> to vector<16xf32>
      tpu.vector_store %arg9[%swap3A_1452], %swap3A_1455 {strides = array<i32>} : memref<1216xf32, #tpu.memory_space<vmem>>, vector<16xf32>,
      %mul3A_1456 = vector.broadcast %scan3A : f32 to vector<16xf32>
      %mul3A_1457 = arith.mulf %scan3A_1412#7, %mul3A_1456 : vector<16xf32>
      %swap3A_1458 = arith.constant 712 : index
      %swap3A_1459 = tpu.vector_load %arg9[%swap3A_1458] {strides = array<i32>} : memref<1216xf32, #tpu.memory_space<vmem>>, vector<16xf32>,
      %swap3A_1460 = vector.shape_cast %swap3A_1459 : vector<16xf32> to vector<16xf32>
      %swap3A_1461 = vector.shape_cast %mul3A_1457 : vector<16xf32> to vector<16xf32>
      tpu.vector_store %arg9[%swap3A_1458], %swap3A_1461 {strides = array<i32>} : memref<1216xf32, #tpu.memory_space<vmem>>, vector<16xf32>,
      %mul3A_1462 = vector.broadcast %scan3A : f32 to vector<16xf32>
      %mul3A_1463 = arith.mulf %scan3A_1412#8, %mul3A_1462 : vector<16xf32>
      %swap3A_1464 = arith.constant 728 : index
      %swap3A_1465 = tpu.vector_load %arg9[%swap3A_1464] {strides = array<i32>} : memref<1216xf32, #tpu.memory_space<vmem>>, vector<16xf32>,
      %swap3A_1466 = vector.shape_cast %swap3A_1465 : vector<16xf32> to vector<16xf32>
      %swap3A_1467 = vector.shape_cast %mul3A_1463 : vector<16xf32> to vector<16xf32>
      tpu.vector_store %arg9[%swap3A_1464], %swap3A_1467 {strides = array<i32>} : memref<1216xf32, #tpu.memory_space<vmem>>, vector<16xf32>,
      %mul3A_1468 = vector.broadcast %scan3A : f32 to vector<16xf32>
      %mul3A_1469 = arith.mulf %scan3A_1412#9, %mul3A_1468 : vector<16xf32>
      %swap3A_1470 = arith.constant 744 : index
      %swap3A_1471 = tpu.vector_load %arg9[%swap3A_1470] {strides = array<i32>} : memref<1216xf32, #tpu.memory_space<vmem>>, vector<16xf32>,
      %swap3A_1472 = vector.shape_cast %swap3A_1471 : vector<16xf32> to vector<16xf32>
      %swap3A_1473 = vector.shape_cast %mul3A_1469 : vector<16xf32> to vector<16xf32>
      tpu.vector_store %arg9[%swap3A_1470], %swap3A_1473 {strides = array<i32>} : memref<1216xf32, #tpu.memory_space<vmem>>, vector<16xf32>,
      %mul3A_1474 = vector.broadcast %scan3A : f32 to vector<16xf32>
      %mul3A_1475 = arith.mulf %scan3A_1412#10, %mul3A_1474 : vector<16xf32>
      %swap3A_1476 = arith.constant 760 : index
      %swap3A_1477 = tpu.vector_load %arg9[%swap3A_1476] {strides = array<i32>} : memref<1216xf32, #tpu.memory_space<vmem>>, vector<16xf32>,
      %swap3A_1478 = vector.shape_cast %swap3A_1477 : vector<16xf32> to vector<16xf32>
      %swap3A_1479 = vector.shape_cast %mul3A_1475 : vector<16xf32> to vector<16xf32>
      tpu.vector_store %arg9[%swap3A_1476], %swap3A_1479 {strides = array<i32>} : memref<1216xf32, #tpu.memory_space<vmem>>, vector<16xf32>,
      %mul3A_1480 = vector.broadcast %scan3A : f32 to vector<16xf32>
      %mul3A_1481 = arith.mulf %scan3A_1412#11, %mul3A_1480 : vector<16xf32>
      %swap3A_1482 = arith.constant 776 : index
      %swap3A_1483 = tpu.vector_load %arg9[%swap3A_1482] {strides = array<i32>} : memref<1216xf32, #tpu.memory_space<vmem>>, vector<16xf32>,
      %swap3A_1484 = vector.shape_cast %swap3A_1483 : vector<16xf32> to vector<16xf32>
      %swap3A_1485 = vector.shape_cast %mul3A_1481 : vector<16xf32> to vector<16xf32>
      tpu.vector_store %arg9[%swap3A_1482], %swap3A_1485 {strides = array<i32>} : memref<1216xf32, #tpu.memory_space<vmem>>, vector<16xf32>,
      %mul3A_1486 = vector.broadcast %scan3A : f32 to vector<16xf32>
      %mul3A_1487 = arith.mulf %scan3A_1412#12, %mul3A_1486 : vector<16xf32>
      %swap3A_1488 = arith.constant 792 : index
      %swap3A_1489 = tpu.vector_load %arg9[%swap3A_1488] {strides = array<i32>} : memref<1216xf32, #tpu.memory_space<vmem>>, vector<16xf32>,
      %swap3A_1490 = vector.shape_cast %swap3A_1489 : vector<16xf32> to vector<16xf32>
      %swap3A_1491 = vector.shape_cast %mul3A_1487 : vector<16xf32> to vector<16xf32>
      tpu.vector_store %arg9[%swap3A_1488], %swap3A_1491 {strides = array<i32>} : memref<1216xf32, #tpu.memory_space<vmem>>, vector<16xf32>,
      %mul3A_1492 = vector.broadcast %scan3A : f32 to vector<16xf32>
      %mul3A_1493 = arith.mulf %scan3A_1412#13, %mul3A_1492 : vector<16xf32>
      %swap3A_1494 = arith.constant 808 : index
      %swap3A_1495 = tpu.vector_load %arg9[%swap3A_1494] {strides = array<i32>} : memref<1216xf32, #tpu.memory_space<vmem>>, vector<16xf32>,
      %swap3A_1496 = vector.shape_cast %swap3A_1495 : vector<16xf32> to vector<16xf32>
      %swap3A_1497 = vector.shape_cast %mul3A_1493 : vector<16xf32> to vector<16xf32>
      tpu.vector_store %arg9[%swap3A_1494], %swap3A_1497 {strides = array<i32>} : memref<1216xf32, #tpu.memory_space<vmem>>, vector<16xf32>,
      %mul3A_1498 = vector.broadcast %scan3A : f32 to vector<16xf32>
      %mul3A_1499 = arith.mulf %scan3A_1412#14, %mul3A_1498 : vector<16xf32>
      %swap3A_1500 = arith.constant 824 : index
      %swap3A_1501 = tpu.vector_load %arg9[%swap3A_1500] {strides = array<i32>} : memref<1216xf32, #tpu.memory_space<vmem>>, vector<16xf32>,
      %swap3A_1502 = vector.shape_cast %swap3A_1501 : vector<16xf32> to vector<16xf32>
      %swap3A_1503 = vector.shape_cast %mul3A_1499 : vector<16xf32> to vector<16xf32>
      tpu.vector_store %arg9[%swap3A_1500], %swap3A_1503 {strides = array<i32>} : memref<1216xf32, #tpu.memory_space<vmem>>, vector<16xf32>,
      %mul3A_1504 = vector.broadcast %scan3A : f32 to vector<16xf32>
      %mul3A_1505 = arith.mulf %scan3A_1412#15, %mul3A_1504 : vector<16xf32>
      %swap3A_1506 = arith.constant 840 : index
      %swap3A_1507 = tpu.vector_load %arg9[%swap3A_1506] {strides = array<i32>} : memref<1216xf32, #tpu.memory_space<vmem>>, vector<16xf32>,
      %swap3A_1508 = vector.shape_cast %swap3A_1507 : vector<16xf32> to vector<16xf32>
      %swap3A_1509 = vector.shape_cast %mul3A_1505 : vector<16xf32> to vector<16xf32>
      tpu.vector_store %arg9[%swap3A_1506], %swap3A_1509 {strides = array<i32>} : memref<1216xf32, #tpu.memory_space<vmem>>, vector<16xf32>,
      %mul3A_1510 = vector.broadcast %scan3A : f32 to vector<16xf32>
      %mul3A_1511 = arith.mulf %scan3A_1412#16, %mul3A_1510 : vector<16xf32>
      %swap3A_1512 = arith.constant 856 : index
      %swap3A_1513 = tpu.vector_load %arg9[%swap3A_1512] {strides = array<i32>} : memref<1216xf32, #tpu.memory_space<vmem>>, vector<16xf32>,
      %swap3A_1514 = vector.shape_cast %swap3A_1513 : vector<16xf32> to vector<16xf32>
      %swap3A_1515 = vector.shape_cast %mul3A_1511 : vector<16xf32> to vector<16xf32>
      tpu.vector_store %arg9[%swap3A_1512], %swap3A_1515 {strides = array<i32>} : memref<1216xf32, #tpu.memory_space<vmem>>, vector<16xf32>,
      %mul3A_1516 = vector.broadcast %scan3A : f32 to vector<16xf32>
      %mul3A_1517 = arith.mulf %scan3A_1412#17, %mul3A_1516 : vector<16xf32>
      %swap3A_1518 = arith.constant 872 : index
      %swap3A_1519 = tpu.vector_load %arg9[%swap3A_1518] {strides = array<i32>} : memref<1216xf32, #tpu.memory_space<vmem>>, vector<16xf32>,
      %swap3A_1520 = vector.shape_cast %swap3A_1519 : vector<16xf32> to vector<16xf32>
      %swap3A_1521 = vector.shape_cast %mul3A_1517 : vector<16xf32> to vector<16xf32>
      tpu.vector_store %arg9[%swap3A_1518], %swap3A_1521 {strides = array<i32>} : memref<1216xf32, #tpu.memory_space<vmem>>, vector<16xf32>,
      %mul3A_1522 = vector.broadcast %scan3A : f32 to vector<16xf32>
      %mul3A_1523 = arith.mulf %scan3A_1412#18, %mul3A_1522 : vector<16xf32>
      %swap3A_1524 = arith.constant 888 : index
      %swap3A_1525 = tpu.vector_load %arg9[%swap3A_1524] {strides = array<i32>} : memref<1216xf32, #tpu.memory_space<vmem>>, vector<16xf32>,
      %swap3A_1526 = vector.shape_cast %swap3A_1525 : vector<16xf32> to vector<16xf32>
      %swap3A_1527 = vector.shape_cast %mul3A_1523 : vector<16xf32> to vector<16xf32>
      tpu.vector_store %arg9[%swap3A_1524], %swap3A_1527 {strides = array<i32>} : memref<1216xf32, #tpu.memory_space<vmem>>, vector<16xf32>,
      %broadcast_in_dim3A_1528 = arith.constant 0.000000e+00 : f32
      %broadcast_in_dim3A_1529 = vector.broadcast %broadcast_in_dim3A_1528 : f32 to vector<16xf32>
      %broadcast_in_dim3A_1530 = arith.constant 0.000000e+00 : f32
      %broadcast_in_dim3A_1531 = vector.broadcast %broadcast_in_dim3A_1530 : f32 to vector<16xf32>
      %broadcast_in_dim3A_1532 = arith.constant 0.000000e+00 : f32
      %broadcast_in_dim3A_1533 = vector.broadcast %broadcast_in_dim3A_1532 : f32 to vector<16xf32>
      %broadcast_in_dim3A_1534 = arith.constant 0.000000e+00 : f32
      %broadcast_in_dim3A_1535 = vector.broadcast %broadcast_in_dim3A_1534 : f32 to vector<16xf32>
      %broadcast_in_dim3A_1536 = arith.constant 0.000000e+00 : f32
      %broadcast_in_dim3A_1537 = vector.broadcast %broadcast_in_dim3A_1536 : f32 to vector<16xf32>
      %broadcast_in_dim3A_1538 = arith.constant 0.000000e+00 : f32
      %broadcast_in_dim3A_1539 = vector.broadcast %broadcast_in_dim3A_1538 : f32 to vector<16xf32>
      %broadcast_in_dim3A_1540 = arith.constant 0.000000e+00 : f32
      %broadcast_in_dim3A_1541 = vector.broadcast %broadcast_in_dim3A_1540 : f32 to vector<16xf32>
      %broadcast_in_dim3A_1542 = arith.constant 0.000000e+00 : f32
      %broadcast_in_dim3A_1543 = vector.broadcast %broadcast_in_dim3A_1542 : f32 to vector<16xf32>
      %broadcast_in_dim3A_1544 = arith.constant 0.000000e+00 : f32
      %broadcast_in_dim3A_1545 = vector.broadcast %broadcast_in_dim3A_1544 : f32 to vector<16xf32>
      %broadcast_in_dim3A_1546 = arith.constant 0.000000e+00 : f32
      %broadcast_in_dim3A_1547 = vector.broadcast %broadcast_in_dim3A_1546 : f32 to vector<16xf32>
      %broadcast_in_dim3A_1548 = arith.constant 0.000000e+00 : f32
      %broadcast_in_dim3A_1549 = vector.broadcast %broadcast_in_dim3A_1548 : f32 to vector<16xf32>
      %broadcast_in_dim3A_1550 = arith.constant 0.000000e+00 : f32
      %broadcast_in_dim3A_1551 = vector.broadcast %broadcast_in_dim3A_1550 : f32 to vector<16xf32>
      %broadcast_in_dim3A_1552 = arith.constant 0.000000e+00 : f32
      %broadcast_in_dim3A_1553 = vector.broadcast %broadcast_in_dim3A_1552 : f32 to vector<16xf32>
      %broadcast_in_dim3A_1554 = arith.constant 0.000000e+00 : f32
      %broadcast_in_dim3A_1555 = vector.broadcast %broadcast_in_dim3A_1554 : f32 to vector<16xf32>
      %broadcast_in_dim3A_1556 = arith.constant 0.000000e+00 : f32
      %broadcast_in_dim3A_1557 = vector.broadcast %broadcast_in_dim3A_1556 : f32 to vector<16xf32>
      %broadcast_in_dim3A_1558 = arith.constant 0.000000e+00 : f32
      %broadcast_in_dim3A_1559 = vector.broadcast %broadcast_in_dim3A_1558 : f32 to vector<16xf32>
      %broadcast_in_dim3A_1560 = arith.constant 0.000000e+00 : f32
      %broadcast_in_dim3A_1561 = vector.broadcast %broadcast_in_dim3A_1560 : f32 to vector<16xf32>
      %broadcast_in_dim3A_1562 = arith.constant 0.000000e+00 : f32
      %broadcast_in_dim3A_1563 = vector.broadcast %broadcast_in_dim3A_1562 : f32 to vector<16xf32>
      %broadcast_in_dim3A_1564 = arith.constant 0.000000e+00 : f32
      %broadcast_in_dim3A_1565 = vector.broadcast %broadcast_in_dim3A_1564 : f32 to vector<16xf32>
      %scan3A_1566 = arith.constant 0 : i32
      %scan3A_1567 = arith.constant 50 : i32
      %scan3A_1568 = arith.addi %scan3A_1566, %scan3A_1567 : i32
      %scan3A_1569 = arith.constant 1 : i32
      %scan3A_1570:19 = scf.for %scan3A_1704 = %scan3A_1566 to %scan3A_1568 step %scan3A_1569 iter_args(%scan3A_1705 = %broadcast_in_dim3A_1529, %scan3A_1706 = %broadcast_in_dim3A_1531, %scan3A_1707 = %broadcast_in_dim3A_1533, %scan3A_1708 = %broadcast_in_dim3A_1535, %scan3A_1709 = %broadcast_in_dim3A_1537, %scan3A_1710 = %broadcast_in_dim3A_1539, %scan3A_1711 = %broadcast_in_dim3A_1541, %scan3A_1712 = %broadcast_in_dim3A_1543, %scan3A_1713 = %broadcast_in_dim3A_1545, %scan3A_1714 = %broadcast_in_dim3A_1547, %scan3A_1715 = %broadcast_in_dim3A_1549, %scan3A_1716 = %broadcast_in_dim3A_1551, %scan3A_1717 = %broadcast_in_dim3A_1553, %scan3A_1718 = %broadcast_in_dim3A_1555, %scan3A_1719 = %broadcast_in_dim3A_1557, %scan3A_1720 = %broadcast_in_dim3A_1559, %scan3A_1721 = %broadcast_in_dim3A_1561, %scan3A_1722 = %broadcast_in_dim3A_1563, %scan3A_1723 = %broadcast_in_dim3A_1565) -> (vector<16xf32>, vector<16xf32>, vector<16xf32>, vector<16xf32>, vector<16xf32>, vector<16xf32>, vector<16xf32>, vector<16xf32>, vector<16xf32>, vector<16xf32>, vector<16xf32>, vector<16xf32>, vector<16xf32>, vector<16xf32>, vector<16xf32>, vector<16xf32>, vector<16xf32>, vector<16xf32>, vector<16xf32>)  : i32 {
        %add3A_1724 = arith.constant 46 : i32
        %add3A_1725 = arith.addi %add3A_1724, %scan3A_1704 : i32
        %get3A_1726 = arith.index_cast %add3A_1725 : i32 to index
        %get3A_1727 = arith.constant 0 : index
        %get3A_1728 = tpu.vector_load %arg7[%get3A_1726, %get3A_1727] {strides = array<i32>} : memref<104x384xf32, #tpu.memory_space<vmem>>, vector<1x16xf32>,
        %get3A_1729 = vector.shape_cast %get3A_1728 : vector<1x16xf32> to vector<16xf32>
        %add3A_1730 = arith.addf %scan3A_1705, %get3A_1729 : vector<16xf32>
        %add3A_1731 = arith.constant 46 : i32
        %add3A_1732 = arith.addi %add3A_1731, %scan3A_1704 : i32
        %get3A_1733 = arith.index_cast %add3A_1732 : i32 to index
        %get3A_1734 = arith.constant 16 : index
        %get3A_1735 = tpu.vector_load %arg7[%get3A_1733, %get3A_1734] {strides = array<i32>} : memref<104x384xf32, #tpu.memory_space<vmem>>, vector<1x16xf32>,
        %get3A_1736 = vector.shape_cast %get3A_1735 : vector<1x16xf32> to vector<16xf32>
        %add3A_1737 = arith.addf %scan3A_1706, %get3A_1736 : vector<16xf32>
        %add3A_1738 = arith.constant 46 : i32
        %add3A_1739 = arith.addi %add3A_1738, %scan3A_1704 : i32
        %get3A_1740 = arith.index_cast %add3A_1739 : i32 to index
        %get3A_1741 = arith.constant 32 : index
        %get3A_1742 = tpu.vector_load %arg7[%get3A_1740, %get3A_1741] {strides = array<i32>} : memref<104x384xf32, #tpu.memory_space<vmem>>, vector<1x16xf32>,
        %get3A_1743 = vector.shape_cast %get3A_1742 : vector<1x16xf32> to vector<16xf32>
        %add3A_1744 = arith.addf %scan3A_1707, %get3A_1743 : vector<16xf32>
        %add3A_1745 = arith.constant 46 : i32
        %add3A_1746 = arith.addi %add3A_1745, %scan3A_1704 : i32
        %get3A_1747 = arith.index_cast %add3A_1746 : i32 to index
        %get3A_1748 = arith.constant 48 : index
        %get3A_1749 = tpu.vector_load %arg7[%get3A_1747, %get3A_1748] {strides = array<i32>} : memref<104x384xf32, #tpu.memory_space<vmem>>, vector<1x16xf32>,
        %get3A_1750 = vector.shape_cast %get3A_1749 : vector<1x16xf32> to vector<16xf32>
        %add3A_1751 = arith.addf %scan3A_1708, %get3A_1750 : vector<16xf32>
        %add3A_1752 = arith.constant 46 : i32
        %add3A_1753 = arith.addi %add3A_1752, %scan3A_1704 : i32
        %get3A_1754 = arith.index_cast %add3A_1753 : i32 to index
        %get3A_1755 = arith.constant 64 : index
        %get3A_1756 = tpu.vector_load %arg7[%get3A_1754, %get3A_1755] {strides = array<i32>} : memref<104x384xf32, #tpu.memory_space<vmem>>, vector<1x16xf32>,
        %get3A_1757 = vector.shape_cast %get3A_1756 : vector<1x16xf32> to vector<16xf32>
        %add3A_1758 = arith.addf %scan3A_1709, %get3A_1757 : vector<16xf32>
        %add3A_1759 = arith.constant 46 : i32
        %add3A_1760 = arith.addi %add3A_1759, %scan3A_1704 : i32
        %get3A_1761 = arith.index_cast %add3A_1760 : i32 to index
        %get3A_1762 = arith.constant 80 : index
        %get3A_1763 = tpu.vector_load %arg7[%get3A_1761, %get3A_1762] {strides = array<i32>} : memref<104x384xf32, #tpu.memory_space<vmem>>, vector<1x16xf32>,
        %get3A_1764 = vector.shape_cast %get3A_1763 : vector<1x16xf32> to vector<16xf32>
        %add3A_1765 = arith.addf %scan3A_1710, %get3A_1764 : vector<16xf32>
        %add3A_1766 = arith.constant 46 : i32
        %add3A_1767 = arith.addi %add3A_1766, %scan3A_1704 : i32
        %get3A_1768 = arith.index_cast %add3A_1767 : i32 to index
        %get3A_1769 = arith.constant 96 : index
        %get3A_1770 = tpu.vector_load %arg7[%get3A_1768, %get3A_1769] {strides = array<i32>} : memref<104x384xf32, #tpu.memory_space<vmem>>, vector<1x16xf32>,
        %get3A_1771 = vector.shape_cast %get3A_1770 : vector<1x16xf32> to vector<16xf32>
        %add3A_1772 = arith.addf %scan3A_1711, %get3A_1771 : vector<16xf32>
        %add3A_1773 = arith.constant 46 : i32
        %add3A_1774 = arith.addi %add3A_1773, %scan3A_1704 : i32
        %get3A_1775 = arith.index_cast %add3A_1774 : i32 to index
        %get3A_1776 = arith.constant 112 : index
        %get3A_1777 = tpu.vector_load %arg7[%get3A_1775, %get3A_1776] {strides = array<i32>} : memref<104x384xf32, #tpu.memory_space<vmem>>, vector<1x16xf32>,
        %get3A_1778 = vector.shape_cast %get3A_1777 : vector<1x16xf32> to vector<16xf32>
        %add3A_1779 = arith.addf %scan3A_1712, %get3A_1778 : vector<16xf32>
        %add3A_1780 = arith.constant 46 : i32
        %add3A_1781 = arith.addi %add3A_1780, %scan3A_1704 : i32
        %get3A_1782 = arith.index_cast %add3A_1781 : i32 to index
        %get3A_1783 = arith.constant 128 : index
        %get3A_1784 = tpu.vector_load %arg7[%get3A_1782, %get3A_1783] {strides = array<i32>} : memref<104x384xf32, #tpu.memory_space<vmem>>, vector<1x16xf32>,
        %get3A_1785 = vector.shape_cast %get3A_1784 : vector<1x16xf32> to vector<16xf32>
        %add3A_1786 = arith.addf %scan3A_1713, %get3A_1785 : vector<16xf32>
        %add3A_1787 = arith.constant 46 : i32
        %add3A_1788 = arith.addi %add3A_1787, %scan3A_1704 : i32
        %get3A_1789 = arith.index_cast %add3A_1788 : i32 to index
        %get3A_1790 = arith.constant 144 : index
        %get3A_1791 = tpu.vector_load %arg7[%get3A_1789, %get3A_1790] {strides = array<i32>} : memref<104x384xf32, #tpu.memory_space<vmem>>, vector<1x16xf32>,
        %get3A_1792 = vector.shape_cast %get3A_1791 : vector<1x16xf32> to vector<16xf32>
        %add3A_1793 = arith.addf %scan3A_1714, %get3A_1792 : vector<16xf32>
        %add3A_1794 = arith.constant 46 : i32
        %add3A_1795 = arith.addi %add3A_1794, %scan3A_1704 : i32
        %get3A_1796 = arith.index_cast %add3A_1795 : i32 to index
        %get3A_1797 = arith.constant 160 : index
        %get3A_1798 = tpu.vector_load %arg7[%get3A_1796, %get3A_1797] {strides = array<i32>} : memref<104x384xf32, #tpu.memory_space<vmem>>, vector<1x16xf32>,
        %get3A_1799 = vector.shape_cast %get3A_1798 : vector<1x16xf32> to vector<16xf32>
        %add3A_1800 = arith.addf %scan3A_1715, %get3A_1799 : vector<16xf32>
        %add3A_1801 = arith.constant 46 : i32
        %add3A_1802 = arith.addi %add3A_1801, %scan3A_1704 : i32
        %get3A_1803 = arith.index_cast %add3A_1802 : i32 to index
        %get3A_1804 = arith.constant 176 : index
        %get3A_1805 = tpu.vector_load %arg7[%get3A_1803, %get3A_1804] {strides = array<i32>} : memref<104x384xf32, #tpu.memory_space<vmem>>, vector<1x16xf32>,
        %get3A_1806 = vector.shape_cast %get3A_1805 : vector<1x16xf32> to vector<16xf32>
        %add3A_1807 = arith.addf %scan3A_1716, %get3A_1806 : vector<16xf32>
        %add3A_1808 = arith.constant 46 : i32
        %add3A_1809 = arith.addi %add3A_1808, %scan3A_1704 : i32
        %get3A_1810 = arith.index_cast %add3A_1809 : i32 to index
        %get3A_1811 = arith.constant 192 : index
        %get3A_1812 = tpu.vector_load %arg7[%get3A_1810, %get3A_1811] {strides = array<i32>} : memref<104x384xf32, #tpu.memory_space<vmem>>, vector<1x16xf32>,
        %get3A_1813 = vector.shape_cast %get3A_1812 : vector<1x16xf32> to vector<16xf32>
        %add3A_1814 = arith.addf %scan3A_1717, %get3A_1813 : vector<16xf32>
        %add3A_1815 = arith.constant 46 : i32
        %add3A_1816 = arith.addi %add3A_1815, %scan3A_1704 : i32
        %get3A_1817 = arith.index_cast %add3A_1816 : i32 to index
        %get3A_1818 = arith.constant 208 : index
        %get3A_1819 = tpu.vector_load %arg7[%get3A_1817, %get3A_1818] {strides = array<i32>} : memref<104x384xf32, #tpu.memory_space<vmem>>, vector<1x16xf32>,
        %get3A_1820 = vector.shape_cast %get3A_1819 : vector<1x16xf32> to vector<16xf32>
        %add3A_1821 = arith.addf %scan3A_1718, %get3A_1820 : vector<16xf32>
        %add3A_1822 = arith.constant 46 : i32
        %add3A_1823 = arith.addi %add3A_1822, %scan3A_1704 : i32
        %get3A_1824 = arith.index_cast %add3A_1823 : i32 to index
        %get3A_1825 = arith.constant 224 : index
        %get3A_1826 = tpu.vector_load %arg7[%get3A_1824, %get3A_1825] {strides = array<i32>} : memref<104x384xf32, #tpu.memory_space<vmem>>, vector<1x16xf32>,
        %get3A_1827 = vector.shape_cast %get3A_1826 : vector<1x16xf32> to vector<16xf32>
        %add3A_1828 = arith.addf %scan3A_1719, %get3A_1827 : vector<16xf32>
        %add3A_1829 = arith.constant 46 : i32
        %add3A_1830 = arith.addi %add3A_1829, %scan3A_1704 : i32
        %get3A_1831 = arith.index_cast %add3A_1830 : i32 to index
        %get3A_1832 = arith.constant 240 : index
        %get3A_1833 = tpu.vector_load %arg7[%get3A_1831, %get3A_1832] {strides = array<i32>} : memref<104x384xf32, #tpu.memory_space<vmem>>, vector<1x16xf32>,
        %get3A_1834 = vector.shape_cast %get3A_1833 : vector<1x16xf32> to vector<16xf32>
        %add3A_1835 = arith.addf %scan3A_1720, %get3A_1834 : vector<16xf32>
        %add3A_1836 = arith.constant 46 : i32
        %add3A_1837 = arith.addi %add3A_1836, %scan3A_1704 : i32
        %get3A_1838 = arith.index_cast %add3A_1837 : i32 to index
        %get3A_1839 = arith.constant 256 : index
        %get3A_1840 = tpu.vector_load %arg7[%get3A_1838, %get3A_1839] {strides = array<i32>} : memref<104x384xf32, #tpu.memory_space<vmem>>, vector<1x16xf32>,
        %get3A_1841 = vector.shape_cast %get3A_1840 : vector<1x16xf32> to vector<16xf32>
        %add3A_1842 = arith.addf %scan3A_1721, %get3A_1841 : vector<16xf32>
        %add3A_1843 = arith.constant 46 : i32
        %add3A_1844 = arith.addi %add3A_1843, %scan3A_1704 : i32
        %get3A_1845 = arith.index_cast %add3A_1844 : i32 to index
        %get3A_1846 = arith.constant 272 : index
        %get3A_1847 = tpu.vector_load %arg7[%get3A_1845, %get3A_1846] {strides = array<i32>} : memref<104x384xf32, #tpu.memory_space<vmem>>, vector<1x16xf32>,
        %get3A_1848 = vector.shape_cast %get3A_1847 : vector<1x16xf32> to vector<16xf32>
        %add3A_1849 = arith.addf %scan3A_1722, %get3A_1848 : vector<16xf32>
        %add3A_1850 = arith.constant 46 : i32
        %add3A_1851 = arith.addi %add3A_1850, %scan3A_1704 : i32
        %get3A_1852 = arith.index_cast %add3A_1851 : i32 to index
        %get3A_1853 = arith.constant 288 : index
        %get3A_1854 = tpu.vector_load %arg7[%get3A_1852, %get3A_1853] {strides = array<i32>} : memref<104x384xf32, #tpu.memory_space<vmem>>, vector<1x16xf32>,
        %get3A_1855 = vector.shape_cast %get3A_1854 : vector<1x16xf32> to vector<16xf32>
        %add3A_1856 = arith.addf %scan3A_1723, %get3A_1855 : vector<16xf32>
        scf.yield %add3A_1730, %add3A_1737, %add3A_1744, %add3A_1751, %add3A_1758, %add3A_1765, %add3A_1772, %add3A_1779, %add3A_1786, %add3A_1793, %add3A_1800, %add3A_1807, %add3A_1814, %add3A_1821, %add3A_1828, %add3A_1835, %add3A_1842, %add3A_1849, %add3A_1856 : vector<16xf32>, vector<16xf32>, vector<16xf32>, vector<16xf32>, vector<16xf32>, vector<16xf32>, vector<16xf32>, vector<16xf32>, vector<16xf32>, vector<16xf32>, vector<16xf32>, vector<16xf32>, vector<16xf32>, vector<16xf32>, vector<16xf32>, vector<16xf32>, vector<16xf32>, vector<16xf32>, vector<16xf32>
      }
      %scan3A_1571 = arith.constant 50 : i32
      %mul3A_1572 = vector.broadcast %scan3A : f32 to vector<16xf32>
      %mul3A_1573 = arith.mulf %scan3A_1570#0, %mul3A_1572 : vector<16xf32>
      %swap3A_1574 = arith.constant 900 : index
      %swap3A_1575 = tpu.vector_load %arg9[%swap3A_1574] {strides = array<i32>} : memref<1216xf32, #tpu.memory_space<vmem>>, vector<16xf32>,
      %swap3A_1576 = vector.shape_cast %swap3A_1575 : vector<16xf32> to vector<16xf32>
      %swap3A_1577 = vector.shape_cast %mul3A_1573 : vector<16xf32> to vector<16xf32>
      tpu.vector_store %arg9[%swap3A_1574], %swap3A_1577 {strides = array<i32>} : memref<1216xf32, #tpu.memory_space<vmem>>, vector<16xf32>,
      %mul3A_1578 = vector.broadcast %scan3A : f32 to vector<16xf32>
      %mul3A_1579 = arith.mulf %scan3A_1570#1, %mul3A_1578 : vector<16xf32>
      %swap3A_1580 = arith.constant 916 : index
      %swap3A_1581 = tpu.vector_load %arg9[%swap3A_1580] {strides = array<i32>} : memref<1216xf32, #tpu.memory_space<vmem>>, vector<16xf32>,
      %swap3A_1582 = vector.shape_cast %swap3A_1581 : vector<16xf32> to vector<16xf32>
      %swap3A_1583 = vector.shape_cast %mul3A_1579 : vector<16xf32> to vector<16xf32>
      tpu.vector_store %arg9[%swap3A_1580], %swap3A_1583 {strides = array<i32>} : memref<1216xf32, #tpu.memory_space<vmem>>, vector<16xf32>,
      %mul3A_1584 = vector.broadcast %scan3A : f32 to vector<16xf32>
      %mul3A_1585 = arith.mulf %scan3A_1570#2, %mul3A_1584 : vector<16xf32>
      %swap3A_1586 = arith.constant 932 : index
      %swap3A_1587 = tpu.vector_load %arg9[%swap3A_1586] {strides = array<i32>} : memref<1216xf32, #tpu.memory_space<vmem>>, vector<16xf32>,
      %swap3A_1588 = vector.shape_cast %swap3A_1587 : vector<16xf32> to vector<16xf32>
      %swap3A_1589 = vector.shape_cast %mul3A_1585 : vector<16xf32> to vector<16xf32>
      tpu.vector_store %arg9[%swap3A_1586], %swap3A_1589 {strides = array<i32>} : memref<1216xf32, #tpu.memory_space<vmem>>, vector<16xf32>,
      %mul3A_1590 = vector.broadcast %scan3A : f32 to vector<16xf32>
      %mul3A_1591 = arith.mulf %scan3A_1570#3, %mul3A_1590 : vector<16xf32>
      %swap3A_1592 = arith.constant 948 : index
      %swap3A_1593 = tpu.vector_load %arg9[%swap3A_1592] {strides = array<i32>} : memref<1216xf32, #tpu.memory_space<vmem>>, vector<16xf32>,
      %swap3A_1594 = vector.shape_cast %swap3A_1593 : vector<16xf32> to vector<16xf32>
      %swap3A_1595 = vector.shape_cast %mul3A_1591 : vector<16xf32> to vector<16xf32>
      tpu.vector_store %arg9[%swap3A_1592], %swap3A_1595 {strides = array<i32>} : memref<1216xf32, #tpu.memory_space<vmem>>, vector<16xf32>,
      %mul3A_1596 = vector.broadcast %scan3A : f32 to vector<16xf32>
      %mul3A_1597 = arith.mulf %scan3A_1570#4, %mul3A_1596 : vector<16xf32>
      %swap3A_1598 = arith.constant 964 : index
      %swap3A_1599 = tpu.vector_load %arg9[%swap3A_1598] {strides = array<i32>} : memref<1216xf32, #tpu.memory_space<vmem>>, vector<16xf32>,
      %swap3A_1600 = vector.shape_cast %swap3A_1599 : vector<16xf32> to vector<16xf32>
      %swap3A_1601 = vector.shape_cast %mul3A_1597 : vector<16xf32> to vector<16xf32>
      tpu.vector_store %arg9[%swap3A_1598], %swap3A_1601 {strides = array<i32>} : memref<1216xf32, #tpu.memory_space<vmem>>, vector<16xf32>,
      %mul3A_1602 = vector.broadcast %scan3A : f32 to vector<16xf32>
      %mul3A_1603 = arith.mulf %scan3A_1570#5, %mul3A_1602 : vector<16xf32>
      %swap3A_1604 = arith.constant 980 : index
      %swap3A_1605 = tpu.vector_load %arg9[%swap3A_1604] {strides = array<i32>} : memref<1216xf32, #tpu.memory_space<vmem>>, vector<16xf32>,
      %swap3A_1606 = vector.shape_cast %swap3A_1605 : vector<16xf32> to vector<16xf32>
      %swap3A_1607 = vector.shape_cast %mul3A_1603 : vector<16xf32> to vector<16xf32>
      tpu.vector_store %arg9[%swap3A_1604], %swap3A_1607 {strides = array<i32>} : memref<1216xf32, #tpu.memory_space<vmem>>, vector<16xf32>,
      %mul3A_1608 = vector.broadcast %scan3A : f32 to vector<16xf32>
      %mul3A_1609 = arith.mulf %scan3A_1570#6, %mul3A_1608 : vector<16xf32>
      %swap3A_1610 = arith.constant 996 : index
      %swap3A_1611 = tpu.vector_load %arg9[%swap3A_1610] {strides = array<i32>} : memref<1216xf32, #tpu.memory_space<vmem>>, vector<16xf32>,
      %swap3A_1612 = vector.shape_cast %swap3A_1611 : vector<16xf32> to vector<16xf32>
      %swap3A_1613 = vector.shape_cast %mul3A_1609 : vector<16xf32> to vector<16xf32>
      tpu.vector_store %arg9[%swap3A_1610], %swap3A_1613 {strides = array<i32>} : memref<1216xf32, #tpu.memory_space<vmem>>, vector<16xf32>,
      %mul3A_1614 = vector.broadcast %scan3A : f32 to vector<16xf32>
      %mul3A_1615 = arith.mulf %scan3A_1570#7, %mul3A_1614 : vector<16xf32>
      %swap3A_1616 = arith.constant 1012 : index
      %swap3A_1617 = tpu.vector_load %arg9[%swap3A_1616] {strides = array<i32>} : memref<1216xf32, #tpu.memory_space<vmem>>, vector<16xf32>,
      %swap3A_1618 = vector.shape_cast %swap3A_1617 : vector<16xf32> to vector<16xf32>
      %swap3A_1619 = vector.shape_cast %mul3A_1615 : vector<16xf32> to vector<16xf32>
      tpu.vector_store %arg9[%swap3A_1616], %swap3A_1619 {strides = array<i32>} : memref<1216xf32, #tpu.memory_space<vmem>>, vector<16xf32>,
      %mul3A_1620 = vector.broadcast %scan3A : f32 to vector<16xf32>
      %mul3A_1621 = arith.mulf %scan3A_1570#8, %mul3A_1620 : vector<16xf32>
      %swap3A_1622 = arith.constant 1028 : index
      %swap3A_1623 = tpu.vector_load %arg9[%swap3A_1622] {strides = array<i32>} : memref<1216xf32, #tpu.memory_space<vmem>>, vector<16xf32>,
      %swap3A_1624 = vector.shape_cast %swap3A_1623 : vector<16xf32> to vector<16xf32>
      %swap3A_1625 = vector.shape_cast %mul3A_1621 : vector<16xf32> to vector<16xf32>
      tpu.vector_store %arg9[%swap3A_1622], %swap3A_1625 {strides = array<i32>} : memref<1216xf32, #tpu.memory_space<vmem>>, vector<16xf32>,
      %mul3A_1626 = vector.broadcast %scan3A : f32 to vector<16xf32>
      %mul3A_1627 = arith.mulf %scan3A_1570#9, %mul3A_1626 : vector<16xf32>
      %swap3A_1628 = arith.constant 1044 : index
      %swap3A_1629 = tpu.vector_load %arg9[%swap3A_1628] {strides = array<i32>} : memref<1216xf32, #tpu.memory_space<vmem>>, vector<16xf32>,
      %swap3A_1630 = vector.shape_cast %swap3A_1629 : vector<16xf32> to vector<16xf32>
      %swap3A_1631 = vector.shape_cast %mul3A_1627 : vector<16xf32> to vector<16xf32>
      tpu.vector_store %arg9[%swap3A_1628], %swap3A_1631 {strides = array<i32>} : memref<1216xf32, #tpu.memory_space<vmem>>, vector<16xf32>,
      %mul3A_1632 = vector.broadcast %scan3A : f32 to vector<16xf32>
      %mul3A_1633 = arith.mulf %scan3A_1570#10, %mul3A_1632 : vector<16xf32>
      %swap3A_1634 = arith.constant 1060 : index
      %swap3A_1635 = tpu.vector_load %arg9[%swap3A_1634] {strides = array<i32>} : memref<1216xf32, #tpu.memory_space<vmem>>, vector<16xf32>,
      %swap3A_1636 = vector.shape_cast %swap3A_1635 : vector<16xf32> to vector<16xf32>
      %swap3A_1637 = vector.shape_cast %mul3A_1633 : vector<16xf32> to vector<16xf32>
      tpu.vector_store %arg9[%swap3A_1634], %swap3A_1637 {strides = array<i32>} : memref<1216xf32, #tpu.memory_space<vmem>>, vector<16xf32>,
      %mul3A_1638 = vector.broadcast %scan3A : f32 to vector<16xf32>
      %mul3A_1639 = arith.mulf %scan3A_1570#11, %mul3A_1638 : vector<16xf32>
      %swap3A_1640 = arith.constant 1076 : index
      %swap3A_1641 = tpu.vector_load %arg9[%swap3A_1640] {strides = array<i32>} : memref<1216xf32, #tpu.memory_space<vmem>>, vector<16xf32>,
      %swap3A_1642 = vector.shape_cast %swap3A_1641 : vector<16xf32> to vector<16xf32>
      %swap3A_1643 = vector.shape_cast %mul3A_1639 : vector<16xf32> to vector<16xf32>
      tpu.vector_store %arg9[%swap3A_1640], %swap3A_1643 {strides = array<i32>} : memref<1216xf32, #tpu.memory_space<vmem>>, vector<16xf32>,
      %mul3A_1644 = vector.broadcast %scan3A : f32 to vector<16xf32>
      %mul3A_1645 = arith.mulf %scan3A_1570#12, %mul3A_1644 : vector<16xf32>
      %swap3A_1646 = arith.constant 1092 : index
      %swap3A_1647 = tpu.vector_load %arg9[%swap3A_1646] {strides = array<i32>} : memref<1216xf32, #tpu.memory_space<vmem>>, vector<16xf32>,
      %swap3A_1648 = vector.shape_cast %swap3A_1647 : vector<16xf32> to vector<16xf32>
      %swap3A_1649 = vector.shape_cast %mul3A_1645 : vector<16xf32> to vector<16xf32>
      tpu.vector_store %arg9[%swap3A_1646], %swap3A_1649 {strides = array<i32>} : memref<1216xf32, #tpu.memory_space<vmem>>, vector<16xf32>,
      %mul3A_1650 = vector.broadcast %scan3A : f32 to vector<16xf32>
      %mul3A_1651 = arith.mulf %scan3A_1570#13, %mul3A_1650 : vector<16xf32>
      %swap3A_1652 = arith.constant 1108 : index
      %swap3A_1653 = tpu.vector_load %arg9[%swap3A_1652] {strides = array<i32>} : memref<1216xf32, #tpu.memory_space<vmem>>, vector<16xf32>,
      %swap3A_1654 = vector.shape_cast %swap3A_1653 : vector<16xf32> to vector<16xf32>
      %swap3A_1655 = vector.shape_cast %mul3A_1651 : vector<16xf32> to vector<16xf32>
      tpu.vector_store %arg9[%swap3A_1652], %swap3A_1655 {strides = array<i32>} : memref<1216xf32, #tpu.memory_space<vmem>>, vector<16xf32>,
      %mul3A_1656 = vector.broadcast %scan3A : f32 to vector<16xf32>
      %mul3A_1657 = arith.mulf %scan3A_1570#14, %mul3A_1656 : vector<16xf32>
      %swap3A_1658 = arith.constant 1124 : index
      %swap3A_1659 = tpu.vector_load %arg9[%swap3A_1658] {strides = array<i32>} : memref<1216xf32, #tpu.memory_space<vmem>>, vector<16xf32>,
      %swap3A_1660 = vector.shape_cast %swap3A_1659 : vector<16xf32> to vector<16xf32>
      %swap3A_1661 = vector.shape_cast %mul3A_1657 : vector<16xf32> to vector<16xf32>
      tpu.vector_store %arg9[%swap3A_1658], %swap3A_1661 {strides = array<i32>} : memref<1216xf32, #tpu.memory_space<vmem>>, vector<16xf32>,
      %mul3A_1662 = vector.broadcast %scan3A : f32 to vector<16xf32>
      %mul3A_1663 = arith.mulf %scan3A_1570#15, %mul3A_1662 : vector<16xf32>
      %swap3A_1664 = arith.constant 1140 : index
      %swap3A_1665 = tpu.vector_load %arg9[%swap3A_1664] {strides = array<i32>} : memref<1216xf32, #tpu.memory_space<vmem>>, vector<16xf32>,
      %swap3A_1666 = vector.shape_cast %swap3A_1665 : vector<16xf32> to vector<16xf32>
      %swap3A_1667 = vector.shape_cast %mul3A_1663 : vector<16xf32> to vector<16xf32>
      tpu.vector_store %arg9[%swap3A_1664], %swap3A_1667 {strides = array<i32>} : memref<1216xf32, #tpu.memory_space<vmem>>, vector<16xf32>,
      %mul3A_1668 = vector.broadcast %scan3A : f32 to vector<16xf32>
      %mul3A_1669 = arith.mulf %scan3A_1570#16, %mul3A_1668 : vector<16xf32>
      %swap3A_1670 = arith.constant 1156 : index
      %swap3A_1671 = tpu.vector_load %arg9[%swap3A_1670] {strides = array<i32>} : memref<1216xf32, #tpu.memory_space<vmem>>, vector<16xf32>,
      %swap3A_1672 = vector.shape_cast %swap3A_1671 : vector<16xf32> to vector<16xf32>
      %swap3A_1673 = vector.shape_cast %mul3A_1669 : vector<16xf32> to vector<16xf32>
      tpu.vector_store %arg9[%swap3A_1670], %swap3A_1673 {strides = array<i32>} : memref<1216xf32, #tpu.memory_space<vmem>>, vector<16xf32>,
      %mul3A_1674 = vector.broadcast %scan3A : f32 to vector<16xf32>
      %mul3A_1675 = arith.mulf %scan3A_1570#17, %mul3A_1674 : vector<16xf32>
      %swap3A_1676 = arith.constant 1172 : index
      %swap3A_1677 = tpu.vector_load %arg9[%swap3A_1676] {strides = array<i32>} : memref<1216xf32, #tpu.memory_space<vmem>>, vector<16xf32>,
      %swap3A_1678 = vector.shape_cast %swap3A_1677 : vector<16xf32> to vector<16xf32>
      %swap3A_1679 = vector.shape_cast %mul3A_1675 : vector<16xf32> to vector<16xf32>
      tpu.vector_store %arg9[%swap3A_1676], %swap3A_1679 {strides = array<i32>} : memref<1216xf32, #tpu.memory_space<vmem>>, vector<16xf32>,
      %mul3A_1680 = vector.broadcast %scan3A : f32 to vector<16xf32>
      %mul3A_1681 = arith.mulf %scan3A_1570#18, %mul3A_1680 : vector<16xf32>
      %swap3A_1682 = arith.constant 1188 : index
      %swap3A_1683 = tpu.vector_load %arg9[%swap3A_1682] {strides = array<i32>} : memref<1216xf32, #tpu.memory_space<vmem>>, vector<16xf32>,
      %swap3A_1684 = vector.shape_cast %swap3A_1683 : vector<16xf32> to vector<16xf32>
      %swap3A_1685 = vector.shape_cast %mul3A_1681 : vector<16xf32> to vector<16xf32>
      tpu.vector_store %arg9[%swap3A_1682], %swap3A_1685 {strides = array<i32>} : memref<1216xf32, #tpu.memory_space<vmem>>, vector<16xf32>,
      %mul3A_1686 = arith.constant 4 : i32
      %mul3A_1687 = arith.muli %add3A_881, %mul3A_1686 : i32
      %mul3A_1688 = arith.constant 300 : i32
      %mul3A_1689 = arith.muli %mul3A_1687, %mul3A_1688 : i32
      %add3A_1690 = arith.addi %mul3A_8, %mul3A_1689 : i32
      %dma_start3A_1691 = arith.constant 0 : i32
      %dma_start3A_1692 = tpu.memref_slice %arg9[%dma_start3A_1691] : memref<1216xf32, #tpu.memory_space<vmem>> -> memref<1200xf32, #tpu.memory_space<vmem>>
      %dma_start3A_1693 = tpu.memref_slice %arg4[%add3A_1690] : memref<1228800xf32, #tpu.memory_space<hbm>> -> memref<1200xf32, #tpu.memory_space<hbm>>
      %dma_start3A_1694 = tpu.memref_slice %arg4[%add3A_1690] : memref<1228800xf32, #tpu.memory_space<hbm>> -> memref<1200xf32, #tpu.memory_space<hbm>>
      %dma_start3A_1695 = arith.constant 0 : i32
      %dma_start3A_1696 = tpu.memref_slice %arg9[%dma_start3A_1695] : memref<1216xf32, #tpu.memory_space<vmem>> -> memref<1200xf32, #tpu.memory_space<vmem>>
      tpu.enqueue_dma source(%dma_start3A_1696 : memref<1200xf32, #tpu.memory_space<vmem>>) target(%dma_start3A_1694 : memref<1200xf32, #tpu.memory_space<hbm>>) target_semaphore(%arg14 : memref<!tpu.dma_semaphore, #tpu.memory_space<semaphore_mem>>)
      %add3A_1697 = arith.constant 1 : i32
      %add3A_1698 = arith.addi %add3A_881, %add3A_1697 : i32
      %lt3A_1699 = arith.constant 32 : i32
      %lt3A_1700 = arith.cmpi slt, %add3A_1698, %lt3A_1699 : i32
      %convert_element_type3A_1701 = arith.extui %lt3A_1700 : i1 to i32
      %cond3A_1702 = arith.constant 0 : i32
      %cond3A_1703 = arith.cmpi ne, %convert_element_type3A_1701, %cond3A_1702 : i32
      scf.if %cond3A_1703 {
        %add3A_1704 = arith.constant 1 : i32
        %add3A_1705 = arith.addi %add3A_881, %add3A_1704 : i32
        %mul3A_1706 = arith.constant 200 : i32
        %mul3A_1707 = arith.muli %add3A_1705, %mul3A_1706 : i32
        %add3A_1708 = arith.constant 104 : i32
        %add3A_1709 = arith.addi %mul3A_1707, %add3A_1708 : i32
        %dma_start3A_1710 = arith.constant 0 : i32
        %dma_start3A_1711 = arith.constant 0 : i32
        %dma_start3A_1712 = tpu.memref_slice %arg7[%dma_start3A_1710, %dma_start3A_1711] : memref<104x384xf32, #tpu.memory_space<vmem>> -> memref<96x384xf32, #tpu.memory_space<vmem>>
        %dma_start3A_1713 = tpu.memref_slice %arg5[%add3A_1709] : memref<6400xi32, #tpu.memory_space<vmem>> -> memref<96xi32, #tpu.memory_space<vmem>>
        %dma_start3A_1714 = arith.constant 0 : i32
        %dma_start3A_1715 = arith.constant 0 : i32
        %dma_start3A_1716 = tpu.memref_slice %arg3[%dma_start3A_1714, %dma_start3A_1715] : memref<100000x384xf32, #tpu.memory_space<hbm>> -> memref<100000x384xf32, #tpu.memory_space<hbm>>
        tpu.enqueue_indirect_dma source(%dma_start3A_1716 : memref<100000x384xf32, #tpu.memory_space<hbm>>) target(%dma_start3A_1712 : memref<96x384xf32, #tpu.memory_space<vmem>>) offsets(%dma_start3A_1713 : memref<96xi32, #tpu.memory_space<vmem>>) semaphore(%arg12 : memref<!tpu.dma_semaphore, #tpu.memory_space<semaphore_mem>>)
      } else {
      }
    }
    %scan3A_41 = arith.constant 16 : i32
    %dma_wait3A = arith.constant 0 : i32
    %dma_wait3A_42 = tpu.memref_slice %arg8[%dma_wait3A] : memref<1216xf32, #tpu.memory_space<vmem>> -> memref<1200xf32, #tpu.memory_space<vmem>>
    %dma_wait3A_43 = arith.constant 0 : i32
    %dma_wait3A_44 = tpu.memref_slice %arg4[%dma_wait3A_43] : memref<1228800xf32, #tpu.memory_space<hbm>> -> memref<1200xf32, #tpu.memory_space<hbm>>
    %dma_wait3A_45 = arith.constant 0 : i32
    %dma_wait3A_46 = tpu.memref_slice %arg8[%dma_wait3A_45] : memref<1216xf32, #tpu.memory_space<vmem>> -> memref<1200xf32, #tpu.memory_space<vmem>>
    %dma_wait3A_47 = arith.constant 0 : i32
    %dma_wait3A_48 = tpu.memref_slice %arg4[%dma_wait3A_47] : memref<1228800xf32, #tpu.memory_space<hbm>> -> memref<1200xf32, #tpu.memory_space<hbm>>
    tpu.wait_dma2 semaphore(%arg13 : memref<!tpu.dma_semaphore, #tpu.memory_space<semaphore_mem>>) src(%dma_wait3A_48 : memref<1200xf32, #tpu.memory_space<hbm>>) dst(%dma_wait3A_46 : memref<1200xf32, #tpu.memory_space<vmem>>)
    %dma_wait3A_49 = arith.constant 0 : i32
    %dma_wait3A_50 = tpu.memref_slice %arg9[%dma_wait3A_49] : memref<1216xf32, #tpu.memory_space<vmem>> -> memref<1200xf32, #tpu.memory_space<vmem>>
    %dma_wait3A_51 = arith.constant 0 : i32
    %dma_wait3A_52 = tpu.memref_slice %arg4[%dma_wait3A_51] : memref<1228800xf32, #tpu.memory_space<hbm>> -> memref<1200xf32, #tpu.memory_space<hbm>>
    %dma_wait3A_53 = arith.constant 0 : i32
    %dma_wait3A_54 = tpu.memref_slice %arg9[%dma_wait3A_53] : memref<1216xf32, #tpu.memory_space<vmem>> -> memref<1200xf32, #tpu.memory_space<vmem>>
    %dma_wait3A_55 = arith.constant 0 : i32
    %dma_wait3A_56 = tpu.memref_slice %arg4[%dma_wait3A_55] : memref<1228800xf32, #tpu.memory_space<hbm>> -> memref<1200xf32, #tpu.memory_space<hbm>>
    tpu.wait_dma2 semaphore(%arg14 : memref<!tpu.dma_semaphore, #tpu.memory_space<semaphore_mem>>) src(%dma_wait3A_56 : memref<1200xf32, #tpu.memory_space<hbm>>) dst(%dma_wait3A_54 : memref<1200xf32, #tpu.memory_space<vmem>>)
    return
  }
}

</mosaic_0001>

<sc_bundles>
// kernel: _emb_mean.3.cloned.1.call-start
scs
__scs_entry_jumppad:
0x0: {  	(pc) =	sbr.rel $0x88, $3  }
0x1: {  	(tag) =	ssettag $0x0;
	lr =	simm.s32 $0x1  }
0x2: {  	[smem:$0x3F9F] =	sst lr;
	_ =	strace $0xD0000000  }
0x3: {  	_ = 	snop  }
0x4: {  	_ = 	snop  }
0x5: {  	_ = 	snop  }
0x6: {  	_ = 	snop  }
0x7: {  	_ = 	snop  }
__scs_overlays_trampoline_lowered:
0x8: {  	[smem:$0x3FAE] =	sst s0  }
0x9: {  	[smem:$0x3FAF] =	sst s1  }
0xa: {  	[smem:$0x3FB0] =	sst s2  }
0xb: {  	[smem:$0x3FB1] =	sst s3  }
0xc: {  	[smem:$0x3FB2] =	sst s4  }
0xd: {  	[smem:$0x3FB3] =	sst s5  }
0xe: {  	[smem:$0x3FB4] =	sst s6  }
0xf: {  	[smem:$0x3FB5] =	sst s7  }
0x10: {  	[smem:$0x3FB6] =	sst s8  }
0x11: {  	[smem:$0x3FB7] =	sst s9;
	s0 =	simm.s32 @!p0 $0x0  }
0x12: {  	s1 =	sld [smem:$0x3F9D];
	s0 =	simm.s32 @p0 $0x1  }
0x13: {  	[smem:$0x3FB8] =	sst s0;
	s0 =	simm.s32 @!p1 $0x0  }
0x14: {  	s2 =	sld [smem:$0x3F9C];
	s0 =	simm.s32 @p1 $0x1  }
0x15: {  	[smem:$0x3FB9] =	sst s0;
	s0 =	simm.s32 @!p2 $0x0  }
0x16: {  	s3 =	sld [smem:$0x3FDB];
	s0 =	simm.s32 @p2 $0x1  }
0x17: {  	s4 =	simm.s32 $0x1BF5;
	[smem:$0x3FBB] =	sst s0  }
0x18: {  	s0 =	sld [smem:$0x3F9E];
	_ =	swait.ge [sflag:s4], $0x0  }
0x19: {  	s7 =	sld [smem:$0x3F9F]  }
0x1a: {  	s8 =	sadd.s32 $0xFFFFE003, lr  }
0x1b: {  	s9 =	sadd.s32 $0xFFFFFEF7, lr;
	s5 =	simm.s32 $0xFFFFFFFF;
	p2 =	slt.u32 s8, $0xFFFFF086  }
0x1c: {  	p1 =	slt.u32 s9, $0xF7A;
	s5 =	simm.s32 @!p2 $0x0  }
0x1d: {  	s5 =	simm.s32 @p1 $0x1;
	p0 =	seq.s32 s7, s2  }
0x1e: {  	s7 =	smul.u32 @!p0 $0xF7A, s2;
	p2 =	seq.s32 @!p0 s5, $0x0  }
0x1f: {  	s9 =	smul.u32 $0xF7A, s1;
	s8 =	simm.s32 @!p0 $0x1BF5;
	p2 =	por !p2, p0  }
0x20: {  	[sflag:s8] =	ssyncset.s32 @!p0 $0xFFFFF086;
	s6 =	sadd.s32 @!p0 s3, s7;
	s7 =	simm.s32 @!p0 $0x108  }
0x21: {  	s3 =	sadd.s32 s3, s9;
	s6 =	sadd.s32 @!p0 $0x88, s6;
	s7 =	simm.s32 @p2 $0x1082  }
0x22: {  	[simem:s7], [sflag:s8] =	dma.local @!p0 [hbm:s6], $0xF7A  }
0x23: {  	s9 =	sor.u32 $0xD0000000, s2;
	s6 =	simm.s32 $0x108;
	_ =	swait.ge @!p0 [sflag:s8], $0x0  }
0x24: {  	s3 =	sadd.s32 $0x88, s3;
	s6 =	simm.s32 @!p1 $0x1082;
	[sflag:s4] =	ssyncset.s32 $0xFFFFF086  }
0x25: {  	[simem:s6], [sflag:s4] =	dma.local [hbm:s3], $0xF7A  }
0x26: {  	[smem:$0x3F9F] =	sst s1;
	(tag) =	ssettag s2;
	_ =	strace s9  }
0x27: {  	s1 =	sld [smem:$0x3FAF]  }
0x28: {  	s2 =	sld [smem:$0x3FB0]  }
0x29: {  	s4 =	sld [smem:$0x3FB2]  }
0x2a: {  	p0 =	seq.s32 s5, $0x0;
	s5 =	sld [smem:$0x3FB3]  }
0x2b: {  	s6 =	sld [smem:$0x3FB4]  }
0x2c: {  	s7 =	sld [smem:$0x3FB5]  }
0x2d: {  	s3 =	simm.s32 $0x108;
	s8 =	sld [smem:$0x3FB6]  }
0x2e: {  	s3 =	simm.s32 @!p0 $0x1082;
	s9 =	sld [smem:$0x3FB7]  }
0x2f: {  	lr =	sadd.s32 s0, s3;
	s0 =	sld [smem:$0x3FAE]  }
0x30: {  	s3 =	sld [smem:$0x3FB1]  }
0x31: {  	[smem:$0x3FBA] =	sst s10  }
0x32: {  	s10 =	sld [smem:$0x3FB8];
	_ =	sdelay $0x3  }
0x33: {  	p0 =	seq.s32 s10, $0x1;
	s10 =	sld [smem:$0x3FBA];
	_ =	sdelay $0x3  }
0x34: {  	[smem:$0x3FBA] =	sst s10  }
0x35: {  	s10 =	sld [smem:$0x3FB9];
	_ =	sdelay $0x3  }
0x36: {  	p1 =	seq.s32 s10, $0x1;
	s10 =	sld [smem:$0x3FBA];
	_ =	sdelay $0x3  }
0x37: {  	[smem:$0x3FBA] =	sst s10  }
0x38: {  	s10 =	sld [smem:$0x3FBB]  }
0x39: {  	_ = 	snop;
	(pc) =	sbr.ind lr, $3  }
0x3a: {  	_ = 	snop  }
0x3b: {  	_ = 	snop  }
0x3c: {  	p2 =	seq.s32 s10, $0x1;
	s10 =	sld [smem:$0x3FBA]  }
0x3d: {  	_ =	shalt  }
0x3e: {  	_ =	shalt  }
0x3f: {  	_ =	shalt  }
0x40: {  	_ =	shalt  }
0x41: {  	_ =	shalt  }
0x42: {  	_ =	shalt  }
0x43: {  	_ =	shalt  }
0x44: {  	_ =	shalt  }
0x45: {  	_ =	shalt  }
0x46: {  	_ =	shalt  }
0x47: {  	_ =	shalt  }
0x48: {  	_ =	shalt  }
0x49: {  	_ =	shalt  }
0x4a: {  	_ =	shalt  }
0x4b: {  	_ =	shalt  }
0x4c: {  	_ =	shalt  }
0x4d: {  	_ =	shalt  }
0x4e: {  	_ =	shalt  }
0x4f: {  	_ =	shalt  }
0x50: {  	_ =	shalt  }
0x51: {  	_ =	shalt  }
0x52: {  	_ =	shalt  }
0x53: {  	_ =	shalt  }
0x54: {  	_ =	shalt  }
0x55: {  	_ =	shalt  }
0x56: {  	_ =	shalt  }
0x57: {  	_ =	shalt  }
0x58: {  	_ =	shalt  }
0x59: {  	_ =	shalt  }
0x5a: {  	_ =	shalt  }
0x5b: {  	_ =	shalt  }
0x5c: {  	_ =	shalt  }
0x5d: {  	_ =	shalt  }
0x5e: {  	_ =	shalt  }
0x5f: {  	_ =	shalt  }
0x60: {  	_ =	shalt  }
0x61: {  	_ =	shalt  }
0x62: {  	_ =	shalt  }
0x63: {  	_ =	shalt  }
0x64: {  	_ =	shalt  }
0x65: {  	_ =	shalt  }
0x66: {  	_ =	shalt  }
0x67: {  	_ =	shalt  }
0x68: {  	_ =	shalt  }
0x69: {  	_ =	shalt  }
0x6a: {  	_ =	shalt  }
0x6b: {  	_ =	shalt  }
0x6c: {  	_ =	shalt  }
0x6d: {  	_ =	shalt  }
0x6e: {  	_ =	shalt  }
0x6f: {  	_ =	shalt  }
0x70: {  	_ =	shalt  }
0x71: {  	_ =	shalt  }
0x72: {  	_ =	shalt  }
0x73: {  	_ =	shalt  }
0x74: {  	_ =	shalt  }
0x75: {  	_ =	shalt  }
0x76: {  	_ =	shalt  }
0x77: {  	_ =	shalt  }
0x78: {  	_ =	shalt  }
0x79: {  	_ =	shalt  }
0x7a: {  	_ =	shalt  }
0x7b: {  	_ =	shalt  }
0x7c: {  	_ =	shalt  }
0x7d: {  	_ =	shalt  }
0x7e: {  	_ =	shalt  }
0x7f: {  	_ =	shalt  }
0x80: {  	_ =	shalt  }
0x81: {  	_ =	shalt  }
0x82: {  	_ =	shalt  }
0x83: {  	_ =	shalt  }
0x84: {  	_ =	shalt  }
0x85: {  	_ =	shalt  }
0x86: {  	_ =	shalt  }
0x87: {  	_ =	shalt  }
.Lfunc_end0:
.L_simem_size_0:
called_computation_lowered:
.L_overlay_start_0:
0x88: {  	s2 =	sld [smem:$0x3FD9]  }
0x89: {  	s3 =	sld [smem:$0x3FFE];
	_ =	sdelay $0x1  }
0x8a: {  	s1 =	srdreg.scid  }
0x8b: {  	s0 =	sand.u32 $0x1, s1  }
0x8c: {  	s18 =	sshll.u32 s0, $0xA;
	s2 =	sadd.s32 s3, s2  }
0x8d: {  	s2 =	sadd.s32 s2, s18  }
0x8e: {  	[smem:$0x3FC6] =	sst s2  }
0x8f: {  	_ = 	snop  }
0x90: {  	s2 =	sld [smem:$0x3FC9]  }
0x91: {  	s19 =	sld [smem:$0x3FC8]  }
0x92: {  	s4 =	sld [smem:$0x3FD0];
	(tm) =	ssettm $0x1  }
0x93: {  	s5 =	sld [smem:$0x3FFB];
	_ =	sdelay $0x3  }
0x94: {  	_ =	strace s5  }
0x95: {  	s5 =	sld [smem:$0x3FFC];
	_ =	sdelay $0x3  }
0x96: {  	_ =	strace s5  }
0x97: {  	s5 =	sld [smem:$0x3FFD];
	_ =	sdelay $0x3  }
0x98: {  	_ =	strace s5  }
0x99: {  	_ =	strace $0x8FFFFFFF  }
0x9a: {  	s20 =	sld [smem:$0x3FDB];
	_ =	sdelay $0x1  }
0x9b: {  	s6 =	simm.s32 $_scs_section_size  }
0x9c: {  	s7 =	simm.s32 $_size__tile_overlayer_lowered;
	s8 =	simm.s32 $_tile_overlayer_lowered  }
0x9d: {  	s23 =	simm.s32 $0x1BFF;
	s22 =	sshll.u32 s8, $0x1;
	s5 =	sadd.s32 s6, s20  }
0x9e: {  	s9 =	simm.s32 $0x0;
	s21 =	sshll.u32 s7, $0x1;
	s7 =	sadd.s32 s22, s5  }
0x9f: {  	[timem:s9], [sflag:s23] =	dma.local [hbm:s7], s21  }
0xa0: {  	_ =	swait.ge [sflag:s23], s21  }
0xa1: {  	s6 =	ssub.s32 $0x0, s21;
	[sflag:s23] =	ssyncset.done $0x0  }
0xa2: {  	[sflag:s23] =	ssyncadd.s32 s6;
	_ =	sdelay $0x1  }
0xa3: {  	s24 =	simm.s32 $0x1B8B  }
0xa4: {  	_ =	swait.ge [sflag:s24], $0x1  }
0xa5: {  	[sflag:s24] =	ssyncset.done $0x0  }
0xa6: {  	s25 =	simm.s32 $0x1B8E;
	[sflag:s24] =	ssyncadd.s32 $0xFFFFFFFF  }
0xa7: {  	s26 =	simm.s32 $execute0_lowered;
	[smem:$0x3FD2] =	sst s25  }
0xa8: {  	s6 =	sshll.u32 s26, $0x1;
	_ =	strace $0x80000046;
	[dreg:$0x1] =	wrdreg $0xFFFFFFFF  }
0xa9: {  	s28 =	simm.s32 $_size_execute0_lowered;
	s5 =	sadd.s32 s5, s6;
	[dreg:$0x0] =	wrdreg $0x0  }
0xaa: {  	s6 =	sshll.u32 s28, $0x1;
	[dreg:$0x2] =	wrdreg s5  }
0xab: {  	[dreg:$0x3] =	wrdreg s6  }
0xac: {  	[dreg:$0x4] =	wrdreg $0xC0  }
0xad: {  	_ =	task [dreg:s9], $0x5FFFF  }
0xae: {  	[dreg:$0x1] =	wrdreg $0xFFFFFFFF  }
0xaf: {  	[dreg:$0x0] =	wrdreg $0x60  }
0xb0: {  	[dreg:$0x2] =	wrdreg s2  }
0xb1: {  	[dreg:$0x3] =	wrdreg s19  }
0xb2: {  	[dreg:$0x4] =	wrdreg s4  }
0xb3: {  	[dreg:$0x5] =	wrdreg $0x9  }
0xb4: {  	_ =	task.clear_ibuf [dreg:s9], $0x6FFFF;
	_ =	strace $0x90000046  }
0xb5: {  	s29 =	simm.s32 $0x9;
	_ =	strace $0x80000048  }
0xb6: {  	_ =	swait.ge [sflag:s29], $0x1  }
0xb7: {  	[sflag:s29] =	ssyncadd.s32 $0xFFFFFFFF  }
0xb8: {  	_ =	strace $0x90000048  }
0xb9: {  	_ =	sfence  }
0xba: {  	s30 =	sld [smem:$0x0];
	_ =	sdelay $0x2  }
0xbb: {  	s31 =	sshll.u32 s1, $0xD;
	s1 =	sshrl.u32 s1, $0x2  }
0xbc: {  	s3 =	sand.u32 $0x4000, s31;
	s1 =	sadd.s32 s1, s30  }
0xbd: {  	s0 =	sor.u32 s3, s0;
	s1 =	sshll.u32 s1, $0x11  }
0xbe: {  	s0 =	sor.u32 s1, s0  }
0xbf: {  	s0 =	sadd.s32 $0x8F2B, s0  }
0xc0: {  	[sflag:s0] =	ssyncadd.remote.s32 $0x1  }
0xc1: {  	_ =	sfence.sel $0xFFFF  }
0xc2: {  	[dreg:$0x0] =	wrdreg $0xFFFFFFFF;
	(pc) =	sbr.abs _section_cstart, $3  }
0xc3: {  	[dreg:$0x1] =	wrdreg $0xFFFFFFFF  }
0xc4: {  	_ =	task.clear_ibuf [dreg:s9], $0x2FFFF;
	_ =	strace $0x9FFFFFFF  }
0xc5: {  	(tm) =	ssettm $0x7FFFFFFF  }
tec
execute0_lowered:
.L_overlay_start_1:
0x0: {  	(tag) =	ssettag $0x1  }
0x1: {  	s0 =	rddreg [dreg:$0x0]  }
0x2: {  	s2 =	rddreg [dreg:$0x1];
	s1 =	srdreg.scid  }
0x3: {  	s4 =	stileid.u32;
	s3 =	rddreg [dreg:$0x2]  }
0x4: {  	s22 =	simm.s32 $0xB500;
	s23 =	simm.s32 $0xF900;
	s24 =	simm.s32 $0xFD00  }
0x5: {  	s25 =	simm.s32 $0x10500;
	s28 =	simm.s32 $0x11100;
	s29 =	simm.s32 $0x11500  }
0x6: {  	s30 =	simm.s32 $0x11D00;
	s31 =	simm.s32 $0x12100;
	s8 =	simm.s32 $0x13900  }
0x7: {  	s9 =	simm.s32 $0x14100;
	s10 =	simm.s32 $0x1;
	s11 =	simm.s32 $0x3  }
0x8: {  	s12 =	simm.s32 $0x2;
	s1 =	sand.u32 $0x1, s1;
	s5 =	sshll.u32 s4, $0x1  }
0x9: {  	s13 =	simm.s32 $0x4;
	s15 =	simm.s32 $0x0;
	s5 =	sor.u32 s1, s5  }
0xa: {  	s4 =	simm.s32 $0x0;
	s1 =	ssub.s32 $0x2, s1;
	s6 =	smul.u32 $0x320, s5  }
.Ltmp0:
0xb: {  	[smem:$0x7FF] =	sst s4;
	s7 =	sshrl.u32 s1, $0x1;
	(pc) =	sbr.rel .LBB2_1-.Ltmp0, $4  }
0xc: {  	_ =	strace $0x80000047;
	s1 =	ssub.s32 s1, s7;
	s7 =	sadd.s32 $0x100, s2  }
0xd: {  	v2 =	vlaneseq.u32;
	s0 =	sadd.s32 s0, s6;
	s6 =	smul.u32 $0x9600, s5;
	s26 =	smax.u32 s1, $0x1  }
0xe: {  	vm0 =	vmmov $0xffff;
	vm1 =	vmmov $0xff;
	v1 =	vshrl.u32 v2, $0x3;
	s1 =	simm.s32 $0x12900;
	s5 =	simm.s32 $0x13500;
	[dreg:$0x4] =	wrdreg s0  }
0xf: {  	v0 =	vand.u32 $0x7, v2;
	v2 =	vor.u32 $0x8, v2;
	v1 =	vmul.u32 $0x8, v1;
	[dreg:$0x5] =	wrdreg s26;
	s26 =	simm.s32 $0x10900;
	s0 =	simm.s32 $0x12D00  }
.LBB2_26:
0x10: {  	_ =	swait.ge [sflag:s11], $0x4B0  }
0x11: {  	[sflag:s11] =	ssyncset.done $0x0  }
0x12: {  	[sflag:s11] =	ssyncadd.s32 $0xFFFFFB50  }
0x13: {  	_ =	swait.ge [sflag:s13], $0x4B0  }
0x14: {  	s15 =	rddreg [dreg:$0x6]  }
0x15: {  	s14 =	rddreg [dreg:$0x5];
	s15 =	sadd.s32 $0x1, s15  }
0x16: {  	p0 =	sne.s32 s15, s14  }
.Ltmp1:
0x17: {  	_ = 	snop;
	(pc) =	sbr.rel @!p0 .LBB2_27-.Ltmp1, $3  }
0x18: {  	_ =	sdelay $0x1  }
0x19: {  	[sflag:s13] =	ssyncset.done $0x0  }
0x1a: {  	[sflag:s13] =	ssyncadd.s32 $0xFFFFFB50  }
.LBB2_1:
0x1b: {  	[dreg:$0x6] =	wrdreg s15  }
0x1c: {  	s14 =	rddreg [dreg:$0x4];
	s20 =	simm.s32 $0x5  }
0x1d: {  	[tilespmem:s4], [sflag:$0x5] =	stream.linear.gather [hbm4b:s14+s4], $0x1900, $0x38;
	[tilespmem:$0x15C80] =	vst v63  }
0x1e: {  	_ =	swait.ge [sflag:s20], $0x1900  }
0x1f: {  	[sflag:s20] =	ssyncset.done $0x0  }
0x20: {  	s21 =	simm.s32 $0x15100;
	[sflag:s20] =	ssyncadd.s32 $0xFFFFE700  }
0x21: {  	[tilespmem:s21], [sflag:$0x3] =	stream.linear.gather [hbm4b:s3+s4], $0x4B0, $0x38;
	[tilespmem:$0x15C80] =	vst v63  }
0x22: {  	s15 =	simm.s32 $0x15600  }
0x23: {  	[tilespmem:s15], [sflag:$0x4] =	stream.linear.gather [hbm4b:s3+s4], $0x4B0, $0x38;
	[tilespmem:$0x15C80] =	vst v63  }
0x24: {  	v3 =	vld [tilespmem:$0x0];
	_ =	sdelay $0x4  }
0x25: {  	v4 =	vshrl.u32 v3, $0x3  }
0x26: {  	v4 =	vmul.u32 $0x18, v4  }
0x27: {  	v3 =	vand.u32 $0x7, v3  }
0x28: {  	v3 =	vor.u32 v3, v4  }
0x29: {  	v4 =	vperm.xlane v3, v0;
	_ =	sdelay $0x1  }
0x2a: {  	v4 =	vadd.s32 v1, v4;
	_ =	sdelay $0x1  }
0x2b: {  	v3 =	vperm.xlane v3, v2;
	_ =	sdelay $0x1  }
0x2c: {  	s16 =	simm.s32 $0x1900;
	v3 =	vadd.s32 v1, v3  }
0x2d: {  	[tilespmem:s16], [sflag:$0x1] =	stream.indirect_vreg.gather [hbm4b:s2+s4], $0x80, v4, vm0, $0xb8;
	[tilespmem:$0x15C80] =	vst v63  }
0x2e: {  	s17 =	simm.s32 $0x2100  }
0x2f: {  	[tilespmem:s17], [sflag:$0x1] =	stream.indirect_vreg.gather [hbm4b:s7+s4], $0x80, v4, vm1, $0xb8;
	[tilespmem:$0x15C80] =	vst v63  }
0x30: {  	s18 =	simm.s32 $0x2500  }
0x31: {  	[tilespmem:s18], [sflag:$0x1] =	stream.indirect_vreg.gather [hbm4b:s2+s4], $0x80, v3, vm0, $0xb8;
	[tilespmem:$0x15C80] =	vst v63  }
0x32: {  	s19 =	simm.s32 $0x2D00  }
0x33: {  	[tilespmem:s19], [sflag:$0x1] =	stream.indirect_vreg.gather [hbm4b:s7+s4], $0x80, v3, vm1, $0xb8;
	[tilespmem:$0x15C80] =	vst v63  }
0x34: {  	v3 =	vld [tilespmem:$0x10];
	_ =	sdelay $0x4  }
0x35: {  	v52 =	vshrl.u32 v3, $0x3  }
0x36: {  	v4 =	vmul.u32 $0x18, v52  }
0x37: {  	v3 =	vand.u32 $0x7, v3  }
0x38: {  	v3 =	vor.u32 v3, v4  }
0x39: {  	v4 =	vperm.xlane v3, v0;
	_ =	sdelay $0x1  }
0x3a: {  	v4 =	vadd.s32 v1, v4;
	_ =	sdelay $0x1  }
0x3b: {  	v3 =	vperm.xlane v3, v2;
	_ =	sdelay $0x1  }
0x3c: {  	s20 =	simm.s32 $0x3100;
	v3 =	vadd.s32 v1, v3  }
0x3d: {  	[tilespmem:s20], [sflag:$0x1] =	stream.indirect_vreg.gather [hbm4b:s2+s4], $0x80, v4, vm0, $0xb8;
	[tilespmem:$0x15C80] =	vst v63  }
0x3e: {  	s21 =	simm.s32 $0x3900  }
0x3f: {  	[tilespmem:s21], [sflag:$0x1] =	stream.indirect_vreg.gather [hbm4b:s7+s4], $0x80, v4, vm1, $0xb8;
	[tilespmem:$0x15C80] =	vst v63  }
0x40: {  	s15 =	simm.s32 $0x3D00  }
0x41: {  	[tilespmem:s15], [sflag:$0x1] =	stream.indirect_vreg.gather [hbm4b:s2+s4], $0x80, v3, vm0, $0xb8;
	[tilespmem:$0x15C80] =	vst v63  }
0x42: {  	s16 =	simm.s32 $0x4500  }
0x43: {  	[tilespmem:s16], [sflag:$0x1] =	stream.indirect_vreg.gather [hbm4b:s7+s4], $0x80, v3, vm1, $0xb8;
	[tilespmem:$0x15C80] =	vst v63  }
0x44: {  	v3 =	vld [tilespmem:$0x20];
	_ =	sdelay $0x4  }
0x45: {  	v53 =	vshrl.u32 v3, $0x3  }
0x46: {  	v4 =	vmul.u32 $0x18, v53  }
0x47: {  	v3 =	vand.u32 $0x7, v3  }
0x48: {  	v3 =	vor.u32 v3, v4  }
0x49: {  	v4 =	vperm.xlane v3, v0;
	_ =	sdelay $0x1  }
0x4a: {  	v4 =	vadd.s32 v1, v4;
	_ =	sdelay $0x1  }
0x4b: {  	v3 =	vperm.xlane v3, v2;
	_ =	sdelay $0x1  }
0x4c: {  	s17 =	simm.s32 $0x4900;
	v3 =	vadd.s32 v1, v3  }
0x4d: {  	[tilespmem:s17], [sflag:$0x1] =	stream.indirect_vreg.gather [hbm4b:s2+s4], $0x80, v4, vm0, $0xb8;
	[tilespmem:$0x15C80] =	vst v63  }
0x4e: {  	s18 =	simm.s32 $0x5100  }
0x4f: {  	[tilespmem:s18], [sflag:$0x1] =	stream.indirect_vreg.gather [hbm4b:s7+s4], $0x80, v4, vm1, $0xb8;
	[tilespmem:$0x15C80] =	vst v63  }
0x50: {  	s19 =	simm.s32 $0x5500  }
0x51: {  	[tilespmem:s19], [sflag:$0x1] =	stream.indirect_vreg.gather [hbm4b:s2+s4], $0x80, v3, vm0, $0xb8;
	[tilespmem:$0x15C80] =	vst v63  }
0x52: {  	s20 =	simm.s32 $0x5D00  }
0x53: {  	[tilespmem:s20], [sflag:$0x1] =	stream.indirect_vreg.gather [hbm4b:s7+s4], $0x80, v3, vm1, $0xb8;
	[tilespmem:$0x15C80] =	vst v63  }
0x54: {  	v3 =	vld [tilespmem:$0x30];
	_ =	sdelay $0x4  }
0x55: {  	v54 =	vshrl.u32 v3, $0x3  }
0x56: {  	v4 =	vmul.u32 $0x18, v54  }
0x57: {  	v3 =	vand.u32 $0x7, v3  }
0x58: {  	v3 =	vor.u32 v3, v4  }
0x59: {  	v4 =	vperm.xlane v3, v0;
	_ =	sdelay $0x1  }
0x5a: {  	v4 =	vadd.s32 v1, v4;
	_ =	sdelay $0x1  }
0x5b: {  	v3 =	vperm.xlane v3, v2;
	_ =	sdelay $0x1  }
0x5c: {  	s21 =	simm.s32 $0x6100;
	v3 =	vadd.s32 v1, v3  }
0x5d: {  	[tilespmem:s21], [sflag:$0x1] =	stream.indirect_vreg.gather [hbm4b:s2+s4], $0x80, v4, vm0, $0xb8;
	[tilespmem:$0x15C80] =	vst v63  }
0x5e: {  	s15 =	simm.s32 $0x6900  }
0x5f: {  	[tilespmem:s15], [sflag:$0x1] =	stream.indirect_vreg.gather [hbm4b:s7+s4], $0x80, v4, vm1, $0xb8;
	[tilespmem:$0x15C80] =	vst v63  }
0x60: {  	s16 =	simm.s32 $0x6D00  }
0x61: {  	[tilespmem:s16], [sflag:$0x1] =	stream.indirect_vreg.gather [hbm4b:s2+s4], $0x80, v3, vm0, $0xb8;
	[tilespmem:$0x15C80] =	vst v63  }
0x62: {  	s17 =	simm.s32 $0x7500  }
0x63: {  	[tilespmem:s17], [sflag:$0x1] =	stream.indirect_vreg.gather [hbm4b:s7+s4], $0x80, v3, vm1, $0xb8;
	[tilespmem:$0x15C80] =	vst v63  }
0x64: {  	v3 =	vld [tilespmem:$0x40];
	_ =	sdelay $0x4  }
0x65: {  	v55 =	vshrl.u32 v3, $0x3  }
0x66: {  	v4 =	vmul.u32 $0x18, v55  }
0x67: {  	v3 =	vand.u32 $0x7, v3  }
0x68: {  	v3 =	vor.u32 v3, v4  }
0x69: {  	v4 =	vperm.xlane v3, v0;
	_ =	sdelay $0x1  }
0x6a: {  	v4 =	vadd.s32 v1, v4;
	_ =	sdelay $0x1  }
0x6b: {  	v3 =	vperm.xlane v3, v2;
	_ =	sdelay $0x1  }
0x6c: {  	s18 =	simm.s32 $0x7900;
	v3 =	vadd.s32 v1, v3  }
0x6d: {  	[tilespmem:s18], [sflag:$0x1] =	stream.indirect_vreg.gather [hbm4b:s2+s4], $0x80, v4, vm0, $0xb8;
	[tilespmem:$0x15C80] =	vst v63  }
0x6e: {  	s19 =	simm.s32 $0x8100  }
0x6f: {  	[tilespmem:s19], [sflag:$0x1] =	stream.indirect_vreg.gather [hbm4b:s7+s4], $0x80, v4, vm1, $0xb8;
	[tilespmem:$0x15C80] =	vst v63  }
0x70: {  	s20 =	simm.s32 $0x8500  }
0x71: {  	[tilespmem:s20], [sflag:$0x1] =	stream.indirect_vreg.gather [hbm4b:s2+s4], $0x80, v3, vm0, $0xb8;
	[tilespmem:$0x15C80] =	vst v63  }
0x72: {  	s21 =	simm.s32 $0x8D00  }
0x73: {  	[tilespmem:s21], [sflag:$0x1] =	stream.indirect_vreg.gather [hbm4b:s7+s4], $0x80, v3, vm1, $0xb8;
	[tilespmem:$0x15C80] =	vst v63  }
0x74: {  	v3 =	vld [tilespmem:$0x50];
	_ =	sdelay $0x4  }
0x75: {  	v56 =	vshrl.u32 v3, $0x3  }
0x76: {  	v4 =	vmul.u32 $0x18, v56  }
0x77: {  	v3 =	vand.u32 $0x7, v3  }
0x78: {  	v3 =	vor.u32 v3, v4  }
0x79: {  	v4 =	vperm.xlane v3, v0;
	_ =	sdelay $0x1  }
0x7a: {  	v4 =	vadd.s32 v1, v4;
	_ =	sdelay $0x1  }
0x7b: {  	v3 =	vperm.xlane v3, v2;
	_ =	sdelay $0x1  }
0x7c: {  	s15 =	simm.s32 $0x9100;
	v3 =	vadd.s32 v1, v3  }
0x7d: {  	[tilespmem:s15], [sflag:$0x1] =	stream.indirect_vreg.gather [hbm4b:s2+s4], $0x80, v4, vm0, $0xb8;
	[tilespmem:$0x15C80] =	vst v63  }
0x7e: {  	s16 =	simm.s32 $0x9900  }
0x7f: {  	[tilespmem:s16], [sflag:$0x1] =	stream.indirect_vreg.gather [hbm4b:s7+s4], $0x80, v4, vm1, $0xb8;
	[tilespmem:$0x15C80] =	vst v63  }
0x80: {  	s17 =	simm.s32 $0x9D00  }
0x81: {  	[tilespmem:s17], [sflag:$0x1] =	stream.indirect_vreg.gather [hbm4b:s2+s4], $0x80, v3, vm0, $0xb8;
	[tilespmem:$0x15C80] =	vst v63  }
0x82: {  	s18 =	simm.s32 $0xA500  }
0x83: {  	[tilespmem:s18], [sflag:$0x1] =	stream.indirect_vreg.gather [hbm4b:s7+s4], $0x80, v3, vm1, $0xb8;
	[tilespmem:$0x15C80] =	vst v63  }
0x84: {  	v3 =	vld.msk [tilespmem:$0x60], $0xff;
	_ =	sdelay $0x4  }
0x85: {  	v57 =	vshrl.u32 v3, $0x3  }
0x86: {  	v4 =	vmul.u32 $0x18, v57  }
0x87: {  	v3 =	vand.u32 $0x7, v3  }
0x88: {  	v3 =	vor.u32 v3, v4  }
0x89: {  	v3 =	vperm.xlane v3, v0;
	_ =	sdelay $0x1  }
0x8a: {  	v3 =	vadd.s32 v1, v3;
	_ =	sdelay $0x3  }
0x8b: {  	s19 =	simm.s32 $0xA900  }
0x8c: {  	[tilespmem:s19], [sflag:$0x1] =	stream.indirect_vreg.gather [hbm4b:s2+s4], $0x80, v3, vm0, $0xb8;
	[tilespmem:$0x15C80] =	vst v63  }
0x8d: {  	s20 =	simm.s32 $0xB100  }
0x8e: {  	[tilespmem:s20], [sflag:$0x1] =	stream.indirect_vreg.gather [hbm4b:s7+s4], $0x80, v3, vm1, $0xb8;
	[tilespmem:$0x15C80] =	vst v63  }
0x8f: {  	v3 =	vld [tilespmem:$0x68];
	_ =	sdelay $0x4  }
0x90: {  	v58 =	vshrl.u32 v3, $0x3  }
0x91: {  	v4 =	vmul.u32 $0x18, v58  }
0x92: {  	v3 =	vand.u32 $0x7, v3  }
0x93: {  	v3 =	vor.u32 v3, v4  }
0x94: {  	v4 =	vperm.xlane v3, v0;
	_ =	sdelay $0x1  }
0x95: {  	v4 =	vadd.s32 v1, v4;
	_ =	sdelay $0x1  }
0x96: {  	v3 =	vperm.xlane v3, v2;
	_ =	sdelay $0x1  }
0x97: {  	v3 =	vadd.s32 v1, v3  }
0x98: {  	[tilespmem:s22], [sflag:$0x2] =	stream.indirect_vreg.gather [hbm4b:s2+s4], $0x80, v4, vm0, $0xb8;
	[tilespmem:$0x15C80] =	vst v63  }
0x99: {  	s21 =	simm.s32 $0xBD00  }
0x9a: {  	[tilespmem:s21], [sflag:$0x2] =	stream.indirect_vreg.gather [hbm4b:s7+s4], $0x80, v4, vm1, $0xb8;
	[tilespmem:$0x15C80] =	vst v63  }
0x9b: {  	s22 =	simm.s32 $0xC100  }
0x9c: {  	[tilespmem:s22], [sflag:$0x2] =	stream.indirect_vreg.gather [hbm4b:s2+s4], $0x80, v3, vm0, $0xb8;
	[tilespmem:$0x15C80] =	vst v63  }
0x9d: {  	s15 =	simm.s32 $0xC900  }
0x9e: {  	[tilespmem:s15], [sflag:$0x2] =	stream.indirect_vreg.gather [hbm4b:s7+s4], $0x80, v3, vm1, $0xb8;
	[tilespmem:$0x15C80] =	vst v63  }
0x9f: {  	v3 =	vld [tilespmem:$0x78];
	_ =	sdelay $0x4  }
0xa0: {  	v59 =	vshrl.u32 v3, $0x3  }
0xa1: {  	v4 =	vmul.u32 $0x18, v59  }
0xa2: {  	v3 =	vand.u32 $0x7, v3  }
0xa3: {  	v3 =	vor.u32 v3, v4  }
0xa4: {  	v4 =	vperm.xlane v3, v0;
	_ =	sdelay $0x1  }
0xa5: {  	v4 =	vadd.s32 v1, v4;
	_ =	sdelay $0x1  }
0xa6: {  	v3 =	vperm.xlane v3, v2;
	_ =	sdelay $0x1  }
0xa7: {  	s16 =	simm.s32 $0xCD00;
	v3 =	vadd.s32 v1, v3  }
0xa8: {  	[tilespmem:s16], [sflag:$0x2] =	stream.indirect_vreg.gather [hbm4b:s2+s4], $0x80, v4, vm0, $0xb8;
	[tilespmem:$0x15C80] =	vst v63  }
0xa9: {  	s17 =	simm.s32 $0xD500  }
0xaa: {  	[tilespmem:s17], [sflag:$0x2] =	stream.indirect_vreg.gather [hbm4b:s7+s4], $0x80, v4, vm1, $0xb8;
	[tilespmem:$0x15C80] =	vst v63  }
0xab: {  	s18 =	simm.s32 $0xD900  }
0xac: {  	[tilespmem:s18], [sflag:$0x2] =	stream.indirect_vreg.gather [hbm4b:s2+s4], $0x80, v3, vm0, $0xb8;
	[tilespmem:$0x15C80] =	vst v63  }
0xad: {  	s19 =	simm.s32 $0xE100  }
0xae: {  	[tilespmem:s19], [sflag:$0x2] =	stream.indirect_vreg.gather [hbm4b:s7+s4], $0x80, v3, vm1, $0xb8;
	[tilespmem:$0x15C80] =	vst v63  }
0xaf: {  	v3 =	vld [tilespmem:$0x88];
	_ =	sdelay $0x4  }
0xb0: {  	v60 =	vshrl.u32 v3, $0x3  }
0xb1: {  	v4 =	vmul.u32 $0x18, v60  }
0xb2: {  	v3 =	vand.u32 $0x7, v3  }
0xb3: {  	v3 =	vor.u32 v3, v4  }
0xb4: {  	v4 =	vperm.xlane v3, v0;
	_ =	sdelay $0x1  }
0xb5: {  	v4 =	vadd.s32 v1, v4;
	_ =	sdelay $0x1  }
0xb6: {  	v3 =	vperm.xlane v3, v2;
	_ =	sdelay $0x1  }
0xb7: {  	s20 =	simm.s32 $0xE500;
	v3 =	vadd.s32 v1, v3  }
0xb8: {  	[tilespmem:s20], [sflag:$0x2] =	stream.indirect_vreg.gather [hbm4b:s2+s4], $0x80, v4, vm0, $0xb8;
	[tilespmem:$0x15C80] =	vst v63  }
0xb9: {  	s21 =	simm.s32 $0xED00  }
0xba: {  	[tilespmem:s21], [sflag:$0x2] =	stream.indirect_vreg.gather [hbm4b:s7+s4], $0x80, v4, vm1, $0xb8;
	[tilespmem:$0x15C80] =	vst v63  }
0xbb: {  	s22 =	simm.s32 $0xF100  }
0xbc: {  	[tilespmem:s22], [sflag:$0x2] =	stream.indirect_vreg.gather [hbm4b:s2+s4], $0x80, v3, vm0, $0xb8;
	[tilespmem:$0x15C80] =	vst v63  }
0xbd: {  	_ = 	snop  }
0xbe: {  	[tilespmem:s23], [sflag:$0x2] =	stream.indirect_vreg.gather [hbm4b:s7+s4], $0x80, v3, vm1, $0xb8;
	[tilespmem:$0x15C80] =	vst v63  }
0xbf: {  	v3 =	vld [tilespmem:$0x98];
	_ =	sdelay $0x4  }
0xc0: {  	v61 =	vshrl.u32 v3, $0x3  }
0xc1: {  	v4 =	vmul.u32 $0x18, v61  }
0xc2: {  	v3 =	vand.u32 $0x7, v3  }
0xc3: {  	v3 =	vor.u32 v3, v4  }
0xc4: {  	v4 =	vperm.xlane v3, v0;
	_ =	sdelay $0x1  }
0xc5: {  	v4 =	vadd.s32 v1, v4;
	_ =	sdelay $0x1  }
0xc6: {  	v3 =	vperm.xlane v3, v2;
	_ =	sdelay $0x1  }
0xc7: {  	v3 =	vadd.s32 v1, v3  }
0xc8: {  	[tilespmem:s24], [sflag:$0x2] =	stream.indirect_vreg.gather [hbm4b:s2+s4], $0x80, v4, vm0, $0xb8;
	[tilespmem:$0x15C80] =	vst v63  }
0xc9: {  	_ = 	snop  }
0xca: {  	[tilespmem:s25], [sflag:$0x2] =	stream.indirect_vreg.gather [hbm4b:s7+s4], $0x80, v4, vm1, $0xb8;
	[tilespmem:$0x15C80] =	vst v63  }
0xcb: {  	_ = 	snop  }
0xcc: {  	[tilespmem:s26], [sflag:$0x2] =	stream.indirect_vreg.gather [hbm4b:s2+s4], $0x80, v3, vm0, $0xb8;
	[tilespmem:$0x15C80] =	vst v63  }
0xcd: {  	_ = 	snop  }
0xce: {  	[tilespmem:s28], [sflag:$0x2] =	stream.indirect_vreg.gather [hbm4b:s7+s4], $0x80, v3, vm1, $0xb8;
	[tilespmem:$0x15C80] =	vst v63  }
0xcf: {  	v3 =	vld [tilespmem:$0xA8];
	_ =	sdelay $0x4  }
0xd0: {  	v62 =	vshrl.u32 v3, $0x3  }
0xd1: {  	v4 =	vmul.u32 $0x18, v62  }
0xd2: {  	v3 =	vand.u32 $0x7, v3  }
0xd3: {  	v3 =	vor.u32 v3, v4  }
0xd4: {  	v4 =	vperm.xlane v3, v0;
	_ =	sdelay $0x1  }
0xd5: {  	v4 =	vadd.s32 v1, v4;
	_ =	sdelay $0x1  }
0xd6: {  	v3 =	vperm.xlane v3, v2;
	_ =	sdelay $0x1  }
0xd7: {  	v3 =	vadd.s32 v1, v3  }
0xd8: {  	[tilespmem:s29], [sflag:$0x2] =	stream.indirect_vreg.gather [hbm4b:s2+s4], $0x80, v4, vm0, $0xb8;
	[tilespmem:$0x15C80] =	vst v63  }
0xd9: {  	_ = 	snop  }
0xda: {  	[tilespmem:s30], [sflag:$0x2] =	stream.indirect_vreg.gather [hbm4b:s7+s4], $0x80, v4, vm1, $0xb8;
	[tilespmem:$0x15C80] =	vst v63  }
0xdb: {  	_ = 	snop  }
0xdc: {  	[tilespmem:s31], [sflag:$0x2] =	stream.indirect_vreg.gather [hbm4b:s2+s4], $0x80, v3, vm0, $0xb8;
	[tilespmem:$0x15C80] =	vst v63  }
0xdd: {  	_ = 	snop  }
0xde: {  	[tilespmem:s1], [sflag:$0x2] =	stream.indirect_vreg.gather [hbm4b:s7+s4], $0x80, v3, vm1, $0xb8;
	[tilespmem:$0x15C80] =	vst v63  }
0xdf: {  	v3 =	vld [tilespmem:$0xB8];
	_ =	sdelay $0x4  }
0xe0: {  	v63 =	vshrl.u32 v3, $0x3  }
0xe1: {  	v4 =	vmul.u32 $0x18, v63  }
0xe2: {  	v3 =	vand.u32 $0x7, v3  }
0xe3: {  	v3 =	vor.u32 v3, v4  }
0xe4: {  	v4 =	vperm.xlane v3, v0;
	_ =	sdelay $0x1  }
0xe5: {  	v4 =	vadd.s32 v1, v4;
	_ =	sdelay $0x1  }
0xe6: {  	v3 =	vperm.xlane v3, v2;
	_ =	sdelay $0x1  }
0xe7: {  	v3 =	vadd.s32 v1, v3  }
0xe8: {  	[tilespmem:s0], [sflag:$0x2] =	stream.indirect_vreg.gather [hbm4b:s2+s4], $0x80, v4, vm0, $0xb8;
	[tilespmem:$0x15C80] =	vst v63  }
0xe9: {  	_ = 	snop  }
0xea: {  	[tilespmem:s5], [sflag:$0x2] =	stream.indirect_vreg.gather [hbm4b:s7+s4], $0x80, v4, vm1, $0xb8;
	[tilespmem:$0x15C80] =	vst v63  }
0xeb: {  	_ = 	snop  }
0xec: {  	[tilespmem:s8], [sflag:$0x2] =	stream.indirect_vreg.gather [hbm4b:s2+s4], $0x80, v3, vm0, $0xb8;
	[tilespmem:$0x15C80] =	vst v63  }
0xed: {  	s14 =	simm.s32 $0x0  }
0xee: {  	[tilespmem:s9], [sflag:$0x2] =	stream.indirect_vreg.gather [hbm4b:s7+s4], $0x80, v3, vm1, $0xb8;
	[tilespmem:$0x15C80] =	vst v63  }
.LBB2_2:
0xef: {  	_ =	swait.ge [sflag:s10], $0x9C00  }
0xf0: {  	s15 =	simm.s32 $0x0;
	[sflag:s10] =	ssyncset.done $0x0  }
0xf1: {  	s16 =	smul.u32 $0x3000, s15;
	[sflag:s10] =	ssyncadd.s32 $0xFFFF6400  }
0xf2: {  	s15 =	simm.s32 $0x0;
	_ =	swait.ge [sflag:s11], $0x4B0  }
0xf3: {  	s17 =	sand.u32 $0x380, s15;
	s16 =	sshra.s32 s16, $0x2;
	[sflag:s11] =	ssyncset.done $0x0  }
0xf4: {  	s16 =	sor.u32 s17, s16;
	[sflag:s11] =	ssyncadd.s32 $0xFFFFFB50  }
0xf5: {  	v3 =	vld [tilespmem:s16+$0x2120]  }
0xf6: {  	v4 =	vld [tilespmem:s16+$0x1900]  }
0xf7: {  	v5 =	vld [tilespmem:s16+$0x1910]  }
0xf8: {  	v7 =	vld [tilespmem:s16+$0x1920]  }
0xf9: {  	v8 =	vld [tilespmem:s16+$0x1930]  }
0xfa: {  	v9 =	vld [tilespmem:s16+$0x1940]  }
0xfb: {  	v10 =	vld [tilespmem:s16+$0x1950]  }
0xfc: {  	v11 =	vld [tilespmem:s16+$0x1960]  }
0xfd: {  	v6 =	vimm.f32 $0.0e+00;
	v12 =	vld [tilespmem:s16+$0x1970]  }
0xfe: {  	v13 =	vld [tilespmem:s16+$0x1D00];
	v3 =	vadd.f32 v3, v6  }
0xff: {  	v21 =	vadd.f32 v4, v6;
	v20 =	vadd.f32 v5, v6  }
0x100: {  	v19 =	vadd.f32 v7, v6;
	v18 =	vadd.f32 v8, v6  }
0x101: {  	v26 =	vld [tilespmem:s16+$0x1D10];
	v17 =	vadd.f32 v9, v6;
	v16 =	vadd.f32 v10, v6  }
0x102: {  	v25 =	vld [tilespmem:s16+$0x1D20];
	v15 =	vadd.f32 v11, v6;
	v14 =	vadd.f32 v12, v6  }
0x103: {  	v22 =	vld [tilespmem:s16+$0x1D30];
	v12 =	vadd.f32 v13, v6;
	v13 =	vimm.f32 $0.0e+00;
	v11 =	vimm.f32 $0.0e+00  }
0x104: {  	v23 =	vld [tilespmem:s16+$0x1D40];
	v10 =	vimm.f32 $0.0e+00;
	v9 =	vimm.f32 $0.0e+00;
	v7 =	vimm.f32 $0.0e+00  }
0x105: {  	s18 =	simm.s32 $0x0;
	s17 =	simm.s32 $0x2;
	v24 =	vld [tilespmem:s16+$0x1D50];
	v8 =	vimm.f32 $0.0e+00;
	v5 =	vimm.f32 $0.0e+00;
	v4 =	vimm.f32 $0.0e+00  }
.LBB2_3:
0x106: {  	p0 =	sne.s32 s17, $0x31;
	s18 =	smul.u32 $0x3000, s18;
	v6 =	vadd.f32 v26, v6;
	v26 =	vld [tilespmem:s16+$0x1D60]  }
0x107: {  	s15 =	sadd.s32 $0x80, s15;
	v13 =	vadd.f32 v25, v13;
	v25 =	vld [tilespmem:s16+$0x1D70]  }
0x108: {  	s19 =	sand.u32 $0x380, s15;
	s18 =	sshra.s32 s18, $0x2;
	v11 =	vadd.f32 v22, v11;
	v22 =	vld [tilespmem:s16+$0x2100]  }
0x109: {  	v10 =	vadd.f32 v23, v10;
	v23 =	vld [tilespmem:s16+$0x2110];
	s16 =	sor.u32 s19, s18  }
0x10a: {  	v27 =	vld [tilespmem:s16+$0x2120];
	v9 =	vadd.f32 v24, v9  }
0x10b: {  	v24 =	vld [tilespmem:s16+$0x1900];
	v7 =	vadd.f32 v26, v7  }
0x10c: {  	v26 =	vld [tilespmem:s16+$0x1910];
	v8 =	vadd.f32 v25, v8  }
0x10d: {  	v25 =	vld [tilespmem:s16+$0x1920];
	v5 =	vadd.f32 v22, v5  }
0x10e: {  	v22 =	vld [tilespmem:s16+$0x1930];
	v4 =	vadd.f32 v23, v4  }
0x10f: {  	v23 =	vld [tilespmem:s16+$0x1940];
	v3 =	vadd.f32 v27, v3  }
0x110: {  	v21 =	vadd.f32 v24, v21;
	v24 =	vld [tilespmem:s16+$0x1950]  }
0x111: {  	v20 =	vadd.f32 v26, v20;
	v27 =	vld [tilespmem:s16+$0x1960]  }
0x112: {  	v19 =	vadd.f32 v25, v19;
	v28 =	vld [tilespmem:s16+$0x1970]  }
0x113: {  	v18 =	vadd.f32 v22, v18;
	v29 =	vld [tilespmem:s16+$0x1D00]  }
.Ltmp2:
0x114: {  	v17 =	vadd.f32 v23, v17;
	v26 =	vld [tilespmem:s16+$0x1D10];
	(pc) =	sbr.rel @p0 .LBB2_3-.Ltmp2, $4  }
0x115: {  	v16 =	vadd.f32 v24, v16;
	v25 =	vld [tilespmem:s16+$0x1D20]  }
0x116: {  	v15 =	vadd.f32 v27, v15;
	v22 =	vld [tilespmem:s16+$0x1D30]  }
0x117: {  	v14 =	vadd.f32 v28, v14;
	v23 =	vld [tilespmem:s16+$0x1D40]  }
0x118: {  	s18 =	sshrl.u32 s17, $0x3;
	s17 =	sadd.s32 $0x1, s17;
	v12 =	vadd.f32 v29, v12;
	v24 =	vld [tilespmem:s16+$0x1D50]  }
0x119: {  	s17 =	smul.u32 $0x3000, s18;
	v27 =	vld [tilespmem:s16+$0x1D60]  }
0x11a: {  	v28 =	vld [tilespmem:s16+$0x1D70];
	s15 =	sadd.s32 $0x80, s15  }
0x11b: {  	v29 =	vld [tilespmem:s16+$0x2100];
	s15 =	sand.u32 $0x380, s15;
	s17 =	sshra.s32 s17, $0x2  }
0x11c: {  	v30 =	vld [tilespmem:s16+$0x2110];
	s15 =	sor.u32 s15, s17  }
0x11d: {  	v31 =	vld [tilespmem:s15+$0x2120]  }
0x11e: {  	v32 =	vld [tilespmem:s15+$0x1900]  }
0x11f: {  	v33 =	vld [tilespmem:s15+$0x1910]  }
0x120: {  	v34 =	vld [tilespmem:s15+$0x1920]  }
0x121: {  	v35 =	vld [tilespmem:s15+$0x1930]  }
0x122: {  	v36 =	vld [tilespmem:s15+$0x1940]  }
0x123: {  	v37 =	vld [tilespmem:s15+$0x1950]  }
0x124: {  	v38 =	vld [tilespmem:s15+$0x1960]  }
0x125: {  	v39 =	vld [tilespmem:s15+$0x1970]  }
0x126: {  	v40 =	vld [tilespmem:s15+$0x1D00]  }
0x127: {  	v41 =	vld [tilespmem:s15+$0x1D10]  }
0x128: {  	v42 =	vld [tilespmem:s15+$0x1D20]  }
0x129: {  	v43 =	vld [tilespmem:s15+$0x1D30]  }
0x12a: {  	v44 =	vld [tilespmem:s15+$0x1D40]  }
0x12b: {  	v45 =	vld [tilespmem:s15+$0x1D50];
	v21 =	vadd.f32 v32, v21  }
0x12c: {  	v60 =	vld [tilespmem:s15+$0x1D60];
	v20 =	vadd.f32 v33, v20  }
0x12d: {  	v61 =	vld [tilespmem:s15+$0x1D70];
	v19 =	vadd.f32 v34, v19;
	v21 =	vmul.f32 $1.999999960e-02, v21  }
0x12e: {  	v62 =	vld [tilespmem:s15+$0x2100];
	v18 =	vadd.f32 v35, v18;
	v20 =	vmul.f32 $1.999999960e-02, v20  }
0x12f: {  	v63 =	vld [tilespmem:s15+$0x2110];
	v17 =	vadd.f32 v36, v17;
	v19 =	vmul.f32 $1.999999960e-02, v19;
	[tilespmem:$0x15100] =	vst v21  }
0x130: {  	v16 =	vadd.f32 v37, v16;
	v18 =	vmul.f32 $1.999999960e-02, v18;
	[tilespmem:$0x15110] =	vst v20  }
0x131: {  	v15 =	vadd.f32 v38, v15;
	v17 =	vmul.f32 $1.999999960e-02, v17;
	[tilespmem:$0x15120] =	vst v19  }
0x132: {  	v6 =	vadd.f32 v26, v6;
	v14 =	vadd.f32 v39, v14;
	v16 =	vmul.f32 $1.999999960e-02, v16;
	[tilespmem:$0x15130] =	vst v18  }
0x133: {  	v10 =	vadd.f32 v23, v10;
	v12 =	vadd.f32 v40, v12;
	v15 =	vmul.f32 $1.999999960e-02, v15;
	[tilespmem:$0x15140] =	vst v17  }
0x134: {  	v7 =	vadd.f32 v27, v7;
	v6 =	vadd.f32 v41, v6;
	v14 =	vmul.f32 $1.999999960e-02, v14;
	[tilespmem:$0x15150] =	vst v16  }
0x135: {  	v5 =	vadd.f32 v29, v5;
	v10 =	vadd.f32 v44, v10;
	v12 =	vmul.f32 $1.999999960e-02, v12;
	[tilespmem:$0x15160] =	vst v15  }
0x136: {  	v4 =	vadd.f32 v30, v4;
	v7 =	vadd.f32 v60, v7;
	v6 =	vmul.f32 $1.999999960e-02, v6;
	[tilespmem:$0x15170] =	vst v14  }
0x137: {  	v11 =	vadd.f32 v22, v11;
	v5 =	vadd.f32 v62, v5;
	v10 =	vmul.f32 $1.999999960e-02, v10;
	[tilespmem:$0x15180] =	vst v12  }
0x138: {  	v4 =	vadd.f32 v63, v4;
	v7 =	vmul.f32 $1.999999960e-02, v7;
	[tilespmem:$0x15190] =	vst v6  }
0x139: {  	v9 =	vadd.f32 v24, v9;
	v11 =	vadd.f32 v43, v11;
	v5 =	vmul.f32 $1.999999960e-02, v5;
	[tilespmem:$0x151C0] =	vst v10  }
0x13a: {  	v13 =	vadd.f32 v25, v13;
	v3 =	vadd.f32 v31, v3;
	v4 =	vmul.f32 $1.999999960e-02, v4;
	[tilespmem:$0x151E0] =	vst v7  }
0x13b: {  	v8 =	vadd.f32 v28, v8;
	v9 =	vadd.f32 v45, v9;
	v6 =	vmul.f32 $1.999999960e-02, v11;
	[tilespmem:$0x15200] =	vst v5  }
0x13c: {  	v13 =	vadd.f32 v42, v13;
	v3 =	vmul.f32 $1.999999960e-02, v3;
	[tilespmem:$0x15210] =	vst v4  }
0x13d: {  	s20 =	simm.s32 $0x6;
	v8 =	vadd.f32 v61, v8;
	[tilespmem:$0x151B0] =	vst v6;
	v6 =	vmul.f32 $1.999999960e-02, v9  }
0x13e: {  	s21 =	smul.u32 $0x3000, s20;
	v12 =	vmul.f32 $1.999999960e-02, v13;
	[tilespmem:$0x15220] =	vst v3  }
0x13f: {  	s15 =	simm.s32 $0x1900;
	[tilespmem:$0x151D0] =	vst v6;
	v6 =	vmul.f32 $1.999999960e-02, v8  }
0x140: {  	s16 =	sshra.s32 s21, $0x2;
	s22 =	sand.u32 $0x380, s15;
	[tilespmem:$0x151A0] =	vst v12  }
0x141: {  	s16 =	sor.u32 s22, s16;
	[tilespmem:$0x151F0] =	vst v6  }
0x142: {  	v3 =	vld [tilespmem:s16+$0x2120]  }
0x143: {  	v4 =	vld [tilespmem:s16+$0x1900]  }
0x144: {  	v5 =	vld [tilespmem:s16+$0x1910]  }
0x145: {  	v7 =	vld [tilespmem:s16+$0x1920]  }
0x146: {  	v8 =	vld [tilespmem:s16+$0x1930]  }
0x147: {  	v9 =	vld [tilespmem:s16+$0x1940]  }
0x148: {  	v10 =	vld [tilespmem:s16+$0x1950]  }
0x149: {  	v11 =	vld [tilespmem:s16+$0x1960]  }
0x14a: {  	v6 =	vimm.f32 $0.0e+00;
	v12 =	vld [tilespmem:s16+$0x1970]  }
0x14b: {  	v13 =	vld [tilespmem:s16+$0x1D00];
	v3 =	vadd.f32 v3, v6  }
0x14c: {  	v21 =	vadd.f32 v4, v6;
	v20 =	vadd.f32 v5, v6  }
0x14d: {  	v19 =	vadd.f32 v7, v6;
	v18 =	vadd.f32 v8, v6  }
0x14e: {  	v26 =	vld [tilespmem:s16+$0x1D10];
	v17 =	vadd.f32 v9, v6;
	v16 =	vadd.f32 v10, v6  }
0x14f: {  	v25 =	vld [tilespmem:s16+$0x1D20];
	v15 =	vadd.f32 v11, v6;
	v14 =	vadd.f32 v12, v6  }
0x150: {  	v22 =	vld [tilespmem:s16+$0x1D30];
	v12 =	vadd.f32 v13, v6;
	v13 =	vimm.f32 $0.0e+00;
	v11 =	vimm.f32 $0.0e+00  }
0x151: {  	v23 =	vld [tilespmem:s16+$0x1D40];
	v10 =	vimm.f32 $0.0e+00;
	v9 =	vimm.f32 $0.0e+00;
	v7 =	vimm.f32 $0.0e+00  }
0x152: {  	s18 =	simm.s32 $0x6;
	s17 =	simm.s32 $0x34;
	v24 =	vld [tilespmem:s16+$0x1D50];
	v8 =	vimm.f32 $0.0e+00;
	v5 =	vimm.f32 $0.0e+00;
	v4 =	vimm.f32 $0.0e+00  }
.LBB2_5:
0x153: {  	p0 =	sne.s32 s17, $0x63;
	s18 =	smul.u32 $0x3000, s18;
	v6 =	vadd.f32 v26, v6;
	v26 =	vld [tilespmem:s16+$0x1D60]  }
0x154: {  	s15 =	sadd.s32 $0x80, s15;
	v13 =	vadd.f32 v25, v13;
	v25 =	vld [tilespmem:s16+$0x1D70]  }
0x155: {  	s19 =	sand.u32 $0x380, s15;
	s18 =	sshra.s32 s18, $0x2;
	v11 =	vadd.f32 v22, v11;
	v22 =	vld [tilespmem:s16+$0x2100]  }
0x156: {  	v10 =	vadd.f32 v23, v10;
	v23 =	vld [tilespmem:s16+$0x2110];
	s16 =	sor.u32 s19, s18  }
0x157: {  	v27 =	vld [tilespmem:s16+$0x2120];
	v9 =	vadd.f32 v24, v9  }
0x158: {  	v24 =	vld [tilespmem:s16+$0x1900];
	v7 =	vadd.f32 v26, v7  }
0x159: {  	v26 =	vld [tilespmem:s16+$0x1910];
	v8 =	vadd.f32 v25, v8  }
0x15a: {  	v25 =	vld [tilespmem:s16+$0x1920];
	v5 =	vadd.f32 v22, v5  }
0x15b: {  	v22 =	vld [tilespmem:s16+$0x1930];
	v4 =	vadd.f32 v23, v4  }
0x15c: {  	v23 =	vld [tilespmem:s16+$0x1940];
	v3 =	vadd.f32 v27, v3  }
0x15d: {  	v21 =	vadd.f32 v24, v21;
	v24 =	vld [tilespmem:s16+$0x1950]  }
0x15e: {  	v20 =	vadd.f32 v26, v20;
	v27 =	vld [tilespmem:s16+$0x1960]  }
0x15f: {  	v19 =	vadd.f32 v25, v19;
	v28 =	vld [tilespmem:s16+$0x1970]  }
0x160: {  	v18 =	vadd.f32 v22, v18;
	v29 =	vld [tilespmem:s16+$0x1D00]  }
.Ltmp3:
0x161: {  	v17 =	vadd.f32 v23, v17;
	v26 =	vld [tilespmem:s16+$0x1D10];
	(pc) =	sbr.rel @p0 .LBB2_5-.Ltmp3, $4  }
0x162: {  	v16 =	vadd.f32 v24, v16;
	v25 =	vld [tilespmem:s16+$0x1D20]  }
0x163: {  	v15 =	vadd.f32 v27, v15;
	v22 =	vld [tilespmem:s16+$0x1D30]  }
0x164: {  	v14 =	vadd.f32 v28, v14;
	v23 =	vld [tilespmem:s16+$0x1D40]  }
0x165: {  	s18 =	sshrl.u32 s17, $0x3;
	s17 =	sadd.s32 $0x1, s17;
	v12 =	vadd.f32 v29, v12;
	v24 =	vld [tilespmem:s16+$0x1D50]  }
0x166: {  	s17 =	smul.u32 $0x3000, s18;
	v27 =	vld [tilespmem:s16+$0x1D60]  }
0x167: {  	v28 =	vld [tilespmem:s16+$0x1D70];
	s15 =	sadd.s32 $0x80, s15  }
0x168: {  	v29 =	vld [tilespmem:s16+$0x2100];
	s15 =	sand.u32 $0x380, s15;
	s17 =	sshra.s32 s17, $0x2  }
0x169: {  	v30 =	vld [tilespmem:s16+$0x2110];
	s15 =	sor.u32 s15, s17  }
0x16a: {  	v31 =	vld [tilespmem:s15+$0x2120]  }
0x16b: {  	v32 =	vld [tilespmem:s15+$0x1900]  }
0x16c: {  	v33 =	vld [tilespmem:s15+$0x1910]  }
0x16d: {  	v34 =	vld [tilespmem:s15+$0x1920]  }
0x16e: {  	v35 =	vld [tilespmem:s15+$0x1930]  }
0x16f: {  	v36 =	vld [tilespmem:s15+$0x1940]  }
0x170: {  	v37 =	vld [tilespmem:s15+$0x1950]  }
0x171: {  	v38 =	vld [tilespmem:s15+$0x1960]  }
0x172: {  	v39 =	vld [tilespmem:s15+$0x1970]  }
0x173: {  	v40 =	vld [tilespmem:s15+$0x1D00]  }
0x174: {  	v41 =	vld [tilespmem:s15+$0x1D10]  }
0x175: {  	v42 =	vld [tilespmem:s15+$0x1D20]  }
0x176: {  	v43 =	vld [tilespmem:s15+$0x1D30]  }
0x177: {  	v44 =	vld [tilespmem:s15+$0x1D40]  }
0x178: {  	v45 =	vld [tilespmem:s15+$0x1D50];
	v21 =	vadd.f32 v32, v21  }
0x179: {  	v60 =	vld [tilespmem:s15+$0x1D60];
	v20 =	vadd.f32 v33, v20  }
0x17a: {  	v61 =	vld [tilespmem:s15+$0x1D70];
	v19 =	vadd.f32 v34, v19;
	v21 =	vmul.f32 $1.999999960e-02, v21  }
0x17b: {  	v62 =	vld [tilespmem:s15+$0x2100];
	v18 =	vadd.f32 v35, v18;
	v20 =	vmul.f32 $1.999999960e-02, v20  }
0x17c: {  	v63 =	vld [tilespmem:s15+$0x2110];
	v17 =	vadd.f32 v36, v17;
	v19 =	vmul.f32 $1.999999960e-02, v19;
	[tilespmem:$0x1522C] =	vst v21  }
0x17d: {  	v16 =	vadd.f32 v37, v16;
	v18 =	vmul.f32 $1.999999960e-02, v18;
	[tilespmem:$0x1523C] =	vst v20  }
0x17e: {  	v15 =	vadd.f32 v38, v15;
	v17 =	vmul.f32 $1.999999960e-02, v17;
	[tilespmem:$0x1524C] =	vst v19  }
0x17f: {  	v6 =	vadd.f32 v26, v6;
	v14 =	vadd.f32 v39, v14;
	v16 =	vmul.f32 $1.999999960e-02, v16;
	[tilespmem:$0x1525C] =	vst v18  }
0x180: {  	v10 =	vadd.f32 v23, v10;
	v12 =	vadd.f32 v40, v12;
	v15 =	vmul.f32 $1.999999960e-02, v15;
	[tilespmem:$0x1526C] =	vst v17  }
0x181: {  	v7 =	vadd.f32 v27, v7;
	v6 =	vadd.f32 v41, v6;
	v14 =	vmul.f32 $1.999999960e-02, v14;
	[tilespmem:$0x1527C] =	vst v16  }
0x182: {  	v5 =	vadd.f32 v29, v5;
	v10 =	vadd.f32 v44, v10;
	v12 =	vmul.f32 $1.999999960e-02, v12;
	[tilespmem:$0x1528C] =	vst v15  }
0x183: {  	v4 =	vadd.f32 v30, v4;
	v7 =	vadd.f32 v60, v7;
	v6 =	vmul.f32 $1.999999960e-02, v6;
	[tilespmem:$0x1529C] =	vst v14  }
0x184: {  	v11 =	vadd.f32 v22, v11;
	v5 =	vadd.f32 v62, v5;
	v10 =	vmul.f32 $1.999999960e-02, v10;
	[tilespmem:$0x152AC] =	vst v12  }
0x185: {  	v4 =	vadd.f32 v63, v4;
	v7 =	vmul.f32 $1.999999960e-02, v7;
	[tilespmem:$0x152BC] =	vst v6  }
0x186: {  	v9 =	vadd.f32 v24, v9;
	v11 =	vadd.f32 v43, v11;
	v5 =	vmul.f32 $1.999999960e-02, v5;
	[tilespmem:$0x152EC] =	vst v10  }
0x187: {  	v13 =	vadd.f32 v25, v13;
	v3 =	vadd.f32 v31, v3;
	v4 =	vmul.f32 $1.999999960e-02, v4;
	[tilespmem:$0x1530C] =	vst v7  }
0x188: {  	v8 =	vadd.f32 v28, v8;
	v9 =	vadd.f32 v45, v9;
	v6 =	vmul.f32 $1.999999960e-02, v11;
	[tilespmem:$0x1532C] =	vst v5  }
0x189: {  	v13 =	vadd.f32 v42, v13;
	v3 =	vmul.f32 $1.999999960e-02, v3;
	[tilespmem:$0x1533C] =	vst v4  }
0x18a: {  	v8 =	vadd.f32 v61, v8;
	[tilespmem:$0x152DC] =	vst v6;
	v6 =	vmul.f32 $1.999999960e-02, v9  }
0x18b: {  	v12 =	vmul.f32 $1.999999960e-02, v13;
	[tilespmem:$0x1534C] =	vst v3  }
0x18c: {  	[tilespmem:$0x152FC] =	vst v6;
	v6 =	vmul.f32 $1.999999960e-02, v8  }
0x18d: {  	[tilespmem:$0x152CC] =	vst v12  }
0x18e: {  	s22 =	simm.s32 $0x0;
	[tilespmem:$0x1531C] =	vst v6  }
0x18f: {  	v3 =	vld [tilespmem:s22+$0xB320]  }
0x190: {  	v5 =	vld [tilespmem:s22+$0xAB00]  }
0x191: {  	v6 =	vld [tilespmem:s22+$0xAB10]  }
0x192: {  	v7 =	vld [tilespmem:s22+$0xAB20]  }
0x193: {  	v8 =	vld [tilespmem:s22+$0xAB30]  }
0x194: {  	v9 =	vld [tilespmem:s22+$0xAB40]  }
0x195: {  	v10 =	vld [tilespmem:s22+$0xAB50]  }
0x196: {  	v11 =	vld [tilespmem:s22+$0xAB60]  }
0x197: {  	v12 =	vld [tilespmem:s22+$0xAB70]  }
0x198: {  	v13 =	vld [tilespmem:s22+$0xAF00]  }
0x199: {  	v4 =	vimm.f32 $0.0e+00;
	v22 =	vld [tilespmem:s22+$0xAF10]  }
0x19a: {  	v25 =	vld [tilespmem:s22+$0xAF20];
	v3 =	vadd.f32 v3, v4;
	v20 =	vadd.f32 v5, v4  }
0x19b: {  	v5 =	vld [tilespmem:s22+$0xAF30];
	v21 =	vadd.f32 v6, v4;
	v18 =	vadd.f32 v7, v4  }
0x19c: {  	v6 =	vld [tilespmem:s22+$0xAF40];
	v19 =	vadd.f32 v8, v4;
	v17 =	vadd.f32 v9, v4  }
0x19d: {  	v23 =	vld [tilespmem:s22+$0xAF50];
	v16 =	vadd.f32 v10, v4;
	v14 =	vadd.f32 v11, v4  }
0x19e: {  	v24 =	vld [tilespmem:s22+$0xAF60];
	v15 =	vadd.f32 v12, v4;
	v12 =	vadd.f32 v13, v4  }
0x19f: {  	v13 =	vadd.f32 v22, v4;
	v10 =	vadd.f32 v25, v4;
	v25 =	vld [tilespmem:s22+$0xAF70]  }
0x1a0: {  	v22 =	vld [tilespmem:s22+$0xB300];
	v9 =	vimm.f32 $0.0e+00;
	v11 =	vimm.f32 $0.0e+00;
	v7 =	vimm.f32 $0.0e+00  }
0x1a1: {  	s16 =	simm.s32 $0x400;
	s15 =	simm.s32 $0x80;
	v26 =	vld [tilespmem:s22+$0xB310];
	v8 =	vadd.f32 v5, v4;
	v6 =	vadd.f32 v6, v4;
	v5 =	vimm.f32 $0.0e+00  }
.LBB2_7:
0x1a2: {  	p0 =	sne.s32 s16, $0x600;
	v27 =	vld [tilespmem:s15+$0xB320];
	v4 =	vadd.f32 v23, v4  }
0x1a3: {  	v23 =	vld [tilespmem:s15+$0xAB00];
	v9 =	vadd.f32 v24, v9  }
0x1a4: {  	v24 =	vld [tilespmem:s15+$0xAB10];
	v11 =	vadd.f32 v25, v11  }
0x1a5: {  	v25 =	vld [tilespmem:s15+$0xAB20];
	v7 =	vadd.f32 v22, v7  }
0x1a6: {  	v22 =	vld [tilespmem:s15+$0xAB30];
	v5 =	vadd.f32 v26, v5  }
0x1a7: {  	v26 =	vld [tilespmem:s15+$0xAB40];
	v3 =	vadd.f32 v27, v3  }
0x1a8: {  	v20 =	vadd.f32 v23, v20;
	v23 =	vld [tilespmem:s15+$0xAB50]  }
0x1a9: {  	v21 =	vadd.f32 v24, v21;
	v24 =	vld [tilespmem:s15+$0xAB60]  }
0x1aa: {  	v18 =	vadd.f32 v25, v18;
	v25 =	vld [tilespmem:s15+$0xAB70]  }
0x1ab: {  	v19 =	vadd.f32 v22, v19;
	v22 =	vld [tilespmem:s15+$0xAF00]  }
0x1ac: {  	v17 =	vadd.f32 v26, v17;
	v26 =	vld [tilespmem:s15+$0xAF10]  }
0x1ad: {  	v16 =	vadd.f32 v23, v16;
	v27 =	vld [tilespmem:s15+$0xAF20]  }
0x1ae: {  	v14 =	vadd.f32 v24, v14;
	v28 =	vld [tilespmem:s15+$0xAF30]  }
0x1af: {  	v15 =	vadd.f32 v25, v15;
	v29 =	vld [tilespmem:s15+$0xAF40]  }
.Ltmp4:
0x1b0: {  	v12 =	vadd.f32 v22, v12;
	v23 =	vld [tilespmem:s15+$0xAF50];
	(pc) =	sbr.rel @p0 .LBB2_7-.Ltmp4, $4  }
0x1b1: {  	v13 =	vadd.f32 v26, v13;
	v24 =	vld [tilespmem:s15+$0xAF60]  }
0x1b2: {  	v10 =	vadd.f32 v27, v10;
	v25 =	vld [tilespmem:s15+$0xAF70]  }
0x1b3: {  	v8 =	vadd.f32 v28, v8;
	v22 =	vld [tilespmem:s15+$0xB300]  }
0x1b4: {  	v6 =	vadd.f32 v29, v6;
	v26 =	vld [tilespmem:s15+$0xB310];
	s15 =	sshra.s32 s16, $0x2;
	s16 =	sadd.s32 $0x200, s16  }
0x1b5: {  	v27 =	vld [tilespmem:s15+$0xB320]  }
0x1b6: {  	v28 =	vld [tilespmem:s15+$0xAB00]  }
0x1b7: {  	v29 =	vld [tilespmem:s15+$0xAB10]  }
0x1b8: {  	v30 =	vld [tilespmem:s15+$0xAB20]  }
0x1b9: {  	v31 =	vld [tilespmem:s15+$0xAB30]  }
0x1ba: {  	v32 =	vld [tilespmem:s15+$0xAB40]  }
0x1bb: {  	v33 =	vld [tilespmem:s15+$0xAB50]  }
0x1bc: {  	v34 =	vld [tilespmem:s15+$0xAB60]  }
0x1bd: {  	v35 =	vld [tilespmem:s15+$0xAB70]  }
0x1be: {  	v36 =	vld [tilespmem:s15+$0xAF00]  }
0x1bf: {  	v37 =	vld [tilespmem:s15+$0xAF10]  }
0x1c0: {  	v38 =	vld [tilespmem:s15+$0xAF20]  }
0x1c1: {  	v39 =	vld [tilespmem:s15+$0xAF30]  }
0x1c2: {  	v40 =	vld [tilespmem:s15+$0xAF40]  }
0x1c3: {  	v41 =	vld [tilespmem:s15+$0xAF50]  }
0x1c4: {  	v42 =	vld [tilespmem:s15+$0xAF60]  }
0x1c5: {  	v43 =	vld [tilespmem:s15+$0xAF70];
	v20 =	vadd.f32 v28, v20  }
0x1c6: {  	v55 =	vld [tilespmem:s15+$0xB300];
	v21 =	vadd.f32 v29, v21  }
0x1c7: {  	v56 =	vld [tilespmem:s15+$0xB310];
	v18 =	vadd.f32 v30, v18;
	[tilespmem:$0x15B00] =	vst v20  }
0x1c8: {  	v19 =	vadd.f32 v31, v19;
	[tilespmem:$0x15B10] =	vst v21  }
0x1c9: {  	v17 =	vadd.f32 v32, v17;
	[tilespmem:$0x15B20] =	vst v18  }
0x1ca: {  	v16 =	vadd.f32 v33, v16;
	[tilespmem:$0x15B30] =	vst v19  }
0x1cb: {  	v14 =	vadd.f32 v34, v14;
	[tilespmem:$0x15B40] =	vst v17  }
0x1cc: {  	v15 =	vadd.f32 v35, v15;
	[tilespmem:$0x15B50] =	vst v16  }
0x1cd: {  	v12 =	vadd.f32 v36, v12;
	[tilespmem:$0x15B60] =	vst v14  }
0x1ce: {  	v13 =	vadd.f32 v37, v13;
	[tilespmem:$0x15B70] =	vst v15  }
0x1cf: {  	v10 =	vadd.f32 v38, v10;
	[tilespmem:$0x15B80] =	vst v12  }
0x1d0: {  	v4 =	vadd.f32 v23, v4;
	v8 =	vadd.f32 v39, v8;
	[tilespmem:$0x15B90] =	vst v13  }
0x1d1: {  	v6 =	vadd.f32 v40, v6;
	[tilespmem:$0x15BA0] =	vst v10  }
0x1d2: {  	v5 =	vadd.f32 v26, v5;
	v4 =	vadd.f32 v41, v4;
	[tilespmem:$0x15BB0] =	vst v8  }
0x1d3: {  	v9 =	vadd.f32 v24, v9;
	v3 =	vadd.f32 v27, v3;
	[tilespmem:$0x15BC0] =	vst v6  }
0x1d4: {  	v7 =	vadd.f32 v22, v7;
	v5 =	vadd.f32 v56, v5;
	[tilespmem:$0x15BD0] =	vst v4  }
0x1d5: {  	v10 =	vadd.f32 v25, v11;
	v8 =	vadd.f32 v42, v9;
	[tilespmem:$0x15C20] =	vst v3  }
0x1d6: {  	s15 =	sshllo.u32 s14, $0x1;
	v4 =	vadd.f32 v55, v7;
	[tilespmem:$0x15C10] =	vst v5  }
0x1d7: {  	s16 =	smul.u32 $0x320, s15;
	v6 =	vadd.f32 v43, v10;
	[tilespmem:$0x15BE0] =	vst v8  }
0x1d8: {  	[tilespmem:$0x15C00] =	vst v4  }
0x1d9: {  	s17 =	sshra.s32 s16, $0x2;
	[tilespmem:$0x15BF0] =	vst v6  }
0x1da: {  	v3 =	vld [tilespmem:s17+$0x0];
	_ =	sdelay $0x4  }
0x1db: {  	v4 =	vshrl.u32 v3, $0x3  }
0x1dc: {  	v4 =	vmul.u32 $0x18, v4  }
0x1dd: {  	v3 =	vand.u32 $0x7, v3  }
0x1de: {  	v3 =	vor.u32 v3, v4  }
0x1df: {  	v4 =	vperm.xlane v3, v0;
	_ =	sdelay $0x1  }
0x1e0: {  	v4 =	vadd.s32 v1, v4;
	_ =	sdelay $0x1  }
0x1e1: {  	v3 =	vperm.xlane v3, v2;
	_ =	sdelay $0x1  }
0x1e2: {  	s18 =	simm.s32 $0x0;
	s20 =	simm.s32 $0x1900;
	v3 =	vadd.s32 v1, v3  }
0x1e3: {  	[tilespmem:s20], [sflag:$0x1] =	stream.indirect_vreg.gather [hbm4b:s2+s18], $0x80, v4, vm0, $0xb8;
	[tilespmem:$0x15C80] =	vst v63  }
0x1e4: {  	s21 =	simm.s32 $0x2100  }
0x1e5: {  	[tilespmem:s21], [sflag:$0x1] =	stream.indirect_vreg.gather [hbm4b:s7+s18], $0x80, v4, vm1, $0xb8;
	[tilespmem:$0x15C80] =	vst v63  }
0x1e6: {  	s22 =	simm.s32 $0x2500  }
0x1e7: {  	[tilespmem:s22], [sflag:$0x1] =	stream.indirect_vreg.gather [hbm4b:s2+s18], $0x80, v3, vm0, $0xb8;
	[tilespmem:$0x15C80] =	vst v63  }
0x1e8: {  	s19 =	simm.s32 $0x2D00  }
0x1e9: {  	[tilespmem:s19], [sflag:$0x1] =	stream.indirect_vreg.gather [hbm4b:s7+s18], $0x80, v3, vm1, $0xb8;
	[tilespmem:$0x15C80] =	vst v63  }
0x1ea: {  	v3 =	vld [tilespmem:s17+$0x10];
	_ =	sdelay $0x4  }
0x1eb: {  	v4 =	vshrl.u32 v3, $0x3  }
0x1ec: {  	v4 =	vmul.u32 $0x18, v4  }
0x1ed: {  	v3 =	vand.u32 $0x7, v3  }
0x1ee: {  	v3 =	vor.u32 v3, v4  }
0x1ef: {  	v4 =	vperm.xlane v3, v0;
	_ =	sdelay $0x1  }
0x1f0: {  	v4 =	vadd.s32 v1, v4;
	_ =	sdelay $0x1  }
0x1f1: {  	v3 =	vperm.xlane v3, v2;
	_ =	sdelay $0x1  }
0x1f2: {  	s20 =	simm.s32 $0x3100;
	v3 =	vadd.s32 v1, v3  }
0x1f3: {  	[tilespmem:s20], [sflag:$0x1] =	stream.indirect_vreg.gather [hbm4b:s2+s18], $0x80, v4, vm0, $0xb8;
	[tilespmem:$0x15C80] =	vst v63  }
0x1f4: {  	s21 =	simm.s32 $0x3900  }
0x1f5: {  	[tilespmem:s21], [sflag:$0x1] =	stream.indirect_vreg.gather [hbm4b:s7+s18], $0x80, v4, vm1, $0xb8;
	[tilespmem:$0x15C80] =	vst v63  }
0x1f6: {  	s22 =	simm.s32 $0x3D00  }
0x1f7: {  	[tilespmem:s22], [sflag:$0x1] =	stream.indirect_vreg.gather [hbm4b:s2+s18], $0x80, v3, vm0, $0xb8;
	[tilespmem:$0x15C80] =	vst v63  }
0x1f8: {  	s19 =	simm.s32 $0x4500  }
0x1f9: {  	[tilespmem:s19], [sflag:$0x1] =	stream.indirect_vreg.gather [hbm4b:s7+s18], $0x80, v3, vm1, $0xb8;
	[tilespmem:$0x15C80] =	vst v63  }
0x1fa: {  	v3 =	vld [tilespmem:s17+$0x20];
	_ =	sdelay $0x4  }
0x1fb: {  	v4 =	vshrl.u32 v3, $0x3  }
0x1fc: {  	v4 =	vmul.u32 $0x18, v4  }
0x1fd: {  	v3 =	vand.u32 $0x7, v3  }
0x1fe: {  	v3 =	vor.u32 v3, v4  }
0x1ff: {  	v4 =	vperm.xlane v3, v0;
	_ =	sdelay $0x1  }
0x200: {  	v4 =	vadd.s32 v1, v4;
	_ =	sdelay $0x1  }
0x201: {  	v3 =	vperm.xlane v3, v2;
	_ =	sdelay $0x1  }
0x202: {  	s20 =	simm.s32 $0x4900;
	v3 =	vadd.s32 v1, v3  }
0x203: {  	[tilespmem:s20], [sflag:$0x1] =	stream.indirect_vreg.gather [hbm4b:s2+s18], $0x80, v4, vm0, $0xb8;
	[tilespmem:$0x15C80] =	vst v63  }
0x204: {  	s21 =	simm.s32 $0x5100  }
0x205: {  	[tilespmem:s21], [sflag:$0x1] =	stream.indirect_vreg.gather [hbm4b:s7+s18], $0x80, v4, vm1, $0xb8;
	[tilespmem:$0x15C80] =	vst v63  }
0x206: {  	s22 =	simm.s32 $0x5500  }
0x207: {  	[tilespmem:s22], [sflag:$0x1] =	stream.indirect_vreg.gather [hbm4b:s2+s18], $0x80, v3, vm0, $0xb8;
	[tilespmem:$0x15C80] =	vst v63  }
0x208: {  	s19 =	simm.s32 $0x5D00  }
0x209: {  	[tilespmem:s19], [sflag:$0x1] =	stream.indirect_vreg.gather [hbm4b:s7+s18], $0x80, v3, vm1, $0xb8;
	[tilespmem:$0x15C80] =	vst v63  }
0x20a: {  	v3 =	vld [tilespmem:s17+$0x30];
	_ =	sdelay $0x4  }
0x20b: {  	v4 =	vshrl.u32 v3, $0x3  }
0x20c: {  	v4 =	vmul.u32 $0x18, v4  }
0x20d: {  	v3 =	vand.u32 $0x7, v3  }
0x20e: {  	v3 =	vor.u32 v3, v4  }
0x20f: {  	v4 =	vperm.xlane v3, v0;
	_ =	sdelay $0x1  }
0x210: {  	v4 =	vadd.s32 v1, v4;
	_ =	sdelay $0x1  }
0x211: {  	v3 =	vperm.xlane v3, v2;
	_ =	sdelay $0x1  }
0x212: {  	s20 =	simm.s32 $0x6100;
	v3 =	vadd.s32 v1, v3  }
0x213: {  	[tilespmem:s20], [sflag:$0x1] =	stream.indirect_vreg.gather [hbm4b:s2+s18], $0x80, v4, vm0, $0xb8;
	[tilespmem:$0x15C80] =	vst v63  }
0x214: {  	s21 =	simm.s32 $0x6900  }
0x215: {  	[tilespmem:s21], [sflag:$0x1] =	stream.indirect_vreg.gather [hbm4b:s7+s18], $0x80, v4, vm1, $0xb8;
	[tilespmem:$0x15C80] =	vst v63  }
0x216: {  	s22 =	simm.s32 $0x6D00  }
0x217: {  	[tilespmem:s22], [sflag:$0x1] =	stream.indirect_vreg.gather [hbm4b:s2+s18], $0x80, v3, vm0, $0xb8;
	[tilespmem:$0x15C80] =	vst v63  }
0x218: {  	s19 =	simm.s32 $0x7500  }
0x219: {  	[tilespmem:s19], [sflag:$0x1] =	stream.indirect_vreg.gather [hbm4b:s7+s18], $0x80, v3, vm1, $0xb8;
	[tilespmem:$0x15C80] =	vst v63  }
0x21a: {  	v3 =	vld [tilespmem:s17+$0x40];
	_ =	sdelay $0x4  }
0x21b: {  	v4 =	vshrl.u32 v3, $0x3  }
0x21c: {  	v4 =	vmul.u32 $0x18, v4  }
0x21d: {  	v3 =	vand.u32 $0x7, v3  }
0x21e: {  	v3 =	vor.u32 v3, v4  }
0x21f: {  	v4 =	vperm.xlane v3, v0;
	_ =	sdelay $0x1  }
0x220: {  	v4 =	vadd.s32 v1, v4;
	_ =	sdelay $0x1  }
0x221: {  	v3 =	vperm.xlane v3, v2;
	_ =	sdelay $0x1  }
0x222: {  	s20 =	simm.s32 $0x7900;
	v3 =	vadd.s32 v1, v3  }
0x223: {  	[tilespmem:s20], [sflag:$0x1] =	stream.indirect_vreg.gather [hbm4b:s2+s18], $0x80, v4, vm0, $0xb8;
	[tilespmem:$0x15C80] =	vst v63  }
0x224: {  	s21 =	simm.s32 $0x8100  }
0x225: {  	[tilespmem:s21], [sflag:$0x1] =	stream.indirect_vreg.gather [hbm4b:s7+s18], $0x80, v4, vm1, $0xb8;
	[tilespmem:$0x15C80] =	vst v63  }
0x226: {  	s22 =	simm.s32 $0x8500  }
0x227: {  	[tilespmem:s22], [sflag:$0x1] =	stream.indirect_vreg.gather [hbm4b:s2+s18], $0x80, v3, vm0, $0xb8;
	[tilespmem:$0x15C80] =	vst v63  }
0x228: {  	s19 =	simm.s32 $0x8D00  }
0x229: {  	[tilespmem:s19], [sflag:$0x1] =	stream.indirect_vreg.gather [hbm4b:s7+s18], $0x80, v3, vm1, $0xb8;
	[tilespmem:$0x15C80] =	vst v63  }
0x22a: {  	v3 =	vld [tilespmem:s17+$0x50];
	_ =	sdelay $0x4  }
0x22b: {  	v4 =	vshrl.u32 v3, $0x3  }
0x22c: {  	v4 =	vmul.u32 $0x18, v4  }
0x22d: {  	v3 =	vand.u32 $0x7, v3  }
0x22e: {  	v3 =	vor.u32 v3, v4  }
0x22f: {  	v4 =	vperm.xlane v3, v0;
	_ =	sdelay $0x1  }
0x230: {  	v4 =	vadd.s32 v1, v4;
	_ =	sdelay $0x1  }
0x231: {  	v3 =	vperm.xlane v3, v2;
	_ =	sdelay $0x1  }
0x232: {  	s20 =	simm.s32 $0x9100;
	v3 =	vadd.s32 v1, v3  }
0x233: {  	[tilespmem:s20], [sflag:$0x1] =	stream.indirect_vreg.gather [hbm4b:s2+s18], $0x80, v4, vm0, $0xb8;
	[tilespmem:$0x15C80] =	vst v63  }
0x234: {  	s21 =	simm.s32 $0x9900  }
0x235: {  	[tilespmem:s21], [sflag:$0x1] =	stream.indirect_vreg.gather [hbm4b:s7+s18], $0x80, v4, vm1, $0xb8;
	[tilespmem:$0x15C80] =	vst v63  }
0x236: {  	s22 =	simm.s32 $0x9D00  }
0x237: {  	[tilespmem:s22], [sflag:$0x1] =	stream.indirect_vreg.gather [hbm4b:s2+s18], $0x80, v3, vm0, $0xb8;
	[tilespmem:$0x15C80] =	vst v63  }
0x238: {  	s19 =	simm.s32 $0xA500  }
0x239: {  	[tilespmem:s19], [sflag:$0x1] =	stream.indirect_vreg.gather [hbm4b:s7+s18], $0x80, v3, vm1, $0xb8;
	[tilespmem:$0x15C80] =	vst v63  }
0x23a: {  	v3 =	vld.msk [tilespmem:s17+$0x60], $0xff;
	_ =	sdelay $0x4  }
0x23b: {  	v4 =	vshrl.u32 v3, $0x3  }
0x23c: {  	v4 =	vmul.u32 $0x18, v4  }
0x23d: {  	v3 =	vand.u32 $0x7, v3  }
0x23e: {  	v3 =	vor.u32 v3, v4  }
0x23f: {  	v3 =	vperm.xlane v3, v0;
	_ =	sdelay $0x1  }
0x240: {  	v3 =	vadd.s32 v1, v3;
	_ =	sdelay $0x3  }
0x241: {  	s20 =	simm.s32 $0xA900  }
0x242: {  	[tilespmem:s20], [sflag:$0x1] =	stream.indirect_vreg.gather [hbm4b:s2+s18], $0x80, v3, vm0, $0xb8;
	[tilespmem:$0x15C80] =	vst v63  }
0x243: {  	s21 =	simm.s32 $0xB100  }
0x244: {  	[tilespmem:s21], [sflag:$0x1] =	stream.indirect_vreg.gather [hbm4b:s7+s18], $0x80, v3, vm1, $0xb8;
	[tilespmem:$0x15C80] =	vst v63  }
0x245: {  	_ =	swait.ge [sflag:s12], $0x9000  }
0x246: {  	[sflag:s12] =	ssyncset.done $0x0  }
0x247: {  	[sflag:s12] =	ssyncadd.s32 $0xFFFF7000  }
0x248: {  	v13 =	vld [tilespmem:$0x15B00]  }
0x249: {  	v14 =	vld [tilespmem:$0x15B10]  }
0x24a: {  	v15 =	vld [tilespmem:$0x15B20]  }
0x24b: {  	v16 =	vld [tilespmem:$0x15B30]  }
0x24c: {  	v17 =	vld [tilespmem:$0x15B40]  }
0x24d: {  	v22 =	vld [tilespmem:$0x15B50]  }
0x24e: {  	v24 =	vld [tilespmem:$0x15B60]  }
0x24f: {  	v27 =	vld [tilespmem:$0x15B70]  }
0x250: {  	v57 =	vld [tilespmem:$0x15B80]  }
0x251: {  	v12 =	vld [tilespmem:$0x15B90]  }
0x252: {  	v11 =	vld [tilespmem:$0x15BA0]  }
0x253: {  	v10 =	vld [tilespmem:$0x15BB0]  }
0x254: {  	v9 =	vld [tilespmem:$0x15BC0]  }
0x255: {  	v8 =	vld [tilespmem:$0x15BD0]  }
0x256: {  	s22 =	simm.s32 $0x0;
	v7 =	vld [tilespmem:$0x15BE0]  }
0x257: {  	s16 =	smul.u32 $0x3000, s22;
	v5 =	vld [tilespmem:$0x15BF0]  }
0x258: {  	v4 =	vld [tilespmem:$0x15C00]  }
0x259: {  	s19 =	sand.u32 $0x380, s18;
	s16 =	sshra.s32 s16, $0x2;
	v3 =	vld [tilespmem:$0x15C10]  }
0x25a: {  	s19 =	sor.u32 s19, s16;
	v6 =	vld [tilespmem:$0x15C20]  }
0x25b: {  	v18 =	vld [tilespmem:s19+$0xBD20]  }
0x25c: {  	v19 =	vld [tilespmem:s19+$0xB500]  }
0x25d: {  	v21 =	vld [tilespmem:s19+$0xB510]  }
0x25e: {  	v23 =	vld [tilespmem:s19+$0xB520]  }
0x25f: {  	v58 =	vld [tilespmem:s19+$0xB530]  }
0x260: {  	v59 =	vld [tilespmem:s19+$0xB540]  }
0x261: {  	v60 =	vld [tilespmem:s19+$0xB550]  }
0x262: {  	v61 =	vld [tilespmem:s19+$0xB560]  }
0x263: {  	v62 =	vld [tilespmem:s19+$0xB570]  }
0x264: {  	v63 =	vld [tilespmem:s19+$0xB900]  }
0x265: {  	v26 =	vld [tilespmem:s19+$0xB910];
	v6 =	vadd.f32 v18, v6;
	v20 =	vadd.f32 v19, v13  }
0x266: {  	v25 =	vld [tilespmem:s19+$0xB920];
	v21 =	vadd.f32 v21, v14;
	v19 =	vadd.f32 v23, v15  }
0x267: {  	v18 =	vadd.f32 v58, v16;
	v17 =	vadd.f32 v59, v17;
	v23 =	vld [tilespmem:s19+$0xB930]  }
0x268: {  	v16 =	vadd.f32 v60, v22;
	v15 =	vadd.f32 v61, v24;
	v22 =	vld [tilespmem:s19+$0xB940]  }
0x269: {  	s16 =	sshll.u32 s14, $0x1;
	s20 =	simm.s32 $0x2;
	s21 =	simm.s32 $0x0;
	v14 =	vadd.f32 v62, v27;
	v13 =	vadd.f32 v63, v57;
	v24 =	vld [tilespmem:s19+$0xB950]  }
.LBB2_9:
0x26a: {  	p0 =	sne.s32 s20, $0x2D;
	s21 =	smul.u32 $0x3000, s21;
	v12 =	vadd.f32 v26, v12;
	v26 =	vld [tilespmem:s19+$0xB960]  }
0x26b: {  	s18 =	sadd.s32 $0x80, s18;
	v11 =	vadd.f32 v25, v11;
	v25 =	vld [tilespmem:s19+$0xB970]  }
0x26c: {  	s22 =	sand.u32 $0x380, s18;
	s21 =	sshra.s32 s21, $0x2;
	v10 =	vadd.f32 v23, v10;
	v23 =	vld [tilespmem:s19+$0xBD00]  }
0x26d: {  	v9 =	vadd.f32 v22, v9;
	v22 =	vld [tilespmem:s19+$0xBD10];
	s19 =	sor.u32 s22, s21  }
0x26e: {  	v27 =	vld [tilespmem:s19+$0xBD20];
	v8 =	vadd.f32 v24, v8  }
0x26f: {  	v24 =	vld [tilespmem:s19+$0xB500];
	v7 =	vadd.f32 v26, v7  }
0x270: {  	v26 =	vld [tilespmem:s19+$0xB510];
	v5 =	vadd.f32 v25, v5  }
0x271: {  	v25 =	vld [tilespmem:s19+$0xB520];
	v4 =	vadd.f32 v23, v4  }
0x272: {  	v23 =	vld [tilespmem:s19+$0xB530];
	v3 =	vadd.f32 v22, v3  }
0x273: {  	v22 =	vld [tilespmem:s19+$0xB540];
	v6 =	vadd.f32 v27, v6  }
0x274: {  	v20 =	vadd.f32 v24, v20;
	v24 =	vld [tilespmem:s19+$0xB550]  }
0x275: {  	v21 =	vadd.f32 v26, v21;
	v27 =	vld [tilespmem:s19+$0xB560]  }
0x276: {  	v19 =	vadd.f32 v25, v19;
	v28 =	vld [tilespmem:s19+$0xB570]  }
0x277: {  	v18 =	vadd.f32 v23, v18;
	v29 =	vld [tilespmem:s19+$0xB900]  }
.Ltmp5:
0x278: {  	v17 =	vadd.f32 v22, v17;
	v26 =	vld [tilespmem:s19+$0xB910];
	(pc) =	sbr.rel @p0 .LBB2_9-.Ltmp5, $4  }
0x279: {  	v16 =	vadd.f32 v24, v16;
	v25 =	vld [tilespmem:s19+$0xB920]  }
0x27a: {  	v15 =	vadd.f32 v27, v15;
	v23 =	vld [tilespmem:s19+$0xB930]  }
0x27b: {  	v14 =	vadd.f32 v28, v14;
	v22 =	vld [tilespmem:s19+$0xB940]  }
0x27c: {  	s21 =	sshrl.u32 s20, $0x3;
	s20 =	sadd.s32 $0x1, s20;
	v13 =	vadd.f32 v29, v13;
	v24 =	vld [tilespmem:s19+$0xB950]  }
0x27d: {  	s20 =	smul.u32 $0x3000, s21;
	v27 =	vld [tilespmem:s19+$0xB960]  }
0x27e: {  	v28 =	vld [tilespmem:s19+$0xB970];
	s18 =	sadd.s32 $0x80, s18  }
0x27f: {  	v29 =	vld [tilespmem:s19+$0xBD00];
	s18 =	sand.u32 $0x380, s18;
	s20 =	sshra.s32 s20, $0x2  }
0x280: {  	v30 =	vld [tilespmem:s19+$0xBD10];
	s18 =	sor.u32 s18, s20  }
0x281: {  	v31 =	vld [tilespmem:s18+$0xBD20]  }
0x282: {  	v32 =	vld [tilespmem:s18+$0xB500]  }
0x283: {  	v33 =	vld [tilespmem:s18+$0xB510]  }
0x284: {  	v34 =	vld [tilespmem:s18+$0xB520]  }
0x285: {  	v35 =	vld [tilespmem:s18+$0xB530]  }
0x286: {  	v36 =	vld [tilespmem:s18+$0xB540]  }
0x287: {  	v37 =	vld [tilespmem:s18+$0xB550]  }
0x288: {  	v38 =	vld [tilespmem:s18+$0xB560]  }
0x289: {  	v39 =	vld [tilespmem:s18+$0xB570]  }
0x28a: {  	v40 =	vld [tilespmem:s18+$0xB900]  }
0x28b: {  	v41 =	vld [tilespmem:s18+$0xB910]  }
0x28c: {  	v42 =	vld [tilespmem:s18+$0xB920]  }
0x28d: {  	v43 =	vld [tilespmem:s18+$0xB930]  }
0x28e: {  	v44 =	vld [tilespmem:s18+$0xB940]  }
0x28f: {  	v45 =	vld [tilespmem:s18+$0xB950];
	v20 =	vadd.f32 v32, v20  }
0x290: {  	v60 =	vld [tilespmem:s18+$0xB960];
	v21 =	vadd.f32 v33, v21  }
0x291: {  	v61 =	vld [tilespmem:s18+$0xB970];
	v19 =	vadd.f32 v34, v19;
	v20 =	vmul.f32 $1.999999960e-02, v20  }
0x292: {  	v62 =	vld [tilespmem:s18+$0xBD00];
	v18 =	vadd.f32 v35, v18;
	v21 =	vmul.f32 $1.999999960e-02, v21  }
0x293: {  	v63 =	vld [tilespmem:s18+$0xBD10];
	v17 =	vadd.f32 v36, v17;
	v19 =	vmul.f32 $1.999999960e-02, v19;
	[tilespmem:$0x15358] =	vst v20  }
0x294: {  	v16 =	vadd.f32 v37, v16;
	v18 =	vmul.f32 $1.999999960e-02, v18;
	[tilespmem:$0x15368] =	vst v21  }
0x295: {  	v15 =	vadd.f32 v38, v15;
	v17 =	vmul.f32 $1.999999960e-02, v17;
	[tilespmem:$0x15378] =	vst v19  }
0x296: {  	v12 =	vadd.f32 v26, v12;
	v14 =	vadd.f32 v39, v14;
	v16 =	vmul.f32 $1.999999960e-02, v16;
	[tilespmem:$0x15388] =	vst v18  }
0x297: {  	v11 =	vadd.f32 v25, v11;
	v13 =	vadd.f32 v40, v13;
	v15 =	vmul.f32 $1.999999960e-02, v15;
	[tilespmem:$0x15398] =	vst v17  }
0x298: {  	v10 =	vadd.f32 v23, v10;
	v12 =	vadd.f32 v41, v12;
	v14 =	vmul.f32 $1.999999960e-02, v14;
	[tilespmem:$0x153A8] =	vst v16  }
0x299: {  	v9 =	vadd.f32 v22, v9;
	v11 =	vadd.f32 v42, v11;
	v13 =	vmul.f32 $1.999999960e-02, v13;
	[tilespmem:$0x153B8] =	vst v15  }
0x29a: {  	v8 =	vadd.f32 v24, v8;
	v10 =	vadd.f32 v43, v10;
	v12 =	vmul.f32 $1.999999960e-02, v12;
	[tilespmem:$0x153C8] =	vst v14  }
0x29b: {  	v7 =	vadd.f32 v27, v7;
	v9 =	vadd.f32 v44, v9;
	v11 =	vmul.f32 $1.999999960e-02, v11;
	[tilespmem:$0x153D8] =	vst v13  }
0x29c: {  	v5 =	vadd.f32 v28, v5;
	v8 =	vadd.f32 v45, v8;
	v10 =	vmul.f32 $1.999999960e-02, v10;
	[tilespmem:$0x153E8] =	vst v12  }
0x29d: {  	v4 =	vadd.f32 v29, v4;
	v7 =	vadd.f32 v60, v7;
	v9 =	vmul.f32 $1.999999960e-02, v9;
	[tilespmem:$0x153F8] =	vst v11  }
0x29e: {  	v3 =	vadd.f32 v30, v3;
	v5 =	vadd.f32 v61, v5;
	v8 =	vmul.f32 $1.999999960e-02, v8;
	[tilespmem:$0x15408] =	vst v10  }
0x29f: {  	v4 =	vadd.f32 v62, v4;
	v7 =	vmul.f32 $1.999999960e-02, v7;
	[tilespmem:$0x15418] =	vst v9  }
0x2a0: {  	v3 =	vadd.f32 v63, v3;
	v5 =	vmul.f32 $1.999999960e-02, v5;
	[tilespmem:$0x15428] =	vst v8  }
0x2a1: {  	s20 =	simm.s32 $0x5;
	v6 =	vadd.f32 v31, v6;
	v4 =	vmul.f32 $1.999999960e-02, v4;
	[tilespmem:$0x15438] =	vst v7  }
0x2a2: {  	s21 =	smul.u32 $0x3000, s20;
	v3 =	vmul.f32 $1.999999960e-02, v3;
	[tilespmem:$0x15448] =	vst v5  }
0x2a3: {  	s18 =	simm.s32 $0x1700;
	[tilespmem:$0x15458] =	vst v4;
	v4 =	vmul.f32 $1.999999960e-02, v6  }
0x2a4: {  	s22 =	sand.u32 $0x380, s18;
	s19 =	sshra.s32 s21, $0x2;
	[tilespmem:$0x15468] =	vst v3  }
0x2a5: {  	s19 =	sor.u32 s22, s19;
	[tilespmem:$0x15478] =	vst v4  }
0x2a6: {  	v3 =	vld [tilespmem:s19+$0xBD20]  }
0x2a7: {  	v4 =	vld [tilespmem:s19+$0xB500]  }
0x2a8: {  	v5 =	vld [tilespmem:s19+$0xB510]  }
0x2a9: {  	v7 =	vld [tilespmem:s19+$0xB520]  }
0x2aa: {  	v8 =	vld [tilespmem:s19+$0xB530]  }
0x2ab: {  	v9 =	vld [tilespmem:s19+$0xB540]  }
0x2ac: {  	v10 =	vld [tilespmem:s19+$0xB550]  }
0x2ad: {  	v11 =	vld [tilespmem:s19+$0xB560]  }
0x2ae: {  	v6 =	vimm.f32 $0.0e+00;
	v12 =	vld [tilespmem:s19+$0xB570]  }
0x2af: {  	v13 =	vld [tilespmem:s19+$0xB900];
	v3 =	vadd.f32 v3, v6  }
0x2b0: {  	v21 =	vadd.f32 v4, v6;
	v20 =	vadd.f32 v5, v6  }
0x2b1: {  	v19 =	vadd.f32 v7, v6;
	v18 =	vadd.f32 v8, v6  }
0x2b2: {  	v26 =	vld [tilespmem:s19+$0xB910];
	v17 =	vadd.f32 v9, v6;
	v16 =	vadd.f32 v10, v6  }
0x2b3: {  	v25 =	vld [tilespmem:s19+$0xB920];
	v15 =	vadd.f32 v11, v6;
	v14 =	vadd.f32 v12, v6  }
0x2b4: {  	v22 =	vld [tilespmem:s19+$0xB930];
	v12 =	vadd.f32 v13, v6;
	v13 =	vimm.f32 $0.0e+00;
	v11 =	vimm.f32 $0.0e+00  }
0x2b5: {  	v23 =	vld [tilespmem:s19+$0xB940];
	v10 =	vimm.f32 $0.0e+00;
	v9 =	vimm.f32 $0.0e+00;
	v7 =	vimm.f32 $0.0e+00  }
0x2b6: {  	s20 =	simm.s32 $0x30;
	s21 =	simm.s32 $0x5;
	v24 =	vld [tilespmem:s19+$0xB950];
	v8 =	vimm.f32 $0.0e+00;
	v5 =	vimm.f32 $0.0e+00;
	v4 =	vimm.f32 $0.0e+00  }
.LBB2_11:
0x2b7: {  	p0 =	sne.s32 s20, $0x5F;
	s21 =	smul.u32 $0x3000, s21;
	v6 =	vadd.f32 v26, v6;
	v26 =	vld [tilespmem:s19+$0xB960]  }
0x2b8: {  	s18 =	sadd.s32 $0x80, s18;
	v13 =	vadd.f32 v25, v13;
	v25 =	vld [tilespmem:s19+$0xB970]  }
0x2b9: {  	s22 =	sand.u32 $0x380, s18;
	s21 =	sshra.s32 s21, $0x2;
	v11 =	vadd.f32 v22, v11;
	v22 =	vld [tilespmem:s19+$0xBD00]  }
0x2ba: {  	v10 =	vadd.f32 v23, v10;
	v23 =	vld [tilespmem:s19+$0xBD10];
	s19 =	sor.u32 s22, s21  }
0x2bb: {  	v27 =	vld [tilespmem:s19+$0xBD20];
	v9 =	vadd.f32 v24, v9  }
0x2bc: {  	v24 =	vld [tilespmem:s19+$0xB500];
	v7 =	vadd.f32 v26, v7  }
0x2bd: {  	v26 =	vld [tilespmem:s19+$0xB510];
	v8 =	vadd.f32 v25, v8  }
0x2be: {  	v25 =	vld [tilespmem:s19+$0xB520];
	v5 =	vadd.f32 v22, v5  }
0x2bf: {  	v22 =	vld [tilespmem:s19+$0xB530];
	v4 =	vadd.f32 v23, v4  }
0x2c0: {  	v23 =	vld [tilespmem:s19+$0xB540];
	v3 =	vadd.f32 v27, v3  }
0x2c1: {  	v21 =	vadd.f32 v24, v21;
	v24 =	vld [tilespmem:s19+$0xB550]  }
0x2c2: {  	v20 =	vadd.f32 v26, v20;
	v27 =	vld [tilespmem:s19+$0xB560]  }
0x2c3: {  	v19 =	vadd.f32 v25, v19;
	v28 =	vld [tilespmem:s19+$0xB570]  }
0x2c4: {  	v18 =	vadd.f32 v22, v18;
	v29 =	vld [tilespmem:s19+$0xB900]  }
.Ltmp6:
0x2c5: {  	v17 =	vadd.f32 v23, v17;
	v26 =	vld [tilespmem:s19+$0xB910];
	(pc) =	sbr.rel @p0 .LBB2_11-.Ltmp6, $4  }
0x2c6: {  	v16 =	vadd.f32 v24, v16;
	v25 =	vld [tilespmem:s19+$0xB920]  }
0x2c7: {  	v15 =	vadd.f32 v27, v15;
	v22 =	vld [tilespmem:s19+$0xB930]  }
0x2c8: {  	v14 =	vadd.f32 v28, v14;
	v23 =	vld [tilespmem:s19+$0xB940]  }
0x2c9: {  	s21 =	sshrl.u32 s20, $0x3;
	s20 =	sadd.s32 $0x1, s20;
	v12 =	vadd.f32 v29, v12;
	v24 =	vld [tilespmem:s19+$0xB950]  }
0x2ca: {  	s20 =	smul.u32 $0x3000, s21;
	v27 =	vld [tilespmem:s19+$0xB960]  }
0x2cb: {  	v28 =	vld [tilespmem:s19+$0xB970];
	s18 =	sadd.s32 $0x80, s18  }
0x2cc: {  	v29 =	vld [tilespmem:s19+$0xBD00];
	s18 =	sand.u32 $0x380, s18;
	s20 =	sshra.s32 s20, $0x2  }
0x2cd: {  	v30 =	vld [tilespmem:s19+$0xBD10];
	s18 =	sor.u32 s18, s20  }
0x2ce: {  	v31 =	vld [tilespmem:s18+$0xBD20]  }
0x2cf: {  	v32 =	vld [tilespmem:s18+$0xB500]  }
0x2d0: {  	v33 =	vld [tilespmem:s18+$0xB510]  }
0x2d1: {  	v34 =	vld [tilespmem:s18+$0xB520]  }
0x2d2: {  	v35 =	vld [tilespmem:s18+$0xB530]  }
0x2d3: {  	v36 =	vld [tilespmem:s18+$0xB540]  }
0x2d4: {  	v37 =	vld [tilespmem:s18+$0xB550]  }
0x2d5: {  	v38 =	vld [tilespmem:s18+$0xB560]  }
0x2d6: {  	v39 =	vld [tilespmem:s18+$0xB570]  }
0x2d7: {  	v40 =	vld [tilespmem:s18+$0xB900]  }
0x2d8: {  	v41 =	vld [tilespmem:s18+$0xB910]  }
0x2d9: {  	v42 =	vld [tilespmem:s18+$0xB920]  }
0x2da: {  	v43 =	vld [tilespmem:s18+$0xB930]  }
0x2db: {  	v44 =	vld [tilespmem:s18+$0xB940]  }
0x2dc: {  	v45 =	vld [tilespmem:s18+$0xB950];
	v21 =	vadd.f32 v32, v21  }
0x2dd: {  	v60 =	vld [tilespmem:s18+$0xB960];
	v20 =	vadd.f32 v33, v20  }
0x2de: {  	v61 =	vld [tilespmem:s18+$0xB970];
	v19 =	vadd.f32 v34, v19;
	v21 =	vmul.f32 $1.999999960e-02, v21  }
0x2df: {  	v62 =	vld [tilespmem:s18+$0xBD00];
	v18 =	vadd.f32 v35, v18;
	v20 =	vmul.f32 $1.999999960e-02, v20  }
0x2e0: {  	v63 =	vld [tilespmem:s18+$0xBD10];
	v17 =	vadd.f32 v36, v17;
	v19 =	vmul.f32 $1.999999960e-02, v19;
	[tilespmem:$0x15484] =	vst v21  }
0x2e1: {  	v16 =	vadd.f32 v37, v16;
	v18 =	vmul.f32 $1.999999960e-02, v18;
	[tilespmem:$0x15494] =	vst v20  }
0x2e2: {  	v15 =	vadd.f32 v38, v15;
	v17 =	vmul.f32 $1.999999960e-02, v17;
	[tilespmem:$0x154A4] =	vst v19  }
0x2e3: {  	v6 =	vadd.f32 v26, v6;
	v14 =	vadd.f32 v39, v14;
	v16 =	vmul.f32 $1.999999960e-02, v16;
	[tilespmem:$0x154B4] =	vst v18  }
0x2e4: {  	v10 =	vadd.f32 v23, v10;
	v12 =	vadd.f32 v40, v12;
	v15 =	vmul.f32 $1.999999960e-02, v15;
	[tilespmem:$0x154C4] =	vst v17  }
0x2e5: {  	v7 =	vadd.f32 v27, v7;
	v6 =	vadd.f32 v41, v6;
	v14 =	vmul.f32 $1.999999960e-02, v14;
	[tilespmem:$0x154D4] =	vst v16  }
0x2e6: {  	v5 =	vadd.f32 v29, v5;
	v10 =	vadd.f32 v44, v10;
	v12 =	vmul.f32 $1.999999960e-02, v12;
	[tilespmem:$0x154E4] =	vst v15  }
0x2e7: {  	v4 =	vadd.f32 v30, v4;
	v7 =	vadd.f32 v60, v7;
	v6 =	vmul.f32 $1.999999960e-02, v6;
	[tilespmem:$0x154F4] =	vst v14  }
0x2e8: {  	v11 =	vadd.f32 v22, v11;
	v5 =	vadd.f32 v62, v5;
	v10 =	vmul.f32 $1.999999960e-02, v10;
	[tilespmem:$0x15504] =	vst v12  }
0x2e9: {  	v4 =	vadd.f32 v63, v4;
	v7 =	vmul.f32 $1.999999960e-02, v7;
	[tilespmem:$0x15514] =	vst v6  }
0x2ea: {  	v9 =	vadd.f32 v24, v9;
	v11 =	vadd.f32 v43, v11;
	v5 =	vmul.f32 $1.999999960e-02, v5;
	[tilespmem:$0x15544] =	vst v10  }
0x2eb: {  	v13 =	vadd.f32 v25, v13;
	v3 =	vadd.f32 v31, v3;
	v4 =	vmul.f32 $1.999999960e-02, v4;
	[tilespmem:$0x15564] =	vst v7  }
0x2ec: {  	v8 =	vadd.f32 v28, v8;
	v9 =	vadd.f32 v45, v9;
	v6 =	vmul.f32 $1.999999960e-02, v11;
	[tilespmem:$0x15584] =	vst v5  }
0x2ed: {  	v13 =	vadd.f32 v42, v13;
	v3 =	vmul.f32 $1.999999960e-02, v3;
	[tilespmem:$0x15594] =	vst v4  }
0x2ee: {  	s20 =	smul.u32 $0x960, s14;
	v8 =	vadd.f32 v61, v8;
	[tilespmem:$0x15534] =	vst v6;
	v6 =	vmul.f32 $1.999999960e-02, v9  }
0x2ef: {  	v12 =	vmul.f32 $1.999999960e-02, v13;
	[tilespmem:$0x155A4] =	vst v3  }
0x2f0: {  	s18 =	sadd.s32 s6, s20;
	[tilespmem:$0x15554] =	vst v6;
	v6 =	vmul.f32 $1.999999960e-02, v8  }
0x2f1: {  	s18 =	sshrl.u32 s18, $0x3;
	[tilespmem:$0x15524] =	vst v12  }
0x2f2: {  	s22 =	simm.s32 $0x15100;
	s21 =	sadd.s32 s3, s18;
	s18 =	simm.s32 $0x0;
	[tilespmem:$0x15574] =	vst v6  }
0x2f3: {  	[hbm4b:s21+s18] =	stream.linear.scatter [tilespmem:s22], [sflag:$0x3], $0x4B0, $0x38;
	[tilespmem:$0x15C80] =	vst v63  }
0x2f4: {  	v3 =	vld [tilespmem:s17+$0x68];
	_ =	sdelay $0x4  }
0x2f5: {  	v4 =	vshrl.u32 v3, $0x3  }
0x2f6: {  	v4 =	vmul.u32 $0x18, v4  }
0x2f7: {  	v3 =	vand.u32 $0x7, v3  }
0x2f8: {  	v3 =	vor.u32 v3, v4  }
0x2f9: {  	v4 =	vperm.xlane v3, v0;
	_ =	sdelay $0x1  }
0x2fa: {  	v4 =	vadd.s32 v1, v4;
	_ =	sdelay $0x1  }
0x2fb: {  	v3 =	vperm.xlane v3, v2;
	_ =	sdelay $0x1  }
0x2fc: {  	s22 =	simm.s32 $0xB500;
	v3 =	vadd.s32 v1, v3  }
0x2fd: {  	[tilespmem:s22], [sflag:$0x2] =	stream.indirect_vreg.gather [hbm4b:s2+s18], $0x80, v4, vm0, $0xb8;
	[tilespmem:$0x15C80] =	vst v63  }
0x2fe: {  	s20 =	simm.s32 $0xBD00  }
0x2ff: {  	[tilespmem:s20], [sflag:$0x2] =	stream.indirect_vreg.gather [hbm4b:s7+s18], $0x80, v4, vm1, $0xb8;
	[tilespmem:$0x15C80] =	vst v63  }
0x300: {  	s21 =	simm.s32 $0xC100  }
0x301: {  	[tilespmem:s21], [sflag:$0x2] =	stream.indirect_vreg.gather [hbm4b:s2+s18], $0x80, v3, vm0, $0xb8;
	[tilespmem:$0x15C80] =	vst v63  }
0x302: {  	s20 =	simm.s32 $0xC900  }
0x303: {  	[tilespmem:s20], [sflag:$0x2] =	stream.indirect_vreg.gather [hbm4b:s7+s18], $0x80, v3, vm1, $0xb8;
	[tilespmem:$0x15C80] =	vst v63  }
0x304: {  	v3 =	vld [tilespmem:s17+$0x78];
	_ =	sdelay $0x4  }
0x305: {  	v4 =	vshrl.u32 v3, $0x3  }
0x306: {  	v4 =	vmul.u32 $0x18, v4  }
0x307: {  	v3 =	vand.u32 $0x7, v3  }
0x308: {  	v3 =	vor.u32 v3, v4  }
0x309: {  	v4 =	vperm.xlane v3, v0;
	_ =	sdelay $0x1  }
0x30a: {  	v4 =	vadd.s32 v1, v4;
	_ =	sdelay $0x1  }
0x30b: {  	v3 =	vperm.xlane v3, v2;
	_ =	sdelay $0x1  }
0x30c: {  	s21 =	simm.s32 $0xCD00;
	v3 =	vadd.s32 v1, v3  }
0x30d: {  	[tilespmem:s21], [sflag:$0x2] =	stream.indirect_vreg.gather [hbm4b:s2+s18], $0x80, v4, vm0, $0xb8;
	[tilespmem:$0x15C80] =	vst v63  }
0x30e: {  	s20 =	simm.s32 $0xD500  }
0x30f: {  	[tilespmem:s20], [sflag:$0x2] =	stream.indirect_vreg.gather [hbm4b:s7+s18], $0x80, v4, vm1, $0xb8;
	[tilespmem:$0x15C80] =	vst v63  }
0x310: {  	s21 =	simm.s32 $0xD900  }
0x311: {  	[tilespmem:s21], [sflag:$0x2] =	stream.indirect_vreg.gather [hbm4b:s2+s18], $0x80, v3, vm0, $0xb8;
	[tilespmem:$0x15C80] =	vst v63  }
0x312: {  	s20 =	simm.s32 $0xE100  }
0x313: {  	[tilespmem:s20], [sflag:$0x2] =	stream.indirect_vreg.gather [hbm4b:s7+s18], $0x80, v3, vm1, $0xb8;
	[tilespmem:$0x15C80] =	vst v63  }
0x314: {  	v3 =	vld [tilespmem:s17+$0x88];
	_ =	sdelay $0x4  }
0x315: {  	v4 =	vshrl.u32 v3, $0x3  }
0x316: {  	v4 =	vmul.u32 $0x18, v4  }
0x317: {  	v3 =	vand.u32 $0x7, v3  }
0x318: {  	v3 =	vor.u32 v3, v4  }
0x319: {  	v4 =	vperm.xlane v3, v0;
	_ =	sdelay $0x1  }
0x31a: {  	v4 =	vadd.s32 v1, v4;
	_ =	sdelay $0x1  }
0x31b: {  	v3 =	vperm.xlane v3, v2;
	_ =	sdelay $0x1  }
0x31c: {  	s21 =	simm.s32 $0xE500;
	v3 =	vadd.s32 v1, v3  }
0x31d: {  	[tilespmem:s21], [sflag:$0x2] =	stream.indirect_vreg.gather [hbm4b:s2+s18], $0x80, v4, vm0, $0xb8;
	[tilespmem:$0x15C80] =	vst v63  }
0x31e: {  	s20 =	simm.s32 $0xED00  }
0x31f: {  	[tilespmem:s20], [sflag:$0x2] =	stream.indirect_vreg.gather [hbm4b:s7+s18], $0x80, v4, vm1, $0xb8;
	[tilespmem:$0x15C80] =	vst v63  }
0x320: {  	s21 =	simm.s32 $0xF100  }
0x321: {  	[tilespmem:s21], [sflag:$0x2] =	stream.indirect_vreg.gather [hbm4b:s2+s18], $0x80, v3, vm0, $0xb8;
	[tilespmem:$0x15C80] =	vst v63  }
0x322: {  	_ = 	snop  }
0x323: {  	[tilespmem:s23], [sflag:$0x2] =	stream.indirect_vreg.gather [hbm4b:s7+s18], $0x80, v3, vm1, $0xb8;
	[tilespmem:$0x15C80] =	vst v63  }
0x324: {  	v3 =	vld [tilespmem:s17+$0x98];
	_ =	sdelay $0x4  }
0x325: {  	v4 =	vshrl.u32 v3, $0x3  }
0x326: {  	v4 =	vmul.u32 $0x18, v4  }
0x327: {  	v3 =	vand.u32 $0x7, v3  }
0x328: {  	v3 =	vor.u32 v3, v4  }
0x329: {  	v4 =	vperm.xlane v3, v0;
	_ =	sdelay $0x1  }
0x32a: {  	v4 =	vadd.s32 v1, v4;
	_ =	sdelay $0x1  }
0x32b: {  	v3 =	vperm.xlane v3, v2;
	_ =	sdelay $0x1  }
0x32c: {  	v3 =	vadd.s32 v1, v3  }
0x32d: {  	[tilespmem:s24], [sflag:$0x2] =	stream.indirect_vreg.gather [hbm4b:s2+s18], $0x80, v4, vm0, $0xb8;
	[tilespmem:$0x15C80] =	vst v63  }
0x32e: {  	_ = 	snop  }
0x32f: {  	[tilespmem:s25], [sflag:$0x2] =	stream.indirect_vreg.gather [hbm4b:s7+s18], $0x80, v4, vm1, $0xb8;
	[tilespmem:$0x15C80] =	vst v63  }
0x330: {  	_ = 	snop  }
0x331: {  	[tilespmem:s26], [sflag:$0x2] =	stream.indirect_vreg.gather [hbm4b:s2+s18], $0x80, v3, vm0, $0xb8;
	[tilespmem:$0x15C80] =	vst v63  }
0x332: {  	_ = 	snop  }
0x333: {  	[tilespmem:s28], [sflag:$0x2] =	stream.indirect_vreg.gather [hbm4b:s7+s18], $0x80, v3, vm1, $0xb8;
	[tilespmem:$0x15C80] =	vst v63  }
0x334: {  	v3 =	vld [tilespmem:s17+$0xA8];
	_ =	sdelay $0x4  }
0x335: {  	v4 =	vshrl.u32 v3, $0x3  }
0x336: {  	v4 =	vmul.u32 $0x18, v4  }
0x337: {  	v3 =	vand.u32 $0x7, v3  }
0x338: {  	v3 =	vor.u32 v3, v4  }
0x339: {  	v4 =	vperm.xlane v3, v0;
	_ =	sdelay $0x1  }
0x33a: {  	v4 =	vadd.s32 v1, v4;
	_ =	sdelay $0x1  }
0x33b: {  	v3 =	vperm.xlane v3, v2;
	_ =	sdelay $0x1  }
0x33c: {  	v3 =	vadd.s32 v1, v3  }
0x33d: {  	[tilespmem:s29], [sflag:$0x2] =	stream.indirect_vreg.gather [hbm4b:s2+s18], $0x80, v4, vm0, $0xb8;
	[tilespmem:$0x15C80] =	vst v63  }
0x33e: {  	_ = 	snop  }
0x33f: {  	[tilespmem:s30], [sflag:$0x2] =	stream.indirect_vreg.gather [hbm4b:s7+s18], $0x80, v4, vm1, $0xb8;
	[tilespmem:$0x15C80] =	vst v63  }
0x340: {  	_ = 	snop  }
0x341: {  	[tilespmem:s31], [sflag:$0x2] =	stream.indirect_vreg.gather [hbm4b:s2+s18], $0x80, v3, vm0, $0xb8;
	[tilespmem:$0x15C80] =	vst v63  }
0x342: {  	_ = 	snop  }
0x343: {  	[tilespmem:s1], [sflag:$0x2] =	stream.indirect_vreg.gather [hbm4b:s7+s18], $0x80, v3, vm1, $0xb8;
	[tilespmem:$0x15C80] =	vst v63  }
0x344: {  	v3 =	vld [tilespmem:s17+$0xB8];
	_ =	sdelay $0x4  }
0x345: {  	v4 =	vshrl.u32 v3, $0x3  }
0x346: {  	v4 =	vmul.u32 $0x18, v4  }
0x347: {  	v3 =	vand.u32 $0x7, v3  }
0x348: {  	v3 =	vor.u32 v3, v4  }
0x349: {  	v4 =	vperm.xlane v3, v0;
	_ =	sdelay $0x1  }
0x34a: {  	v4 =	vadd.s32 v1, v4;
	_ =	sdelay $0x1  }
0x34b: {  	v3 =	vperm.xlane v3, v2;
	_ =	sdelay $0x1  }
0x34c: {  	v3 =	vadd.s32 v1, v3  }
0x34d: {  	[tilespmem:s0], [sflag:$0x2] =	stream.indirect_vreg.gather [hbm4b:s2+s18], $0x80, v4, vm0, $0xb8;
	[tilespmem:$0x15C80] =	vst v63  }
0x34e: {  	_ = 	snop  }
0x34f: {  	[tilespmem:s5], [sflag:$0x2] =	stream.indirect_vreg.gather [hbm4b:s7+s18], $0x80, v4, vm1, $0xb8;
	[tilespmem:$0x15C80] =	vst v63  }
0x350: {  	_ = 	snop  }
0x351: {  	[tilespmem:s8], [sflag:$0x2] =	stream.indirect_vreg.gather [hbm4b:s2+s18], $0x80, v3, vm0, $0xb8;
	[tilespmem:$0x15C80] =	vst v63  }
0x352: {  	_ = 	snop  }
0x353: {  	[tilespmem:s9], [sflag:$0x2] =	stream.indirect_vreg.gather [hbm4b:s7+s18], $0x80, v3, vm1, $0xb8;
	[tilespmem:$0x15C80] =	vst v63  }
0x354: {  	_ =	swait.ge [sflag:s10], $0x9C00  }
0x355: {  	s20 =	simm.s32 $0x0;
	[sflag:s10] =	ssyncset.done $0x0  }
0x356: {  	s17 =	smul.u32 $0x3000, s20;
	[sflag:s10] =	ssyncadd.s32 $0xFFFF6400  }
0x357: {  	_ =	swait.ge [sflag:s13], $0x4B0  }
0x358: {  	s21 =	sand.u32 $0x380, s18;
	s17 =	sshra.s32 s17, $0x2;
	[sflag:s13] =	ssyncset.done $0x0  }
0x359: {  	s17 =	sor.u32 s21, s17;
	[sflag:s13] =	ssyncadd.s32 $0xFFFFFB50  }
0x35a: {  	v3 =	vld [tilespmem:s17+$0x2120]  }
0x35b: {  	v4 =	vld [tilespmem:s17+$0x1900]  }
0x35c: {  	v5 =	vld [tilespmem:s17+$0x1910]  }
0x35d: {  	v7 =	vld [tilespmem:s17+$0x1920]  }
0x35e: {  	v8 =	vld [tilespmem:s17+$0x1930]  }
0x35f: {  	v9 =	vld [tilespmem:s17+$0x1940]  }
0x360: {  	v10 =	vld [tilespmem:s17+$0x1950]  }
0x361: {  	v11 =	vld [tilespmem:s17+$0x1960]  }
0x362: {  	v6 =	vimm.f32 $0.0e+00;
	v12 =	vld [tilespmem:s17+$0x1970]  }
0x363: {  	v13 =	vld [tilespmem:s17+$0x1D00];
	v3 =	vadd.f32 v3, v6  }
0x364: {  	v21 =	vadd.f32 v4, v6;
	v20 =	vadd.f32 v5, v6  }
0x365: {  	v19 =	vadd.f32 v7, v6;
	v18 =	vadd.f32 v8, v6  }
0x366: {  	v26 =	vld [tilespmem:s17+$0x1D10];
	v17 =	vadd.f32 v9, v6;
	v16 =	vadd.f32 v10, v6  }
0x367: {  	v25 =	vld [tilespmem:s17+$0x1D20];
	v15 =	vadd.f32 v11, v6;
	v14 =	vadd.f32 v12, v6  }
0x368: {  	v22 =	vld [tilespmem:s17+$0x1D30];
	v12 =	vadd.f32 v13, v6;
	v13 =	vimm.f32 $0.0e+00;
	v11 =	vimm.f32 $0.0e+00  }
0x369: {  	v23 =	vld [tilespmem:s17+$0x1D40];
	v10 =	vimm.f32 $0.0e+00;
	v9 =	vimm.f32 $0.0e+00;
	v7 =	vimm.f32 $0.0e+00  }
0x36a: {  	s19 =	simm.s32 $0x2;
	s20 =	simm.s32 $0x0;
	v24 =	vld [tilespmem:s17+$0x1D50];
	v8 =	vimm.f32 $0.0e+00;
	v5 =	vimm.f32 $0.0e+00;
	v4 =	vimm.f32 $0.0e+00  }
.LBB2_13:
0x36b: {  	p0 =	sne.s32 s19, $0x31;
	s20 =	smul.u32 $0x3000, s20;
	v6 =	vadd.f32 v26, v6;
	v26 =	vld [tilespmem:s17+$0x1D60]  }
0x36c: {  	s18 =	sadd.s32 $0x80, s18;
	v13 =	vadd.f32 v25, v13;
	v25 =	vld [tilespmem:s17+$0x1D70]  }
0x36d: {  	s21 =	sand.u32 $0x380, s18;
	s20 =	sshra.s32 s20, $0x2;
	v11 =	vadd.f32 v22, v11;
	v22 =	vld [tilespmem:s17+$0x2100]  }
0x36e: {  	v10 =	vadd.f32 v23, v10;
	v23 =	vld [tilespmem:s17+$0x2110];
	s17 =	sor.u32 s21, s20  }
0x36f: {  	v27 =	vld [tilespmem:s17+$0x2120];
	v9 =	vadd.f32 v24, v9  }
0x370: {  	v24 =	vld [tilespmem:s17+$0x1900];
	v7 =	vadd.f32 v26, v7  }
0x371: {  	v26 =	vld [tilespmem:s17+$0x1910];
	v8 =	vadd.f32 v25, v8  }
0x372: {  	v25 =	vld [tilespmem:s17+$0x1920];
	v5 =	vadd.f32 v22, v5  }
0x373: {  	v22 =	vld [tilespmem:s17+$0x1930];
	v4 =	vadd.f32 v23, v4  }
0x374: {  	v23 =	vld [tilespmem:s17+$0x1940];
	v3 =	vadd.f32 v27, v3  }
0x375: {  	v21 =	vadd.f32 v24, v21;
	v24 =	vld [tilespmem:s17+$0x1950]  }
0x376: {  	v20 =	vadd.f32 v26, v20;
	v27 =	vld [tilespmem:s17+$0x1960]  }
0x377: {  	v19 =	vadd.f32 v25, v19;
	v28 =	vld [tilespmem:s17+$0x1970]  }
0x378: {  	v18 =	vadd.f32 v22, v18;
	v29 =	vld [tilespmem:s17+$0x1D00]  }
.Ltmp7:
0x379: {  	v17 =	vadd.f32 v23, v17;
	v26 =	vld [tilespmem:s17+$0x1D10];
	(pc) =	sbr.rel @p0 .LBB2_13-.Ltmp7, $4  }
0x37a: {  	v16 =	vadd.f32 v24, v16;
	v25 =	vld [tilespmem:s17+$0x1D20]  }
0x37b: {  	v15 =	vadd.f32 v27, v15;
	v22 =	vld [tilespmem:s17+$0x1D30]  }
0x37c: {  	v14 =	vadd.f32 v28, v14;
	v23 =	vld [tilespmem:s17+$0x1D40]  }
0x37d: {  	s20 =	sshrl.u32 s19, $0x3;
	s19 =	sadd.s32 $0x1, s19;
	v12 =	vadd.f32 v29, v12;
	v24 =	vld [tilespmem:s17+$0x1D50]  }
0x37e: {  	s19 =	smul.u32 $0x3000, s20;
	v27 =	vld [tilespmem:s17+$0x1D60]  }
0x37f: {  	v28 =	vld [tilespmem:s17+$0x1D70];
	s18 =	sadd.s32 $0x80, s18  }
0x380: {  	v29 =	vld [tilespmem:s17+$0x2100];
	s18 =	sand.u32 $0x380, s18;
	s19 =	sshra.s32 s19, $0x2  }
0x381: {  	v30 =	vld [tilespmem:s17+$0x2110];
	s18 =	sor.u32 s18, s19  }
0x382: {  	v31 =	vld [tilespmem:s18+$0x2120]  }
0x383: {  	v32 =	vld [tilespmem:s18+$0x1900]  }
0x384: {  	v33 =	vld [tilespmem:s18+$0x1910]  }
0x385: {  	v34 =	vld [tilespmem:s18+$0x1920]  }
0x386: {  	v35 =	vld [tilespmem:s18+$0x1930]  }
0x387: {  	v36 =	vld [tilespmem:s18+$0x1940]  }
0x388: {  	v37 =	vld [tilespmem:s18+$0x1950]  }
0x389: {  	v38 =	vld [tilespmem:s18+$0x1960]  }
0x38a: {  	v39 =	vld [tilespmem:s18+$0x1970]  }
0x38b: {  	v40 =	vld [tilespmem:s18+$0x1D00]  }
0x38c: {  	v41 =	vld [tilespmem:s18+$0x1D10]  }
0x38d: {  	v42 =	vld [tilespmem:s18+$0x1D20]  }
0x38e: {  	v43 =	vld [tilespmem:s18+$0x1D30]  }
0x38f: {  	v44 =	vld [tilespmem:s18+$0x1D40]  }
0x390: {  	v45 =	vld [tilespmem:s18+$0x1D50];
	v21 =	vadd.f32 v32, v21  }
0x391: {  	v60 =	vld [tilespmem:s18+$0x1D60];
	v20 =	vadd.f32 v33, v20  }
0x392: {  	v61 =	vld [tilespmem:s18+$0x1D70];
	v19 =	vadd.f32 v34, v19;
	v21 =	vmul.f32 $1.999999960e-02, v21  }
0x393: {  	v62 =	vld [tilespmem:s18+$0x2100];
	v18 =	vadd.f32 v35, v18;
	v20 =	vmul.f32 $1.999999960e-02, v20  }
0x394: {  	v63 =	vld [tilespmem:s18+$0x2110];
	v17 =	vadd.f32 v36, v17;
	v19 =	vmul.f32 $1.999999960e-02, v19;
	[tilespmem:$0x15600] =	vst v21  }
0x395: {  	v16 =	vadd.f32 v37, v16;
	v18 =	vmul.f32 $1.999999960e-02, v18;
	[tilespmem:$0x15610] =	vst v20  }
0x396: {  	v15 =	vadd.f32 v38, v15;
	v17 =	vmul.f32 $1.999999960e-02, v17;
	[tilespmem:$0x15620] =	vst v19  }
0x397: {  	v6 =	vadd.f32 v26, v6;
	v14 =	vadd.f32 v39, v14;
	v16 =	vmul.f32 $1.999999960e-02, v16;
	[tilespmem:$0x15630] =	vst v18  }
0x398: {  	v10 =	vadd.f32 v23, v10;
	v12 =	vadd.f32 v40, v12;
	v15 =	vmul.f32 $1.999999960e-02, v15;
	[tilespmem:$0x15640] =	vst v17  }
0x399: {  	v7 =	vadd.f32 v27, v7;
	v6 =	vadd.f32 v41, v6;
	v14 =	vmul.f32 $1.999999960e-02, v14;
	[tilespmem:$0x15650] =	vst v16  }
0x39a: {  	v5 =	vadd.f32 v29, v5;
	v10 =	vadd.f32 v44, v10;
	v12 =	vmul.f32 $1.999999960e-02, v12;
	[tilespmem:$0x15660] =	vst v15  }
0x39b: {  	v4 =	vadd.f32 v30, v4;
	v7 =	vadd.f32 v60, v7;
	v6 =	vmul.f32 $1.999999960e-02, v6;
	[tilespmem:$0x15670] =	vst v14  }
0x39c: {  	v11 =	vadd.f32 v22, v11;
	v5 =	vadd.f32 v62, v5;
	v10 =	vmul.f32 $1.999999960e-02, v10;
	[tilespmem:$0x15680] =	vst v12  }
0x39d: {  	v4 =	vadd.f32 v63, v4;
	v7 =	vmul.f32 $1.999999960e-02, v7;
	[tilespmem:$0x15690] =	vst v6  }
0x39e: {  	v9 =	vadd.f32 v24, v9;
	v11 =	vadd.f32 v43, v11;
	v5 =	vmul.f32 $1.999999960e-02, v5;
	[tilespmem:$0x156C0] =	vst v10  }
0x39f: {  	v13 =	vadd.f32 v25, v13;
	v3 =	vadd.f32 v31, v3;
	v4 =	vmul.f32 $1.999999960e-02, v4;
	[tilespmem:$0x156E0] =	vst v7  }
0x3a0: {  	v8 =	vadd.f32 v28, v8;
	v9 =	vadd.f32 v45, v9;
	v6 =	vmul.f32 $1.999999960e-02, v11;
	[tilespmem:$0x15700] =	vst v5  }
0x3a1: {  	v13 =	vadd.f32 v42, v13;
	v3 =	vmul.f32 $1.999999960e-02, v3;
	[tilespmem:$0x15710] =	vst v4  }
0x3a2: {  	s19 =	simm.s32 $0x6;
	v8 =	vadd.f32 v61, v8;
	[tilespmem:$0x156B0] =	vst v6;
	v6 =	vmul.f32 $1.999999960e-02, v9  }
0x3a3: {  	s20 =	smul.u32 $0x3000, s19;
	v12 =	vmul.f32 $1.999999960e-02, v13;
	[tilespmem:$0x15720] =	vst v3  }
0x3a4: {  	s17 =	simm.s32 $0x1900;
	[tilespmem:$0x156D0] =	vst v6;
	v6 =	vmul.f32 $1.999999960e-02, v8  }
0x3a5: {  	s21 =	sand.u32 $0x380, s17;
	s18 =	sshra.s32 s20, $0x2;
	[tilespmem:$0x156A0] =	vst v12  }
0x3a6: {  	s18 =	sor.u32 s21, s18;
	[tilespmem:$0x156F0] =	vst v6  }
0x3a7: {  	v3 =	vld [tilespmem:s18+$0x2120]  }
0x3a8: {  	v4 =	vld [tilespmem:s18+$0x1900]  }
0x3a9: {  	v5 =	vld [tilespmem:s18+$0x1910]  }
0x3aa: {  	v7 =	vld [tilespmem:s18+$0x1920]  }
0x3ab: {  	v8 =	vld [tilespmem:s18+$0x1930]  }
0x3ac: {  	v9 =	vld [tilespmem:s18+$0x1940]  }
0x3ad: {  	v10 =	vld [tilespmem:s18+$0x1950]  }
0x3ae: {  	v11 =	vld [tilespmem:s18+$0x1960]  }
0x3af: {  	v6 =	vimm.f32 $0.0e+00;
	v12 =	vld [tilespmem:s18+$0x1970]  }
0x3b0: {  	v13 =	vld [tilespmem:s18+$0x1D00];
	v3 =	vadd.f32 v3, v6  }
0x3b1: {  	v21 =	vadd.f32 v4, v6;
	v20 =	vadd.f32 v5, v6  }
0x3b2: {  	v19 =	vadd.f32 v7, v6;
	v18 =	vadd.f32 v8, v6  }
0x3b3: {  	v26 =	vld [tilespmem:s18+$0x1D10];
	v17 =	vadd.f32 v9, v6;
	v16 =	vadd.f32 v10, v6  }
0x3b4: {  	v25 =	vld [tilespmem:s18+$0x1D20];
	v15 =	vadd.f32 v11, v6;
	v14 =	vadd.f32 v12, v6  }
0x3b5: {  	v22 =	vld [tilespmem:s18+$0x1D30];
	v12 =	vadd.f32 v13, v6;
	v13 =	vimm.f32 $0.0e+00;
	v11 =	vimm.f32 $0.0e+00  }
0x3b6: {  	v23 =	vld [tilespmem:s18+$0x1D40];
	v10 =	vimm.f32 $0.0e+00;
	v9 =	vimm.f32 $0.0e+00;
	v7 =	vimm.f32 $0.0e+00  }
0x3b7: {  	s19 =	simm.s32 $0x34;
	s20 =	simm.s32 $0x6;
	v24 =	vld [tilespmem:s18+$0x1D50];
	v8 =	vimm.f32 $0.0e+00;
	v5 =	vimm.f32 $0.0e+00;
	v4 =	vimm.f32 $0.0e+00  }
.LBB2_15:
0x3b8: {  	p0 =	sne.s32 s19, $0x63;
	s20 =	smul.u32 $0x3000, s20;
	v6 =	vadd.f32 v26, v6;
	v26 =	vld [tilespmem:s18+$0x1D60]  }
0x3b9: {  	s17 =	sadd.s32 $0x80, s17;
	v13 =	vadd.f32 v25, v13;
	v25 =	vld [tilespmem:s18+$0x1D70]  }
0x3ba: {  	s21 =	sand.u32 $0x380, s17;
	s20 =	sshra.s32 s20, $0x2;
	v11 =	vadd.f32 v22, v11;
	v22 =	vld [tilespmem:s18+$0x2100]  }
0x3bb: {  	v10 =	vadd.f32 v23, v10;
	v23 =	vld [tilespmem:s18+$0x2110];
	s18 =	sor.u32 s21, s20  }
0x3bc: {  	v27 =	vld [tilespmem:s18+$0x2120];
	v9 =	vadd.f32 v24, v9  }
0x3bd: {  	v24 =	vld [tilespmem:s18+$0x1900];
	v7 =	vadd.f32 v26, v7  }
0x3be: {  	v26 =	vld [tilespmem:s18+$0x1910];
	v8 =	vadd.f32 v25, v8  }
0x3bf: {  	v25 =	vld [tilespmem:s18+$0x1920];
	v5 =	vadd.f32 v22, v5  }
0x3c0: {  	v22 =	vld [tilespmem:s18+$0x1930];
	v4 =	vadd.f32 v23, v4  }
0x3c1: {  	v23 =	vld [tilespmem:s18+$0x1940];
	v3 =	vadd.f32 v27, v3  }
0x3c2: {  	v21 =	vadd.f32 v24, v21;
	v24 =	vld [tilespmem:s18+$0x1950]  }
0x3c3: {  	v20 =	vadd.f32 v26, v20;
	v27 =	vld [tilespmem:s18+$0x1960]  }
0x3c4: {  	v19 =	vadd.f32 v25, v19;
	v28 =	vld [tilespmem:s18+$0x1970]  }
0x3c5: {  	v18 =	vadd.f32 v22, v18;
	v29 =	vld [tilespmem:s18+$0x1D00]  }
.Ltmp8:
0x3c6: {  	v17 =	vadd.f32 v23, v17;
	v26 =	vld [tilespmem:s18+$0x1D10];
	(pc) =	sbr.rel @p0 .LBB2_15-.Ltmp8, $4  }
0x3c7: {  	v16 =	vadd.f32 v24, v16;
	v25 =	vld [tilespmem:s18+$0x1D20]  }
0x3c8: {  	v15 =	vadd.f32 v27, v15;
	v22 =	vld [tilespmem:s18+$0x1D30]  }
0x3c9: {  	v14 =	vadd.f32 v28, v14;
	v23 =	vld [tilespmem:s18+$0x1D40]  }
0x3ca: {  	s20 =	sshrl.u32 s19, $0x3;
	s19 =	sadd.s32 $0x1, s19;
	v12 =	vadd.f32 v29, v12;
	v24 =	vld [tilespmem:s18+$0x1D50]  }
0x3cb: {  	s19 =	smul.u32 $0x3000, s20;
	v27 =	vld [tilespmem:s18+$0x1D60]  }
0x3cc: {  	v28 =	vld [tilespmem:s18+$0x1D70];
	s17 =	sadd.s32 $0x80, s17  }
0x3cd: {  	v29 =	vld [tilespmem:s18+$0x2100];
	s17 =	sand.u32 $0x380, s17;
	s19 =	sshra.s32 s19, $0x2  }
0x3ce: {  	v30 =	vld [tilespmem:s18+$0x2110];
	s17 =	sor.u32 s17, s19  }
0x3cf: {  	v31 =	vld [tilespmem:s17+$0x2120]  }
0x3d0: {  	v32 =	vld [tilespmem:s17+$0x1900]  }
0x3d1: {  	v33 =	vld [tilespmem:s17+$0x1910]  }
0x3d2: {  	v34 =	vld [tilespmem:s17+$0x1920]  }
0x3d3: {  	v35 =	vld [tilespmem:s17+$0x1930]  }
0x3d4: {  	v36 =	vld [tilespmem:s17+$0x1940]  }
0x3d5: {  	v37 =	vld [tilespmem:s17+$0x1950]  }
0x3d6: {  	v38 =	vld [tilespmem:s17+$0x1960]  }
0x3d7: {  	v39 =	vld [tilespmem:s17+$0x1970]  }
0x3d8: {  	v40 =	vld [tilespmem:s17+$0x1D00]  }
0x3d9: {  	v41 =	vld [tilespmem:s17+$0x1D10]  }
0x3da: {  	v42 =	vld [tilespmem:s17+$0x1D20]  }
0x3db: {  	v43 =	vld [tilespmem:s17+$0x1D30]  }
0x3dc: {  	v44 =	vld [tilespmem:s17+$0x1D40]  }
0x3dd: {  	v45 =	vld [tilespmem:s17+$0x1D50];
	v21 =	vadd.f32 v32, v21  }
0x3de: {  	v60 =	vld [tilespmem:s17+$0x1D60];
	v20 =	vadd.f32 v33, v20  }
0x3df: {  	v61 =	vld [tilespmem:s17+$0x1D70];
	v19 =	vadd.f32 v34, v19;
	v21 =	vmul.f32 $1.999999960e-02, v21  }
0x3e0: {  	v62 =	vld [tilespmem:s17+$0x2100];
	v18 =	vadd.f32 v35, v18;
	v20 =	vmul.f32 $1.999999960e-02, v20  }
0x3e1: {  	v63 =	vld [tilespmem:s17+$0x2110];
	v17 =	vadd.f32 v36, v17;
	v19 =	vmul.f32 $1.999999960e-02, v19;
	[tilespmem:$0x1572C] =	vst v21  }
0x3e2: {  	v16 =	vadd.f32 v37, v16;
	v18 =	vmul.f32 $1.999999960e-02, v18;
	[tilespmem:$0x1573C] =	vst v20  }
0x3e3: {  	v15 =	vadd.f32 v38, v15;
	v17 =	vmul.f32 $1.999999960e-02, v17;
	[tilespmem:$0x1574C] =	vst v19  }
0x3e4: {  	v6 =	vadd.f32 v26, v6;
	v14 =	vadd.f32 v39, v14;
	v16 =	vmul.f32 $1.999999960e-02, v16;
	[tilespmem:$0x1575C] =	vst v18  }
0x3e5: {  	v10 =	vadd.f32 v23, v10;
	v12 =	vadd.f32 v40, v12;
	v15 =	vmul.f32 $1.999999960e-02, v15;
	[tilespmem:$0x1576C] =	vst v17  }
0x3e6: {  	v7 =	vadd.f32 v27, v7;
	v6 =	vadd.f32 v41, v6;
	v14 =	vmul.f32 $1.999999960e-02, v14;
	[tilespmem:$0x1577C] =	vst v16  }
0x3e7: {  	v5 =	vadd.f32 v29, v5;
	v10 =	vadd.f32 v44, v10;
	v12 =	vmul.f32 $1.999999960e-02, v12;
	[tilespmem:$0x1578C] =	vst v15  }
0x3e8: {  	v4 =	vadd.f32 v30, v4;
	v7 =	vadd.f32 v60, v7;
	v6 =	vmul.f32 $1.999999960e-02, v6;
	[tilespmem:$0x1579C] =	vst v14  }
0x3e9: {  	v11 =	vadd.f32 v22, v11;
	v5 =	vadd.f32 v62, v5;
	v10 =	vmul.f32 $1.999999960e-02, v10;
	[tilespmem:$0x157AC] =	vst v12  }
0x3ea: {  	v4 =	vadd.f32 v63, v4;
	v7 =	vmul.f32 $1.999999960e-02, v7;
	[tilespmem:$0x157BC] =	vst v6  }
0x3eb: {  	v9 =	vadd.f32 v24, v9;
	v11 =	vadd.f32 v43, v11;
	v5 =	vmul.f32 $1.999999960e-02, v5;
	[tilespmem:$0x157EC] =	vst v10  }
0x3ec: {  	v13 =	vadd.f32 v25, v13;
	v3 =	vadd.f32 v31, v3;
	v4 =	vmul.f32 $1.999999960e-02, v4;
	[tilespmem:$0x1580C] =	vst v7  }
0x3ed: {  	v8 =	vadd.f32 v28, v8;
	v9 =	vadd.f32 v45, v9;
	v6 =	vmul.f32 $1.999999960e-02, v11;
	[tilespmem:$0x1582C] =	vst v5  }
0x3ee: {  	v13 =	vadd.f32 v42, v13;
	v3 =	vmul.f32 $1.999999960e-02, v3;
	[tilespmem:$0x1583C] =	vst v4  }
0x3ef: {  	v8 =	vadd.f32 v61, v8;
	[tilespmem:$0x157DC] =	vst v6;
	v6 =	vmul.f32 $1.999999960e-02, v9  }
0x3f0: {  	v12 =	vmul.f32 $1.999999960e-02, v13;
	[tilespmem:$0x1584C] =	vst v3  }
0x3f1: {  	[tilespmem:$0x157FC] =	vst v6;
	v6 =	vmul.f32 $1.999999960e-02, v8  }
0x3f2: {  	[tilespmem:$0x157CC] =	vst v12  }
0x3f3: {  	s21 =	simm.s32 $0x0;
	[tilespmem:$0x1581C] =	vst v6  }
0x3f4: {  	v3 =	vld [tilespmem:s21+$0xB320]  }
0x3f5: {  	v5 =	vld [tilespmem:s21+$0xAB00]  }
0x3f6: {  	v6 =	vld [tilespmem:s21+$0xAB10]  }
0x3f7: {  	v7 =	vld [tilespmem:s21+$0xAB20]  }
0x3f8: {  	v8 =	vld [tilespmem:s21+$0xAB30]  }
0x3f9: {  	v9 =	vld [tilespmem:s21+$0xAB40]  }
0x3fa: {  	v10 =	vld [tilespmem:s21+$0xAB50]  }
0x3fb: {  	v11 =	vld [tilespmem:s21+$0xAB60]  }
0x3fc: {  	v12 =	vld [tilespmem:s21+$0xAB70]  }
0x3fd: {  	v13 =	vld [tilespmem:s21+$0xAF00]  }
0x3fe: {  	v4 =	vimm.f32 $0.0e+00;
	v22 =	vld [tilespmem:s21+$0xAF10]  }
0x3ff: {  	v25 =	vld [tilespmem:s21+$0xAF20];
	v3 =	vadd.f32 v3, v4;
	v20 =	vadd.f32 v5, v4  }
0x400: {  	v5 =	vld [tilespmem:s21+$0xAF30];
	v21 =	vadd.f32 v6, v4;
	v18 =	vadd.f32 v7, v4  }
0x401: {  	v6 =	vld [tilespmem:s21+$0xAF40];
	v19 =	vadd.f32 v8, v4;
	v17 =	vadd.f32 v9, v4  }
0x402: {  	v23 =	vld [tilespmem:s21+$0xAF50];
	v16 =	vadd.f32 v10, v4;
	v14 =	vadd.f32 v11, v4  }
0x403: {  	v24 =	vld [tilespmem:s21+$0xAF60];
	v15 =	vadd.f32 v12, v4;
	v12 =	vadd.f32 v13, v4  }
0x404: {  	v13 =	vadd.f32 v22, v4;
	v10 =	vadd.f32 v25, v4;
	v25 =	vld [tilespmem:s21+$0xAF70]  }
0x405: {  	v22 =	vld [tilespmem:s21+$0xB300];
	v9 =	vimm.f32 $0.0e+00;
	v11 =	vimm.f32 $0.0e+00;
	v7 =	vimm.f32 $0.0e+00  }
0x406: {  	s18 =	simm.s32 $0x400;
	s17 =	simm.s32 $0x80;
	v26 =	vld [tilespmem:s21+$0xB310];
	v8 =	vadd.f32 v5, v4;
	v6 =	vadd.f32 v6, v4;
	v5 =	vimm.f32 $0.0e+00  }
.LBB2_17:
0x407: {  	p0 =	sne.s32 s18, $0x600;
	v27 =	vld [tilespmem:s17+$0xB320];
	v4 =	vadd.f32 v23, v4  }
0x408: {  	v23 =	vld [tilespmem:s17+$0xAB00];
	v9 =	vadd.f32 v24, v9  }
0x409: {  	v24 =	vld [tilespmem:s17+$0xAB10];
	v11 =	vadd.f32 v25, v11  }
0x40a: {  	v25 =	vld [tilespmem:s17+$0xAB20];
	v7 =	vadd.f32 v22, v7  }
0x40b: {  	v22 =	vld [tilespmem:s17+$0xAB30];
	v5 =	vadd.f32 v26, v5  }
0x40c: {  	v26 =	vld [tilespmem:s17+$0xAB40];
	v3 =	vadd.f32 v27, v3  }
0x40d: {  	v20 =	vadd.f32 v23, v20;
	v23 =	vld [tilespmem:s17+$0xAB50]  }
0x40e: {  	v21 =	vadd.f32 v24, v21;
	v24 =	vld [tilespmem:s17+$0xAB60]  }
0x40f: {  	v18 =	vadd.f32 v25, v18;
	v25 =	vld [tilespmem:s17+$0xAB70]  }
0x410: {  	v19 =	vadd.f32 v22, v19;
	v22 =	vld [tilespmem:s17+$0xAF00]  }
0x411: {  	v17 =	vadd.f32 v26, v17;
	v26 =	vld [tilespmem:s17+$0xAF10]  }
0x412: {  	v16 =	vadd.f32 v23, v16;
	v27 =	vld [tilespmem:s17+$0xAF20]  }
0x413: {  	v14 =	vadd.f32 v24, v14;
	v28 =	vld [tilespmem:s17+$0xAF30]  }
0x414: {  	v15 =	vadd.f32 v25, v15;
	v29 =	vld [tilespmem:s17+$0xAF40]  }
.Ltmp9:
0x415: {  	v12 =	vadd.f32 v22, v12;
	v23 =	vld [tilespmem:s17+$0xAF50];
	(pc) =	sbr.rel @p0 .LBB2_17-.Ltmp9, $4  }
0x416: {  	v13 =	vadd.f32 v26, v13;
	v24 =	vld [tilespmem:s17+$0xAF60]  }
0x417: {  	v10 =	vadd.f32 v27, v10;
	v25 =	vld [tilespmem:s17+$0xAF70]  }
0x418: {  	v8 =	vadd.f32 v28, v8;
	v22 =	vld [tilespmem:s17+$0xB300]  }
0x419: {  	v6 =	vadd.f32 v29, v6;
	v26 =	vld [tilespmem:s17+$0xB310];
	s17 =	sshra.s32 s18, $0x2;
	s18 =	sadd.s32 $0x200, s18  }
0x41a: {  	v27 =	vld [tilespmem:s17+$0xB320]  }
0x41b: {  	v28 =	vld [tilespmem:s17+$0xAB00]  }
0x41c: {  	v29 =	vld [tilespmem:s17+$0xAB10]  }
0x41d: {  	v30 =	vld [tilespmem:s17+$0xAB20]  }
0x41e: {  	v31 =	vld [tilespmem:s17+$0xAB30]  }
0x41f: {  	v32 =	vld [tilespmem:s17+$0xAB40]  }
0x420: {  	v33 =	vld [tilespmem:s17+$0xAB50]  }
0x421: {  	v34 =	vld [tilespmem:s17+$0xAB60]  }
0x422: {  	v35 =	vld [tilespmem:s17+$0xAB70]  }
0x423: {  	v36 =	vld [tilespmem:s17+$0xAF00]  }
0x424: {  	v37 =	vld [tilespmem:s17+$0xAF10]  }
0x425: {  	v38 =	vld [tilespmem:s17+$0xAF20]  }
0x426: {  	v39 =	vld [tilespmem:s17+$0xAF30]  }
0x427: {  	v40 =	vld [tilespmem:s17+$0xAF40]  }
0x428: {  	v41 =	vld [tilespmem:s17+$0xAF50]  }
0x429: {  	v42 =	vld [tilespmem:s17+$0xAF60]  }
0x42a: {  	v43 =	vld [tilespmem:s17+$0xAF70];
	v20 =	vadd.f32 v28, v20  }
0x42b: {  	v58 =	vld [tilespmem:s17+$0xB300];
	v21 =	vadd.f32 v29, v21  }
0x42c: {  	v59 =	vld [tilespmem:s17+$0xB310];
	v18 =	vadd.f32 v30, v18;
	[tilespmem:$0x15B00] =	vst v20  }
0x42d: {  	v19 =	vadd.f32 v31, v19;
	[tilespmem:$0x15B10] =	vst v21  }
0x42e: {  	v17 =	vadd.f32 v32, v17;
	[tilespmem:$0x15B20] =	vst v18  }
0x42f: {  	v16 =	vadd.f32 v33, v16;
	[tilespmem:$0x15B30] =	vst v19  }
0x430: {  	v14 =	vadd.f32 v34, v14;
	[tilespmem:$0x15B40] =	vst v17  }
0x431: {  	v15 =	vadd.f32 v35, v15;
	[tilespmem:$0x15B50] =	vst v16  }
0x432: {  	v12 =	vadd.f32 v36, v12;
	[tilespmem:$0x15B60] =	vst v14  }
0x433: {  	v13 =	vadd.f32 v37, v13;
	[tilespmem:$0x15B70] =	vst v15  }
0x434: {  	v10 =	vadd.f32 v38, v10;
	[tilespmem:$0x15B80] =	vst v12  }
0x435: {  	v4 =	vadd.f32 v23, v4;
	v8 =	vadd.f32 v39, v8;
	[tilespmem:$0x15B90] =	vst v13  }
0x436: {  	v9 =	vadd.f32 v24, v9;
	v6 =	vadd.f32 v40, v6;
	[tilespmem:$0x15BA0] =	vst v10  }
0x437: {  	v60 =	vadd.f32 v25, v11;
	v4 =	vadd.f32 v41, v4;
	[tilespmem:$0x15BB0] =	vst v8  }
0x438: {  	v7 =	vadd.f32 v22, v7;
	v61 =	vadd.f32 v42, v9;
	[tilespmem:$0x15BC0] =	vst v6  }
0x439: {  	p0 =	seq.s32 s14, $0xF;
	v62 =	vadd.f32 v43, v60;
	[tilespmem:$0x15BD0] =	vst v4  }
.Ltmp10:
0x43a: {  	v5 =	vadd.f32 v26, v5;
	v63 =	vadd.f32 v58, v7;
	[tilespmem:$0x15BE0] =	vst v61;
	(pc) =	sbr.rel @p0 .LBB2_20-.Ltmp10, $4  }
0x43b: {  	v3 =	vadd.f32 v27, v3;
	[tilespmem:$0x15BF0] =	vst v62  }
0x43c: {  	v5 =	vadd.f32 v59, v5;
	[tilespmem:$0x15C00] =	vst v63  }
0x43d: {  	[tilespmem:$0x15C20] =	vst v3  }
0x43e: {  	s16 =	sadd.s32 $0x2, s16;
	[tilespmem:$0x15C10] =	vst v5  }
0x43f: {  	s17 =	smul.u32 $0x320, s16;
	_ =	sdelay $0x1  }
0x440: {  	s17 =	sshra.s32 s17, $0x2  }
0x441: {  	v3 =	vld [tilespmem:s17+$0x0];
	_ =	sdelay $0x4  }
0x442: {  	v4 =	vshrl.u32 v3, $0x3  }
0x443: {  	v4 =	vmul.u32 $0x18, v4  }
0x444: {  	v3 =	vand.u32 $0x7, v3  }
0x445: {  	v3 =	vor.u32 v3, v4  }
0x446: {  	v4 =	vperm.xlane v3, v0;
	_ =	sdelay $0x1  }
0x447: {  	v4 =	vadd.s32 v1, v4;
	_ =	sdelay $0x1  }
0x448: {  	v3 =	vperm.xlane v3, v2;
	_ =	sdelay $0x1  }
0x449: {  	s18 =	simm.s32 $0x1900;
	v3 =	vadd.s32 v1, v3  }
0x44a: {  	[tilespmem:s18], [sflag:$0x1] =	stream.indirect_vreg.gather [hbm4b:s2+s4], $0x80, v4, vm0, $0xb8;
	[tilespmem:$0x15C80] =	vst v63  }
0x44b: {  	s21 =	simm.s32 $0x2100  }
0x44c: {  	[tilespmem:s21], [sflag:$0x1] =	stream.indirect_vreg.gather [hbm4b:s7+s4], $0x80, v4, vm1, $0xb8;
	[tilespmem:$0x15C80] =	vst v63  }
0x44d: {  	s19 =	simm.s32 $0x2500  }
0x44e: {  	[tilespmem:s19], [sflag:$0x1] =	stream.indirect_vreg.gather [hbm4b:s2+s4], $0x80, v3, vm0, $0xb8;
	[tilespmem:$0x15C80] =	vst v63  }
0x44f: {  	s20 =	simm.s32 $0x2D00  }
0x450: {  	[tilespmem:s20], [sflag:$0x1] =	stream.indirect_vreg.gather [hbm4b:s7+s4], $0x80, v3, vm1, $0xb8;
	[tilespmem:$0x15C80] =	vst v63  }
0x451: {  	v3 =	vld [tilespmem:s17+$0x10];
	_ =	sdelay $0x4  }
0x452: {  	v58 =	vshrl.u32 v3, $0x3  }
0x453: {  	v4 =	vmul.u32 $0x18, v58  }
0x454: {  	v3 =	vand.u32 $0x7, v3  }
0x455: {  	v3 =	vor.u32 v3, v4  }
0x456: {  	v4 =	vperm.xlane v3, v0;
	_ =	sdelay $0x1  }
0x457: {  	v4 =	vadd.s32 v1, v4;
	_ =	sdelay $0x1  }
0x458: {  	v3 =	vperm.xlane v3, v2;
	_ =	sdelay $0x1  }
0x459: {  	s21 =	simm.s32 $0x3100;
	v3 =	vadd.s32 v1, v3  }
0x45a: {  	[tilespmem:s21], [sflag:$0x1] =	stream.indirect_vreg.gather [hbm4b:s2+s4], $0x80, v4, vm0, $0xb8;
	[tilespmem:$0x15C80] =	vst v63  }
0x45b: {  	s19 =	simm.s32 $0x3900  }
0x45c: {  	[tilespmem:s19], [sflag:$0x1] =	stream.indirect_vreg.gather [hbm4b:s7+s4], $0x80, v4, vm1, $0xb8;
	[tilespmem:$0x15C80] =	vst v63  }
0x45d: {  	s20 =	simm.s32 $0x3D00  }
0x45e: {  	[tilespmem:s20], [sflag:$0x1] =	stream.indirect_vreg.gather [hbm4b:s2+s4], $0x80, v3, vm0, $0xb8;
	[tilespmem:$0x15C80] =	vst v63  }
0x45f: {  	s21 =	simm.s32 $0x4500  }
0x460: {  	[tilespmem:s21], [sflag:$0x1] =	stream.indirect_vreg.gather [hbm4b:s7+s4], $0x80, v3, vm1, $0xb8;
	[tilespmem:$0x15C80] =	vst v63  }
0x461: {  	v3 =	vld [tilespmem:s17+$0x20];
	_ =	sdelay $0x4  }
0x462: {  	v59 =	vshrl.u32 v3, $0x3  }
0x463: {  	v4 =	vmul.u32 $0x18, v59  }
0x464: {  	v3 =	vand.u32 $0x7, v3  }
0x465: {  	v3 =	vor.u32 v3, v4  }
0x466: {  	v4 =	vperm.xlane v3, v0;
	_ =	sdelay $0x1  }
0x467: {  	v4 =	vadd.s32 v1, v4;
	_ =	sdelay $0x1  }
0x468: {  	v3 =	vperm.xlane v3, v2;
	_ =	sdelay $0x1  }
0x469: {  	s19 =	simm.s32 $0x4900;
	v3 =	vadd.s32 v1, v3  }
0x46a: {  	[tilespmem:s19], [sflag:$0x1] =	stream.indirect_vreg.gather [hbm4b:s2+s4], $0x80, v4, vm0, $0xb8;
	[tilespmem:$0x15C80] =	vst v63  }
0x46b: {  	s20 =	simm.s32 $0x5100  }
0x46c: {  	[tilespmem:s20], [sflag:$0x1] =	stream.indirect_vreg.gather [hbm4b:s7+s4], $0x80, v4, vm1, $0xb8;
	[tilespmem:$0x15C80] =	vst v63  }
0x46d: {  	s21 =	simm.s32 $0x5500  }
0x46e: {  	[tilespmem:s21], [sflag:$0x1] =	stream.indirect_vreg.gather [hbm4b:s2+s4], $0x80, v3, vm0, $0xb8;
	[tilespmem:$0x15C80] =	vst v63  }
0x46f: {  	s19 =	simm.s32 $0x5D00  }
0x470: {  	[tilespmem:s19], [sflag:$0x1] =	stream.indirect_vreg.gather [hbm4b:s7+s4], $0x80, v3, vm1, $0xb8;
	[tilespmem:$0x15C80] =	vst v63  }
0x471: {  	v3 =	vld [tilespmem:s17+$0x30];
	_ =	sdelay $0x4  }
0x472: {  	v60 =	vshrl.u32 v3, $0x3  }
0x473: {  	v4 =	vmul.u32 $0x18, v60  }
0x474: {  	v3 =	vand.u32 $0x7, v3  }
0x475: {  	v3 =	vor.u32 v3, v4  }
0x476: {  	v4 =	vperm.xlane v3, v0;
	_ =	sdelay $0x1  }
0x477: {  	v4 =	vadd.s32 v1, v4;
	_ =	sdelay $0x1  }
0x478: {  	v3 =	vperm.xlane v3, v2;
	_ =	sdelay $0x1  }
0x479: {  	s20 =	simm.s32 $0x6100;
	v3 =	vadd.s32 v1, v3  }
0x47a: {  	[tilespmem:s20], [sflag:$0x1] =	stream.indirect_vreg.gather [hbm4b:s2+s4], $0x80, v4, vm0, $0xb8;
	[tilespmem:$0x15C80] =	vst v63  }
0x47b: {  	s21 =	simm.s32 $0x6900  }
0x47c: {  	[tilespmem:s21], [sflag:$0x1] =	stream.indirect_vreg.gather [hbm4b:s7+s4], $0x80, v4, vm1, $0xb8;
	[tilespmem:$0x15C80] =	vst v63  }
0x47d: {  	s19 =	simm.s32 $0x6D00  }
0x47e: {  	[tilespmem:s19], [sflag:$0x1] =	stream.indirect_vreg.gather [hbm4b:s2+s4], $0x80, v3, vm0, $0xb8;
	[tilespmem:$0x15C80] =	vst v63  }
0x47f: {  	s20 =	simm.s32 $0x7500  }
0x480: {  	[tilespmem:s20], [sflag:$0x1] =	stream.indirect_vreg.gather [hbm4b:s7+s4], $0x80, v3, vm1, $0xb8;
	[tilespmem:$0x15C80] =	vst v63  }
0x481: {  	v3 =	vld [tilespmem:s17+$0x40];
	_ =	sdelay $0x4  }
0x482: {  	v61 =	vshrl.u32 v3, $0x3  }
0x483: {  	v4 =	vmul.u32 $0x18, v61  }
0x484: {  	v3 =	vand.u32 $0x7, v3  }
0x485: {  	v3 =	vor.u32 v3, v4  }
0x486: {  	v4 =	vperm.xlane v3, v0;
	_ =	sdelay $0x1  }
0x487: {  	v4 =	vadd.s32 v1, v4;
	_ =	sdelay $0x1  }
0x488: {  	v3 =	vperm.xlane v3, v2;
	_ =	sdelay $0x1  }
0x489: {  	s21 =	simm.s32 $0x7900;
	v3 =	vadd.s32 v1, v3  }
0x48a: {  	[tilespmem:s21], [sflag:$0x1] =	stream.indirect_vreg.gather [hbm4b:s2+s4], $0x80, v4, vm0, $0xb8;
	[tilespmem:$0x15C80] =	vst v63  }
0x48b: {  	s19 =	simm.s32 $0x8100  }
0x48c: {  	[tilespmem:s19], [sflag:$0x1] =	stream.indirect_vreg.gather [hbm4b:s7+s4], $0x80, v4, vm1, $0xb8;
	[tilespmem:$0x15C80] =	vst v63  }
0x48d: {  	s20 =	simm.s32 $0x8500  }
0x48e: {  	[tilespmem:s20], [sflag:$0x1] =	stream.indirect_vreg.gather [hbm4b:s2+s4], $0x80, v3, vm0, $0xb8;
	[tilespmem:$0x15C80] =	vst v63  }
0x48f: {  	s21 =	simm.s32 $0x8D00  }
0x490: {  	[tilespmem:s21], [sflag:$0x1] =	stream.indirect_vreg.gather [hbm4b:s7+s4], $0x80, v3, vm1, $0xb8;
	[tilespmem:$0x15C80] =	vst v63  }
0x491: {  	v3 =	vld [tilespmem:s17+$0x50];
	_ =	sdelay $0x4  }
0x492: {  	v62 =	vshrl.u32 v3, $0x3  }
0x493: {  	v4 =	vmul.u32 $0x18, v62  }
0x494: {  	v3 =	vand.u32 $0x7, v3  }
0x495: {  	v3 =	vor.u32 v3, v4  }
0x496: {  	v4 =	vperm.xlane v3, v0;
	_ =	sdelay $0x1  }
0x497: {  	v4 =	vadd.s32 v1, v4;
	_ =	sdelay $0x1  }
0x498: {  	v3 =	vperm.xlane v3, v2;
	_ =	sdelay $0x1  }
0x499: {  	s19 =	simm.s32 $0x9100;
	v3 =	vadd.s32 v1, v3  }
0x49a: {  	[tilespmem:s19], [sflag:$0x1] =	stream.indirect_vreg.gather [hbm4b:s2+s4], $0x80, v4, vm0, $0xb8;
	[tilespmem:$0x15C80] =	vst v63  }
0x49b: {  	s20 =	simm.s32 $0x9900  }
0x49c: {  	[tilespmem:s20], [sflag:$0x1] =	stream.indirect_vreg.gather [hbm4b:s7+s4], $0x80, v4, vm1, $0xb8;
	[tilespmem:$0x15C80] =	vst v63  }
0x49d: {  	s21 =	simm.s32 $0x9D00  }
0x49e: {  	[tilespmem:s21], [sflag:$0x1] =	stream.indirect_vreg.gather [hbm4b:s2+s4], $0x80, v3, vm0, $0xb8;
	[tilespmem:$0x15C80] =	vst v63  }
0x49f: {  	s19 =	simm.s32 $0xA500  }
0x4a0: {  	[tilespmem:s19], [sflag:$0x1] =	stream.indirect_vreg.gather [hbm4b:s7+s4], $0x80, v3, vm1, $0xb8;
	[tilespmem:$0x15C80] =	vst v63  }
0x4a1: {  	v3 =	vld.msk [tilespmem:s17+$0x60], $0xff;
	_ =	sdelay $0x4  }
0x4a2: {  	v63 =	vshrl.u32 v3, $0x3  }
0x4a3: {  	v4 =	vmul.u32 $0x18, v63  }
0x4a4: {  	v3 =	vand.u32 $0x7, v3  }
0x4a5: {  	v3 =	vor.u32 v3, v4  }
0x4a6: {  	v3 =	vperm.xlane v3, v0;
	_ =	sdelay $0x1  }
0x4a7: {  	v3 =	vadd.s32 v1, v3;
	_ =	sdelay $0x3  }
0x4a8: {  	s20 =	simm.s32 $0xA900  }
0x4a9: {  	[tilespmem:s20], [sflag:$0x1] =	stream.indirect_vreg.gather [hbm4b:s2+s4], $0x80, v3, vm0, $0xb8;
	[tilespmem:$0x15C80] =	vst v63  }
0x4aa: {  	s21 =	simm.s32 $0xB100  }
0x4ab: {  	[tilespmem:s21], [sflag:$0x1] =	stream.indirect_vreg.gather [hbm4b:s7+s4], $0x80, v3, vm1, $0xb8;
	[tilespmem:$0x15C80] =	vst v63  }
.LBB2_20:
0x4ac: {  	_ =	swait.ge [sflag:s12], $0x9000  }
0x4ad: {  	[sflag:s12] =	ssyncset.done $0x0  }
0x4ae: {  	[sflag:s12] =	ssyncadd.s32 $0xFFFF7000  }
0x4af: {  	v13 =	vld [tilespmem:$0x15B00]  }
0x4b0: {  	v14 =	vld [tilespmem:$0x15B10]  }
0x4b1: {  	v15 =	vld [tilespmem:$0x15B20]  }
0x4b2: {  	v16 =	vld [tilespmem:$0x15B30]  }
0x4b3: {  	v17 =	vld [tilespmem:$0x15B40]  }
0x4b4: {  	v22 =	vld [tilespmem:$0x15B50]  }
0x4b5: {  	v24 =	vld [tilespmem:$0x15B60]  }
0x4b6: {  	v27 =	vld [tilespmem:$0x15B70]  }
0x4b7: {  	v28 =	vld [tilespmem:$0x15B80]  }
0x4b8: {  	v12 =	vld [tilespmem:$0x15B90]  }
0x4b9: {  	v11 =	vld [tilespmem:$0x15BA0]  }
0x4ba: {  	v10 =	vld [tilespmem:$0x15BB0]  }
0x4bb: {  	v9 =	vld [tilespmem:$0x15BC0]  }
0x4bc: {  	v8 =	vld [tilespmem:$0x15BD0]  }
0x4bd: {  	s17 =	simm.s32 $0x0;
	v7 =	vld [tilespmem:$0x15BE0]  }
0x4be: {  	s18 =	smul.u32 $0x3000, s17;
	v5 =	vld [tilespmem:$0x15BF0]  }
0x4bf: {  	s17 =	simm.s32 $0x0;
	v4 =	vld [tilespmem:$0x15C00]  }
0x4c0: {  	s19 =	sand.u32 $0x380, s17;
	v3 =	vld [tilespmem:$0x15C10];
	s18 =	sshra.s32 s18, $0x2  }
0x4c1: {  	v6 =	vld [tilespmem:$0x15C20];
	s18 =	sor.u32 s19, s18  }
0x4c2: {  	v18 =	vld [tilespmem:s18+$0xBD20]  }
0x4c3: {  	v19 =	vld [tilespmem:s18+$0xB500]  }
0x4c4: {  	v21 =	vld [tilespmem:s18+$0xB510]  }
0x4c5: {  	v23 =	vld [tilespmem:s18+$0xB520]  }
0x4c6: {  	v29 =	vld [tilespmem:s18+$0xB530]  }
0x4c7: {  	v30 =	vld [tilespmem:s18+$0xB540]  }
0x4c8: {  	v31 =	vld [tilespmem:s18+$0xB550]  }
0x4c9: {  	v32 =	vld [tilespmem:s18+$0xB560]  }
0x4ca: {  	v33 =	vld [tilespmem:s18+$0xB570]  }
0x4cb: {  	v34 =	vld [tilespmem:s18+$0xB900]  }
0x4cc: {  	v26 =	vld [tilespmem:s18+$0xB910];
	v6 =	vadd.f32 v18, v6;
	v20 =	vadd.f32 v19, v13  }
0x4cd: {  	v25 =	vld [tilespmem:s18+$0xB920];
	v21 =	vadd.f32 v21, v14;
	v19 =	vadd.f32 v23, v15  }
0x4ce: {  	v18 =	vadd.f32 v29, v16;
	v17 =	vadd.f32 v30, v17;
	v23 =	vld [tilespmem:s18+$0xB930]  }
0x4cf: {  	v16 =	vadd.f32 v31, v22;
	v15 =	vadd.f32 v32, v24;
	v22 =	vld [tilespmem:s18+$0xB940]  }
0x4d0: {  	s20 =	simm.s32 $0x0;
	s19 =	simm.s32 $0x2;
	v14 =	vadd.f32 v33, v27;
	v13 =	vadd.f32 v34, v28;
	v24 =	vld [tilespmem:s18+$0xB950]  }
.LBB2_21:
0x4d1: {  	p1 =	sne.s32 s19, $0x2D;
	s20 =	smul.u32 $0x3000, s20;
	v12 =	vadd.f32 v26, v12;
	v26 =	vld [tilespmem:s18+$0xB960]  }
0x4d2: {  	s17 =	sadd.s32 $0x80, s17;
	v11 =	vadd.f32 v25, v11;
	v25 =	vld [tilespmem:s18+$0xB970]  }
0x4d3: {  	s21 =	sand.u32 $0x380, s17;
	s20 =	sshra.s32 s20, $0x2;
	v10 =	vadd.f32 v23, v10;
	v23 =	vld [tilespmem:s18+$0xBD00]  }
0x4d4: {  	v9 =	vadd.f32 v22, v9;
	v22 =	vld [tilespmem:s18+$0xBD10];
	s18 =	sor.u32 s21, s20  }
0x4d5: {  	v27 =	vld [tilespmem:s18+$0xBD20];
	v8 =	vadd.f32 v24, v8  }
0x4d6: {  	v24 =	vld [tilespmem:s18+$0xB500];
	v7 =	vadd.f32 v26, v7  }
0x4d7: {  	v26 =	vld [tilespmem:s18+$0xB510];
	v5 =	vadd.f32 v25, v5  }
0x4d8: {  	v25 =	vld [tilespmem:s18+$0xB520];
	v4 =	vadd.f32 v23, v4  }
0x4d9: {  	v23 =	vld [tilespmem:s18+$0xB530];
	v3 =	vadd.f32 v22, v3  }
0x4da: {  	v22 =	vld [tilespmem:s18+$0xB540];
	v6 =	vadd.f32 v27, v6  }
0x4db: {  	v20 =	vadd.f32 v24, v20;
	v24 =	vld [tilespmem:s18+$0xB550]  }
0x4dc: {  	v21 =	vadd.f32 v26, v21;
	v27 =	vld [tilespmem:s18+$0xB560]  }
0x4dd: {  	v19 =	vadd.f32 v25, v19;
	v28 =	vld [tilespmem:s18+$0xB570]  }
0x4de: {  	v18 =	vadd.f32 v23, v18;
	v29 =	vld [tilespmem:s18+$0xB900]  }
.Ltmp11:
0x4df: {  	v17 =	vadd.f32 v22, v17;
	v26 =	vld [tilespmem:s18+$0xB910];
	(pc) =	sbr.rel @p1 .LBB2_21-.Ltmp11, $4  }
0x4e0: {  	v16 =	vadd.f32 v24, v16;
	v25 =	vld [tilespmem:s18+$0xB920]  }
0x4e1: {  	v15 =	vadd.f32 v27, v15;
	v23 =	vld [tilespmem:s18+$0xB930]  }
0x4e2: {  	v14 =	vadd.f32 v28, v14;
	v22 =	vld [tilespmem:s18+$0xB940]  }
0x4e3: {  	s20 =	sshrl.u32 s19, $0x3;
	s19 =	sadd.s32 $0x1, s19;
	v13 =	vadd.f32 v29, v13;
	v24 =	vld [tilespmem:s18+$0xB950]  }
0x4e4: {  	s19 =	smul.u32 $0x3000, s20;
	v27 =	vld [tilespmem:s18+$0xB960]  }
0x4e5: {  	v28 =	vld [tilespmem:s18+$0xB970];
	s17 =	sadd.s32 $0x80, s17  }
0x4e6: {  	v29 =	vld [tilespmem:s18+$0xBD00];
	s17 =	sand.u32 $0x380, s17;
	s19 =	sshra.s32 s19, $0x2  }
0x4e7: {  	v30 =	vld [tilespmem:s18+$0xBD10];
	s17 =	sor.u32 s17, s19  }
0x4e8: {  	v31 =	vld [tilespmem:s17+$0xBD20]  }
0x4e9: {  	v32 =	vld [tilespmem:s17+$0xB500]  }
0x4ea: {  	v33 =	vld [tilespmem:s17+$0xB510]  }
0x4eb: {  	v34 =	vld [tilespmem:s17+$0xB520]  }
0x4ec: {  	v35 =	vld [tilespmem:s17+$0xB530]  }
0x4ed: {  	v36 =	vld [tilespmem:s17+$0xB540]  }
0x4ee: {  	v37 =	vld [tilespmem:s17+$0xB550]  }
0x4ef: {  	v38 =	vld [tilespmem:s17+$0xB560]  }
0x4f0: {  	v39 =	vld [tilespmem:s17+$0xB570]  }
0x4f1: {  	v40 =	vld [tilespmem:s17+$0xB900]  }
0x4f2: {  	v41 =	vld [tilespmem:s17+$0xB910]  }
0x4f3: {  	v42 =	vld [tilespmem:s17+$0xB920]  }
0x4f4: {  	v43 =	vld [tilespmem:s17+$0xB930]  }
0x4f5: {  	v44 =	vld [tilespmem:s17+$0xB940]  }
0x4f6: {  	v45 =	vld [tilespmem:s17+$0xB950];
	v20 =	vadd.f32 v32, v20  }
0x4f7: {  	v60 =	vld [tilespmem:s17+$0xB960];
	v21 =	vadd.f32 v33, v21  }
0x4f8: {  	v61 =	vld [tilespmem:s17+$0xB970];
	v19 =	vadd.f32 v34, v19;
	v20 =	vmul.f32 $1.999999960e-02, v20  }
0x4f9: {  	v62 =	vld [tilespmem:s17+$0xBD00];
	v18 =	vadd.f32 v35, v18;
	v21 =	vmul.f32 $1.999999960e-02, v21  }
0x4fa: {  	v63 =	vld [tilespmem:s17+$0xBD10];
	v17 =	vadd.f32 v36, v17;
	v19 =	vmul.f32 $1.999999960e-02, v19;
	[tilespmem:$0x15858] =	vst v20  }
0x4fb: {  	v16 =	vadd.f32 v37, v16;
	v18 =	vmul.f32 $1.999999960e-02, v18;
	[tilespmem:$0x15868] =	vst v21  }
0x4fc: {  	v15 =	vadd.f32 v38, v15;
	v17 =	vmul.f32 $1.999999960e-02, v17;
	[tilespmem:$0x15878] =	vst v19  }
0x4fd: {  	v12 =	vadd.f32 v26, v12;
	v14 =	vadd.f32 v39, v14;
	v16 =	vmul.f32 $1.999999960e-02, v16;
	[tilespmem:$0x15888] =	vst v18  }
0x4fe: {  	v11 =	vadd.f32 v25, v11;
	v13 =	vadd.f32 v40, v13;
	v15 =	vmul.f32 $1.999999960e-02, v15;
	[tilespmem:$0x15898] =	vst v17  }
0x4ff: {  	v10 =	vadd.f32 v23, v10;
	v12 =	vadd.f32 v41, v12;
	v14 =	vmul.f32 $1.999999960e-02, v14;
	[tilespmem:$0x158A8] =	vst v16  }
0x500: {  	v9 =	vadd.f32 v22, v9;
	v11 =	vadd.f32 v42, v11;
	v13 =	vmul.f32 $1.999999960e-02, v13;
	[tilespmem:$0x158B8] =	vst v15  }
0x501: {  	v8 =	vadd.f32 v24, v8;
	v10 =	vadd.f32 v43, v10;
	v12 =	vmul.f32 $1.999999960e-02, v12;
	[tilespmem:$0x158C8] =	vst v14  }
0x502: {  	v7 =	vadd.f32 v27, v7;
	v9 =	vadd.f32 v44, v9;
	v11 =	vmul.f32 $1.999999960e-02, v11;
	[tilespmem:$0x158D8] =	vst v13  }
0x503: {  	v5 =	vadd.f32 v28, v5;
	v8 =	vadd.f32 v45, v8;
	v10 =	vmul.f32 $1.999999960e-02, v10;
	[tilespmem:$0x158E8] =	vst v12  }
0x504: {  	v4 =	vadd.f32 v29, v4;
	v7 =	vadd.f32 v60, v7;
	v9 =	vmul.f32 $1.999999960e-02, v9;
	[tilespmem:$0x158F8] =	vst v11  }
0x505: {  	v3 =	vadd.f32 v30, v3;
	v5 =	vadd.f32 v61, v5;
	v8 =	vmul.f32 $1.999999960e-02, v8;
	[tilespmem:$0x15908] =	vst v10  }
0x506: {  	v4 =	vadd.f32 v62, v4;
	v7 =	vmul.f32 $1.999999960e-02, v7;
	[tilespmem:$0x15918] =	vst v9  }
0x507: {  	v3 =	vadd.f32 v63, v3;
	v5 =	vmul.f32 $1.999999960e-02, v5;
	[tilespmem:$0x15928] =	vst v8  }
0x508: {  	s19 =	simm.s32 $0x5;
	v6 =	vadd.f32 v31, v6;
	v4 =	vmul.f32 $1.999999960e-02, v4;
	[tilespmem:$0x15938] =	vst v7  }
0x509: {  	s20 =	smul.u32 $0x3000, s19;
	v3 =	vmul.f32 $1.999999960e-02, v3;
	[tilespmem:$0x15948] =	vst v5  }
0x50a: {  	s17 =	simm.s32 $0x1700;
	[tilespmem:$0x15958] =	vst v4;
	v4 =	vmul.f32 $1.999999960e-02, v6  }
0x50b: {  	s21 =	sand.u32 $0x380, s17;
	s18 =	sshra.s32 s20, $0x2;
	[tilespmem:$0x15968] =	vst v3  }
0x50c: {  	s18 =	sor.u32 s21, s18;
	[tilespmem:$0x15978] =	vst v4  }
0x50d: {  	v3 =	vld [tilespmem:s18+$0xBD20]  }
0x50e: {  	v4 =	vld [tilespmem:s18+$0xB500]  }
0x50f: {  	v5 =	vld [tilespmem:s18+$0xB510]  }
0x510: {  	v7 =	vld [tilespmem:s18+$0xB520]  }
0x511: {  	v8 =	vld [tilespmem:s18+$0xB530]  }
0x512: {  	v9 =	vld [tilespmem:s18+$0xB540]  }
0x513: {  	v10 =	vld [tilespmem:s18+$0xB550]  }
0x514: {  	v11 =	vld [tilespmem:s18+$0xB560]  }
0x515: {  	v6 =	vimm.f32 $0.0e+00;
	v12 =	vld [tilespmem:s18+$0xB570]  }
0x516: {  	v13 =	vld [tilespmem:s18+$0xB900];
	v3 =	vadd.f32 v3, v6  }
0x517: {  	v21 =	vadd.f32 v4, v6;
	v20 =	vadd.f32 v5, v6  }
0x518: {  	v19 =	vadd.f32 v7, v6;
	v18 =	vadd.f32 v8, v6  }
0x519: {  	v26 =	vld [tilespmem:s18+$0xB910];
	v17 =	vadd.f32 v9, v6;
	v16 =	vadd.f32 v10, v6  }
0x51a: {  	v25 =	vld [tilespmem:s18+$0xB920];
	v15 =	vadd.f32 v11, v6;
	v14 =	vadd.f32 v12, v6  }
0x51b: {  	v22 =	vld [tilespmem:s18+$0xB930];
	v12 =	vadd.f32 v13, v6;
	v13 =	vimm.f32 $0.0e+00;
	v11 =	vimm.f32 $0.0e+00  }
0x51c: {  	v23 =	vld [tilespmem:s18+$0xB940];
	v10 =	vimm.f32 $0.0e+00;
	v9 =	vimm.f32 $0.0e+00;
	v7 =	vimm.f32 $0.0e+00  }
0x51d: {  	s19 =	simm.s32 $0x30;
	s20 =	simm.s32 $0x5;
	v24 =	vld [tilespmem:s18+$0xB950];
	v8 =	vimm.f32 $0.0e+00;
	v5 =	vimm.f32 $0.0e+00;
	v4 =	vimm.f32 $0.0e+00  }
.LBB2_23:
0x51e: {  	p1 =	sne.s32 s19, $0x5F;
	s20 =	smul.u32 $0x3000, s20;
	v6 =	vadd.f32 v26, v6;
	v26 =	vld [tilespmem:s18+$0xB960]  }
0x51f: {  	s17 =	sadd.s32 $0x80, s17;
	v13 =	vadd.f32 v25, v13;
	v25 =	vld [tilespmem:s18+$0xB970]  }
0x520: {  	s21 =	sand.u32 $0x380, s17;
	s20 =	sshra.s32 s20, $0x2;
	v11 =	vadd.f32 v22, v11;
	v22 =	vld [tilespmem:s18+$0xBD00]  }
0x521: {  	v10 =	vadd.f32 v23, v10;
	v23 =	vld [tilespmem:s18+$0xBD10];
	s18 =	sor.u32 s21, s20  }
0x522: {  	v27 =	vld [tilespmem:s18+$0xBD20];
	v9 =	vadd.f32 v24, v9  }
0x523: {  	v24 =	vld [tilespmem:s18+$0xB500];
	v7 =	vadd.f32 v26, v7  }
0x524: {  	v26 =	vld [tilespmem:s18+$0xB510];
	v8 =	vadd.f32 v25, v8  }
0x525: {  	v25 =	vld [tilespmem:s18+$0xB520];
	v5 =	vadd.f32 v22, v5  }
0x526: {  	v22 =	vld [tilespmem:s18+$0xB530];
	v4 =	vadd.f32 v23, v4  }
0x527: {  	v23 =	vld [tilespmem:s18+$0xB540];
	v3 =	vadd.f32 v27, v3  }
0x528: {  	v21 =	vadd.f32 v24, v21;
	v24 =	vld [tilespmem:s18+$0xB550]  }
0x529: {  	v20 =	vadd.f32 v26, v20;
	v27 =	vld [tilespmem:s18+$0xB560]  }
0x52a: {  	v19 =	vadd.f32 v25, v19;
	v28 =	vld [tilespmem:s18+$0xB570]  }
0x52b: {  	v18 =	vadd.f32 v22, v18;
	v29 =	vld [tilespmem:s18+$0xB900]  }
.Ltmp12:
0x52c: {  	v17 =	vadd.f32 v23, v17;
	v26 =	vld [tilespmem:s18+$0xB910];
	(pc) =	sbr.rel @p1 .LBB2_23-.Ltmp12, $4  }
0x52d: {  	v16 =	vadd.f32 v24, v16;
	v25 =	vld [tilespmem:s18+$0xB920]  }
0x52e: {  	v15 =	vadd.f32 v27, v15;
	v22 =	vld [tilespmem:s18+$0xB930]  }
0x52f: {  	v14 =	vadd.f32 v28, v14;
	v23 =	vld [tilespmem:s18+$0xB940]  }
0x530: {  	s20 =	sshrl.u32 s19, $0x3;
	s19 =	sadd.s32 $0x1, s19;
	v12 =	vadd.f32 v29, v12;
	v24 =	vld [tilespmem:s18+$0xB950]  }
0x531: {  	s19 =	smul.u32 $0x3000, s20;
	v27 =	vld [tilespmem:s18+$0xB960]  }
0x532: {  	v28 =	vld [tilespmem:s18+$0xB970];
	s17 =	sadd.s32 $0x80, s17  }
0x533: {  	v29 =	vld [tilespmem:s18+$0xBD00];
	s17 =	sand.u32 $0x380, s17;
	s19 =	sshra.s32 s19, $0x2  }
0x534: {  	v30 =	vld [tilespmem:s18+$0xBD10];
	s17 =	sor.u32 s17, s19  }
0x535: {  	v31 =	vld [tilespmem:s17+$0xBD20]  }
0x536: {  	v32 =	vld [tilespmem:s17+$0xB500]  }
0x537: {  	v33 =	vld [tilespmem:s17+$0xB510]  }
0x538: {  	v34 =	vld [tilespmem:s17+$0xB520]  }
0x539: {  	v35 =	vld [tilespmem:s17+$0xB530]  }
0x53a: {  	v36 =	vld [tilespmem:s17+$0xB540]  }
0x53b: {  	v37 =	vld [tilespmem:s17+$0xB550]  }
0x53c: {  	v38 =	vld [tilespmem:s17+$0xB560]  }
0x53d: {  	v39 =	vld [tilespmem:s17+$0xB570]  }
0x53e: {  	v40 =	vld [tilespmem:s17+$0xB900]  }
0x53f: {  	v41 =	vld [tilespmem:s17+$0xB910]  }
0x540: {  	v42 =	vld [tilespmem:s17+$0xB920]  }
0x541: {  	v43 =	vld [tilespmem:s17+$0xB930]  }
0x542: {  	v44 =	vld [tilespmem:s17+$0xB940]  }
0x543: {  	v45 =	vld [tilespmem:s17+$0xB950];
	v21 =	vadd.f32 v32, v21  }
0x544: {  	v56 =	vld [tilespmem:s17+$0xB960];
	v20 =	vadd.f32 v33, v20  }
0x545: {  	v57 =	vld [tilespmem:s17+$0xB970];
	v19 =	vadd.f32 v34, v19;
	v21 =	vmul.f32 $1.999999960e-02, v21  }
0x546: {  	v58 =	vld [tilespmem:s17+$0xBD00];
	v18 =	vadd.f32 v35, v18;
	v20 =	vmul.f32 $1.999999960e-02, v20  }
0x547: {  	v59 =	vld [tilespmem:s17+$0xBD10];
	v17 =	vadd.f32 v36, v17;
	v19 =	vmul.f32 $1.999999960e-02, v19;
	[tilespmem:$0x15984] =	vst v21  }
0x548: {  	v16 =	vadd.f32 v37, v16;
	v18 =	vmul.f32 $1.999999960e-02, v18;
	[tilespmem:$0x15994] =	vst v20  }
0x549: {  	v15 =	vadd.f32 v38, v15;
	v17 =	vmul.f32 $1.999999960e-02, v17;
	[tilespmem:$0x159A4] =	vst v19  }
0x54a: {  	v6 =	vadd.f32 v26, v6;
	v14 =	vadd.f32 v39, v14;
	v16 =	vmul.f32 $1.999999960e-02, v16;
	[tilespmem:$0x159B4] =	vst v18  }
0x54b: {  	v13 =	vadd.f32 v25, v13;
	v12 =	vadd.f32 v40, v12;
	v15 =	vmul.f32 $1.999999960e-02, v15;
	[tilespmem:$0x159C4] =	vst v17  }
0x54c: {  	v11 =	vadd.f32 v22, v11;
	v6 =	vadd.f32 v41, v6;
	v14 =	vmul.f32 $1.999999960e-02, v14;
	[tilespmem:$0x159D4] =	vst v16  }
0x54d: {  	v10 =	vadd.f32 v23, v10;
	v13 =	vadd.f32 v42, v13;
	v12 =	vmul.f32 $1.999999960e-02, v12;
	[tilespmem:$0x159E4] =	vst v15  }
0x54e: {  	v9 =	vadd.f32 v24, v9;
	v11 =	vadd.f32 v43, v11;
	v6 =	vmul.f32 $1.999999960e-02, v6;
	[tilespmem:$0x159F4] =	vst v14  }
0x54f: {  	v7 =	vadd.f32 v27, v7;
	v10 =	vadd.f32 v44, v10;
	v60 =	vmul.f32 $1.999999960e-02, v13;
	[tilespmem:$0x15A04] =	vst v12  }
0x550: {  	v8 =	vadd.f32 v28, v8;
	v9 =	vadd.f32 v45, v9;
	v61 =	vmul.f32 $1.999999960e-02, v11;
	[tilespmem:$0x15A14] =	vst v6  }
0x551: {  	v5 =	vadd.f32 v29, v5;
	v7 =	vadd.f32 v56, v7;
	v10 =	vmul.f32 $1.999999960e-02, v10;
	[tilespmem:$0x15A24] =	vst v60  }
0x552: {  	v4 =	vadd.f32 v30, v4;
	v8 =	vadd.f32 v57, v8;
	v62 =	vmul.f32 $1.999999960e-02, v9;
	[tilespmem:$0x15A34] =	vst v61  }
0x553: {  	v5 =	vadd.f32 v58, v5;
	v7 =	vmul.f32 $1.999999960e-02, v7;
	[tilespmem:$0x15A44] =	vst v10  }
0x554: {  	v4 =	vadd.f32 v59, v4;
	v63 =	vmul.f32 $1.999999960e-02, v8;
	[tilespmem:$0x15A54] =	vst v62  }
0x555: {  	s15 =	smul.u32 $0x4B0, s15;
	v3 =	vadd.f32 v31, v3;
	v5 =	vmul.f32 $1.999999960e-02, v5;
	[tilespmem:$0x15A64] =	vst v7  }
.Ltmp13:
0x556: {  	v4 =	vmul.f32 $1.999999960e-02, v4;
	[tilespmem:$0x15A74] =	vst v63;
	(pc) =	sbr.rel @p0 .LBB2_26-.Ltmp13, $4  }
0x557: {  	s15 =	sadd.s32 s6, s15;
	v3 =	vmul.f32 $1.999999960e-02, v3;
	[tilespmem:$0x15A84] =	vst v5  }
0x558: {  	s15 =	sshrl.u32 s15, $0x3;
	[tilespmem:$0x15A94] =	vst v4  }
0x559: {  	s21 =	simm.s32 $0x15600;
	s15 =	sadd.s32 s3, s15;
	[tilespmem:$0x15AA4] =	vst v3  }
0x55a: {  	[hbm4b:s15+s4] =	stream.linear.scatter [tilespmem:s21], [sflag:$0x4], $0x4B0, $0x38;
	[tilespmem:$0x15C80] =	vst v63  }
0x55b: {  	s15 =	smul.u32 $0x320, s16;
	_ =	sdelay $0x1  }
0x55c: {  	s15 =	sshra.s32 s15, $0x2  }
0x55d: {  	v3 =	vld [tilespmem:s15+$0x68];
	_ =	sdelay $0x4  }
0x55e: {  	v4 =	vshrl.u32 v3, $0x3  }
0x55f: {  	v4 =	vmul.u32 $0x18, v4  }
0x560: {  	v3 =	vand.u32 $0x7, v3  }
0x561: {  	v3 =	vor.u32 v3, v4  }
0x562: {  	v4 =	vperm.xlane v3, v0;
	_ =	sdelay $0x1  }
0x563: {  	v4 =	vadd.s32 v1, v4;
	_ =	sdelay $0x1  }
0x564: {  	v3 =	vperm.xlane v3, v2;
	_ =	sdelay $0x1  }
0x565: {  	v3 =	vadd.s32 v1, v3  }
0x566: {  	[tilespmem:s22], [sflag:$0x2] =	stream.indirect_vreg.gather [hbm4b:s2+s4], $0x80, v4, vm0, $0xb8;
	[tilespmem:$0x15C80] =	vst v63  }
0x567: {  	s19 =	simm.s32 $0xBD00  }
0x568: {  	[tilespmem:s19], [sflag:$0x2] =	stream.indirect_vreg.gather [hbm4b:s7+s4], $0x80, v4, vm1, $0xb8;
	[tilespmem:$0x15C80] =	vst v63  }
0x569: {  	s20 =	simm.s32 $0xC100  }
0x56a: {  	[tilespmem:s20], [sflag:$0x2] =	stream.indirect_vreg.gather [hbm4b:s2+s4], $0x80, v3, vm0, $0xb8;
	[tilespmem:$0x15C80] =	vst v63  }
0x56b: {  	s21 =	simm.s32 $0xC900  }
0x56c: {  	[tilespmem:s21], [sflag:$0x2] =	stream.indirect_vreg.gather [hbm4b:s7+s4], $0x80, v3, vm1, $0xb8;
	[tilespmem:$0x15C80] =	vst v63  }
0x56d: {  	v3 =	vld [tilespmem:s15+$0x78];
	_ =	sdelay $0x4  }
0x56e: {  	v59 =	vshrl.u32 v3, $0x3  }
0x56f: {  	v4 =	vmul.u32 $0x18, v59  }
0x570: {  	v3 =	vand.u32 $0x7, v3  }
0x571: {  	v3 =	vor.u32 v3, v4  }
0x572: {  	v4 =	vperm.xlane v3, v0;
	_ =	sdelay $0x1  }
0x573: {  	v4 =	vadd.s32 v1, v4;
	_ =	sdelay $0x1  }
0x574: {  	v3 =	vperm.xlane v3, v2;
	_ =	sdelay $0x1  }
0x575: {  	s22 =	simm.s32 $0xCD00;
	v3 =	vadd.s32 v1, v3  }
0x576: {  	[tilespmem:s22], [sflag:$0x2] =	stream.indirect_vreg.gather [hbm4b:s2+s4], $0x80, v4, vm0, $0xb8;
	[tilespmem:$0x15C80] =	vst v63  }
0x577: {  	s17 =	simm.s32 $0xD500  }
0x578: {  	[tilespmem:s17], [sflag:$0x2] =	stream.indirect_vreg.gather [hbm4b:s7+s4], $0x80, v4, vm1, $0xb8;
	[tilespmem:$0x15C80] =	vst v63  }
0x579: {  	s18 =	simm.s32 $0xD900  }
0x57a: {  	[tilespmem:s18], [sflag:$0x2] =	stream.indirect_vreg.gather [hbm4b:s2+s4], $0x80, v3, vm0, $0xb8;
	[tilespmem:$0x15C80] =	vst v63  }
0x57b: {  	s19 =	simm.s32 $0xE100  }
0x57c: {  	[tilespmem:s19], [sflag:$0x2] =	stream.indirect_vreg.gather [hbm4b:s7+s4], $0x80, v3, vm1, $0xb8;
	[tilespmem:$0x15C80] =	vst v63  }
0x57d: {  	v3 =	vld [tilespmem:s15+$0x88];
	_ =	sdelay $0x4  }
0x57e: {  	v60 =	vshrl.u32 v3, $0x3  }
0x57f: {  	v4 =	vmul.u32 $0x18, v60  }
0x580: {  	v3 =	vand.u32 $0x7, v3  }
0x581: {  	v3 =	vor.u32 v3, v4  }
0x582: {  	v4 =	vperm.xlane v3, v0;
	_ =	sdelay $0x1  }
0x583: {  	v4 =	vadd.s32 v1, v4;
	_ =	sdelay $0x1  }
0x584: {  	v3 =	vperm.xlane v3, v2;
	_ =	sdelay $0x1  }
0x585: {  	s20 =	simm.s32 $0xE500;
	v3 =	vadd.s32 v1, v3  }
0x586: {  	[tilespmem:s20], [sflag:$0x2] =	stream.indirect_vreg.gather [hbm4b:s2+s4], $0x80, v4, vm0, $0xb8;
	[tilespmem:$0x15C80] =	vst v63  }
0x587: {  	s21 =	simm.s32 $0xED00  }
0x588: {  	[tilespmem:s21], [sflag:$0x2] =	stream.indirect_vreg.gather [hbm4b:s7+s4], $0x80, v4, vm1, $0xb8;
	[tilespmem:$0x15C80] =	vst v63  }
0x589: {  	s22 =	simm.s32 $0xF100  }
0x58a: {  	[tilespmem:s22], [sflag:$0x2] =	stream.indirect_vreg.gather [hbm4b:s2+s4], $0x80, v3, vm0, $0xb8;
	[tilespmem:$0x15C80] =	vst v63  }
0x58b: {  	_ = 	snop  }
0x58c: {  	[tilespmem:s23], [sflag:$0x2] =	stream.indirect_vreg.gather [hbm4b:s7+s4], $0x80, v3, vm1, $0xb8;
	[tilespmem:$0x15C80] =	vst v63  }
0x58d: {  	v3 =	vld [tilespmem:s15+$0x98];
	_ =	sdelay $0x4  }
0x58e: {  	v61 =	vshrl.u32 v3, $0x3  }
0x58f: {  	v4 =	vmul.u32 $0x18, v61  }
0x590: {  	v3 =	vand.u32 $0x7, v3  }
0x591: {  	v3 =	vor.u32 v3, v4  }
0x592: {  	v4 =	vperm.xlane v3, v0;
	_ =	sdelay $0x1  }
0x593: {  	v4 =	vadd.s32 v1, v4;
	_ =	sdelay $0x1  }
0x594: {  	v3 =	vperm.xlane v3, v2;
	_ =	sdelay $0x1  }
0x595: {  	v3 =	vadd.s32 v1, v3  }
0x596: {  	[tilespmem:s24], [sflag:$0x2] =	stream.indirect_vreg.gather [hbm4b:s2+s4], $0x80, v4, vm0, $0xb8;
	[tilespmem:$0x15C80] =	vst v63  }
0x597: {  	_ = 	snop  }
0x598: {  	[tilespmem:s25], [sflag:$0x2] =	stream.indirect_vreg.gather [hbm4b:s7+s4], $0x80, v4, vm1, $0xb8;
	[tilespmem:$0x15C80] =	vst v63  }
0x599: {  	_ = 	snop  }
0x59a: {  	[tilespmem:s26], [sflag:$0x2] =	stream.indirect_vreg.gather [hbm4b:s2+s4], $0x80, v3, vm0, $0xb8;
	[tilespmem:$0x15C80] =	vst v63  }
0x59b: {  	_ = 	snop  }
0x59c: {  	[tilespmem:s28], [sflag:$0x2] =	stream.indirect_vreg.gather [hbm4b:s7+s4], $0x80, v3, vm1, $0xb8;
	[tilespmem:$0x15C80] =	vst v63  }
0x59d: {  	v3 =	vld [tilespmem:s15+$0xA8];
	_ =	sdelay $0x4  }
0x59e: {  	v62 =	vshrl.u32 v3, $0x3  }
0x59f: {  	v4 =	vmul.u32 $0x18, v62  }
0x5a0: {  	v3 =	vand.u32 $0x7, v3  }
0x5a1: {  	v3 =	vor.u32 v3, v4  }
0x5a2: {  	v4 =	vperm.xlane v3, v0;
	_ =	sdelay $0x1  }
0x5a3: {  	v4 =	vadd.s32 v1, v4;
	_ =	sdelay $0x1  }
0x5a4: {  	v3 =	vperm.xlane v3, v2;
	_ =	sdelay $0x1  }
0x5a5: {  	v3 =	vadd.s32 v1, v3  }
0x5a6: {  	[tilespmem:s29], [sflag:$0x2] =	stream.indirect_vreg.gather [hbm4b:s2+s4], $0x80, v4, vm0, $0xb8;
	[tilespmem:$0x15C80] =	vst v63  }
0x5a7: {  	_ = 	snop  }
0x5a8: {  	[tilespmem:s30], [sflag:$0x2] =	stream.indirect_vreg.gather [hbm4b:s7+s4], $0x80, v4, vm1, $0xb8;
	[tilespmem:$0x15C80] =	vst v63  }
0x5a9: {  	_ = 	snop  }
0x5aa: {  	[tilespmem:s31], [sflag:$0x2] =	stream.indirect_vreg.gather [hbm4b:s2+s4], $0x80, v3, vm0, $0xb8;
	[tilespmem:$0x15C80] =	vst v63  }
0x5ab: {  	_ = 	snop  }
0x5ac: {  	[tilespmem:s1], [sflag:$0x2] =	stream.indirect_vreg.gather [hbm4b:s7+s4], $0x80, v3, vm1, $0xb8;
	[tilespmem:$0x15C80] =	vst v63  }
0x5ad: {  	v3 =	vld [tilespmem:s15+$0xB8];
	_ =	sdelay $0x4  }
0x5ae: {  	v63 =	vshrl.u32 v3, $0x3  }
0x5af: {  	v4 =	vmul.u32 $0x18, v63  }
0x5b0: {  	v3 =	vand.u32 $0x7, v3  }
0x5b1: {  	v3 =	vor.u32 v3, v4  }
0x5b2: {  	v4 =	vperm.xlane v3, v0;
	_ =	sdelay $0x1  }
0x5b3: {  	v4 =	vadd.s32 v1, v4;
	_ =	sdelay $0x2  }
0x5b4: {  	v3 =	vperm.xlane v3, v2;
	_ =	sdelay $0x1  }
0x5b5: {  	v3 =	vadd.s32 v1, v3;
	[tilespmem:s0], [sflag:$0x2] =	stream.indirect_vreg.gather [hbm4b:s2+s4], $0x80, v4, vm0, $0xb8;
	[tilespmem:$0x15C80] =	vst v63  }
0x5b6: {  	_ = 	snop  }
0x5b7: {  	[tilespmem:s5], [sflag:$0x2] =	stream.indirect_vreg.gather [hbm4b:s7+s4], $0x80, v4, vm1, $0xb8;
	[tilespmem:$0x15C80] =	vst v63  }
.Ltmp14:
0x5b8: {  	_ = 	snop;
	(pc) =	sbr.rel .LBB2_2-.Ltmp14, $4  }
0x5b9: {  	_ = 	snop  }
0x5ba: {  	[tilespmem:s8], [sflag:$0x2] =	stream.indirect_vreg.gather [hbm4b:s2+s4], $0x80, v3, vm0, $0xb8;
	[tilespmem:$0x15C80] =	vst v63  }
0x5bb: {  	s14 =	sadd.s32 $0x1, s14  }
0x5bc: {  	[tilespmem:s9], [sflag:$0x2] =	stream.indirect_vreg.gather [hbm4b:s7+s4], $0x80, v3, vm1, $0xb8;
	[tilespmem:$0x15C80] =	vst v63  }
.LBB2_27:
0x5bd: {  	_ =	sfence.sel $0x180000  }
0x5be: {  	[bflag:$0x0] =	sbarrier.arrive $0xFFFF  }
0x5bf: {  	_ =	strace $0x90000047  }
0x5c0: {  	s0 =	stileid.u32;
	[bflag:$0x2] =	sbarrier.arrive $0xFFFF  }
0x5c1: {  	p0 =	sne.s32 s0, $0x0;
	s0 =	rddreg [dreg:$0x3]  }
0x5c2: {  	s0 =	sadd.s32 @!p0 $0x100000, s0  }
0x5c3: {  	[sflag:s0] =	ssyncadd.tile.s32 @!p0 $0x1;
	_ =	shalt  }
.Lfunc_end2:
_tile_overlayer_lowered:
.L_overlay_start_2:
0x5c4: {  	(tag) =	ssettag $0x2  }
0x5c5: {  	s0 =	rddreg [dreg:$0x0];
	s2 =	stileid.u32  }
0x5c6: {  	s1 =	rddreg [dreg:$0x1];
	p0 =	sne.s32 s2, $0x0  }
0x5c7: {  	s3 =	rddreg [dreg:$0x2];
	[bflag:$0x3] =	sbarrier.arrive $0xFFFF;
	s2 =	simm.s32 @!p0 $0x1C05  }
0x5c8: {  	[timem:s3], [sflag:s2] =	dma.local @!p0 [hbm:s0], s1  }
0x5c9: {  	s0 =	simm.s32 @!p0 $0x5  }
0x5ca: {  	_ =	swait.ge @!p0 [sflag:s0], s1  }
0x5cb: {  	s1 =	ssub.s32 @!p0 $0x0, s1;
	[sflag:s0] =	ssyncset.done @!p0 $0x0  }
0x5cc: {  	[sflag:s0] =	ssyncadd.s32 @!p0 s1  }
0x5cd: {  	[bflag:$0x3] =	sbarrier.arrive $0xFFFF  }
0x5ce: {  	_ =	shalt  }

</sc_bundles>
